<compile_context>
chip_gen: v7x
topology: tpu7x:2x2x1
jax: 0.10.2.dev20260603
libtpu: 0.0.44.dev20260713+nightly
codegen_flags: <defaults>
</compile_context>

<pallas_src>
import functools

import jax
import jax.numpy as jnp
from jax import lax
from jax.experimental import pallas as pl
from jax.experimental.pallas import tpu as pltpu
from jax.experimental.pallas import tpu_sc as plsc

_N = 10000
_E = 320000
_D = 128
_NW = 32
_EW = 10240
_EPAD = _NW * _EW
_NPAD = 10240
_RPT = _NPAD // 16
_BR = 1024


def _make_sc_aggregate(with_deg):
    mesh = plsc.VectorSubcoreMesh(core_axis_name="c", subcore_axis_name="s")
    _K = 32
    _NB = 4
    _C = _EW // _K
    part_t = jax.ShapeDtypeStruct((2, _NPAD, _D), jnp.float32)
    deg_t = jax.ShapeDtypeStruct((2, _NPAD // _D, _D), jnp.float32)
    out_type = (part_t, deg_t) if with_deg else part_t
    scratch = [
        pltpu.VMEM((_EW,), jnp.int32),
        pltpu.VMEM((_EW,), jnp.int32),
        pltpu.VMEM((_NB, _K, _D), jnp.float32),
    ] + [pltpu.SemaphoreType.DMA] * _NB + [
        pltpu.VMEM_SHARED((_NPAD, _D), jnp.float32),
    ]
    if with_deg:
        scratch += [
            pltpu.VMEM((_NPAD,), jnp.float32),
            pltpu.VMEM_SHARED((_NPAD // _D, _D), jnp.float32),
            pltpu.VMEM((_NPAD // _D,), jnp.int32),
        ]

    @functools.partial(
        pl.kernel, out_type=out_type, mesh=mesh, scratch_types=scratch,
        compiler_params=pltpu.CompilerParams(needs_layout_passes=False))
    def agg(feat, srcp, dstp, *rest):
        if with_deg:
            part, degp = rest[0], rest[1]
            rest = rest[2:]
            src_v, dst_v, gbuf = rest[0], rest[1], rest[2]
            gs = rest[3:3 + _NB]
            acc, deg_v, degs, rowidx = rest[3 + _NB:]
        else:
            part = rest[0]
            rest = rest[1:]
            src_v, dst_v, gbuf = rest[0], rest[1], rest[2]
            gs = rest[3:3 + _NB]
            acc = rest[3 + _NB]
        c = lax.axis_index("c")
        s = lax.axis_index("s")
        wid = s * 2 + c

        pltpu.sync_copy(srcp.at[wid], src_v)
        pltpu.sync_copy(dstp.at[wid], dst_v)

        def zrow(i, carry):
            for j in range(_D // 16):
                gbuf[0, i, pl.ds(16 * j, 16)] = jnp.zeros((16,), jnp.float32)
            return carry

        lax.fori_loop(0, _K, zrow, 0)
        for t in range(_RPT // _K):
            pltpu.sync_copy(gbuf.at[0], acc.at[pl.ds(s * _RPT + t * _K, _K)])

        _DR = _NPAD // _D
        if with_deg:
            def zdeg(i, carry):
                deg_v[pl.ds(16 * i, 16)] = jnp.zeros((16,), jnp.float32)
                return carry

            lax.fori_loop(0, _NPAD // 16, zdeg, 0)
            for i in range(_DR // 16):
                rowidx[pl.ds(16 * i, 16)] = lax.iota(jnp.int32, 16) + 16 * i

            @pl.when(s < _DR // 8)
            def _zero_degs():
                pltpu.sync_copy(gbuf.at[0, pl.ds(0, 8)],
                                degs.at[pl.ds(s * 8, 8)])
        plsc.subcore_barrier()

        ones16 = jnp.ones((16,), jnp.float32)

        def hist(j):
            for v in range(_K // 16):
                idx = dst_v[pl.ds(j * _K + 16 * v, 16)]
                plsc.addupdate_scatter(deg_v, [idx], ones16)

        def sidx(j):
            return src_v.at[pl.ds(j * _K, _K)]

        def didx(j):
            return dst_v.at[pl.ds(j * _K, _K)]

        pltpu.async_copy(feat.at[sidx(0)], gbuf.at[0], gs[0])
        pltpu.async_copy(feat.at[sidx(1)], gbuf.at[1], gs[1])

        def rnd(r, carry):
            for b in range(_NB):
                j = r * _NB + b
                bg = (b + 2) % _NB
                jg = j + 2

                @pl.when(jg < _C)
                def _issue_gather():
                    pltpu.async_copy(feat.at[sidx(jg)], gbuf.at[bg], gs[bg])

                if with_deg:
                    hist(j)
                pltpu.make_async_copy(feat.at[sidx(j)], gbuf.at[b],
                                      gs[b]).wait()
                pltpu.sync_copy(gbuf.at[b], acc.at[didx(j)], add=True)
            return carry

        lax.fori_loop(0, _C // _NB, rnd, 0)

        if with_deg:
            _HP = 16

            for h in range(_DR // _HP):
                gb = h % _NB

                def to2d(i, carry):
                    r = h * _HP + i
                    for j in range(_D // 16):
                        gbuf[gb, i, pl.ds(16 * j, 16)] = (
                            deg_v[pl.ds(_D * r + 16 * j, 16)])
                    return carry

                lax.fori_loop(0, _HP, to2d, 0)
                pltpu.sync_copy(gbuf.at[gb, pl.ds(0, _HP)],
                                degs.at[rowidx.at[pl.ds(h * _HP, _HP)]],
                                add=True)
        plsc.subcore_barrier()

        pltpu.sync_copy(acc.at[pl.ds(s * _RPT, _RPT)],
                        part.at[c, pl.ds(s * _RPT, _RPT)])
        if with_deg:
            @pl.when(s < _DR // 8)
            def _dump_degs():
                pltpu.sync_copy(degs.at[pl.ds(s * 8, 8)],
                                degp.at[c, pl.ds(s * 8, 8)])

    return agg


_sc_agg_deg = _make_sc_aggregate(True)
_sc_agg = _make_sc_aggregate(False)

_DN = (((1,), (1,)), ((), ()))


def _tc0_body(p0, p1, d0, d1, xb, wl, bl, wr, h_out, ideg_out):
    deg = d0[0] + d1[0]
    ideg = 1.0 / jnp.maximum(deg, 1.0)
    agg = (p0[0] + p1[0]) * ideg
    h = lax.dot_general(agg, wl[...], _DN, preferred_element_type=jnp.float32)
    h = h + bl[...] + lax.dot_general(xb[...], wr[...], _DN,
                                      preferred_element_type=jnp.float32)
    h_out[...] = jnp.maximum(h, 0.0)
    ideg_out[...] = ideg


def _tc_layer0(part, degp, xp, Wl0, bl0, Wr0):
    return pl.pallas_call(
        _tc0_body,
        grid=(_NPAD // _BR,),
        in_specs=[
            pl.BlockSpec((1, _BR, _D), lambda i: (0, i, 0)),
            pl.BlockSpec((1, _BR, _D), lambda i: (1, i, 0)),
            pl.BlockSpec((1, _BR, 1), lambda i: (0, i, 0)),
            pl.BlockSpec((1, _BR, 1), lambda i: (1, i, 0)),
            pl.BlockSpec((_BR, _D), lambda i: (i, 0)),
            pl.BlockSpec((_D, _D), lambda i: (0, 0)),
            pl.BlockSpec((1, _D), lambda i: (0, 0)),
            pl.BlockSpec((_D, _D), lambda i: (0, 0)),
        ],
        out_specs=[
            pl.BlockSpec((_BR, _D), lambda i: (i, 0)),
            pl.BlockSpec((_BR, 1), lambda i: (i, 0)),
        ],
        out_shape=[
            jax.ShapeDtypeStruct((_NPAD, _D), jnp.float32),
            jax.ShapeDtypeStruct((_NPAD, 1), jnp.float32),
        ],
    )(part, part, degp, degp, xp, Wl0, bl0.reshape(1, _D), Wr0)


def _tc1_body(p0, p1, hb, idb, wl, bl, wr, wo, bo, out):
    sblk = (p0[0] + p1[0]) * idb[...]
    h = lax.dot_general(sblk, wl[...], _DN, preferred_element_type=jnp.float32)
    h = h + bl[...] + lax.dot_general(hb[...], wr[...], _DN,
                                      preferred_element_type=jnp.float32)
    h = jnp.maximum(h, 0.0)
    out[...] = lax.dot_general(h, wo[...], _DN,
                               preferred_element_type=jnp.float32) + bo[...]


def _tc_layer1(part, h1, ideg, Wl1, bl1, Wr1, Wout, bout):
    return pl.pallas_call(
        _tc1_body,
        grid=(_NPAD // _BR,),
        in_specs=[
            pl.BlockSpec((1, _BR, _D), lambda i: (0, i, 0)),
            pl.BlockSpec((1, _BR, _D), lambda i: (1, i, 0)),
            pl.BlockSpec((_BR, _D), lambda i: (i, 0)),
            pl.BlockSpec((_BR, 1), lambda i: (i, 0)),
            pl.BlockSpec((_D, _D), lambda i: (0, 0)),
            pl.BlockSpec((1, _D), lambda i: (0, 0)),
            pl.BlockSpec((_D, _D), lambda i: (0, 0)),
            pl.BlockSpec((_D, _D), lambda i: (0, 0)),
            pl.BlockSpec((1, _D), lambda i: (0, 0)),
        ],
        out_specs=pl.BlockSpec((_BR, _D), lambda i: (i, 0)),
        out_shape=jax.ShapeDtypeStruct((_NPAD, _D), jnp.float32),
    )(part, part, h1, ideg, Wl1, bl1.reshape(1, _D), Wr1, Wout,
      bout.reshape(1, _D))


def kernel(x, edge_index, Wl0, bl0, Wr0, Wl1, bl1, Wr1, Wout, bout):
    src = edge_index[0].astype(jnp.int32)
    dst = edge_index[1].astype(jnp.int32)
    pad = _EPAD - _E
    srcp = jnp.concatenate([src, jnp.zeros((pad,), jnp.int32)]).reshape(_NW, _EW)
    dstp = jnp.concatenate([dst, jnp.full((pad,), _N, jnp.int32)]).reshape(_NW, _EW)
    xp = jnp.concatenate(
        [x, jnp.zeros((_NPAD - _N, _D), jnp.float32)], axis=0)

    part1, degp = _sc_agg_deg(xp, srcp, dstp)
    h1, ideg = _tc_layer0(part1, degp.reshape(2, _NPAD, 1), xp, Wl0, bl0, Wr0)
    part2 = _sc_agg(h1, srcp, dstp)
    out = _tc_layer1(part2, h1, ideg, Wl1, bl1, Wr1, Wout, bout)
    return out[:_N]

# --- scband reference (transcript-rebuilt; emitter-appended) ---
"""Pipeline reference for scband-gnn-sage-model-86285892977273 (READ-ONLY COPY).

The authoritative reference and input builder live on the scoring server;
editing this copy changes nothing except your own understanding.
"""

import jax, jax.numpy as jnp
import numpy as np

N = 10000
E = 320000
D_IN = 128
D_HID = 128
D_OUT = 128

def setup_inputs(seed: int = 0) -> dict:
    key = jax.random.key(seed)
    ks = jax.random.split(key, 12)
    x = jax.random.normal(ks[0], (N, D_IN), dtype=jnp.float32)
    edge_index = jax.random.randint(ks[1], (2, E), 0, N, dtype=jnp.int64)
    # SAGEConv layer 0: lin_l (with bias) on aggregated, lin_r (no bias) on root
    s0 = 1.0 / np.sqrt(D_IN)
    Wl0 = jax.random.uniform(ks[2], (D_HID, D_IN), jnp.float32, -s0, s0)
    bl0 = jax.random.uniform(ks[3], (D_HID,), jnp.float32, -s0, s0)
    Wr0 = jax.random.uniform(ks[4], (D_HID, D_IN), jnp.float32, -s0, s0)
    s1 = 1.0 / np.sqrt(D_HID)
    Wl1 = jax.random.uniform(ks[5], (D_HID, D_HID), jnp.float32, -s1, s1)
    bl1 = jax.random.uniform(ks[6], (D_HID,), jnp.float32, -s1, s1)
    Wr1 = jax.random.uniform(ks[7], (D_HID, D_HID), jnp.float32, -s1, s1)
    so = 1.0 / np.sqrt(D_HID)
    Wout = jax.random.uniform(ks[8], (D_OUT, D_HID), jnp.float32, -so, so)
    bout = jax.random.uniform(ks[9], (D_OUT,), jnp.float32, -so, so)
    return {"x": x, "edge_index": edge_index, "Wl0": Wl0, "bl0": bl0, "Wr0": Wr0,
            "Wl1": Wl1, "bl1": bl1, "Wr1": Wr1, "Wout": Wout, "bout": bout}

def _sage_conv(x, src, dst, Wl, bl, Wr):
    # mean aggregation of neighbor messages at dst nodes
    msgs = jnp.take(x, src, axis=0)
    agg = jax.ops.segment_sum(msgs, dst, num_segments=N)
    deg = jax.ops.segment_sum(jnp.ones((src.shape[0],), dtype=x.dtype), dst, num_segments=N)
    agg = agg / jnp.clip(deg, 1.0, None)[:, None]
    return agg @ Wl.T + bl + x @ Wr.T

def reference(x, edge_index, Wl0, bl0, Wr0, Wl1, bl1, Wr1, Wout, bout):
    src = edge_index[0]
    dst = edge_index[1]
    h = _sage_conv(x, src, dst, Wl0, bl0, Wr0)
    h = jax.nn.relu(h)
    h = _sage_conv(h, src, dst, Wl1, bl1, Wr1)
    h = jax.nn.relu(h)
    h = h.astype(jnp.float32)
    out = h @ Wout.T + bout
    return out

if __name__ == "__main__":
    import jax
    _d = setup_inputs()
    print(jax.jit(kernel)(*tuple(_d.values())))

</pallas_src>

<mosaic_0001>
#map = affine_map<(d0, d1) -> (0, 0)>
#map1 = affine_map<(d0, d1) -> (0, 0, 0)>
module attributes {stable_mosaic.version = 14 : i64} {
  func.func @agg(%arg0: i32, %arg1: i32, %arg2: memref<10240x128xf32, #tpu.memory_space<hbm>>, %arg3: memref<32x10240xi32, #tpu.memory_space<hbm>>, %arg4: memref<32x10240xi32, #tpu.memory_space<hbm>>, %arg5: memref<2x10240x128xf32, #tpu.memory_space<hbm>>, %arg6: memref<10240xi32, #tpu.memory_space<vmem>>, %arg7: memref<10240xi32, #tpu.memory_space<vmem>>, %arg8: memref<4x32x128xf32, #tpu.memory_space<vmem>>, %arg9: memref<!tpu.dma_semaphore, #tpu.memory_space<semaphore_mem>>, %arg10: memref<!tpu.dma_semaphore, #tpu.memory_space<semaphore_mem>>, %arg11: memref<!tpu.dma_semaphore, #tpu.memory_space<semaphore_mem>>, %arg12: memref<!tpu.dma_semaphore, #tpu.memory_space<semaphore_mem>>, %arg13: memref<10240x128xf32, #tpu.memory_space<vmem_shared>>) attributes {dimension_semantics = [#tpu.dimension_semantics<core_parallel>, #tpu.dimension_semantics<subcore_parallel>], iteration_bounds = array<i64: 2, 16>, scalar_prefetch = 0 : i64, scratch_operands = 8 : i64, tpu.core_type = #tpu.core_type<sc_vector_subcore>, window_params = [{transform_indices = #map}, {transform_indices = #map}, {transform_indices = #map}, {transform_indices = #map1}]} {
    %mul3A = arith.constant 2 : i32
    %mul3A_0 = arith.muli %arg1, %mul3A : i32
    %add3A = arith.addi %mul3A_0, %arg0 : i32
    "tpu.region"() ({
      %run_scoped3A_136 = tpu.sem_alloc : memref<!tpu.dma_semaphore, #tpu.memory_space<semaphore_mem>>
      %dma_start3A_137 = arith.constant 0 : i32
      %dma_start3A_138 = tpu.memref_slice %arg3[%add3A, %dma_start3A_137] : memref<32x10240xi32, #tpu.memory_space<hbm>> -> memref<1x10240xi32, #tpu.memory_space<hbm>>
      %dma_start3A_139 = tpu.memref_squeeze %dma_start3A_138 : memref<1x10240xi32, #tpu.memory_space<hbm>> -> memref<10240xi32, #tpu.memory_space<hbm>>
      %dma_start3A_140 = arith.constant 0 : i32
      %dma_start3A_141 = tpu.memref_slice %arg3[%add3A, %dma_start3A_140] : memref<32x10240xi32, #tpu.memory_space<hbm>> -> memref<1x10240xi32, #tpu.memory_space<hbm>>
      %dma_start3A_142 = tpu.memref_squeeze %dma_start3A_141 : memref<1x10240xi32, #tpu.memory_space<hbm>> -> memref<10240xi32, #tpu.memory_space<hbm>>
      tpu.enqueue_dma source(%dma_start3A_142 : memref<10240xi32, #tpu.memory_space<hbm>>) target(%arg6 : memref<10240xi32, #tpu.memory_space<vmem>>) target_semaphore(%run_scoped3A_136 : memref<!tpu.dma_semaphore, #tpu.memory_space<semaphore_mem>>)
      %dma_wait3A = arith.constant 0 : i32
      %dma_wait3A_143 = tpu.memref_slice %arg3[%add3A, %dma_wait3A] : memref<32x10240xi32, #tpu.memory_space<hbm>> -> memref<1x10240xi32, #tpu.memory_space<hbm>>
      %dma_wait3A_144 = tpu.memref_squeeze %dma_wait3A_143 : memref<1x10240xi32, #tpu.memory_space<hbm>> -> memref<10240xi32, #tpu.memory_space<hbm>>
      %dma_wait3A_145 = arith.constant 0 : i32
      %dma_wait3A_146 = tpu.memref_slice %arg3[%add3A, %dma_wait3A_145] : memref<32x10240xi32, #tpu.memory_space<hbm>> -> memref<1x10240xi32, #tpu.memory_space<hbm>>
      %dma_wait3A_147 = tpu.memref_squeeze %dma_wait3A_146 : memref<1x10240xi32, #tpu.memory_space<hbm>> -> memref<10240xi32, #tpu.memory_space<hbm>>
      tpu.wait_dma2 semaphore(%run_scoped3A_136 : memref<!tpu.dma_semaphore, #tpu.memory_space<semaphore_mem>>) src(%dma_wait3A_147 : memref<10240xi32, #tpu.memory_space<hbm>>) dst(%arg6 : memref<10240xi32, #tpu.memory_space<vmem>>)
      tpu.yield
    }) : () -> ()
    "tpu.region"() ({
      %run_scoped3A_136 = tpu.sem_alloc : memref<!tpu.dma_semaphore, #tpu.memory_space<semaphore_mem>>
      %dma_start3A_137 = arith.constant 0 : i32
      %dma_start3A_138 = tpu.memref_slice %arg4[%add3A, %dma_start3A_137] : memref<32x10240xi32, #tpu.memory_space<hbm>> -> memref<1x10240xi32, #tpu.memory_space<hbm>>
      %dma_start3A_139 = tpu.memref_squeeze %dma_start3A_138 : memref<1x10240xi32, #tpu.memory_space<hbm>> -> memref<10240xi32, #tpu.memory_space<hbm>>
      %dma_start3A_140 = arith.constant 0 : i32
      %dma_start3A_141 = tpu.memref_slice %arg4[%add3A, %dma_start3A_140] : memref<32x10240xi32, #tpu.memory_space<hbm>> -> memref<1x10240xi32, #tpu.memory_space<hbm>>
      %dma_start3A_142 = tpu.memref_squeeze %dma_start3A_141 : memref<1x10240xi32, #tpu.memory_space<hbm>> -> memref<10240xi32, #tpu.memory_space<hbm>>
      tpu.enqueue_dma source(%dma_start3A_142 : memref<10240xi32, #tpu.memory_space<hbm>>) target(%arg7 : memref<10240xi32, #tpu.memory_space<vmem>>) target_semaphore(%run_scoped3A_136 : memref<!tpu.dma_semaphore, #tpu.memory_space<semaphore_mem>>)
      %dma_wait3A = arith.constant 0 : i32
      %dma_wait3A_143 = tpu.memref_slice %arg4[%add3A, %dma_wait3A] : memref<32x10240xi32, #tpu.memory_space<hbm>> -> memref<1x10240xi32, #tpu.memory_space<hbm>>
      %dma_wait3A_144 = tpu.memref_squeeze %dma_wait3A_143 : memref<1x10240xi32, #tpu.memory_space<hbm>> -> memref<10240xi32, #tpu.memory_space<hbm>>
      %dma_wait3A_145 = arith.constant 0 : i32
      %dma_wait3A_146 = tpu.memref_slice %arg4[%add3A, %dma_wait3A_145] : memref<32x10240xi32, #tpu.memory_space<hbm>> -> memref<1x10240xi32, #tpu.memory_space<hbm>>
      %dma_wait3A_147 = tpu.memref_squeeze %dma_wait3A_146 : memref<1x10240xi32, #tpu.memory_space<hbm>> -> memref<10240xi32, #tpu.memory_space<hbm>>
      tpu.wait_dma2 semaphore(%run_scoped3A_136 : memref<!tpu.dma_semaphore, #tpu.memory_space<semaphore_mem>>) src(%dma_wait3A_147 : memref<10240xi32, #tpu.memory_space<hbm>>) dst(%arg7 : memref<10240xi32, #tpu.memory_space<vmem>>)
      tpu.yield
    }) : () -> ()
    %scan3A = arith.constant 0 : i32
    %scan3A_1 = arith.constant 0 : i32
    %scan3A_2 = arith.constant 32 : i32
    %scan3A_3 = arith.addi %scan3A_1, %scan3A_2 : i32
    %scan3A_4 = arith.constant 1 : i32
    scf.for %scan3A_136 = %scan3A_1 to %scan3A_3 step %scan3A_4  : i32 {
      %broadcast_in_dim3A_137 = arith.constant 0.000000e+00 : f32
      %broadcast_in_dim3A_138 = vector.broadcast %broadcast_in_dim3A_137 : f32 to vector<16xf32>
      %swap3A = arith.constant 0 : i32
      %swap3A_139 = arith.index_cast %swap3A : i32 to index
      %swap3A_140 = arith.index_cast %scan3A_136 : i32 to index
      %swap3A_141 = arith.constant 0 : index
      %swap3A_142 = tpu.vector_load %arg8[%swap3A_139, %swap3A_140, %swap3A_141] {strides = array<i32>} : memref<4x32x128xf32, #tpu.memory_space<vmem>>, vector<16xf32>,
      tpu.vector_store %arg8[%swap3A_139, %swap3A_140, %swap3A_141], %broadcast_in_dim3A_138 {strides = array<i32>} : memref<4x32x128xf32, #tpu.memory_space<vmem>>, vector<16xf32>,
      %broadcast_in_dim3A_143 = arith.constant 0.000000e+00 : f32
      %broadcast_in_dim3A_144 = vector.broadcast %broadcast_in_dim3A_143 : f32 to vector<16xf32>
      %swap3A_145 = arith.constant 0 : i32
      %swap3A_146 = arith.index_cast %swap3A_145 : i32 to index
      %swap3A_147 = arith.index_cast %scan3A_136 : i32 to index
      %swap3A_148 = arith.constant 16 : index
      %swap3A_149 = tpu.vector_load %arg8[%swap3A_146, %swap3A_147, %swap3A_148] {strides = array<i32>} : memref<4x32x128xf32, #tpu.memory_space<vmem>>, vector<16xf32>,
      tpu.vector_store %arg8[%swap3A_146, %swap3A_147, %swap3A_148], %broadcast_in_dim3A_144 {strides = array<i32>} : memref<4x32x128xf32, #tpu.memory_space<vmem>>, vector<16xf32>,
      %broadcast_in_dim3A_150 = arith.constant 0.000000e+00 : f32
      %broadcast_in_dim3A_151 = vector.broadcast %broadcast_in_dim3A_150 : f32 to vector<16xf32>
      %swap3A_152 = arith.constant 0 : i32
      %swap3A_153 = arith.index_cast %swap3A_152 : i32 to index
      %swap3A_154 = arith.index_cast %scan3A_136 : i32 to index
      %swap3A_155 = arith.constant 32 : index
      %swap3A_156 = tpu.vector_load %arg8[%swap3A_153, %swap3A_154, %swap3A_155] {strides = array<i32>} : memref<4x32x128xf32, #tpu.memory_space<vmem>>, vector<16xf32>,
      tpu.vector_store %arg8[%swap3A_153, %swap3A_154, %swap3A_155], %broadcast_in_dim3A_151 {strides = array<i32>} : memref<4x32x128xf32, #tpu.memory_space<vmem>>, vector<16xf32>,
      %broadcast_in_dim3A_157 = arith.constant 0.000000e+00 : f32
      %broadcast_in_dim3A_158 = vector.broadcast %broadcast_in_dim3A_157 : f32 to vector<16xf32>
      %swap3A_159 = arith.constant 0 : i32
      %swap3A_160 = arith.index_cast %swap3A_159 : i32 to index
      %swap3A_161 = arith.index_cast %scan3A_136 : i32 to index
      %swap3A_162 = arith.constant 48 : index
      %swap3A_163 = tpu.vector_load %arg8[%swap3A_160, %swap3A_161, %swap3A_162] {strides = array<i32>} : memref<4x32x128xf32, #tpu.memory_space<vmem>>, vector<16xf32>,
      tpu.vector_store %arg8[%swap3A_160, %swap3A_161, %swap3A_162], %broadcast_in_dim3A_158 {strides = array<i32>} : memref<4x32x128xf32, #tpu.memory_space<vmem>>, vector<16xf32>,
      %broadcast_in_dim3A_164 = arith.constant 0.000000e+00 : f32
      %broadcast_in_dim3A_165 = vector.broadcast %broadcast_in_dim3A_164 : f32 to vector<16xf32>
      %swap3A_166 = arith.constant 0 : i32
      %swap3A_167 = arith.index_cast %swap3A_166 : i32 to index
      %swap3A_168 = arith.index_cast %scan3A_136 : i32 to index
      %swap3A_169 = arith.constant 64 : index
      %swap3A_170 = tpu.vector_load %arg8[%swap3A_167, %swap3A_168, %swap3A_169] {strides = array<i32>} : memref<4x32x128xf32, #tpu.memory_space<vmem>>, vector<16xf32>,
      tpu.vector_store %arg8[%swap3A_167, %swap3A_168, %swap3A_169], %broadcast_in_dim3A_165 {strides = array<i32>} : memref<4x32x128xf32, #tpu.memory_space<vmem>>, vector<16xf32>,
      %broadcast_in_dim3A_171 = arith.constant 0.000000e+00 : f32
      %broadcast_in_dim3A_172 = vector.broadcast %broadcast_in_dim3A_171 : f32 to vector<16xf32>
      %swap3A_173 = arith.constant 0 : i32
      %swap3A_174 = arith.index_cast %swap3A_173 : i32 to index
      %swap3A_175 = arith.index_cast %scan3A_136 : i32 to index
      %swap3A_176 = arith.constant 80 : index
      %swap3A_177 = tpu.vector_load %arg8[%swap3A_174, %swap3A_175, %swap3A_176] {strides = array<i32>} : memref<4x32x128xf32, #tpu.memory_space<vmem>>, vector<16xf32>,
      tpu.vector_store %arg8[%swap3A_174, %swap3A_175, %swap3A_176], %broadcast_in_dim3A_172 {strides = array<i32>} : memref<4x32x128xf32, #tpu.memory_space<vmem>>, vector<16xf32>,
      %broadcast_in_dim3A_178 = arith.constant 0.000000e+00 : f32
      %broadcast_in_dim3A_179 = vector.broadcast %broadcast_in_dim3A_178 : f32 to vector<16xf32>
      %swap3A_180 = arith.constant 0 : i32
      %swap3A_181 = arith.index_cast %swap3A_180 : i32 to index
      %swap3A_182 = arith.index_cast %scan3A_136 : i32 to index
      %swap3A_183 = arith.constant 96 : index
      %swap3A_184 = tpu.vector_load %arg8[%swap3A_181, %swap3A_182, %swap3A_183] {strides = array<i32>} : memref<4x32x128xf32, #tpu.memory_space<vmem>>, vector<16xf32>,
      tpu.vector_store %arg8[%swap3A_181, %swap3A_182, %swap3A_183], %broadcast_in_dim3A_179 {strides = array<i32>} : memref<4x32x128xf32, #tpu.memory_space<vmem>>, vector<16xf32>,
      %broadcast_in_dim3A_185 = arith.constant 0.000000e+00 : f32
      %broadcast_in_dim3A_186 = vector.broadcast %broadcast_in_dim3A_185 : f32 to vector<16xf32>
      %swap3A_187 = arith.constant 0 : i32
      %swap3A_188 = arith.index_cast %swap3A_187 : i32 to index
      %swap3A_189 = arith.index_cast %scan3A_136 : i32 to index
      %swap3A_190 = arith.constant 112 : index
      %swap3A_191 = tpu.vector_load %arg8[%swap3A_188, %swap3A_189, %swap3A_190] {strides = array<i32>} : memref<4x32x128xf32, #tpu.memory_space<vmem>>, vector<16xf32>,
      tpu.vector_store %arg8[%swap3A_188, %swap3A_189, %swap3A_190], %broadcast_in_dim3A_186 {strides = array<i32>} : memref<4x32x128xf32, #tpu.memory_space<vmem>>, vector<16xf32>,
    }
    %scan3A_5 = arith.constant 32 : i32
    %mul3A_6 = arith.constant 640 : i32
    %mul3A_7 = arith.muli %arg1, %mul3A_6 : i32
    %add3A_8 = arith.constant 0 : i32
    %add3A_9 = arith.addi %mul3A_7, %add3A_8 : i32
    %run_scoped3A = arith.constant 0 : i32
    "tpu.region"() ({
      %run_scoped3A_136 = tpu.sem_alloc : memref<!tpu.dma_semaphore, #tpu.memory_space<semaphore_mem>>
      %dma_start3A_137 = arith.constant 0 : i32
      %dma_start3A_138 = arith.constant 0 : i32
      %dma_start3A_139 = tpu.memref_slice %arg8[%run_scoped3A, %dma_start3A_137, %dma_start3A_138] : memref<4x32x128xf32, #tpu.memory_space<vmem>> -> memref<1x32x128xf32, #tpu.memory_space<vmem>>
      %dma_start3A_140 = tpu.memref_squeeze %dma_start3A_139 : memref<1x32x128xf32, #tpu.memory_space<vmem>> -> memref<32x128xf32, #tpu.memory_space<vmem>>
      %dma_start3A_141 = arith.constant 0 : i32
      %dma_start3A_142 = tpu.memref_slice %arg13[%add3A_9, %dma_start3A_141] : memref<10240x128xf32, #tpu.memory_space<vmem_shared>> -> memref<32x128xf32, #tpu.memory_space<vmem_shared>>
      %dma_start3A_143 = arith.constant 0 : i32
      %dma_start3A_144 = tpu.memref_slice %arg13[%add3A_9, %dma_start3A_143] : memref<10240x128xf32, #tpu.memory_space<vmem_shared>> -> memref<32x128xf32, #tpu.memory_space<vmem_shared>>
      %dma_start3A_145 = arith.constant 0 : i32
      %dma_start3A_146 = arith.constant 0 : i32
      %dma_start3A_147 = tpu.memref_slice %arg8[%run_scoped3A, %dma_start3A_145, %dma_start3A_146] : memref<4x32x128xf32, #tpu.memory_space<vmem>> -> memref<1x32x128xf32, #tpu.memory_space<vmem>>
      %dma_start3A_148 = tpu.memref_squeeze %dma_start3A_147 : memref<1x32x128xf32, #tpu.memory_space<vmem>> -> memref<32x128xf32, #tpu.memory_space<vmem>>
      tpu.enqueue_dma source(%dma_start3A_148 : memref<32x128xf32, #tpu.memory_space<vmem>>) target(%dma_start3A_144 : memref<32x128xf32, #tpu.memory_space<vmem_shared>>) target_semaphore(%run_scoped3A_136 : memref<!tpu.dma_semaphore, #tpu.memory_space<semaphore_mem>>)
      %dma_wait3A = arith.constant 0 : i32
      %dma_wait3A_149 = arith.constant 0 : i32
      %dma_wait3A_150 = tpu.memref_slice %arg8[%run_scoped3A, %dma_wait3A, %dma_wait3A_149] : memref<4x32x128xf32, #tpu.memory_space<vmem>> -> memref<1x32x128xf32, #tpu.memory_space<vmem>>
      %dma_wait3A_151 = tpu.memref_squeeze %dma_wait3A_150 : memref<1x32x128xf32, #tpu.memory_space<vmem>> -> memref<32x128xf32, #tpu.memory_space<vmem>>
      %dma_wait3A_152 = arith.constant 0 : i32
      %dma_wait3A_153 = tpu.memref_slice %arg13[%add3A_9, %dma_wait3A_152] : memref<10240x128xf32, #tpu.memory_space<vmem_shared>> -> memref<32x128xf32, #tpu.memory_space<vmem_shared>>
      %dma_wait3A_154 = arith.constant 0 : i32
      %dma_wait3A_155 = tpu.memref_slice %arg13[%add3A_9, %dma_wait3A_154] : memref<10240x128xf32, #tpu.memory_space<vmem_shared>> -> memref<32x128xf32, #tpu.memory_space<vmem_shared>>
      %dma_wait3A_156 = arith.constant 0 : i32
      %dma_wait3A_157 = arith.constant 0 : i32
      %dma_wait3A_158 = tpu.memref_slice %arg8[%run_scoped3A, %dma_wait3A_156, %dma_wait3A_157] : memref<4x32x128xf32, #tpu.memory_space<vmem>> -> memref<1x32x128xf32, #tpu.memory_space<vmem>>
      %dma_wait3A_159 = tpu.memref_squeeze %dma_wait3A_158 : memref<1x32x128xf32, #tpu.memory_space<vmem>> -> memref<32x128xf32, #tpu.memory_space<vmem>>
      tpu.wait_dma2 semaphore(%run_scoped3A_136 : memref<!tpu.dma_semaphore, #tpu.memory_space<semaphore_mem>>) src(%dma_wait3A_159 : memref<32x128xf32, #tpu.memory_space<vmem>>) dst(%dma_wait3A_155 : memref<32x128xf32, #tpu.memory_space<vmem_shared>>)
      tpu.yield
    }) : () -> ()
    %mul3A_10 = arith.constant 640 : i32
    %mul3A_11 = arith.muli %arg1, %mul3A_10 : i32
    %add3A_12 = arith.constant 32 : i32
    %add3A_13 = arith.addi %mul3A_11, %add3A_12 : i32
    %run_scoped3A_14 = arith.constant 0 : i32
    "tpu.region"() ({
      %run_scoped3A_136 = tpu.sem_alloc : memref<!tpu.dma_semaphore, #tpu.memory_space<semaphore_mem>>
      %dma_start3A_137 = arith.constant 0 : i32
      %dma_start3A_138 = arith.constant 0 : i32
      %dma_start3A_139 = tpu.memref_slice %arg8[%run_scoped3A_14, %dma_start3A_137, %dma_start3A_138] : memref<4x32x128xf32, #tpu.memory_space<vmem>> -> memref<1x32x128xf32, #tpu.memory_space<vmem>>
      %dma_start3A_140 = tpu.memref_squeeze %dma_start3A_139 : memref<1x32x128xf32, #tpu.memory_space<vmem>> -> memref<32x128xf32, #tpu.memory_space<vmem>>
      %dma_start3A_141 = arith.constant 0 : i32
      %dma_start3A_142 = tpu.memref_slice %arg13[%add3A_13, %dma_start3A_141] : memref<10240x128xf32, #tpu.memory_space<vmem_shared>> -> memref<32x128xf32, #tpu.memory_space<vmem_shared>>
      %dma_start3A_143 = arith.constant 0 : i32
      %dma_start3A_144 = tpu.memref_slice %arg13[%add3A_13, %dma_start3A_143] : memref<10240x128xf32, #tpu.memory_space<vmem_shared>> -> memref<32x128xf32, #tpu.memory_space<vmem_shared>>
      %dma_start3A_145 = arith.constant 0 : i32
      %dma_start3A_146 = arith.constant 0 : i32
      %dma_start3A_147 = tpu.memref_slice %arg8[%run_scoped3A_14, %dma_start3A_145, %dma_start3A_146] : memref<4x32x128xf32, #tpu.memory_space<vmem>> -> memref<1x32x128xf32, #tpu.memory_space<vmem>>
      %dma_start3A_148 = tpu.memref_squeeze %dma_start3A_147 : memref<1x32x128xf32, #tpu.memory_space<vmem>> -> memref<32x128xf32, #tpu.memory_space<vmem>>
      tpu.enqueue_dma source(%dma_start3A_148 : memref<32x128xf32, #tpu.memory_space<vmem>>) target(%dma_start3A_144 : memref<32x128xf32, #tpu.memory_space<vmem_shared>>) target_semaphore(%run_scoped3A_136 : memref<!tpu.dma_semaphore, #tpu.memory_space<semaphore_mem>>)
      %dma_wait3A = arith.constant 0 : i32
      %dma_wait3A_149 = arith.constant 0 : i32
      %dma_wait3A_150 = tpu.memref_slice %arg8[%run_scoped3A_14, %dma_wait3A, %dma_wait3A_149] : memref<4x32x128xf32, #tpu.memory_space<vmem>> -> memref<1x32x128xf32, #tpu.memory_space<vmem>>
      %dma_wait3A_151 = tpu.memref_squeeze %dma_wait3A_150 : memref<1x32x128xf32, #tpu.memory_space<vmem>> -> memref<32x128xf32, #tpu.memory_space<vmem>>
      %dma_wait3A_152 = arith.constant 0 : i32
      %dma_wait3A_153 = tpu.memref_slice %arg13[%add3A_13, %dma_wait3A_152] : memref<10240x128xf32, #tpu.memory_space<vmem_shared>> -> memref<32x128xf32, #tpu.memory_space<vmem_shared>>
      %dma_wait3A_154 = arith.constant 0 : i32
      %dma_wait3A_155 = tpu.memref_slice %arg13[%add3A_13, %dma_wait3A_154] : memref<10240x128xf32, #tpu.memory_space<vmem_shared>> -> memref<32x128xf32, #tpu.memory_space<vmem_shared>>
      %dma_wait3A_156 = arith.constant 0 : i32
      %dma_wait3A_157 = arith.constant 0 : i32
      %dma_wait3A_158 = tpu.memref_slice %arg8[%run_scoped3A_14, %dma_wait3A_156, %dma_wait3A_157] : memref<4x32x128xf32, #tpu.memory_space<vmem>> -> memref<1x32x128xf32, #tpu.memory_space<vmem>>
      %dma_wait3A_159 = tpu.memref_squeeze %dma_wait3A_158 : memref<1x32x128xf32, #tpu.memory_space<vmem>> -> memref<32x128xf32, #tpu.memory_space<vmem>>
      tpu.wait_dma2 semaphore(%run_scoped3A_136 : memref<!tpu.dma_semaphore, #tpu.memory_space<semaphore_mem>>) src(%dma_wait3A_159 : memref<32x128xf32, #tpu.memory_space<vmem>>) dst(%dma_wait3A_155 : memref<32x128xf32, #tpu.memory_space<vmem_shared>>)
      tpu.yield
    }) : () -> ()
    %mul3A_15 = arith.constant 640 : i32
    %mul3A_16 = arith.muli %arg1, %mul3A_15 : i32
    %add3A_17 = arith.constant 64 : i32
    %add3A_18 = arith.addi %mul3A_16, %add3A_17 : i32
    %run_scoped3A_19 = arith.constant 0 : i32
    "tpu.region"() ({
      %run_scoped3A_136 = tpu.sem_alloc : memref<!tpu.dma_semaphore, #tpu.memory_space<semaphore_mem>>
      %dma_start3A_137 = arith.constant 0 : i32
      %dma_start3A_138 = arith.constant 0 : i32
      %dma_start3A_139 = tpu.memref_slice %arg8[%run_scoped3A_19, %dma_start3A_137, %dma_start3A_138] : memref<4x32x128xf32, #tpu.memory_space<vmem>> -> memref<1x32x128xf32, #tpu.memory_space<vmem>>
      %dma_start3A_140 = tpu.memref_squeeze %dma_start3A_139 : memref<1x32x128xf32, #tpu.memory_space<vmem>> -> memref<32x128xf32, #tpu.memory_space<vmem>>
      %dma_start3A_141 = arith.constant 0 : i32
      %dma_start3A_142 = tpu.memref_slice %arg13[%add3A_18, %dma_start3A_141] : memref<10240x128xf32, #tpu.memory_space<vmem_shared>> -> memref<32x128xf32, #tpu.memory_space<vmem_shared>>
      %dma_start3A_143 = arith.constant 0 : i32
      %dma_start3A_144 = tpu.memref_slice %arg13[%add3A_18, %dma_start3A_143] : memref<10240x128xf32, #tpu.memory_space<vmem_shared>> -> memref<32x128xf32, #tpu.memory_space<vmem_shared>>
      %dma_start3A_145 = arith.constant 0 : i32
      %dma_start3A_146 = arith.constant 0 : i32
      %dma_start3A_147 = tpu.memref_slice %arg8[%run_scoped3A_19, %dma_start3A_145, %dma_start3A_146] : memref<4x32x128xf32, #tpu.memory_space<vmem>> -> memref<1x32x128xf32, #tpu.memory_space<vmem>>
      %dma_start3A_148 = tpu.memref_squeeze %dma_start3A_147 : memref<1x32x128xf32, #tpu.memory_space<vmem>> -> memref<32x128xf32, #tpu.memory_space<vmem>>
      tpu.enqueue_dma source(%dma_start3A_148 : memref<32x128xf32, #tpu.memory_space<vmem>>) target(%dma_start3A_144 : memref<32x128xf32, #tpu.memory_space<vmem_shared>>) target_semaphore(%run_scoped3A_136 : memref<!tpu.dma_semaphore, #tpu.memory_space<semaphore_mem>>)
      %dma_wait3A = arith.constant 0 : i32
      %dma_wait3A_149 = arith.constant 0 : i32
      %dma_wait3A_150 = tpu.memref_slice %arg8[%run_scoped3A_19, %dma_wait3A, %dma_wait3A_149] : memref<4x32x128xf32, #tpu.memory_space<vmem>> -> memref<1x32x128xf32, #tpu.memory_space<vmem>>
      %dma_wait3A_151 = tpu.memref_squeeze %dma_wait3A_150 : memref<1x32x128xf32, #tpu.memory_space<vmem>> -> memref<32x128xf32, #tpu.memory_space<vmem>>
      %dma_wait3A_152 = arith.constant 0 : i32
      %dma_wait3A_153 = tpu.memref_slice %arg13[%add3A_18, %dma_wait3A_152] : memref<10240x128xf32, #tpu.memory_space<vmem_shared>> -> memref<32x128xf32, #tpu.memory_space<vmem_shared>>
      %dma_wait3A_154 = arith.constant 0 : i32
      %dma_wait3A_155 = tpu.memref_slice %arg13[%add3A_18, %dma_wait3A_154] : memref<10240x128xf32, #tpu.memory_space<vmem_shared>> -> memref<32x128xf32, #tpu.memory_space<vmem_shared>>
      %dma_wait3A_156 = arith.constant 0 : i32
      %dma_wait3A_157 = arith.constant 0 : i32
      %dma_wait3A_158 = tpu.memref_slice %arg8[%run_scoped3A_19, %dma_wait3A_156, %dma_wait3A_157] : memref<4x32x128xf32, #tpu.memory_space<vmem>> -> memref<1x32x128xf32, #tpu.memory_space<vmem>>
      %dma_wait3A_159 = tpu.memref_squeeze %dma_wait3A_158 : memref<1x32x128xf32, #tpu.memory_space<vmem>> -> memref<32x128xf32, #tpu.memory_space<vmem>>
      tpu.wait_dma2 semaphore(%run_scoped3A_136 : memref<!tpu.dma_semaphore, #tpu.memory_space<semaphore_mem>>) src(%dma_wait3A_159 : memref<32x128xf32, #tpu.memory_space<vmem>>) dst(%dma_wait3A_155 : memref<32x128xf32, #tpu.memory_space<vmem_shared>>)
      tpu.yield
    }) : () -> ()
    %mul3A_20 = arith.constant 640 : i32
    %mul3A_21 = arith.muli %arg1, %mul3A_20 : i32
    %add3A_22 = arith.constant 96 : i32
    %add3A_23 = arith.addi %mul3A_21, %add3A_22 : i32
    %run_scoped3A_24 = arith.constant 0 : i32
    "tpu.region"() ({
      %run_scoped3A_136 = tpu.sem_alloc : memref<!tpu.dma_semaphore, #tpu.memory_space<semaphore_mem>>
      %dma_start3A_137 = arith.constant 0 : i32
      %dma_start3A_138 = arith.constant 0 : i32
      %dma_start3A_139 = tpu.memref_slice %arg8[%run_scoped3A_24, %dma_start3A_137, %dma_start3A_138] : memref<4x32x128xf32, #tpu.memory_space<vmem>> -> memref<1x32x128xf32, #tpu.memory_space<vmem>>
      %dma_start3A_140 = tpu.memref_squeeze %dma_start3A_139 : memref<1x32x128xf32, #tpu.memory_space<vmem>> -> memref<32x128xf32, #tpu.memory_space<vmem>>
      %dma_start3A_141 = arith.constant 0 : i32
      %dma_start3A_142 = tpu.memref_slice %arg13[%add3A_23, %dma_start3A_141] : memref<10240x128xf32, #tpu.memory_space<vmem_shared>> -> memref<32x128xf32, #tpu.memory_space<vmem_shared>>
      %dma_start3A_143 = arith.constant 0 : i32
      %dma_start3A_144 = tpu.memref_slice %arg13[%add3A_23, %dma_start3A_143] : memref<10240x128xf32, #tpu.memory_space<vmem_shared>> -> memref<32x128xf32, #tpu.memory_space<vmem_shared>>
      %dma_start3A_145 = arith.constant 0 : i32
      %dma_start3A_146 = arith.constant 0 : i32
      %dma_start3A_147 = tpu.memref_slice %arg8[%run_scoped3A_24, %dma_start3A_145, %dma_start3A_146] : memref<4x32x128xf32, #tpu.memory_space<vmem>> -> memref<1x32x128xf32, #tpu.memory_space<vmem>>
      %dma_start3A_148 = tpu.memref_squeeze %dma_start3A_147 : memref<1x32x128xf32, #tpu.memory_space<vmem>> -> memref<32x128xf32, #tpu.memory_space<vmem>>
      tpu.enqueue_dma source(%dma_start3A_148 : memref<32x128xf32, #tpu.memory_space<vmem>>) target(%dma_start3A_144 : memref<32x128xf32, #tpu.memory_space<vmem_shared>>) target_semaphore(%run_scoped3A_136 : memref<!tpu.dma_semaphore, #tpu.memory_space<semaphore_mem>>)
      %dma_wait3A = arith.constant 0 : i32
      %dma_wait3A_149 = arith.constant 0 : i32
      %dma_wait3A_150 = tpu.memref_slice %arg8[%run_scoped3A_24, %dma_wait3A, %dma_wait3A_149] : memref<4x32x128xf32, #tpu.memory_space<vmem>> -> memref<1x32x128xf32, #tpu.memory_space<vmem>>
      %dma_wait3A_151 = tpu.memref_squeeze %dma_wait3A_150 : memref<1x32x128xf32, #tpu.memory_space<vmem>> -> memref<32x128xf32, #tpu.memory_space<vmem>>
      %dma_wait3A_152 = arith.constant 0 : i32
      %dma_wait3A_153 = tpu.memref_slice %arg13[%add3A_23, %dma_wait3A_152] : memref<10240x128xf32, #tpu.memory_space<vmem_shared>> -> memref<32x128xf32, #tpu.memory_space<vmem_shared>>
      %dma_wait3A_154 = arith.constant 0 : i32
      %dma_wait3A_155 = tpu.memref_slice %arg13[%add3A_23, %dma_wait3A_154] : memref<10240x128xf32, #tpu.memory_space<vmem_shared>> -> memref<32x128xf32, #tpu.memory_space<vmem_shared>>
      %dma_wait3A_156 = arith.constant 0 : i32
      %dma_wait3A_157 = arith.constant 0 : i32
      %dma_wait3A_158 = tpu.memref_slice %arg8[%run_scoped3A_24, %dma_wait3A_156, %dma_wait3A_157] : memref<4x32x128xf32, #tpu.memory_space<vmem>> -> memref<1x32x128xf32, #tpu.memory_space<vmem>>
      %dma_wait3A_159 = tpu.memref_squeeze %dma_wait3A_158 : memref<1x32x128xf32, #tpu.memory_space<vmem>> -> memref<32x128xf32, #tpu.memory_space<vmem>>
      tpu.wait_dma2 semaphore(%run_scoped3A_136 : memref<!tpu.dma_semaphore, #tpu.memory_space<semaphore_mem>>) src(%dma_wait3A_159 : memref<32x128xf32, #tpu.memory_space<vmem>>) dst(%dma_wait3A_155 : memref<32x128xf32, #tpu.memory_space<vmem_shared>>)
      tpu.yield
    }) : () -> ()
    %mul3A_25 = arith.constant 640 : i32
    %mul3A_26 = arith.muli %arg1, %mul3A_25 : i32
    %add3A_27 = arith.constant 128 : i32
    %add3A_28 = arith.addi %mul3A_26, %add3A_27 : i32
    %run_scoped3A_29 = arith.constant 0 : i32
    "tpu.region"() ({
      %run_scoped3A_136 = tpu.sem_alloc : memref<!tpu.dma_semaphore, #tpu.memory_space<semaphore_mem>>
      %dma_start3A_137 = arith.constant 0 : i32
      %dma_start3A_138 = arith.constant 0 : i32
      %dma_start3A_139 = tpu.memref_slice %arg8[%run_scoped3A_29, %dma_start3A_137, %dma_start3A_138] : memref<4x32x128xf32, #tpu.memory_space<vmem>> -> memref<1x32x128xf32, #tpu.memory_space<vmem>>
      %dma_start3A_140 = tpu.memref_squeeze %dma_start3A_139 : memref<1x32x128xf32, #tpu.memory_space<vmem>> -> memref<32x128xf32, #tpu.memory_space<vmem>>
      %dma_start3A_141 = arith.constant 0 : i32
      %dma_start3A_142 = tpu.memref_slice %arg13[%add3A_28, %dma_start3A_141] : memref<10240x128xf32, #tpu.memory_space<vmem_shared>> -> memref<32x128xf32, #tpu.memory_space<vmem_shared>>
      %dma_start3A_143 = arith.constant 0 : i32
      %dma_start3A_144 = tpu.memref_slice %arg13[%add3A_28, %dma_start3A_143] : memref<10240x128xf32, #tpu.memory_space<vmem_shared>> -> memref<32x128xf32, #tpu.memory_space<vmem_shared>>
      %dma_start3A_145 = arith.constant 0 : i32
      %dma_start3A_146 = arith.constant 0 : i32
      %dma_start3A_147 = tpu.memref_slice %arg8[%run_scoped3A_29, %dma_start3A_145, %dma_start3A_146] : memref<4x32x128xf32, #tpu.memory_space<vmem>> -> memref<1x32x128xf32, #tpu.memory_space<vmem>>
      %dma_start3A_148 = tpu.memref_squeeze %dma_start3A_147 : memref<1x32x128xf32, #tpu.memory_space<vmem>> -> memref<32x128xf32, #tpu.memory_space<vmem>>
      tpu.enqueue_dma source(%dma_start3A_148 : memref<32x128xf32, #tpu.memory_space<vmem>>) target(%dma_start3A_144 : memref<32x128xf32, #tpu.memory_space<vmem_shared>>) target_semaphore(%run_scoped3A_136 : memref<!tpu.dma_semaphore, #tpu.memory_space<semaphore_mem>>)
      %dma_wait3A = arith.constant 0 : i32
      %dma_wait3A_149 = arith.constant 0 : i32
      %dma_wait3A_150 = tpu.memref_slice %arg8[%run_scoped3A_29, %dma_wait3A, %dma_wait3A_149] : memref<4x32x128xf32, #tpu.memory_space<vmem>> -> memref<1x32x128xf32, #tpu.memory_space<vmem>>
      %dma_wait3A_151 = tpu.memref_squeeze %dma_wait3A_150 : memref<1x32x128xf32, #tpu.memory_space<vmem>> -> memref<32x128xf32, #tpu.memory_space<vmem>>
      %dma_wait3A_152 = arith.constant 0 : i32
      %dma_wait3A_153 = tpu.memref_slice %arg13[%add3A_28, %dma_wait3A_152] : memref<10240x128xf32, #tpu.memory_space<vmem_shared>> -> memref<32x128xf32, #tpu.memory_space<vmem_shared>>
      %dma_wait3A_154 = arith.constant 0 : i32
      %dma_wait3A_155 = tpu.memref_slice %arg13[%add3A_28, %dma_wait3A_154] : memref<10240x128xf32, #tpu.memory_space<vmem_shared>> -> memref<32x128xf32, #tpu.memory_space<vmem_shared>>
      %dma_wait3A_156 = arith.constant 0 : i32
      %dma_wait3A_157 = arith.constant 0 : i32
      %dma_wait3A_158 = tpu.memref_slice %arg8[%run_scoped3A_29, %dma_wait3A_156, %dma_wait3A_157] : memref<4x32x128xf32, #tpu.memory_space<vmem>> -> memref<1x32x128xf32, #tpu.memory_space<vmem>>
      %dma_wait3A_159 = tpu.memref_squeeze %dma_wait3A_158 : memref<1x32x128xf32, #tpu.memory_space<vmem>> -> memref<32x128xf32, #tpu.memory_space<vmem>>
      tpu.wait_dma2 semaphore(%run_scoped3A_136 : memref<!tpu.dma_semaphore, #tpu.memory_space<semaphore_mem>>) src(%dma_wait3A_159 : memref<32x128xf32, #tpu.memory_space<vmem>>) dst(%dma_wait3A_155 : memref<32x128xf32, #tpu.memory_space<vmem_shared>>)
      tpu.yield
    }) : () -> ()
    %mul3A_30 = arith.constant 640 : i32
    %mul3A_31 = arith.muli %arg1, %mul3A_30 : i32
    %add3A_32 = arith.constant 160 : i32
    %add3A_33 = arith.addi %mul3A_31, %add3A_32 : i32
    %run_scoped3A_34 = arith.constant 0 : i32
    "tpu.region"() ({
      %run_scoped3A_136 = tpu.sem_alloc : memref<!tpu.dma_semaphore, #tpu.memory_space<semaphore_mem>>
      %dma_start3A_137 = arith.constant 0 : i32
      %dma_start3A_138 = arith.constant 0 : i32
      %dma_start3A_139 = tpu.memref_slice %arg8[%run_scoped3A_34, %dma_start3A_137, %dma_start3A_138] : memref<4x32x128xf32, #tpu.memory_space<vmem>> -> memref<1x32x128xf32, #tpu.memory_space<vmem>>
      %dma_start3A_140 = tpu.memref_squeeze %dma_start3A_139 : memref<1x32x128xf32, #tpu.memory_space<vmem>> -> memref<32x128xf32, #tpu.memory_space<vmem>>
      %dma_start3A_141 = arith.constant 0 : i32
      %dma_start3A_142 = tpu.memref_slice %arg13[%add3A_33, %dma_start3A_141] : memref<10240x128xf32, #tpu.memory_space<vmem_shared>> -> memref<32x128xf32, #tpu.memory_space<vmem_shared>>
      %dma_start3A_143 = arith.constant 0 : i32
      %dma_start3A_144 = tpu.memref_slice %arg13[%add3A_33, %dma_start3A_143] : memref<10240x128xf32, #tpu.memory_space<vmem_shared>> -> memref<32x128xf32, #tpu.memory_space<vmem_shared>>
      %dma_start3A_145 = arith.constant 0 : i32
      %dma_start3A_146 = arith.constant 0 : i32
      %dma_start3A_147 = tpu.memref_slice %arg8[%run_scoped3A_34, %dma_start3A_145, %dma_start3A_146] : memref<4x32x128xf32, #tpu.memory_space<vmem>> -> memref<1x32x128xf32, #tpu.memory_space<vmem>>
      %dma_start3A_148 = tpu.memref_squeeze %dma_start3A_147 : memref<1x32x128xf32, #tpu.memory_space<vmem>> -> memref<32x128xf32, #tpu.memory_space<vmem>>
      tpu.enqueue_dma source(%dma_start3A_148 : memref<32x128xf32, #tpu.memory_space<vmem>>) target(%dma_start3A_144 : memref<32x128xf32, #tpu.memory_space<vmem_shared>>) target_semaphore(%run_scoped3A_136 : memref<!tpu.dma_semaphore, #tpu.memory_space<semaphore_mem>>)
      %dma_wait3A = arith.constant 0 : i32
      %dma_wait3A_149 = arith.constant 0 : i32
      %dma_wait3A_150 = tpu.memref_slice %arg8[%run_scoped3A_34, %dma_wait3A, %dma_wait3A_149] : memref<4x32x128xf32, #tpu.memory_space<vmem>> -> memref<1x32x128xf32, #tpu.memory_space<vmem>>
      %dma_wait3A_151 = tpu.memref_squeeze %dma_wait3A_150 : memref<1x32x128xf32, #tpu.memory_space<vmem>> -> memref<32x128xf32, #tpu.memory_space<vmem>>
      %dma_wait3A_152 = arith.constant 0 : i32
      %dma_wait3A_153 = tpu.memref_slice %arg13[%add3A_33, %dma_wait3A_152] : memref<10240x128xf32, #tpu.memory_space<vmem_shared>> -> memref<32x128xf32, #tpu.memory_space<vmem_shared>>
      %dma_wait3A_154 = arith.constant 0 : i32
      %dma_wait3A_155 = tpu.memref_slice %arg13[%add3A_33, %dma_wait3A_154] : memref<10240x128xf32, #tpu.memory_space<vmem_shared>> -> memref<32x128xf32, #tpu.memory_space<vmem_shared>>
      %dma_wait3A_156 = arith.constant 0 : i32
      %dma_wait3A_157 = arith.constant 0 : i32
      %dma_wait3A_158 = tpu.memref_slice %arg8[%run_scoped3A_34, %dma_wait3A_156, %dma_wait3A_157] : memref<4x32x128xf32, #tpu.memory_space<vmem>> -> memref<1x32x128xf32, #tpu.memory_space<vmem>>
      %dma_wait3A_159 = tpu.memref_squeeze %dma_wait3A_158 : memref<1x32x128xf32, #tpu.memory_space<vmem>> -> memref<32x128xf32, #tpu.memory_space<vmem>>
      tpu.wait_dma2 semaphore(%run_scoped3A_136 : memref<!tpu.dma_semaphore, #tpu.memory_space<semaphore_mem>>) src(%dma_wait3A_159 : memref<32x128xf32, #tpu.memory_space<vmem>>) dst(%dma_wait3A_155 : memref<32x128xf32, #tpu.memory_space<vmem_shared>>)
      tpu.yield
    }) : () -> ()
    %mul3A_35 = arith.constant 640 : i32
    %mul3A_36 = arith.muli %arg1, %mul3A_35 : i32
    %add3A_37 = arith.constant 192 : i32
    %add3A_38 = arith.addi %mul3A_36, %add3A_37 : i32
    %run_scoped3A_39 = arith.constant 0 : i32
    "tpu.region"() ({
      %run_scoped3A_136 = tpu.sem_alloc : memref<!tpu.dma_semaphore, #tpu.memory_space<semaphore_mem>>
      %dma_start3A_137 = arith.constant 0 : i32
      %dma_start3A_138 = arith.constant 0 : i32
      %dma_start3A_139 = tpu.memref_slice %arg8[%run_scoped3A_39, %dma_start3A_137, %dma_start3A_138] : memref<4x32x128xf32, #tpu.memory_space<vmem>> -> memref<1x32x128xf32, #tpu.memory_space<vmem>>
      %dma_start3A_140 = tpu.memref_squeeze %dma_start3A_139 : memref<1x32x128xf32, #tpu.memory_space<vmem>> -> memref<32x128xf32, #tpu.memory_space<vmem>>
      %dma_start3A_141 = arith.constant 0 : i32
      %dma_start3A_142 = tpu.memref_slice %arg13[%add3A_38, %dma_start3A_141] : memref<10240x128xf32, #tpu.memory_space<vmem_shared>> -> memref<32x128xf32, #tpu.memory_space<vmem_shared>>
      %dma_start3A_143 = arith.constant 0 : i32
      %dma_start3A_144 = tpu.memref_slice %arg13[%add3A_38, %dma_start3A_143] : memref<10240x128xf32, #tpu.memory_space<vmem_shared>> -> memref<32x128xf32, #tpu.memory_space<vmem_shared>>
      %dma_start3A_145 = arith.constant 0 : i32
      %dma_start3A_146 = arith.constant 0 : i32
      %dma_start3A_147 = tpu.memref_slice %arg8[%run_scoped3A_39, %dma_start3A_145, %dma_start3A_146] : memref<4x32x128xf32, #tpu.memory_space<vmem>> -> memref<1x32x128xf32, #tpu.memory_space<vmem>>
      %dma_start3A_148 = tpu.memref_squeeze %dma_start3A_147 : memref<1x32x128xf32, #tpu.memory_space<vmem>> -> memref<32x128xf32, #tpu.memory_space<vmem>>
      tpu.enqueue_dma source(%dma_start3A_148 : memref<32x128xf32, #tpu.memory_space<vmem>>) target(%dma_start3A_144 : memref<32x128xf32, #tpu.memory_space<vmem_shared>>) target_semaphore(%run_scoped3A_136 : memref<!tpu.dma_semaphore, #tpu.memory_space<semaphore_mem>>)
      %dma_wait3A = arith.constant 0 : i32
      %dma_wait3A_149 = arith.constant 0 : i32
      %dma_wait3A_150 = tpu.memref_slice %arg8[%run_scoped3A_39, %dma_wait3A, %dma_wait3A_149] : memref<4x32x128xf32, #tpu.memory_space<vmem>> -> memref<1x32x128xf32, #tpu.memory_space<vmem>>
      %dma_wait3A_151 = tpu.memref_squeeze %dma_wait3A_150 : memref<1x32x128xf32, #tpu.memory_space<vmem>> -> memref<32x128xf32, #tpu.memory_space<vmem>>
      %dma_wait3A_152 = arith.constant 0 : i32
      %dma_wait3A_153 = tpu.memref_slice %arg13[%add3A_38, %dma_wait3A_152] : memref<10240x128xf32, #tpu.memory_space<vmem_shared>> -> memref<32x128xf32, #tpu.memory_space<vmem_shared>>
      %dma_wait3A_154 = arith.constant 0 : i32
      %dma_wait3A_155 = tpu.memref_slice %arg13[%add3A_38, %dma_wait3A_154] : memref<10240x128xf32, #tpu.memory_space<vmem_shared>> -> memref<32x128xf32, #tpu.memory_space<vmem_shared>>
      %dma_wait3A_156 = arith.constant 0 : i32
      %dma_wait3A_157 = arith.constant 0 : i32
      %dma_wait3A_158 = tpu.memref_slice %arg8[%run_scoped3A_39, %dma_wait3A_156, %dma_wait3A_157] : memref<4x32x128xf32, #tpu.memory_space<vmem>> -> memref<1x32x128xf32, #tpu.memory_space<vmem>>
      %dma_wait3A_159 = tpu.memref_squeeze %dma_wait3A_158 : memref<1x32x128xf32, #tpu.memory_space<vmem>> -> memref<32x128xf32, #tpu.memory_space<vmem>>
      tpu.wait_dma2 semaphore(%run_scoped3A_136 : memref<!tpu.dma_semaphore, #tpu.memory_space<semaphore_mem>>) src(%dma_wait3A_159 : memref<32x128xf32, #tpu.memory_space<vmem>>) dst(%dma_wait3A_155 : memref<32x128xf32, #tpu.memory_space<vmem_shared>>)
      tpu.yield
    }) : () -> ()
    %mul3A_40 = arith.constant 640 : i32
    %mul3A_41 = arith.muli %arg1, %mul3A_40 : i32
    %add3A_42 = arith.constant 224 : i32
    %add3A_43 = arith.addi %mul3A_41, %add3A_42 : i32
    %run_scoped3A_44 = arith.constant 0 : i32
    "tpu.region"() ({
      %run_scoped3A_136 = tpu.sem_alloc : memref<!tpu.dma_semaphore, #tpu.memory_space<semaphore_mem>>
      %dma_start3A_137 = arith.constant 0 : i32
      %dma_start3A_138 = arith.constant 0 : i32
      %dma_start3A_139 = tpu.memref_slice %arg8[%run_scoped3A_44, %dma_start3A_137, %dma_start3A_138] : memref<4x32x128xf32, #tpu.memory_space<vmem>> -> memref<1x32x128xf32, #tpu.memory_space<vmem>>
      %dma_start3A_140 = tpu.memref_squeeze %dma_start3A_139 : memref<1x32x128xf32, #tpu.memory_space<vmem>> -> memref<32x128xf32, #tpu.memory_space<vmem>>
      %dma_start3A_141 = arith.constant 0 : i32
      %dma_start3A_142 = tpu.memref_slice %arg13[%add3A_43, %dma_start3A_141] : memref<10240x128xf32, #tpu.memory_space<vmem_shared>> -> memref<32x128xf32, #tpu.memory_space<vmem_shared>>
      %dma_start3A_143 = arith.constant 0 : i32
      %dma_start3A_144 = tpu.memref_slice %arg13[%add3A_43, %dma_start3A_143] : memref<10240x128xf32, #tpu.memory_space<vmem_shared>> -> memref<32x128xf32, #tpu.memory_space<vmem_shared>>
      %dma_start3A_145 = arith.constant 0 : i32
      %dma_start3A_146 = arith.constant 0 : i32
      %dma_start3A_147 = tpu.memref_slice %arg8[%run_scoped3A_44, %dma_start3A_145, %dma_start3A_146] : memref<4x32x128xf32, #tpu.memory_space<vmem>> -> memref<1x32x128xf32, #tpu.memory_space<vmem>>
      %dma_start3A_148 = tpu.memref_squeeze %dma_start3A_147 : memref<1x32x128xf32, #tpu.memory_space<vmem>> -> memref<32x128xf32, #tpu.memory_space<vmem>>
      tpu.enqueue_dma source(%dma_start3A_148 : memref<32x128xf32, #tpu.memory_space<vmem>>) target(%dma_start3A_144 : memref<32x128xf32, #tpu.memory_space<vmem_shared>>) target_semaphore(%run_scoped3A_136 : memref<!tpu.dma_semaphore, #tpu.memory_space<semaphore_mem>>)
      %dma_wait3A = arith.constant 0 : i32
      %dma_wait3A_149 = arith.constant 0 : i32
      %dma_wait3A_150 = tpu.memref_slice %arg8[%run_scoped3A_44, %dma_wait3A, %dma_wait3A_149] : memref<4x32x128xf32, #tpu.memory_space<vmem>> -> memref<1x32x128xf32, #tpu.memory_space<vmem>>
      %dma_wait3A_151 = tpu.memref_squeeze %dma_wait3A_150 : memref<1x32x128xf32, #tpu.memory_space<vmem>> -> memref<32x128xf32, #tpu.memory_space<vmem>>
      %dma_wait3A_152 = arith.constant 0 : i32
      %dma_wait3A_153 = tpu.memref_slice %arg13[%add3A_43, %dma_wait3A_152] : memref<10240x128xf32, #tpu.memory_space<vmem_shared>> -> memref<32x128xf32, #tpu.memory_space<vmem_shared>>
      %dma_wait3A_154 = arith.constant 0 : i32
      %dma_wait3A_155 = tpu.memref_slice %arg13[%add3A_43, %dma_wait3A_154] : memref<10240x128xf32, #tpu.memory_space<vmem_shared>> -> memref<32x128xf32, #tpu.memory_space<vmem_shared>>
      %dma_wait3A_156 = arith.constant 0 : i32
      %dma_wait3A_157 = arith.constant 0 : i32
      %dma_wait3A_158 = tpu.memref_slice %arg8[%run_scoped3A_44, %dma_wait3A_156, %dma_wait3A_157] : memref<4x32x128xf32, #tpu.memory_space<vmem>> -> memref<1x32x128xf32, #tpu.memory_space<vmem>>
      %dma_wait3A_159 = tpu.memref_squeeze %dma_wait3A_158 : memref<1x32x128xf32, #tpu.memory_space<vmem>> -> memref<32x128xf32, #tpu.memory_space<vmem>>
      tpu.wait_dma2 semaphore(%run_scoped3A_136 : memref<!tpu.dma_semaphore, #tpu.memory_space<semaphore_mem>>) src(%dma_wait3A_159 : memref<32x128xf32, #tpu.memory_space<vmem>>) dst(%dma_wait3A_155 : memref<32x128xf32, #tpu.memory_space<vmem_shared>>)
      tpu.yield
    }) : () -> ()
    %mul3A_45 = arith.constant 640 : i32
    %mul3A_46 = arith.muli %arg1, %mul3A_45 : i32
    %add3A_47 = arith.constant 256 : i32
    %add3A_48 = arith.addi %mul3A_46, %add3A_47 : i32
    %run_scoped3A_49 = arith.constant 0 : i32
    "tpu.region"() ({
      %run_scoped3A_136 = tpu.sem_alloc : memref<!tpu.dma_semaphore, #tpu.memory_space<semaphore_mem>>
      %dma_start3A_137 = arith.constant 0 : i32
      %dma_start3A_138 = arith.constant 0 : i32
      %dma_start3A_139 = tpu.memref_slice %arg8[%run_scoped3A_49, %dma_start3A_137, %dma_start3A_138] : memref<4x32x128xf32, #tpu.memory_space<vmem>> -> memref<1x32x128xf32, #tpu.memory_space<vmem>>
      %dma_start3A_140 = tpu.memref_squeeze %dma_start3A_139 : memref<1x32x128xf32, #tpu.memory_space<vmem>> -> memref<32x128xf32, #tpu.memory_space<vmem>>
      %dma_start3A_141 = arith.constant 0 : i32
      %dma_start3A_142 = tpu.memref_slice %arg13[%add3A_48, %dma_start3A_141] : memref<10240x128xf32, #tpu.memory_space<vmem_shared>> -> memref<32x128xf32, #tpu.memory_space<vmem_shared>>
      %dma_start3A_143 = arith.constant 0 : i32
      %dma_start3A_144 = tpu.memref_slice %arg13[%add3A_48, %dma_start3A_143] : memref<10240x128xf32, #tpu.memory_space<vmem_shared>> -> memref<32x128xf32, #tpu.memory_space<vmem_shared>>
      %dma_start3A_145 = arith.constant 0 : i32
      %dma_start3A_146 = arith.constant 0 : i32
      %dma_start3A_147 = tpu.memref_slice %arg8[%run_scoped3A_49, %dma_start3A_145, %dma_start3A_146] : memref<4x32x128xf32, #tpu.memory_space<vmem>> -> memref<1x32x128xf32, #tpu.memory_space<vmem>>
      %dma_start3A_148 = tpu.memref_squeeze %dma_start3A_147 : memref<1x32x128xf32, #tpu.memory_space<vmem>> -> memref<32x128xf32, #tpu.memory_space<vmem>>
      tpu.enqueue_dma source(%dma_start3A_148 : memref<32x128xf32, #tpu.memory_space<vmem>>) target(%dma_start3A_144 : memref<32x128xf32, #tpu.memory_space<vmem_shared>>) target_semaphore(%run_scoped3A_136 : memref<!tpu.dma_semaphore, #tpu.memory_space<semaphore_mem>>)
      %dma_wait3A = arith.constant 0 : i32
      %dma_wait3A_149 = arith.constant 0 : i32
      %dma_wait3A_150 = tpu.memref_slice %arg8[%run_scoped3A_49, %dma_wait3A, %dma_wait3A_149] : memref<4x32x128xf32, #tpu.memory_space<vmem>> -> memref<1x32x128xf32, #tpu.memory_space<vmem>>
      %dma_wait3A_151 = tpu.memref_squeeze %dma_wait3A_150 : memref<1x32x128xf32, #tpu.memory_space<vmem>> -> memref<32x128xf32, #tpu.memory_space<vmem>>
      %dma_wait3A_152 = arith.constant 0 : i32
      %dma_wait3A_153 = tpu.memref_slice %arg13[%add3A_48, %dma_wait3A_152] : memref<10240x128xf32, #tpu.memory_space<vmem_shared>> -> memref<32x128xf32, #tpu.memory_space<vmem_shared>>
      %dma_wait3A_154 = arith.constant 0 : i32
      %dma_wait3A_155 = tpu.memref_slice %arg13[%add3A_48, %dma_wait3A_154] : memref<10240x128xf32, #tpu.memory_space<vmem_shared>> -> memref<32x128xf32, #tpu.memory_space<vmem_shared>>
      %dma_wait3A_156 = arith.constant 0 : i32
      %dma_wait3A_157 = arith.constant 0 : i32
      %dma_wait3A_158 = tpu.memref_slice %arg8[%run_scoped3A_49, %dma_wait3A_156, %dma_wait3A_157] : memref<4x32x128xf32, #tpu.memory_space<vmem>> -> memref<1x32x128xf32, #tpu.memory_space<vmem>>
      %dma_wait3A_159 = tpu.memref_squeeze %dma_wait3A_158 : memref<1x32x128xf32, #tpu.memory_space<vmem>> -> memref<32x128xf32, #tpu.memory_space<vmem>>
      tpu.wait_dma2 semaphore(%run_scoped3A_136 : memref<!tpu.dma_semaphore, #tpu.memory_space<semaphore_mem>>) src(%dma_wait3A_159 : memref<32x128xf32, #tpu.memory_space<vmem>>) dst(%dma_wait3A_155 : memref<32x128xf32, #tpu.memory_space<vmem_shared>>)
      tpu.yield
    }) : () -> ()
    %mul3A_50 = arith.constant 640 : i32
    %mul3A_51 = arith.muli %arg1, %mul3A_50 : i32
    %add3A_52 = arith.constant 288 : i32
    %add3A_53 = arith.addi %mul3A_51, %add3A_52 : i32
    %run_scoped3A_54 = arith.constant 0 : i32
    "tpu.region"() ({
      %run_scoped3A_136 = tpu.sem_alloc : memref<!tpu.dma_semaphore, #tpu.memory_space<semaphore_mem>>
      %dma_start3A_137 = arith.constant 0 : i32
      %dma_start3A_138 = arith.constant 0 : i32
      %dma_start3A_139 = tpu.memref_slice %arg8[%run_scoped3A_54, %dma_start3A_137, %dma_start3A_138] : memref<4x32x128xf32, #tpu.memory_space<vmem>> -> memref<1x32x128xf32, #tpu.memory_space<vmem>>
      %dma_start3A_140 = tpu.memref_squeeze %dma_start3A_139 : memref<1x32x128xf32, #tpu.memory_space<vmem>> -> memref<32x128xf32, #tpu.memory_space<vmem>>
      %dma_start3A_141 = arith.constant 0 : i32
      %dma_start3A_142 = tpu.memref_slice %arg13[%add3A_53, %dma_start3A_141] : memref<10240x128xf32, #tpu.memory_space<vmem_shared>> -> memref<32x128xf32, #tpu.memory_space<vmem_shared>>
      %dma_start3A_143 = arith.constant 0 : i32
      %dma_start3A_144 = tpu.memref_slice %arg13[%add3A_53, %dma_start3A_143] : memref<10240x128xf32, #tpu.memory_space<vmem_shared>> -> memref<32x128xf32, #tpu.memory_space<vmem_shared>>
      %dma_start3A_145 = arith.constant 0 : i32
      %dma_start3A_146 = arith.constant 0 : i32
      %dma_start3A_147 = tpu.memref_slice %arg8[%run_scoped3A_54, %dma_start3A_145, %dma_start3A_146] : memref<4x32x128xf32, #tpu.memory_space<vmem>> -> memref<1x32x128xf32, #tpu.memory_space<vmem>>
      %dma_start3A_148 = tpu.memref_squeeze %dma_start3A_147 : memref<1x32x128xf32, #tpu.memory_space<vmem>> -> memref<32x128xf32, #tpu.memory_space<vmem>>
      tpu.enqueue_dma source(%dma_start3A_148 : memref<32x128xf32, #tpu.memory_space<vmem>>) target(%dma_start3A_144 : memref<32x128xf32, #tpu.memory_space<vmem_shared>>) target_semaphore(%run_scoped3A_136 : memref<!tpu.dma_semaphore, #tpu.memory_space<semaphore_mem>>)
      %dma_wait3A = arith.constant 0 : i32
      %dma_wait3A_149 = arith.constant 0 : i32
      %dma_wait3A_150 = tpu.memref_slice %arg8[%run_scoped3A_54, %dma_wait3A, %dma_wait3A_149] : memref<4x32x128xf32, #tpu.memory_space<vmem>> -> memref<1x32x128xf32, #tpu.memory_space<vmem>>
      %dma_wait3A_151 = tpu.memref_squeeze %dma_wait3A_150 : memref<1x32x128xf32, #tpu.memory_space<vmem>> -> memref<32x128xf32, #tpu.memory_space<vmem>>
      %dma_wait3A_152 = arith.constant 0 : i32
      %dma_wait3A_153 = tpu.memref_slice %arg13[%add3A_53, %dma_wait3A_152] : memref<10240x128xf32, #tpu.memory_space<vmem_shared>> -> memref<32x128xf32, #tpu.memory_space<vmem_shared>>
      %dma_wait3A_154 = arith.constant 0 : i32
      %dma_wait3A_155 = tpu.memref_slice %arg13[%add3A_53, %dma_wait3A_154] : memref<10240x128xf32, #tpu.memory_space<vmem_shared>> -> memref<32x128xf32, #tpu.memory_space<vmem_shared>>
      %dma_wait3A_156 = arith.constant 0 : i32
      %dma_wait3A_157 = arith.constant 0 : i32
      %dma_wait3A_158 = tpu.memref_slice %arg8[%run_scoped3A_54, %dma_wait3A_156, %dma_wait3A_157] : memref<4x32x128xf32, #tpu.memory_space<vmem>> -> memref<1x32x128xf32, #tpu.memory_space<vmem>>
      %dma_wait3A_159 = tpu.memref_squeeze %dma_wait3A_158 : memref<1x32x128xf32, #tpu.memory_space<vmem>> -> memref<32x128xf32, #tpu.memory_space<vmem>>
      tpu.wait_dma2 semaphore(%run_scoped3A_136 : memref<!tpu.dma_semaphore, #tpu.memory_space<semaphore_mem>>) src(%dma_wait3A_159 : memref<32x128xf32, #tpu.memory_space<vmem>>) dst(%dma_wait3A_155 : memref<32x128xf32, #tpu.memory_space<vmem_shared>>)
      tpu.yield
    }) : () -> ()
    %mul3A_55 = arith.constant 640 : i32
    %mul3A_56 = arith.muli %arg1, %mul3A_55 : i32
    %add3A_57 = arith.constant 320 : i32
    %add3A_58 = arith.addi %mul3A_56, %add3A_57 : i32
    %run_scoped3A_59 = arith.constant 0 : i32
    "tpu.region"() ({
      %run_scoped3A_136 = tpu.sem_alloc : memref<!tpu.dma_semaphore, #tpu.memory_space<semaphore_mem>>
      %dma_start3A_137 = arith.constant 0 : i32
      %dma_start3A_138 = arith.constant 0 : i32
      %dma_start3A_139 = tpu.memref_slice %arg8[%run_scoped3A_59, %dma_start3A_137, %dma_start3A_138] : memref<4x32x128xf32, #tpu.memory_space<vmem>> -> memref<1x32x128xf32, #tpu.memory_space<vmem>>
      %dma_start3A_140 = tpu.memref_squeeze %dma_start3A_139 : memref<1x32x128xf32, #tpu.memory_space<vmem>> -> memref<32x128xf32, #tpu.memory_space<vmem>>
      %dma_start3A_141 = arith.constant 0 : i32
      %dma_start3A_142 = tpu.memref_slice %arg13[%add3A_58, %dma_start3A_141] : memref<10240x128xf32, #tpu.memory_space<vmem_shared>> -> memref<32x128xf32, #tpu.memory_space<vmem_shared>>
      %dma_start3A_143 = arith.constant 0 : i32
      %dma_start3A_144 = tpu.memref_slice %arg13[%add3A_58, %dma_start3A_143] : memref<10240x128xf32, #tpu.memory_space<vmem_shared>> -> memref<32x128xf32, #tpu.memory_space<vmem_shared>>
      %dma_start3A_145 = arith.constant 0 : i32
      %dma_start3A_146 = arith.constant 0 : i32
      %dma_start3A_147 = tpu.memref_slice %arg8[%run_scoped3A_59, %dma_start3A_145, %dma_start3A_146] : memref<4x32x128xf32, #tpu.memory_space<vmem>> -> memref<1x32x128xf32, #tpu.memory_space<vmem>>
      %dma_start3A_148 = tpu.memref_squeeze %dma_start3A_147 : memref<1x32x128xf32, #tpu.memory_space<vmem>> -> memref<32x128xf32, #tpu.memory_space<vmem>>
      tpu.enqueue_dma source(%dma_start3A_148 : memref<32x128xf32, #tpu.memory_space<vmem>>) target(%dma_start3A_144 : memref<32x128xf32, #tpu.memory_space<vmem_shared>>) target_semaphore(%run_scoped3A_136 : memref<!tpu.dma_semaphore, #tpu.memory_space<semaphore_mem>>)
      %dma_wait3A = arith.constant 0 : i32
      %dma_wait3A_149 = arith.constant 0 : i32
      %dma_wait3A_150 = tpu.memref_slice %arg8[%run_scoped3A_59, %dma_wait3A, %dma_wait3A_149] : memref<4x32x128xf32, #tpu.memory_space<vmem>> -> memref<1x32x128xf32, #tpu.memory_space<vmem>>
      %dma_wait3A_151 = tpu.memref_squeeze %dma_wait3A_150 : memref<1x32x128xf32, #tpu.memory_space<vmem>> -> memref<32x128xf32, #tpu.memory_space<vmem>>
      %dma_wait3A_152 = arith.constant 0 : i32
      %dma_wait3A_153 = tpu.memref_slice %arg13[%add3A_58, %dma_wait3A_152] : memref<10240x128xf32, #tpu.memory_space<vmem_shared>> -> memref<32x128xf32, #tpu.memory_space<vmem_shared>>
      %dma_wait3A_154 = arith.constant 0 : i32
      %dma_wait3A_155 = tpu.memref_slice %arg13[%add3A_58, %dma_wait3A_154] : memref<10240x128xf32, #tpu.memory_space<vmem_shared>> -> memref<32x128xf32, #tpu.memory_space<vmem_shared>>
      %dma_wait3A_156 = arith.constant 0 : i32
      %dma_wait3A_157 = arith.constant 0 : i32
      %dma_wait3A_158 = tpu.memref_slice %arg8[%run_scoped3A_59, %dma_wait3A_156, %dma_wait3A_157] : memref<4x32x128xf32, #tpu.memory_space<vmem>> -> memref<1x32x128xf32, #tpu.memory_space<vmem>>
      %dma_wait3A_159 = tpu.memref_squeeze %dma_wait3A_158 : memref<1x32x128xf32, #tpu.memory_space<vmem>> -> memref<32x128xf32, #tpu.memory_space<vmem>>
      tpu.wait_dma2 semaphore(%run_scoped3A_136 : memref<!tpu.dma_semaphore, #tpu.memory_space<semaphore_mem>>) src(%dma_wait3A_159 : memref<32x128xf32, #tpu.memory_space<vmem>>) dst(%dma_wait3A_155 : memref<32x128xf32, #tpu.memory_space<vmem_shared>>)
      tpu.yield
    }) : () -> ()
    %mul3A_60 = arith.constant 640 : i32
    %mul3A_61 = arith.muli %arg1, %mul3A_60 : i32
    %add3A_62 = arith.constant 352 : i32
    %add3A_63 = arith.addi %mul3A_61, %add3A_62 : i32
    %run_scoped3A_64 = arith.constant 0 : i32
    "tpu.region"() ({
      %run_scoped3A_136 = tpu.sem_alloc : memref<!tpu.dma_semaphore, #tpu.memory_space<semaphore_mem>>
      %dma_start3A_137 = arith.constant 0 : i32
      %dma_start3A_138 = arith.constant 0 : i32
      %dma_start3A_139 = tpu.memref_slice %arg8[%run_scoped3A_64, %dma_start3A_137, %dma_start3A_138] : memref<4x32x128xf32, #tpu.memory_space<vmem>> -> memref<1x32x128xf32, #tpu.memory_space<vmem>>
      %dma_start3A_140 = tpu.memref_squeeze %dma_start3A_139 : memref<1x32x128xf32, #tpu.memory_space<vmem>> -> memref<32x128xf32, #tpu.memory_space<vmem>>
      %dma_start3A_141 = arith.constant 0 : i32
      %dma_start3A_142 = tpu.memref_slice %arg13[%add3A_63, %dma_start3A_141] : memref<10240x128xf32, #tpu.memory_space<vmem_shared>> -> memref<32x128xf32, #tpu.memory_space<vmem_shared>>
      %dma_start3A_143 = arith.constant 0 : i32
      %dma_start3A_144 = tpu.memref_slice %arg13[%add3A_63, %dma_start3A_143] : memref<10240x128xf32, #tpu.memory_space<vmem_shared>> -> memref<32x128xf32, #tpu.memory_space<vmem_shared>>
      %dma_start3A_145 = arith.constant 0 : i32
      %dma_start3A_146 = arith.constant 0 : i32
      %dma_start3A_147 = tpu.memref_slice %arg8[%run_scoped3A_64, %dma_start3A_145, %dma_start3A_146] : memref<4x32x128xf32, #tpu.memory_space<vmem>> -> memref<1x32x128xf32, #tpu.memory_space<vmem>>
      %dma_start3A_148 = tpu.memref_squeeze %dma_start3A_147 : memref<1x32x128xf32, #tpu.memory_space<vmem>> -> memref<32x128xf32, #tpu.memory_space<vmem>>
      tpu.enqueue_dma source(%dma_start3A_148 : memref<32x128xf32, #tpu.memory_space<vmem>>) target(%dma_start3A_144 : memref<32x128xf32, #tpu.memory_space<vmem_shared>>) target_semaphore(%run_scoped3A_136 : memref<!tpu.dma_semaphore, #tpu.memory_space<semaphore_mem>>)
      %dma_wait3A = arith.constant 0 : i32
      %dma_wait3A_149 = arith.constant 0 : i32
      %dma_wait3A_150 = tpu.memref_slice %arg8[%run_scoped3A_64, %dma_wait3A, %dma_wait3A_149] : memref<4x32x128xf32, #tpu.memory_space<vmem>> -> memref<1x32x128xf32, #tpu.memory_space<vmem>>
      %dma_wait3A_151 = tpu.memref_squeeze %dma_wait3A_150 : memref<1x32x128xf32, #tpu.memory_space<vmem>> -> memref<32x128xf32, #tpu.memory_space<vmem>>
      %dma_wait3A_152 = arith.constant 0 : i32
      %dma_wait3A_153 = tpu.memref_slice %arg13[%add3A_63, %dma_wait3A_152] : memref<10240x128xf32, #tpu.memory_space<vmem_shared>> -> memref<32x128xf32, #tpu.memory_space<vmem_shared>>
      %dma_wait3A_154 = arith.constant 0 : i32
      %dma_wait3A_155 = tpu.memref_slice %arg13[%add3A_63, %dma_wait3A_154] : memref<10240x128xf32, #tpu.memory_space<vmem_shared>> -> memref<32x128xf32, #tpu.memory_space<vmem_shared>>
      %dma_wait3A_156 = arith.constant 0 : i32
      %dma_wait3A_157 = arith.constant 0 : i32
      %dma_wait3A_158 = tpu.memref_slice %arg8[%run_scoped3A_64, %dma_wait3A_156, %dma_wait3A_157] : memref<4x32x128xf32, #tpu.memory_space<vmem>> -> memref<1x32x128xf32, #tpu.memory_space<vmem>>
      %dma_wait3A_159 = tpu.memref_squeeze %dma_wait3A_158 : memref<1x32x128xf32, #tpu.memory_space<vmem>> -> memref<32x128xf32, #tpu.memory_space<vmem>>
      tpu.wait_dma2 semaphore(%run_scoped3A_136 : memref<!tpu.dma_semaphore, #tpu.memory_space<semaphore_mem>>) src(%dma_wait3A_159 : memref<32x128xf32, #tpu.memory_space<vmem>>) dst(%dma_wait3A_155 : memref<32x128xf32, #tpu.memory_space<vmem_shared>>)
      tpu.yield
    }) : () -> ()
    %mul3A_65 = arith.constant 640 : i32
    %mul3A_66 = arith.muli %arg1, %mul3A_65 : i32
    %add3A_67 = arith.constant 384 : i32
    %add3A_68 = arith.addi %mul3A_66, %add3A_67 : i32
    %run_scoped3A_69 = arith.constant 0 : i32
    "tpu.region"() ({
      %run_scoped3A_136 = tpu.sem_alloc : memref<!tpu.dma_semaphore, #tpu.memory_space<semaphore_mem>>
      %dma_start3A_137 = arith.constant 0 : i32
      %dma_start3A_138 = arith.constant 0 : i32
      %dma_start3A_139 = tpu.memref_slice %arg8[%run_scoped3A_69, %dma_start3A_137, %dma_start3A_138] : memref<4x32x128xf32, #tpu.memory_space<vmem>> -> memref<1x32x128xf32, #tpu.memory_space<vmem>>
      %dma_start3A_140 = tpu.memref_squeeze %dma_start3A_139 : memref<1x32x128xf32, #tpu.memory_space<vmem>> -> memref<32x128xf32, #tpu.memory_space<vmem>>
      %dma_start3A_141 = arith.constant 0 : i32
      %dma_start3A_142 = tpu.memref_slice %arg13[%add3A_68, %dma_start3A_141] : memref<10240x128xf32, #tpu.memory_space<vmem_shared>> -> memref<32x128xf32, #tpu.memory_space<vmem_shared>>
      %dma_start3A_143 = arith.constant 0 : i32
      %dma_start3A_144 = tpu.memref_slice %arg13[%add3A_68, %dma_start3A_143] : memref<10240x128xf32, #tpu.memory_space<vmem_shared>> -> memref<32x128xf32, #tpu.memory_space<vmem_shared>>
      %dma_start3A_145 = arith.constant 0 : i32
      %dma_start3A_146 = arith.constant 0 : i32
      %dma_start3A_147 = tpu.memref_slice %arg8[%run_scoped3A_69, %dma_start3A_145, %dma_start3A_146] : memref<4x32x128xf32, #tpu.memory_space<vmem>> -> memref<1x32x128xf32, #tpu.memory_space<vmem>>
      %dma_start3A_148 = tpu.memref_squeeze %dma_start3A_147 : memref<1x32x128xf32, #tpu.memory_space<vmem>> -> memref<32x128xf32, #tpu.memory_space<vmem>>
      tpu.enqueue_dma source(%dma_start3A_148 : memref<32x128xf32, #tpu.memory_space<vmem>>) target(%dma_start3A_144 : memref<32x128xf32, #tpu.memory_space<vmem_shared>>) target_semaphore(%run_scoped3A_136 : memref<!tpu.dma_semaphore, #tpu.memory_space<semaphore_mem>>)
      %dma_wait3A = arith.constant 0 : i32
      %dma_wait3A_149 = arith.constant 0 : i32
      %dma_wait3A_150 = tpu.memref_slice %arg8[%run_scoped3A_69, %dma_wait3A, %dma_wait3A_149] : memref<4x32x128xf32, #tpu.memory_space<vmem>> -> memref<1x32x128xf32, #tpu.memory_space<vmem>>
      %dma_wait3A_151 = tpu.memref_squeeze %dma_wait3A_150 : memref<1x32x128xf32, #tpu.memory_space<vmem>> -> memref<32x128xf32, #tpu.memory_space<vmem>>
      %dma_wait3A_152 = arith.constant 0 : i32
      %dma_wait3A_153 = tpu.memref_slice %arg13[%add3A_68, %dma_wait3A_152] : memref<10240x128xf32, #tpu.memory_space<vmem_shared>> -> memref<32x128xf32, #tpu.memory_space<vmem_shared>>
      %dma_wait3A_154 = arith.constant 0 : i32
      %dma_wait3A_155 = tpu.memref_slice %arg13[%add3A_68, %dma_wait3A_154] : memref<10240x128xf32, #tpu.memory_space<vmem_shared>> -> memref<32x128xf32, #tpu.memory_space<vmem_shared>>
      %dma_wait3A_156 = arith.constant 0 : i32
      %dma_wait3A_157 = arith.constant 0 : i32
      %dma_wait3A_158 = tpu.memref_slice %arg8[%run_scoped3A_69, %dma_wait3A_156, %dma_wait3A_157] : memref<4x32x128xf32, #tpu.memory_space<vmem>> -> memref<1x32x128xf32, #tpu.memory_space<vmem>>
      %dma_wait3A_159 = tpu.memref_squeeze %dma_wait3A_158 : memref<1x32x128xf32, #tpu.memory_space<vmem>> -> memref<32x128xf32, #tpu.memory_space<vmem>>
      tpu.wait_dma2 semaphore(%run_scoped3A_136 : memref<!tpu.dma_semaphore, #tpu.memory_space<semaphore_mem>>) src(%dma_wait3A_159 : memref<32x128xf32, #tpu.memory_space<vmem>>) dst(%dma_wait3A_155 : memref<32x128xf32, #tpu.memory_space<vmem_shared>>)
      tpu.yield
    }) : () -> ()
    %mul3A_70 = arith.constant 640 : i32
    %mul3A_71 = arith.muli %arg1, %mul3A_70 : i32
    %add3A_72 = arith.constant 416 : i32
    %add3A_73 = arith.addi %mul3A_71, %add3A_72 : i32
    %run_scoped3A_74 = arith.constant 0 : i32
    "tpu.region"() ({
      %run_scoped3A_136 = tpu.sem_alloc : memref<!tpu.dma_semaphore, #tpu.memory_space<semaphore_mem>>
      %dma_start3A_137 = arith.constant 0 : i32
      %dma_start3A_138 = arith.constant 0 : i32
      %dma_start3A_139 = tpu.memref_slice %arg8[%run_scoped3A_74, %dma_start3A_137, %dma_start3A_138] : memref<4x32x128xf32, #tpu.memory_space<vmem>> -> memref<1x32x128xf32, #tpu.memory_space<vmem>>
      %dma_start3A_140 = tpu.memref_squeeze %dma_start3A_139 : memref<1x32x128xf32, #tpu.memory_space<vmem>> -> memref<32x128xf32, #tpu.memory_space<vmem>>
      %dma_start3A_141 = arith.constant 0 : i32
      %dma_start3A_142 = tpu.memref_slice %arg13[%add3A_73, %dma_start3A_141] : memref<10240x128xf32, #tpu.memory_space<vmem_shared>> -> memref<32x128xf32, #tpu.memory_space<vmem_shared>>
      %dma_start3A_143 = arith.constant 0 : i32
      %dma_start3A_144 = tpu.memref_slice %arg13[%add3A_73, %dma_start3A_143] : memref<10240x128xf32, #tpu.memory_space<vmem_shared>> -> memref<32x128xf32, #tpu.memory_space<vmem_shared>>
      %dma_start3A_145 = arith.constant 0 : i32
      %dma_start3A_146 = arith.constant 0 : i32
      %dma_start3A_147 = tpu.memref_slice %arg8[%run_scoped3A_74, %dma_start3A_145, %dma_start3A_146] : memref<4x32x128xf32, #tpu.memory_space<vmem>> -> memref<1x32x128xf32, #tpu.memory_space<vmem>>
      %dma_start3A_148 = tpu.memref_squeeze %dma_start3A_147 : memref<1x32x128xf32, #tpu.memory_space<vmem>> -> memref<32x128xf32, #tpu.memory_space<vmem>>
      tpu.enqueue_dma source(%dma_start3A_148 : memref<32x128xf32, #tpu.memory_space<vmem>>) target(%dma_start3A_144 : memref<32x128xf32, #tpu.memory_space<vmem_shared>>) target_semaphore(%run_scoped3A_136 : memref<!tpu.dma_semaphore, #tpu.memory_space<semaphore_mem>>)
      %dma_wait3A = arith.constant 0 : i32
      %dma_wait3A_149 = arith.constant 0 : i32
      %dma_wait3A_150 = tpu.memref_slice %arg8[%run_scoped3A_74, %dma_wait3A, %dma_wait3A_149] : memref<4x32x128xf32, #tpu.memory_space<vmem>> -> memref<1x32x128xf32, #tpu.memory_space<vmem>>
      %dma_wait3A_151 = tpu.memref_squeeze %dma_wait3A_150 : memref<1x32x128xf32, #tpu.memory_space<vmem>> -> memref<32x128xf32, #tpu.memory_space<vmem>>
      %dma_wait3A_152 = arith.constant 0 : i32
      %dma_wait3A_153 = tpu.memref_slice %arg13[%add3A_73, %dma_wait3A_152] : memref<10240x128xf32, #tpu.memory_space<vmem_shared>> -> memref<32x128xf32, #tpu.memory_space<vmem_shared>>
      %dma_wait3A_154 = arith.constant 0 : i32
      %dma_wait3A_155 = tpu.memref_slice %arg13[%add3A_73, %dma_wait3A_154] : memref<10240x128xf32, #tpu.memory_space<vmem_shared>> -> memref<32x128xf32, #tpu.memory_space<vmem_shared>>
      %dma_wait3A_156 = arith.constant 0 : i32
      %dma_wait3A_157 = arith.constant 0 : i32
      %dma_wait3A_158 = tpu.memref_slice %arg8[%run_scoped3A_74, %dma_wait3A_156, %dma_wait3A_157] : memref<4x32x128xf32, #tpu.memory_space<vmem>> -> memref<1x32x128xf32, #tpu.memory_space<vmem>>
      %dma_wait3A_159 = tpu.memref_squeeze %dma_wait3A_158 : memref<1x32x128xf32, #tpu.memory_space<vmem>> -> memref<32x128xf32, #tpu.memory_space<vmem>>
      tpu.wait_dma2 semaphore(%run_scoped3A_136 : memref<!tpu.dma_semaphore, #tpu.memory_space<semaphore_mem>>) src(%dma_wait3A_159 : memref<32x128xf32, #tpu.memory_space<vmem>>) dst(%dma_wait3A_155 : memref<32x128xf32, #tpu.memory_space<vmem_shared>>)
      tpu.yield
    }) : () -> ()
    %mul3A_75 = arith.constant 640 : i32
    %mul3A_76 = arith.muli %arg1, %mul3A_75 : i32
    %add3A_77 = arith.constant 448 : i32
    %add3A_78 = arith.addi %mul3A_76, %add3A_77 : i32
    %run_scoped3A_79 = arith.constant 0 : i32
    "tpu.region"() ({
      %run_scoped3A_136 = tpu.sem_alloc : memref<!tpu.dma_semaphore, #tpu.memory_space<semaphore_mem>>
      %dma_start3A_137 = arith.constant 0 : i32
      %dma_start3A_138 = arith.constant 0 : i32
      %dma_start3A_139 = tpu.memref_slice %arg8[%run_scoped3A_79, %dma_start3A_137, %dma_start3A_138] : memref<4x32x128xf32, #tpu.memory_space<vmem>> -> memref<1x32x128xf32, #tpu.memory_space<vmem>>
      %dma_start3A_140 = tpu.memref_squeeze %dma_start3A_139 : memref<1x32x128xf32, #tpu.memory_space<vmem>> -> memref<32x128xf32, #tpu.memory_space<vmem>>
      %dma_start3A_141 = arith.constant 0 : i32
      %dma_start3A_142 = tpu.memref_slice %arg13[%add3A_78, %dma_start3A_141] : memref<10240x128xf32, #tpu.memory_space<vmem_shared>> -> memref<32x128xf32, #tpu.memory_space<vmem_shared>>
      %dma_start3A_143 = arith.constant 0 : i32
      %dma_start3A_144 = tpu.memref_slice %arg13[%add3A_78, %dma_start3A_143] : memref<10240x128xf32, #tpu.memory_space<vmem_shared>> -> memref<32x128xf32, #tpu.memory_space<vmem_shared>>
      %dma_start3A_145 = arith.constant 0 : i32
      %dma_start3A_146 = arith.constant 0 : i32
      %dma_start3A_147 = tpu.memref_slice %arg8[%run_scoped3A_79, %dma_start3A_145, %dma_start3A_146] : memref<4x32x128xf32, #tpu.memory_space<vmem>> -> memref<1x32x128xf32, #tpu.memory_space<vmem>>
      %dma_start3A_148 = tpu.memref_squeeze %dma_start3A_147 : memref<1x32x128xf32, #tpu.memory_space<vmem>> -> memref<32x128xf32, #tpu.memory_space<vmem>>
      tpu.enqueue_dma source(%dma_start3A_148 : memref<32x128xf32, #tpu.memory_space<vmem>>) target(%dma_start3A_144 : memref<32x128xf32, #tpu.memory_space<vmem_shared>>) target_semaphore(%run_scoped3A_136 : memref<!tpu.dma_semaphore, #tpu.memory_space<semaphore_mem>>)
      %dma_wait3A = arith.constant 0 : i32
      %dma_wait3A_149 = arith.constant 0 : i32
      %dma_wait3A_150 = tpu.memref_slice %arg8[%run_scoped3A_79, %dma_wait3A, %dma_wait3A_149] : memref<4x32x128xf32, #tpu.memory_space<vmem>> -> memref<1x32x128xf32, #tpu.memory_space<vmem>>
      %dma_wait3A_151 = tpu.memref_squeeze %dma_wait3A_150 : memref<1x32x128xf32, #tpu.memory_space<vmem>> -> memref<32x128xf32, #tpu.memory_space<vmem>>
      %dma_wait3A_152 = arith.constant 0 : i32
      %dma_wait3A_153 = tpu.memref_slice %arg13[%add3A_78, %dma_wait3A_152] : memref<10240x128xf32, #tpu.memory_space<vmem_shared>> -> memref<32x128xf32, #tpu.memory_space<vmem_shared>>
      %dma_wait3A_154 = arith.constant 0 : i32
      %dma_wait3A_155 = tpu.memref_slice %arg13[%add3A_78, %dma_wait3A_154] : memref<10240x128xf32, #tpu.memory_space<vmem_shared>> -> memref<32x128xf32, #tpu.memory_space<vmem_shared>>
      %dma_wait3A_156 = arith.constant 0 : i32
      %dma_wait3A_157 = arith.constant 0 : i32
      %dma_wait3A_158 = tpu.memref_slice %arg8[%run_scoped3A_79, %dma_wait3A_156, %dma_wait3A_157] : memref<4x32x128xf32, #tpu.memory_space<vmem>> -> memref<1x32x128xf32, #tpu.memory_space<vmem>>
      %dma_wait3A_159 = tpu.memref_squeeze %dma_wait3A_158 : memref<1x32x128xf32, #tpu.memory_space<vmem>> -> memref<32x128xf32, #tpu.memory_space<vmem>>
      tpu.wait_dma2 semaphore(%run_scoped3A_136 : memref<!tpu.dma_semaphore, #tpu.memory_space<semaphore_mem>>) src(%dma_wait3A_159 : memref<32x128xf32, #tpu.memory_space<vmem>>) dst(%dma_wait3A_155 : memref<32x128xf32, #tpu.memory_space<vmem_shared>>)
      tpu.yield
    }) : () -> ()
    %mul3A_80 = arith.constant 640 : i32
    %mul3A_81 = arith.muli %arg1, %mul3A_80 : i32
    %add3A_82 = arith.constant 480 : i32
    %add3A_83 = arith.addi %mul3A_81, %add3A_82 : i32
    %run_scoped3A_84 = arith.constant 0 : i32
    "tpu.region"() ({
      %run_scoped3A_136 = tpu.sem_alloc : memref<!tpu.dma_semaphore, #tpu.memory_space<semaphore_mem>>
      %dma_start3A_137 = arith.constant 0 : i32
      %dma_start3A_138 = arith.constant 0 : i32
      %dma_start3A_139 = tpu.memref_slice %arg8[%run_scoped3A_84, %dma_start3A_137, %dma_start3A_138] : memref<4x32x128xf32, #tpu.memory_space<vmem>> -> memref<1x32x128xf32, #tpu.memory_space<vmem>>
      %dma_start3A_140 = tpu.memref_squeeze %dma_start3A_139 : memref<1x32x128xf32, #tpu.memory_space<vmem>> -> memref<32x128xf32, #tpu.memory_space<vmem>>
      %dma_start3A_141 = arith.constant 0 : i32
      %dma_start3A_142 = tpu.memref_slice %arg13[%add3A_83, %dma_start3A_141] : memref<10240x128xf32, #tpu.memory_space<vmem_shared>> -> memref<32x128xf32, #tpu.memory_space<vmem_shared>>
      %dma_start3A_143 = arith.constant 0 : i32
      %dma_start3A_144 = tpu.memref_slice %arg13[%add3A_83, %dma_start3A_143] : memref<10240x128xf32, #tpu.memory_space<vmem_shared>> -> memref<32x128xf32, #tpu.memory_space<vmem_shared>>
      %dma_start3A_145 = arith.constant 0 : i32
      %dma_start3A_146 = arith.constant 0 : i32
      %dma_start3A_147 = tpu.memref_slice %arg8[%run_scoped3A_84, %dma_start3A_145, %dma_start3A_146] : memref<4x32x128xf32, #tpu.memory_space<vmem>> -> memref<1x32x128xf32, #tpu.memory_space<vmem>>
      %dma_start3A_148 = tpu.memref_squeeze %dma_start3A_147 : memref<1x32x128xf32, #tpu.memory_space<vmem>> -> memref<32x128xf32, #tpu.memory_space<vmem>>
      tpu.enqueue_dma source(%dma_start3A_148 : memref<32x128xf32, #tpu.memory_space<vmem>>) target(%dma_start3A_144 : memref<32x128xf32, #tpu.memory_space<vmem_shared>>) target_semaphore(%run_scoped3A_136 : memref<!tpu.dma_semaphore, #tpu.memory_space<semaphore_mem>>)
      %dma_wait3A = arith.constant 0 : i32
      %dma_wait3A_149 = arith.constant 0 : i32
      %dma_wait3A_150 = tpu.memref_slice %arg8[%run_scoped3A_84, %dma_wait3A, %dma_wait3A_149] : memref<4x32x128xf32, #tpu.memory_space<vmem>> -> memref<1x32x128xf32, #tpu.memory_space<vmem>>
      %dma_wait3A_151 = tpu.memref_squeeze %dma_wait3A_150 : memref<1x32x128xf32, #tpu.memory_space<vmem>> -> memref<32x128xf32, #tpu.memory_space<vmem>>
      %dma_wait3A_152 = arith.constant 0 : i32
      %dma_wait3A_153 = tpu.memref_slice %arg13[%add3A_83, %dma_wait3A_152] : memref<10240x128xf32, #tpu.memory_space<vmem_shared>> -> memref<32x128xf32, #tpu.memory_space<vmem_shared>>
      %dma_wait3A_154 = arith.constant 0 : i32
      %dma_wait3A_155 = tpu.memref_slice %arg13[%add3A_83, %dma_wait3A_154] : memref<10240x128xf32, #tpu.memory_space<vmem_shared>> -> memref<32x128xf32, #tpu.memory_space<vmem_shared>>
      %dma_wait3A_156 = arith.constant 0 : i32
      %dma_wait3A_157 = arith.constant 0 : i32
      %dma_wait3A_158 = tpu.memref_slice %arg8[%run_scoped3A_84, %dma_wait3A_156, %dma_wait3A_157] : memref<4x32x128xf32, #tpu.memory_space<vmem>> -> memref<1x32x128xf32, #tpu.memory_space<vmem>>
      %dma_wait3A_159 = tpu.memref_squeeze %dma_wait3A_158 : memref<1x32x128xf32, #tpu.memory_space<vmem>> -> memref<32x128xf32, #tpu.memory_space<vmem>>
      tpu.wait_dma2 semaphore(%run_scoped3A_136 : memref<!tpu.dma_semaphore, #tpu.memory_space<semaphore_mem>>) src(%dma_wait3A_159 : memref<32x128xf32, #tpu.memory_space<vmem>>) dst(%dma_wait3A_155 : memref<32x128xf32, #tpu.memory_space<vmem_shared>>)
      tpu.yield
    }) : () -> ()
    %mul3A_85 = arith.constant 640 : i32
    %mul3A_86 = arith.muli %arg1, %mul3A_85 : i32
    %add3A_87 = arith.constant 512 : i32
    %add3A_88 = arith.addi %mul3A_86, %add3A_87 : i32
    %run_scoped3A_89 = arith.constant 0 : i32
    "tpu.region"() ({
      %run_scoped3A_136 = tpu.sem_alloc : memref<!tpu.dma_semaphore, #tpu.memory_space<semaphore_mem>>
      %dma_start3A_137 = arith.constant 0 : i32
      %dma_start3A_138 = arith.constant 0 : i32
      %dma_start3A_139 = tpu.memref_slice %arg8[%run_scoped3A_89, %dma_start3A_137, %dma_start3A_138] : memref<4x32x128xf32, #tpu.memory_space<vmem>> -> memref<1x32x128xf32, #tpu.memory_space<vmem>>
      %dma_start3A_140 = tpu.memref_squeeze %dma_start3A_139 : memref<1x32x128xf32, #tpu.memory_space<vmem>> -> memref<32x128xf32, #tpu.memory_space<vmem>>
      %dma_start3A_141 = arith.constant 0 : i32
      %dma_start3A_142 = tpu.memref_slice %arg13[%add3A_88, %dma_start3A_141] : memref<10240x128xf32, #tpu.memory_space<vmem_shared>> -> memref<32x128xf32, #tpu.memory_space<vmem_shared>>
      %dma_start3A_143 = arith.constant 0 : i32
      %dma_start3A_144 = tpu.memref_slice %arg13[%add3A_88, %dma_start3A_143] : memref<10240x128xf32, #tpu.memory_space<vmem_shared>> -> memref<32x128xf32, #tpu.memory_space<vmem_shared>>
      %dma_start3A_145 = arith.constant 0 : i32
      %dma_start3A_146 = arith.constant 0 : i32
      %dma_start3A_147 = tpu.memref_slice %arg8[%run_scoped3A_89, %dma_start3A_145, %dma_start3A_146] : memref<4x32x128xf32, #tpu.memory_space<vmem>> -> memref<1x32x128xf32, #tpu.memory_space<vmem>>
      %dma_start3A_148 = tpu.memref_squeeze %dma_start3A_147 : memref<1x32x128xf32, #tpu.memory_space<vmem>> -> memref<32x128xf32, #tpu.memory_space<vmem>>
      tpu.enqueue_dma source(%dma_start3A_148 : memref<32x128xf32, #tpu.memory_space<vmem>>) target(%dma_start3A_144 : memref<32x128xf32, #tpu.memory_space<vmem_shared>>) target_semaphore(%run_scoped3A_136 : memref<!tpu.dma_semaphore, #tpu.memory_space<semaphore_mem>>)
      %dma_wait3A = arith.constant 0 : i32
      %dma_wait3A_149 = arith.constant 0 : i32
      %dma_wait3A_150 = tpu.memref_slice %arg8[%run_scoped3A_89, %dma_wait3A, %dma_wait3A_149] : memref<4x32x128xf32, #tpu.memory_space<vmem>> -> memref<1x32x128xf32, #tpu.memory_space<vmem>>
      %dma_wait3A_151 = tpu.memref_squeeze %dma_wait3A_150 : memref<1x32x128xf32, #tpu.memory_space<vmem>> -> memref<32x128xf32, #tpu.memory_space<vmem>>
      %dma_wait3A_152 = arith.constant 0 : i32
      %dma_wait3A_153 = tpu.memref_slice %arg13[%add3A_88, %dma_wait3A_152] : memref<10240x128xf32, #tpu.memory_space<vmem_shared>> -> memref<32x128xf32, #tpu.memory_space<vmem_shared>>
      %dma_wait3A_154 = arith.constant 0 : i32
      %dma_wait3A_155 = tpu.memref_slice %arg13[%add3A_88, %dma_wait3A_154] : memref<10240x128xf32, #tpu.memory_space<vmem_shared>> -> memref<32x128xf32, #tpu.memory_space<vmem_shared>>
      %dma_wait3A_156 = arith.constant 0 : i32
      %dma_wait3A_157 = arith.constant 0 : i32
      %dma_wait3A_158 = tpu.memref_slice %arg8[%run_scoped3A_89, %dma_wait3A_156, %dma_wait3A_157] : memref<4x32x128xf32, #tpu.memory_space<vmem>> -> memref<1x32x128xf32, #tpu.memory_space<vmem>>
      %dma_wait3A_159 = tpu.memref_squeeze %dma_wait3A_158 : memref<1x32x128xf32, #tpu.memory_space<vmem>> -> memref<32x128xf32, #tpu.memory_space<vmem>>
      tpu.wait_dma2 semaphore(%run_scoped3A_136 : memref<!tpu.dma_semaphore, #tpu.memory_space<semaphore_mem>>) src(%dma_wait3A_159 : memref<32x128xf32, #tpu.memory_space<vmem>>) dst(%dma_wait3A_155 : memref<32x128xf32, #tpu.memory_space<vmem_shared>>)
      tpu.yield
    }) : () -> ()
    %mul3A_90 = arith.constant 640 : i32
    %mul3A_91 = arith.muli %arg1, %mul3A_90 : i32
    %add3A_92 = arith.constant 544 : i32
    %add3A_93 = arith.addi %mul3A_91, %add3A_92 : i32
    %run_scoped3A_94 = arith.constant 0 : i32
    "tpu.region"() ({
      %run_scoped3A_136 = tpu.sem_alloc : memref<!tpu.dma_semaphore, #tpu.memory_space<semaphore_mem>>
      %dma_start3A_137 = arith.constant 0 : i32
      %dma_start3A_138 = arith.constant 0 : i32
      %dma_start3A_139 = tpu.memref_slice %arg8[%run_scoped3A_94, %dma_start3A_137, %dma_start3A_138] : memref<4x32x128xf32, #tpu.memory_space<vmem>> -> memref<1x32x128xf32, #tpu.memory_space<vmem>>
      %dma_start3A_140 = tpu.memref_squeeze %dma_start3A_139 : memref<1x32x128xf32, #tpu.memory_space<vmem>> -> memref<32x128xf32, #tpu.memory_space<vmem>>
      %dma_start3A_141 = arith.constant 0 : i32
      %dma_start3A_142 = tpu.memref_slice %arg13[%add3A_93, %dma_start3A_141] : memref<10240x128xf32, #tpu.memory_space<vmem_shared>> -> memref<32x128xf32, #tpu.memory_space<vmem_shared>>
      %dma_start3A_143 = arith.constant 0 : i32
      %dma_start3A_144 = tpu.memref_slice %arg13[%add3A_93, %dma_start3A_143] : memref<10240x128xf32, #tpu.memory_space<vmem_shared>> -> memref<32x128xf32, #tpu.memory_space<vmem_shared>>
      %dma_start3A_145 = arith.constant 0 : i32
      %dma_start3A_146 = arith.constant 0 : i32
      %dma_start3A_147 = tpu.memref_slice %arg8[%run_scoped3A_94, %dma_start3A_145, %dma_start3A_146] : memref<4x32x128xf32, #tpu.memory_space<vmem>> -> memref<1x32x128xf32, #tpu.memory_space<vmem>>
      %dma_start3A_148 = tpu.memref_squeeze %dma_start3A_147 : memref<1x32x128xf32, #tpu.memory_space<vmem>> -> memref<32x128xf32, #tpu.memory_space<vmem>>
      tpu.enqueue_dma source(%dma_start3A_148 : memref<32x128xf32, #tpu.memory_space<vmem>>) target(%dma_start3A_144 : memref<32x128xf32, #tpu.memory_space<vmem_shared>>) target_semaphore(%run_scoped3A_136 : memref<!tpu.dma_semaphore, #tpu.memory_space<semaphore_mem>>)
      %dma_wait3A = arith.constant 0 : i32
      %dma_wait3A_149 = arith.constant 0 : i32
      %dma_wait3A_150 = tpu.memref_slice %arg8[%run_scoped3A_94, %dma_wait3A, %dma_wait3A_149] : memref<4x32x128xf32, #tpu.memory_space<vmem>> -> memref<1x32x128xf32, #tpu.memory_space<vmem>>
      %dma_wait3A_151 = tpu.memref_squeeze %dma_wait3A_150 : memref<1x32x128xf32, #tpu.memory_space<vmem>> -> memref<32x128xf32, #tpu.memory_space<vmem>>
      %dma_wait3A_152 = arith.constant 0 : i32
      %dma_wait3A_153 = tpu.memref_slice %arg13[%add3A_93, %dma_wait3A_152] : memref<10240x128xf32, #tpu.memory_space<vmem_shared>> -> memref<32x128xf32, #tpu.memory_space<vmem_shared>>
      %dma_wait3A_154 = arith.constant 0 : i32
      %dma_wait3A_155 = tpu.memref_slice %arg13[%add3A_93, %dma_wait3A_154] : memref<10240x128xf32, #tpu.memory_space<vmem_shared>> -> memref<32x128xf32, #tpu.memory_space<vmem_shared>>
      %dma_wait3A_156 = arith.constant 0 : i32
      %dma_wait3A_157 = arith.constant 0 : i32
      %dma_wait3A_158 = tpu.memref_slice %arg8[%run_scoped3A_94, %dma_wait3A_156, %dma_wait3A_157] : memref<4x32x128xf32, #tpu.memory_space<vmem>> -> memref<1x32x128xf32, #tpu.memory_space<vmem>>
      %dma_wait3A_159 = tpu.memref_squeeze %dma_wait3A_158 : memref<1x32x128xf32, #tpu.memory_space<vmem>> -> memref<32x128xf32, #tpu.memory_space<vmem>>
      tpu.wait_dma2 semaphore(%run_scoped3A_136 : memref<!tpu.dma_semaphore, #tpu.memory_space<semaphore_mem>>) src(%dma_wait3A_159 : memref<32x128xf32, #tpu.memory_space<vmem>>) dst(%dma_wait3A_155 : memref<32x128xf32, #tpu.memory_space<vmem_shared>>)
      tpu.yield
    }) : () -> ()
    %mul3A_95 = arith.constant 640 : i32
    %mul3A_96 = arith.muli %arg1, %mul3A_95 : i32
    %add3A_97 = arith.constant 576 : i32
    %add3A_98 = arith.addi %mul3A_96, %add3A_97 : i32
    %run_scoped3A_99 = arith.constant 0 : i32
    "tpu.region"() ({
      %run_scoped3A_136 = tpu.sem_alloc : memref<!tpu.dma_semaphore, #tpu.memory_space<semaphore_mem>>
      %dma_start3A_137 = arith.constant 0 : i32
      %dma_start3A_138 = arith.constant 0 : i32
      %dma_start3A_139 = tpu.memref_slice %arg8[%run_scoped3A_99, %dma_start3A_137, %dma_start3A_138] : memref<4x32x128xf32, #tpu.memory_space<vmem>> -> memref<1x32x128xf32, #tpu.memory_space<vmem>>
      %dma_start3A_140 = tpu.memref_squeeze %dma_start3A_139 : memref<1x32x128xf32, #tpu.memory_space<vmem>> -> memref<32x128xf32, #tpu.memory_space<vmem>>
      %dma_start3A_141 = arith.constant 0 : i32
      %dma_start3A_142 = tpu.memref_slice %arg13[%add3A_98, %dma_start3A_141] : memref<10240x128xf32, #tpu.memory_space<vmem_shared>> -> memref<32x128xf32, #tpu.memory_space<vmem_shared>>
      %dma_start3A_143 = arith.constant 0 : i32
      %dma_start3A_144 = tpu.memref_slice %arg13[%add3A_98, %dma_start3A_143] : memref<10240x128xf32, #tpu.memory_space<vmem_shared>> -> memref<32x128xf32, #tpu.memory_space<vmem_shared>>
      %dma_start3A_145 = arith.constant 0 : i32
      %dma_start3A_146 = arith.constant 0 : i32
      %dma_start3A_147 = tpu.memref_slice %arg8[%run_scoped3A_99, %dma_start3A_145, %dma_start3A_146] : memref<4x32x128xf32, #tpu.memory_space<vmem>> -> memref<1x32x128xf32, #tpu.memory_space<vmem>>
      %dma_start3A_148 = tpu.memref_squeeze %dma_start3A_147 : memref<1x32x128xf32, #tpu.memory_space<vmem>> -> memref<32x128xf32, #tpu.memory_space<vmem>>
      tpu.enqueue_dma source(%dma_start3A_148 : memref<32x128xf32, #tpu.memory_space<vmem>>) target(%dma_start3A_144 : memref<32x128xf32, #tpu.memory_space<vmem_shared>>) target_semaphore(%run_scoped3A_136 : memref<!tpu.dma_semaphore, #tpu.memory_space<semaphore_mem>>)
      %dma_wait3A = arith.constant 0 : i32
      %dma_wait3A_149 = arith.constant 0 : i32
      %dma_wait3A_150 = tpu.memref_slice %arg8[%run_scoped3A_99, %dma_wait3A, %dma_wait3A_149] : memref<4x32x128xf32, #tpu.memory_space<vmem>> -> memref<1x32x128xf32, #tpu.memory_space<vmem>>
      %dma_wait3A_151 = tpu.memref_squeeze %dma_wait3A_150 : memref<1x32x128xf32, #tpu.memory_space<vmem>> -> memref<32x128xf32, #tpu.memory_space<vmem>>
      %dma_wait3A_152 = arith.constant 0 : i32
      %dma_wait3A_153 = tpu.memref_slice %arg13[%add3A_98, %dma_wait3A_152] : memref<10240x128xf32, #tpu.memory_space<vmem_shared>> -> memref<32x128xf32, #tpu.memory_space<vmem_shared>>
      %dma_wait3A_154 = arith.constant 0 : i32
      %dma_wait3A_155 = tpu.memref_slice %arg13[%add3A_98, %dma_wait3A_154] : memref<10240x128xf32, #tpu.memory_space<vmem_shared>> -> memref<32x128xf32, #tpu.memory_space<vmem_shared>>
      %dma_wait3A_156 = arith.constant 0 : i32
      %dma_wait3A_157 = arith.constant 0 : i32
      %dma_wait3A_158 = tpu.memref_slice %arg8[%run_scoped3A_99, %dma_wait3A_156, %dma_wait3A_157] : memref<4x32x128xf32, #tpu.memory_space<vmem>> -> memref<1x32x128xf32, #tpu.memory_space<vmem>>
      %dma_wait3A_159 = tpu.memref_squeeze %dma_wait3A_158 : memref<1x32x128xf32, #tpu.memory_space<vmem>> -> memref<32x128xf32, #tpu.memory_space<vmem>>
      tpu.wait_dma2 semaphore(%run_scoped3A_136 : memref<!tpu.dma_semaphore, #tpu.memory_space<semaphore_mem>>) src(%dma_wait3A_159 : memref<32x128xf32, #tpu.memory_space<vmem>>) dst(%dma_wait3A_155 : memref<32x128xf32, #tpu.memory_space<vmem_shared>>)
      tpu.yield
    }) : () -> ()
    %mul3A_100 = arith.constant 640 : i32
    %mul3A_101 = arith.muli %arg1, %mul3A_100 : i32
    %add3A_102 = arith.constant 608 : i32
    %add3A_103 = arith.addi %mul3A_101, %add3A_102 : i32
    %run_scoped3A_104 = arith.constant 0 : i32
    "tpu.region"() ({
      %run_scoped3A_136 = tpu.sem_alloc : memref<!tpu.dma_semaphore, #tpu.memory_space<semaphore_mem>>
      %dma_start3A_137 = arith.constant 0 : i32
      %dma_start3A_138 = arith.constant 0 : i32
      %dma_start3A_139 = tpu.memref_slice %arg8[%run_scoped3A_104, %dma_start3A_137, %dma_start3A_138] : memref<4x32x128xf32, #tpu.memory_space<vmem>> -> memref<1x32x128xf32, #tpu.memory_space<vmem>>
      %dma_start3A_140 = tpu.memref_squeeze %dma_start3A_139 : memref<1x32x128xf32, #tpu.memory_space<vmem>> -> memref<32x128xf32, #tpu.memory_space<vmem>>
      %dma_start3A_141 = arith.constant 0 : i32
      %dma_start3A_142 = tpu.memref_slice %arg13[%add3A_103, %dma_start3A_141] : memref<10240x128xf32, #tpu.memory_space<vmem_shared>> -> memref<32x128xf32, #tpu.memory_space<vmem_shared>>
      %dma_start3A_143 = arith.constant 0 : i32
      %dma_start3A_144 = tpu.memref_slice %arg13[%add3A_103, %dma_start3A_143] : memref<10240x128xf32, #tpu.memory_space<vmem_shared>> -> memref<32x128xf32, #tpu.memory_space<vmem_shared>>
      %dma_start3A_145 = arith.constant 0 : i32
      %dma_start3A_146 = arith.constant 0 : i32
      %dma_start3A_147 = tpu.memref_slice %arg8[%run_scoped3A_104, %dma_start3A_145, %dma_start3A_146] : memref<4x32x128xf32, #tpu.memory_space<vmem>> -> memref<1x32x128xf32, #tpu.memory_space<vmem>>
      %dma_start3A_148 = tpu.memref_squeeze %dma_start3A_147 : memref<1x32x128xf32, #tpu.memory_space<vmem>> -> memref<32x128xf32, #tpu.memory_space<vmem>>
      tpu.enqueue_dma source(%dma_start3A_148 : memref<32x128xf32, #tpu.memory_space<vmem>>) target(%dma_start3A_144 : memref<32x128xf32, #tpu.memory_space<vmem_shared>>) target_semaphore(%run_scoped3A_136 : memref<!tpu.dma_semaphore, #tpu.memory_space<semaphore_mem>>)
      %dma_wait3A = arith.constant 0 : i32
      %dma_wait3A_149 = arith.constant 0 : i32
      %dma_wait3A_150 = tpu.memref_slice %arg8[%run_scoped3A_104, %dma_wait3A, %dma_wait3A_149] : memref<4x32x128xf32, #tpu.memory_space<vmem>> -> memref<1x32x128xf32, #tpu.memory_space<vmem>>
      %dma_wait3A_151 = tpu.memref_squeeze %dma_wait3A_150 : memref<1x32x128xf32, #tpu.memory_space<vmem>> -> memref<32x128xf32, #tpu.memory_space<vmem>>
      %dma_wait3A_152 = arith.constant 0 : i32
      %dma_wait3A_153 = tpu.memref_slice %arg13[%add3A_103, %dma_wait3A_152] : memref<10240x128xf32, #tpu.memory_space<vmem_shared>> -> memref<32x128xf32, #tpu.memory_space<vmem_shared>>
      %dma_wait3A_154 = arith.constant 0 : i32
      %dma_wait3A_155 = tpu.memref_slice %arg13[%add3A_103, %dma_wait3A_154] : memref<10240x128xf32, #tpu.memory_space<vmem_shared>> -> memref<32x128xf32, #tpu.memory_space<vmem_shared>>
      %dma_wait3A_156 = arith.constant 0 : i32
      %dma_wait3A_157 = arith.constant 0 : i32
      %dma_wait3A_158 = tpu.memref_slice %arg8[%run_scoped3A_104, %dma_wait3A_156, %dma_wait3A_157] : memref<4x32x128xf32, #tpu.memory_space<vmem>> -> memref<1x32x128xf32, #tpu.memory_space<vmem>>
      %dma_wait3A_159 = tpu.memref_squeeze %dma_wait3A_158 : memref<1x32x128xf32, #tpu.memory_space<vmem>> -> memref<32x128xf32, #tpu.memory_space<vmem>>
      tpu.wait_dma2 semaphore(%run_scoped3A_136 : memref<!tpu.dma_semaphore, #tpu.memory_space<semaphore_mem>>) src(%dma_wait3A_159 : memref<32x128xf32, #tpu.memory_space<vmem>>) dst(%dma_wait3A_155 : memref<32x128xf32, #tpu.memory_space<vmem_shared>>)
      tpu.yield
    }) : () -> ()
    %barrier3A = arith.constant 0 : index
    tpu.barrier barrier_id(%barrier3A)
    %broadcast_in_dim3A = arith.constant 1.000000e+00 : f32
    %broadcast_in_dim3A_105 = vector.broadcast %broadcast_in_dim3A : f32 to vector<16xf32>
    %dma_start3A = arith.constant 0 : i32
    %dma_start3A_106 = arith.constant 0 : i32
    %dma_start3A_107 = arith.constant 0 : i32
    %dma_start3A_108 = tpu.memref_slice %arg8[%dma_start3A, %dma_start3A_106, %dma_start3A_107] : memref<4x32x128xf32, #tpu.memory_space<vmem>> -> memref<1x32x128xf32, #tpu.memory_space<vmem>>
    %dma_start3A_109 = tpu.memref_squeeze %dma_start3A_108 : memref<1x32x128xf32, #tpu.memory_space<vmem>> -> memref<32x128xf32, #tpu.memory_space<vmem>>
    %dma_start3A_110 = arith.constant 0 : i32
    %dma_start3A_111 = tpu.memref_slice %arg6[%dma_start3A_110] : memref<10240xi32, #tpu.memory_space<vmem>> -> memref<32xi32, #tpu.memory_space<vmem>>
    %dma_start3A_112 = arith.constant 0 : i32
    %dma_start3A_113 = arith.constant 0 : i32
    %dma_start3A_114 = tpu.memref_slice %arg2[%dma_start3A_112, %dma_start3A_113] : memref<10240x128xf32, #tpu.memory_space<hbm>> -> memref<10240x128xf32, #tpu.memory_space<hbm>>
    tpu.enqueue_indirect_dma source(%dma_start3A_114 : memref<10240x128xf32, #tpu.memory_space<hbm>>) target(%dma_start3A_109 : memref<32x128xf32, #tpu.memory_space<vmem>>) offsets(%dma_start3A_111 : memref<32xi32, #tpu.memory_space<vmem>>) semaphore(%arg9 : memref<!tpu.dma_semaphore, #tpu.memory_space<semaphore_mem>>)
    %dma_start3A_115 = arith.constant 1 : i32
    %dma_start3A_116 = arith.constant 0 : i32
    %dma_start3A_117 = arith.constant 0 : i32
    %dma_start3A_118 = tpu.memref_slice %arg8[%dma_start3A_115, %dma_start3A_116, %dma_start3A_117] : memref<4x32x128xf32, #tpu.memory_space<vmem>> -> memref<1x32x128xf32, #tpu.memory_space<vmem>>
    %dma_start3A_119 = tpu.memref_squeeze %dma_start3A_118 : memref<1x32x128xf32, #tpu.memory_space<vmem>> -> memref<32x128xf32, #tpu.memory_space<vmem>>
    %dma_start3A_120 = arith.constant 32 : i32
    %dma_start3A_121 = tpu.memref_slice %arg6[%dma_start3A_120] : memref<10240xi32, #tpu.memory_space<vmem>> -> memref<32xi32, #tpu.memory_space<vmem>>
    %dma_start3A_122 = arith.constant 0 : i32
    %dma_start3A_123 = arith.constant 0 : i32
    %dma_start3A_124 = tpu.memref_slice %arg2[%dma_start3A_122, %dma_start3A_123] : memref<10240x128xf32, #tpu.memory_space<hbm>> -> memref<10240x128xf32, #tpu.memory_space<hbm>>
    tpu.enqueue_indirect_dma source(%dma_start3A_124 : memref<10240x128xf32, #tpu.memory_space<hbm>>) target(%dma_start3A_119 : memref<32x128xf32, #tpu.memory_space<vmem>>) offsets(%dma_start3A_121 : memref<32xi32, #tpu.memory_space<vmem>>) semaphore(%arg10 : memref<!tpu.dma_semaphore, #tpu.memory_space<semaphore_mem>>)
    %scan3A_125 = arith.constant 0 : i32
    %scan3A_126 = arith.constant 0 : i32
    %scan3A_127 = arith.constant 80 : i32
    %scan3A_128 = arith.addi %scan3A_126, %scan3A_127 : i32
    %scan3A_129 = arith.constant 1 : i32
    scf.for %scan3A_136 = %scan3A_126 to %scan3A_128 step %scan3A_129  : i32 {
      %mul3A_137 = arith.constant 4 : i32
      %mul3A_138 = arith.muli %scan3A_136, %mul3A_137 : i32
      %add3A_139 = arith.constant 0 : i32
      %add3A_140 = arith.addi %mul3A_138, %add3A_139 : i32
      %add3A_141 = arith.constant 2 : i32
      %add3A_142 = arith.addi %add3A_140, %add3A_141 : i32
      %lt3A = arith.constant 320 : i32
      %lt3A_143 = arith.cmpi slt, %add3A_142, %lt3A : i32
      %convert_element_type3A = arith.extui %lt3A_143 : i1 to i32
      %cond3A = arith.constant 0 : i32
      %cond3A_144 = arith.cmpi ne, %convert_element_type3A, %cond3A : i32
      scf.if %cond3A_144 {
        %mul3A_233 = arith.constant 32 : i32
        %mul3A_234 = arith.muli %add3A_142, %mul3A_233 : i32
        %dma_start3A_235 = arith.constant 2 : i32
        %dma_start3A_236 = arith.constant 0 : i32
        %dma_start3A_237 = arith.constant 0 : i32
        %dma_start3A_238 = tpu.memref_slice %arg8[%dma_start3A_235, %dma_start3A_236, %dma_start3A_237] : memref<4x32x128xf32, #tpu.memory_space<vmem>> -> memref<1x32x128xf32, #tpu.memory_space<vmem>>
        %dma_start3A_239 = tpu.memref_squeeze %dma_start3A_238 : memref<1x32x128xf32, #tpu.memory_space<vmem>> -> memref<32x128xf32, #tpu.memory_space<vmem>>
        %dma_start3A_240 = tpu.memref_slice %arg6[%mul3A_234] : memref<10240xi32, #tpu.memory_space<vmem>> -> memref<32xi32, #tpu.memory_space<vmem>>
        %dma_start3A_241 = arith.constant 0 : i32
        %dma_start3A_242 = arith.constant 0 : i32
        %dma_start3A_243 = tpu.memref_slice %arg2[%dma_start3A_241, %dma_start3A_242] : memref<10240x128xf32, #tpu.memory_space<hbm>> -> memref<10240x128xf32, #tpu.memory_space<hbm>>
        tpu.enqueue_indirect_dma source(%dma_start3A_243 : memref<10240x128xf32, #tpu.memory_space<hbm>>) target(%dma_start3A_239 : memref<32x128xf32, #tpu.memory_space<vmem>>) offsets(%dma_start3A_240 : memref<32xi32, #tpu.memory_space<vmem>>) semaphore(%arg11 : memref<!tpu.dma_semaphore, #tpu.memory_space<semaphore_mem>>)
      } else {
      }
      %mul3A_145 = arith.constant 32 : i32
      %mul3A_146 = arith.muli %add3A_140, %mul3A_145 : i32
      %dma_wait3A = arith.constant 0 : i32
      %dma_wait3A_147 = arith.constant 0 : i32
      %dma_wait3A_148 = arith.constant 0 : i32
      %dma_wait3A_149 = tpu.memref_slice %arg8[%dma_wait3A, %dma_wait3A_147, %dma_wait3A_148] : memref<4x32x128xf32, #tpu.memory_space<vmem>> -> memref<1x32x128xf32, #tpu.memory_space<vmem>>
      %dma_wait3A_150 = tpu.memref_squeeze %dma_wait3A_149 : memref<1x32x128xf32, #tpu.memory_space<vmem>> -> memref<32x128xf32, #tpu.memory_space<vmem>>
      %dma_wait3A_151 = tpu.memref_slice %arg6[%mul3A_146] : memref<10240xi32, #tpu.memory_space<vmem>> -> memref<32xi32, #tpu.memory_space<vmem>>
      %dma_wait3A_152 = arith.constant 0 : i32
      %dma_wait3A_153 = arith.constant 0 : i32
      %dma_wait3A_154 = tpu.memref_slice %arg2[%dma_wait3A_152, %dma_wait3A_153] : memref<10240x128xf32, #tpu.memory_space<hbm>> -> memref<10240x128xf32, #tpu.memory_space<hbm>>
      tpu.wait_indirect_dma semaphore(%arg9 : memref<!tpu.dma_semaphore, #tpu.memory_space<semaphore_mem>>) src(%dma_wait3A_154 : memref<10240x128xf32, #tpu.memory_space<hbm>>) dst(%dma_wait3A_150 : memref<32x128xf32, #tpu.memory_space<vmem>>)
      %mul3A_155 = arith.constant 32 : i32
      %mul3A_156 = arith.muli %add3A_140, %mul3A_155 : i32
      %run_scoped3A_157 = arith.constant 0 : i32
      "tpu.region"() ({
        %run_scoped3A_233 = tpu.sem_alloc : memref<!tpu.dma_semaphore, #tpu.memory_space<semaphore_mem>>
        %dma_start3A_234 = arith.constant 0 : i32
        %dma_start3A_235 = arith.constant 0 : i32
        %dma_start3A_236 = tpu.memref_slice %arg8[%run_scoped3A_157, %dma_start3A_234, %dma_start3A_235] : memref<4x32x128xf32, #tpu.memory_space<vmem>> -> memref<1x32x128xf32, #tpu.memory_space<vmem>>
        %dma_start3A_237 = tpu.memref_squeeze %dma_start3A_236 : memref<1x32x128xf32, #tpu.memory_space<vmem>> -> memref<32x128xf32, #tpu.memory_space<vmem>>
        %dma_start3A_238 = tpu.memref_slice %arg7[%mul3A_156] : memref<10240xi32, #tpu.memory_space<vmem>> -> memref<32xi32, #tpu.memory_space<vmem>>
        %dma_start3A_239 = arith.constant 0 : i32
        %dma_start3A_240 = arith.constant 0 : i32
        %dma_start3A_241 = tpu.memref_slice %arg13[%dma_start3A_239, %dma_start3A_240] : memref<10240x128xf32, #tpu.memory_space<vmem_shared>> -> memref<10240x128xf32, #tpu.memory_space<vmem_shared>>
        tpu.enqueue_indirect_dma source(%dma_start3A_237 : memref<32x128xf32, #tpu.memory_space<vmem>>) target(%dma_start3A_241 : memref<10240x128xf32, #tpu.memory_space<vmem_shared>>) offsets(%dma_start3A_238 : memref<32xi32, #tpu.memory_space<vmem>>) semaphore(%run_scoped3A_233 : memref<!tpu.dma_semaphore, #tpu.memory_space<semaphore_mem>>) {add = true}
        %dma_wait3A_242 = arith.constant 0 : i32
        %dma_wait3A_243 = arith.constant 0 : i32
        %dma_wait3A_244 = tpu.memref_slice %arg8[%run_scoped3A_157, %dma_wait3A_242, %dma_wait3A_243] : memref<4x32x128xf32, #tpu.memory_space<vmem>> -> memref<1x32x128xf32, #tpu.memory_space<vmem>>
        %dma_wait3A_245 = tpu.memref_squeeze %dma_wait3A_244 : memref<1x32x128xf32, #tpu.memory_space<vmem>> -> memref<32x128xf32, #tpu.memory_space<vmem>>
        %dma_wait3A_246 = tpu.memref_slice %arg7[%mul3A_156] : memref<10240xi32, #tpu.memory_space<vmem>> -> memref<32xi32, #tpu.memory_space<vmem>>
        %dma_wait3A_247 = arith.constant 0 : i32
        %dma_wait3A_248 = arith.constant 0 : i32
        %dma_wait3A_249 = tpu.memref_slice %arg13[%dma_wait3A_247, %dma_wait3A_248] : memref<10240x128xf32, #tpu.memory_space<vmem_shared>> -> memref<10240x128xf32, #tpu.memory_space<vmem_shared>>
        tpu.wait_indirect_dma semaphore(%run_scoped3A_233 : memref<!tpu.dma_semaphore, #tpu.memory_space<semaphore_mem>>) src(%dma_wait3A_245 : memref<32x128xf32, #tpu.memory_space<vmem>>) dst(%dma_wait3A_249 : memref<10240x128xf32, #tpu.memory_space<vmem_shared>>)
        tpu.yield
      }) : () -> ()
      %mul3A_158 = arith.constant 4 : i32
      %mul3A_159 = arith.muli %scan3A_136, %mul3A_158 : i32
      %add3A_160 = arith.constant 1 : i32
      %add3A_161 = arith.addi %mul3A_159, %add3A_160 : i32
      %add3A_162 = arith.constant 2 : i32
      %add3A_163 = arith.addi %add3A_161, %add3A_162 : i32
      %lt3A_164 = arith.constant 320 : i32
      %lt3A_165 = arith.cmpi slt, %add3A_163, %lt3A_164 : i32
      %convert_element_type3A_166 = arith.extui %lt3A_165 : i1 to i32
      %cond3A_167 = arith.constant 0 : i32
      %cond3A_168 = arith.cmpi ne, %convert_element_type3A_166, %cond3A_167 : i32
      scf.if %cond3A_168 {
        %mul3A_233 = arith.constant 32 : i32
        %mul3A_234 = arith.muli %add3A_163, %mul3A_233 : i32
        %dma_start3A_235 = arith.constant 3 : i32
        %dma_start3A_236 = arith.constant 0 : i32
        %dma_start3A_237 = arith.constant 0 : i32
        %dma_start3A_238 = tpu.memref_slice %arg8[%dma_start3A_235, %dma_start3A_236, %dma_start3A_237] : memref<4x32x128xf32, #tpu.memory_space<vmem>> -> memref<1x32x128xf32, #tpu.memory_space<vmem>>
        %dma_start3A_239 = tpu.memref_squeeze %dma_start3A_238 : memref<1x32x128xf32, #tpu.memory_space<vmem>> -> memref<32x128xf32, #tpu.memory_space<vmem>>
        %dma_start3A_240 = tpu.memref_slice %arg6[%mul3A_234] : memref<10240xi32, #tpu.memory_space<vmem>> -> memref<32xi32, #tpu.memory_space<vmem>>
        %dma_start3A_241 = arith.constant 0 : i32
        %dma_start3A_242 = arith.constant 0 : i32
        %dma_start3A_243 = tpu.memref_slice %arg2[%dma_start3A_241, %dma_start3A_242] : memref<10240x128xf32, #tpu.memory_space<hbm>> -> memref<10240x128xf32, #tpu.memory_space<hbm>>
        tpu.enqueue_indirect_dma source(%dma_start3A_243 : memref<10240x128xf32, #tpu.memory_space<hbm>>) target(%dma_start3A_239 : memref<32x128xf32, #tpu.memory_space<vmem>>) offsets(%dma_start3A_240 : memref<32xi32, #tpu.memory_space<vmem>>) semaphore(%arg12 : memref<!tpu.dma_semaphore, #tpu.memory_space<semaphore_mem>>)
      } else {
      }
      %mul3A_169 = arith.constant 32 : i32
      %mul3A_170 = arith.muli %add3A_161, %mul3A_169 : i32
      %dma_wait3A_171 = arith.constant 1 : i32
      %dma_wait3A_172 = arith.constant 0 : i32
      %dma_wait3A_173 = arith.constant 0 : i32
      %dma_wait3A_174 = tpu.memref_slice %arg8[%dma_wait3A_171, %dma_wait3A_172, %dma_wait3A_173] : memref<4x32x128xf32, #tpu.memory_space<vmem>> -> memref<1x32x128xf32, #tpu.memory_space<vmem>>
      %dma_wait3A_175 = tpu.memref_squeeze %dma_wait3A_174 : memref<1x32x128xf32, #tpu.memory_space<vmem>> -> memref<32x128xf32, #tpu.memory_space<vmem>>
      %dma_wait3A_176 = tpu.memref_slice %arg6[%mul3A_170] : memref<10240xi32, #tpu.memory_space<vmem>> -> memref<32xi32, #tpu.memory_space<vmem>>
      %dma_wait3A_177 = arith.constant 0 : i32
      %dma_wait3A_178 = arith.constant 0 : i32
      %dma_wait3A_179 = tpu.memref_slice %arg2[%dma_wait3A_177, %dma_wait3A_178] : memref<10240x128xf32, #tpu.memory_space<hbm>> -> memref<10240x128xf32, #tpu.memory_space<hbm>>
      tpu.wait_indirect_dma semaphore(%arg10 : memref<!tpu.dma_semaphore, #tpu.memory_space<semaphore_mem>>) src(%dma_wait3A_179 : memref<10240x128xf32, #tpu.memory_space<hbm>>) dst(%dma_wait3A_175 : memref<32x128xf32, #tpu.memory_space<vmem>>)
      %mul3A_180 = arith.constant 32 : i32
      %mul3A_181 = arith.muli %add3A_161, %mul3A_180 : i32
      %run_scoped3A_182 = arith.constant 1 : i32
      "tpu.region"() ({
        %run_scoped3A_233 = tpu.sem_alloc : memref<!tpu.dma_semaphore, #tpu.memory_space<semaphore_mem>>
        %dma_start3A_234 = arith.constant 0 : i32
        %dma_start3A_235 = arith.constant 0 : i32
        %dma_start3A_236 = tpu.memref_slice %arg8[%run_scoped3A_182, %dma_start3A_234, %dma_start3A_235] : memref<4x32x128xf32, #tpu.memory_space<vmem>> -> memref<1x32x128xf32, #tpu.memory_space<vmem>>
        %dma_start3A_237 = tpu.memref_squeeze %dma_start3A_236 : memref<1x32x128xf32, #tpu.memory_space<vmem>> -> memref<32x128xf32, #tpu.memory_space<vmem>>
        %dma_start3A_238 = tpu.memref_slice %arg7[%mul3A_181] : memref<10240xi32, #tpu.memory_space<vmem>> -> memref<32xi32, #tpu.memory_space<vmem>>
        %dma_start3A_239 = arith.constant 0 : i32
        %dma_start3A_240 = arith.constant 0 : i32
        %dma_start3A_241 = tpu.memref_slice %arg13[%dma_start3A_239, %dma_start3A_240] : memref<10240x128xf32, #tpu.memory_space<vmem_shared>> -> memref<10240x128xf32, #tpu.memory_space<vmem_shared>>
        tpu.enqueue_indirect_dma source(%dma_start3A_237 : memref<32x128xf32, #tpu.memory_space<vmem>>) target(%dma_start3A_241 : memref<10240x128xf32, #tpu.memory_space<vmem_shared>>) offsets(%dma_start3A_238 : memref<32xi32, #tpu.memory_space<vmem>>) semaphore(%run_scoped3A_233 : memref<!tpu.dma_semaphore, #tpu.memory_space<semaphore_mem>>) {add = true}
        %dma_wait3A_242 = arith.constant 0 : i32
        %dma_wait3A_243 = arith.constant 0 : i32
        %dma_wait3A_244 = tpu.memref_slice %arg8[%run_scoped3A_182, %dma_wait3A_242, %dma_wait3A_243] : memref<4x32x128xf32, #tpu.memory_space<vmem>> -> memref<1x32x128xf32, #tpu.memory_space<vmem>>
        %dma_wait3A_245 = tpu.memref_squeeze %dma_wait3A_244 : memref<1x32x128xf32, #tpu.memory_space<vmem>> -> memref<32x128xf32, #tpu.memory_space<vmem>>
        %dma_wait3A_246 = tpu.memref_slice %arg7[%mul3A_181] : memref<10240xi32, #tpu.memory_space<vmem>> -> memref<32xi32, #tpu.memory_space<vmem>>
        %dma_wait3A_247 = arith.constant 0 : i32
        %dma_wait3A_248 = arith.constant 0 : i32
        %dma_wait3A_249 = tpu.memref_slice %arg13[%dma_wait3A_247, %dma_wait3A_248] : memref<10240x128xf32, #tpu.memory_space<vmem_shared>> -> memref<10240x128xf32, #tpu.memory_space<vmem_shared>>
        tpu.wait_indirect_dma semaphore(%run_scoped3A_233 : memref<!tpu.dma_semaphore, #tpu.memory_space<semaphore_mem>>) src(%dma_wait3A_245 : memref<32x128xf32, #tpu.memory_space<vmem>>) dst(%dma_wait3A_249 : memref<10240x128xf32, #tpu.memory_space<vmem_shared>>)
        tpu.yield
      }) : () -> ()
      %mul3A_183 = arith.constant 4 : i32
      %mul3A_184 = arith.muli %scan3A_136, %mul3A_183 : i32
      %add3A_185 = arith.constant 2 : i32
      %add3A_186 = arith.addi %mul3A_184, %add3A_185 : i32
      %add3A_187 = arith.constant 2 : i32
      %add3A_188 = arith.addi %add3A_186, %add3A_187 : i32
      %lt3A_189 = arith.constant 320 : i32
      %lt3A_190 = arith.cmpi slt, %add3A_188, %lt3A_189 : i32
      %convert_element_type3A_191 = arith.extui %lt3A_190 : i1 to i32
      %cond3A_192 = arith.constant 0 : i32
      %cond3A_193 = arith.cmpi ne, %convert_element_type3A_191, %cond3A_192 : i32
      scf.if %cond3A_193 {
        %mul3A_233 = arith.constant 32 : i32
        %mul3A_234 = arith.muli %add3A_188, %mul3A_233 : i32
        %dma_start3A_235 = arith.constant 0 : i32
        %dma_start3A_236 = arith.constant 0 : i32
        %dma_start3A_237 = arith.constant 0 : i32
        %dma_start3A_238 = tpu.memref_slice %arg8[%dma_start3A_235, %dma_start3A_236, %dma_start3A_237] : memref<4x32x128xf32, #tpu.memory_space<vmem>> -> memref<1x32x128xf32, #tpu.memory_space<vmem>>
        %dma_start3A_239 = tpu.memref_squeeze %dma_start3A_238 : memref<1x32x128xf32, #tpu.memory_space<vmem>> -> memref<32x128xf32, #tpu.memory_space<vmem>>
        %dma_start3A_240 = tpu.memref_slice %arg6[%mul3A_234] : memref<10240xi32, #tpu.memory_space<vmem>> -> memref<32xi32, #tpu.memory_space<vmem>>
        %dma_start3A_241 = arith.constant 0 : i32
        %dma_start3A_242 = arith.constant 0 : i32
        %dma_start3A_243 = tpu.memref_slice %arg2[%dma_start3A_241, %dma_start3A_242] : memref<10240x128xf32, #tpu.memory_space<hbm>> -> memref<10240x128xf32, #tpu.memory_space<hbm>>
        tpu.enqueue_indirect_dma source(%dma_start3A_243 : memref<10240x128xf32, #tpu.memory_space<hbm>>) target(%dma_start3A_239 : memref<32x128xf32, #tpu.memory_space<vmem>>) offsets(%dma_start3A_240 : memref<32xi32, #tpu.memory_space<vmem>>) semaphore(%arg9 : memref<!tpu.dma_semaphore, #tpu.memory_space<semaphore_mem>>)
      } else {
      }
      %mul3A_194 = arith.constant 32 : i32
      %mul3A_195 = arith.muli %add3A_186, %mul3A_194 : i32
      %dma_wait3A_196 = arith.constant 2 : i32
      %dma_wait3A_197 = arith.constant 0 : i32
      %dma_wait3A_198 = arith.constant 0 : i32
      %dma_wait3A_199 = tpu.memref_slice %arg8[%dma_wait3A_196, %dma_wait3A_197, %dma_wait3A_198] : memref<4x32x128xf32, #tpu.memory_space<vmem>> -> memref<1x32x128xf32, #tpu.memory_space<vmem>>
      %dma_wait3A_200 = tpu.memref_squeeze %dma_wait3A_199 : memref<1x32x128xf32, #tpu.memory_space<vmem>> -> memref<32x128xf32, #tpu.memory_space<vmem>>
      %dma_wait3A_201 = tpu.memref_slice %arg6[%mul3A_195] : memref<10240xi32, #tpu.memory_space<vmem>> -> memref<32xi32, #tpu.memory_space<vmem>>
      %dma_wait3A_202 = arith.constant 0 : i32
      %dma_wait3A_203 = arith.constant 0 : i32
      %dma_wait3A_204 = tpu.memref_slice %arg2[%dma_wait3A_202, %dma_wait3A_203] : memref<10240x128xf32, #tpu.memory_space<hbm>> -> memref<10240x128xf32, #tpu.memory_space<hbm>>
      tpu.wait_indirect_dma semaphore(%arg11 : memref<!tpu.dma_semaphore, #tpu.memory_space<semaphore_mem>>) src(%dma_wait3A_204 : memref<10240x128xf32, #tpu.memory_space<hbm>>) dst(%dma_wait3A_200 : memref<32x128xf32, #tpu.memory_space<vmem>>)
      %mul3A_205 = arith.constant 32 : i32
      %mul3A_206 = arith.muli %add3A_186, %mul3A_205 : i32
      %run_scoped3A_207 = arith.constant 2 : i32
      "tpu.region"() ({
        %run_scoped3A_233 = tpu.sem_alloc : memref<!tpu.dma_semaphore, #tpu.memory_space<semaphore_mem>>
        %dma_start3A_234 = arith.constant 0 : i32
        %dma_start3A_235 = arith.constant 0 : i32
        %dma_start3A_236 = tpu.memref_slice %arg8[%run_scoped3A_207, %dma_start3A_234, %dma_start3A_235] : memref<4x32x128xf32, #tpu.memory_space<vmem>> -> memref<1x32x128xf32, #tpu.memory_space<vmem>>
        %dma_start3A_237 = tpu.memref_squeeze %dma_start3A_236 : memref<1x32x128xf32, #tpu.memory_space<vmem>> -> memref<32x128xf32, #tpu.memory_space<vmem>>
        %dma_start3A_238 = tpu.memref_slice %arg7[%mul3A_206] : memref<10240xi32, #tpu.memory_space<vmem>> -> memref<32xi32, #tpu.memory_space<vmem>>
        %dma_start3A_239 = arith.constant 0 : i32
        %dma_start3A_240 = arith.constant 0 : i32
        %dma_start3A_241 = tpu.memref_slice %arg13[%dma_start3A_239, %dma_start3A_240] : memref<10240x128xf32, #tpu.memory_space<vmem_shared>> -> memref<10240x128xf32, #tpu.memory_space<vmem_shared>>
        tpu.enqueue_indirect_dma source(%dma_start3A_237 : memref<32x128xf32, #tpu.memory_space<vmem>>) target(%dma_start3A_241 : memref<10240x128xf32, #tpu.memory_space<vmem_shared>>) offsets(%dma_start3A_238 : memref<32xi32, #tpu.memory_space<vmem>>) semaphore(%run_scoped3A_233 : memref<!tpu.dma_semaphore, #tpu.memory_space<semaphore_mem>>) {add = true}
        %dma_wait3A_242 = arith.constant 0 : i32
        %dma_wait3A_243 = arith.constant 0 : i32
        %dma_wait3A_244 = tpu.memref_slice %arg8[%run_scoped3A_207, %dma_wait3A_242, %dma_wait3A_243] : memref<4x32x128xf32, #tpu.memory_space<vmem>> -> memref<1x32x128xf32, #tpu.memory_space<vmem>>
        %dma_wait3A_245 = tpu.memref_squeeze %dma_wait3A_244 : memref<1x32x128xf32, #tpu.memory_space<vmem>> -> memref<32x128xf32, #tpu.memory_space<vmem>>
        %dma_wait3A_246 = tpu.memref_slice %arg7[%mul3A_206] : memref<10240xi32, #tpu.memory_space<vmem>> -> memref<32xi32, #tpu.memory_space<vmem>>
        %dma_wait3A_247 = arith.constant 0 : i32
        %dma_wait3A_248 = arith.constant 0 : i32
        %dma_wait3A_249 = tpu.memref_slice %arg13[%dma_wait3A_247, %dma_wait3A_248] : memref<10240x128xf32, #tpu.memory_space<vmem_shared>> -> memref<10240x128xf32, #tpu.memory_space<vmem_shared>>
        tpu.wait_indirect_dma semaphore(%run_scoped3A_233 : memref<!tpu.dma_semaphore, #tpu.memory_space<semaphore_mem>>) src(%dma_wait3A_245 : memref<32x128xf32, #tpu.memory_space<vmem>>) dst(%dma_wait3A_249 : memref<10240x128xf32, #tpu.memory_space<vmem_shared>>)
        tpu.yield
      }) : () -> ()
      %mul3A_208 = arith.constant 4 : i32
      %mul3A_209 = arith.muli %scan3A_136, %mul3A_208 : i32
      %add3A_210 = arith.constant 3 : i32
      %add3A_211 = arith.addi %mul3A_209, %add3A_210 : i32
      %add3A_212 = arith.constant 2 : i32
      %add3A_213 = arith.addi %add3A_211, %add3A_212 : i32
      %lt3A_214 = arith.constant 320 : i32
      %lt3A_215 = arith.cmpi slt, %add3A_213, %lt3A_214 : i32
      %convert_element_type3A_216 = arith.extui %lt3A_215 : i1 to i32
      %cond3A_217 = arith.constant 0 : i32
      %cond3A_218 = arith.cmpi ne, %convert_element_type3A_216, %cond3A_217 : i32
      scf.if %cond3A_218 {
        %mul3A_233 = arith.constant 32 : i32
        %mul3A_234 = arith.muli %add3A_213, %mul3A_233 : i32
        %dma_start3A_235 = arith.constant 1 : i32
        %dma_start3A_236 = arith.constant 0 : i32
        %dma_start3A_237 = arith.constant 0 : i32
        %dma_start3A_238 = tpu.memref_slice %arg8[%dma_start3A_235, %dma_start3A_236, %dma_start3A_237] : memref<4x32x128xf32, #tpu.memory_space<vmem>> -> memref<1x32x128xf32, #tpu.memory_space<vmem>>
        %dma_start3A_239 = tpu.memref_squeeze %dma_start3A_238 : memref<1x32x128xf32, #tpu.memory_space<vmem>> -> memref<32x128xf32, #tpu.memory_space<vmem>>
        %dma_start3A_240 = tpu.memref_slice %arg6[%mul3A_234] : memref<10240xi32, #tpu.memory_space<vmem>> -> memref<32xi32, #tpu.memory_space<vmem>>
        %dma_start3A_241 = arith.constant 0 : i32
        %dma_start3A_242 = arith.constant 0 : i32
        %dma_start3A_243 = tpu.memref_slice %arg2[%dma_start3A_241, %dma_start3A_242] : memref<10240x128xf32, #tpu.memory_space<hbm>> -> memref<10240x128xf32, #tpu.memory_space<hbm>>
        tpu.enqueue_indirect_dma source(%dma_start3A_243 : memref<10240x128xf32, #tpu.memory_space<hbm>>) target(%dma_start3A_239 : memref<32x128xf32, #tpu.memory_space<vmem>>) offsets(%dma_start3A_240 : memref<32xi32, #tpu.memory_space<vmem>>) semaphore(%arg10 : memref<!tpu.dma_semaphore, #tpu.memory_space<semaphore_mem>>)
      } else {
      }
      %mul3A_219 = arith.constant 32 : i32
      %mul3A_220 = arith.muli %add3A_211, %mul3A_219 : i32
      %dma_wait3A_221 = arith.constant 3 : i32
      %dma_wait3A_222 = arith.constant 0 : i32
      %dma_wait3A_223 = arith.constant 0 : i32
      %dma_wait3A_224 = tpu.memref_slice %arg8[%dma_wait3A_221, %dma_wait3A_222, %dma_wait3A_223] : memref<4x32x128xf32, #tpu.memory_space<vmem>> -> memref<1x32x128xf32, #tpu.memory_space<vmem>>
      %dma_wait3A_225 = tpu.memref_squeeze %dma_wait3A_224 : memref<1x32x128xf32, #tpu.memory_space<vmem>> -> memref<32x128xf32, #tpu.memory_space<vmem>>
      %dma_wait3A_226 = tpu.memref_slice %arg6[%mul3A_220] : memref<10240xi32, #tpu.memory_space<vmem>> -> memref<32xi32, #tpu.memory_space<vmem>>
      %dma_wait3A_227 = arith.constant 0 : i32
      %dma_wait3A_228 = arith.constant 0 : i32
      %dma_wait3A_229 = tpu.memref_slice %arg2[%dma_wait3A_227, %dma_wait3A_228] : memref<10240x128xf32, #tpu.memory_space<hbm>> -> memref<10240x128xf32, #tpu.memory_space<hbm>>
      tpu.wait_indirect_dma semaphore(%arg12 : memref<!tpu.dma_semaphore, #tpu.memory_space<semaphore_mem>>) src(%dma_wait3A_229 : memref<10240x128xf32, #tpu.memory_space<hbm>>) dst(%dma_wait3A_225 : memref<32x128xf32, #tpu.memory_space<vmem>>)
      %mul3A_230 = arith.constant 32 : i32
      %mul3A_231 = arith.muli %add3A_211, %mul3A_230 : i32
      %run_scoped3A_232 = arith.constant 3 : i32
      "tpu.region"() ({
        %run_scoped3A_233 = tpu.sem_alloc : memref<!tpu.dma_semaphore, #tpu.memory_space<semaphore_mem>>
        %dma_start3A_234 = arith.constant 0 : i32
        %dma_start3A_235 = arith.constant 0 : i32
        %dma_start3A_236 = tpu.memref_slice %arg8[%run_scoped3A_232, %dma_start3A_234, %dma_start3A_235] : memref<4x32x128xf32, #tpu.memory_space<vmem>> -> memref<1x32x128xf32, #tpu.memory_space<vmem>>
        %dma_start3A_237 = tpu.memref_squeeze %dma_start3A_236 : memref<1x32x128xf32, #tpu.memory_space<vmem>> -> memref<32x128xf32, #tpu.memory_space<vmem>>
        %dma_start3A_238 = tpu.memref_slice %arg7[%mul3A_231] : memref<10240xi32, #tpu.memory_space<vmem>> -> memref<32xi32, #tpu.memory_space<vmem>>
        %dma_start3A_239 = arith.constant 0 : i32
        %dma_start3A_240 = arith.constant 0 : i32
        %dma_start3A_241 = tpu.memref_slice %arg13[%dma_start3A_239, %dma_start3A_240] : memref<10240x128xf32, #tpu.memory_space<vmem_shared>> -> memref<10240x128xf32, #tpu.memory_space<vmem_shared>>
        tpu.enqueue_indirect_dma source(%dma_start3A_237 : memref<32x128xf32, #tpu.memory_space<vmem>>) target(%dma_start3A_241 : memref<10240x128xf32, #tpu.memory_space<vmem_shared>>) offsets(%dma_start3A_238 : memref<32xi32, #tpu.memory_space<vmem>>) semaphore(%run_scoped3A_233 : memref<!tpu.dma_semaphore, #tpu.memory_space<semaphore_mem>>) {add = true}
        %dma_wait3A_242 = arith.constant 0 : i32
        %dma_wait3A_243 = arith.constant 0 : i32
        %dma_wait3A_244 = tpu.memref_slice %arg8[%run_scoped3A_232, %dma_wait3A_242, %dma_wait3A_243] : memref<4x32x128xf32, #tpu.memory_space<vmem>> -> memref<1x32x128xf32, #tpu.memory_space<vmem>>
        %dma_wait3A_245 = tpu.memref_squeeze %dma_wait3A_244 : memref<1x32x128xf32, #tpu.memory_space<vmem>> -> memref<32x128xf32, #tpu.memory_space<vmem>>
        %dma_wait3A_246 = tpu.memref_slice %arg7[%mul3A_231] : memref<10240xi32, #tpu.memory_space<vmem>> -> memref<32xi32, #tpu.memory_space<vmem>>
        %dma_wait3A_247 = arith.constant 0 : i32
        %dma_wait3A_248 = arith.constant 0 : i32
        %dma_wait3A_249 = tpu.memref_slice %arg13[%dma_wait3A_247, %dma_wait3A_248] : memref<10240x128xf32, #tpu.memory_space<vmem_shared>> -> memref<10240x128xf32, #tpu.memory_space<vmem_shared>>
        tpu.wait_indirect_dma semaphore(%run_scoped3A_233 : memref<!tpu.dma_semaphore, #tpu.memory_space<semaphore_mem>>) src(%dma_wait3A_245 : memref<32x128xf32, #tpu.memory_space<vmem>>) dst(%dma_wait3A_249 : memref<10240x128xf32, #tpu.memory_space<vmem_shared>>)
        tpu.yield
      }) : () -> ()
    }
    %scan3A_130 = arith.constant 80 : i32
    %barrier3A_131 = arith.constant 0 : index
    tpu.barrier barrier_id(%barrier3A_131)
    %mul3A_132 = arith.constant 640 : i32
    %mul3A_133 = arith.muli %arg1, %mul3A_132 : i32
    %mul3A_134 = arith.constant 640 : i32
    %mul3A_135 = arith.muli %arg1, %mul3A_134 : i32
    "tpu.region"() ({
      %run_scoped3A_136 = tpu.sem_alloc : memref<!tpu.dma_semaphore, #tpu.memory_space<semaphore_mem>>
      %dma_start3A_137 = arith.constant 0 : i32
      %dma_start3A_138 = tpu.memref_slice %arg5[%arg0, %mul3A_135, %dma_start3A_137] : memref<2x10240x128xf32, #tpu.memory_space<hbm>> -> memref<1x640x128xf32, #tpu.memory_space<hbm>>
      %dma_start3A_139 = tpu.memref_squeeze %dma_start3A_138 : memref<1x640x128xf32, #tpu.memory_space<hbm>> -> memref<640x128xf32, #tpu.memory_space<hbm>>
      %dma_start3A_140 = arith.constant 0 : i32
      %dma_start3A_141 = tpu.memref_slice %arg13[%mul3A_133, %dma_start3A_140] : memref<10240x128xf32, #tpu.memory_space<vmem_shared>> -> memref<640x128xf32, #tpu.memory_space<vmem_shared>>
      tpu.enqueue_dma source(%dma_start3A_141 : memref<640x128xf32, #tpu.memory_space<vmem_shared>>) target(%dma_start3A_139 : memref<640x128xf32, #tpu.memory_space<hbm>>) target_semaphore(%run_scoped3A_136 : memref<!tpu.dma_semaphore, #tpu.memory_space<semaphore_mem>>)
      %dma_wait3A = arith.constant 0 : i32
      %dma_wait3A_142 = tpu.memref_slice %arg5[%arg0, %mul3A_135, %dma_wait3A] : memref<2x10240x128xf32, #tpu.memory_space<hbm>> -> memref<1x640x128xf32, #tpu.memory_space<hbm>>
      %dma_wait3A_143 = tpu.memref_squeeze %dma_wait3A_142 : memref<1x640x128xf32, #tpu.memory_space<hbm>> -> memref<640x128xf32, #tpu.memory_space<hbm>>
      %dma_wait3A_144 = arith.constant 0 : i32
      %dma_wait3A_145 = tpu.memref_slice %arg13[%mul3A_133, %dma_wait3A_144] : memref<10240x128xf32, #tpu.memory_space<vmem_shared>> -> memref<640x128xf32, #tpu.memory_space<vmem_shared>>
      tpu.wait_dma2 semaphore(%run_scoped3A_136 : memref<!tpu.dma_semaphore, #tpu.memory_space<semaphore_mem>>) src(%dma_wait3A_145 : memref<640x128xf32, #tpu.memory_space<vmem_shared>>) dst(%dma_wait3A_143 : memref<640x128xf32, #tpu.memory_space<hbm>>)
      tpu.yield
    }) : () -> ()
    return
  }
}

#map = affine_map<(d0, d1) -> (0, 0)>
#map1 = affine_map<(d0, d1) -> (0, 0, 0)>
module attributes {stable_mosaic.version = 14 : i64} {
  func.func @agg(%arg0: i32, %arg1: i32, %arg2: memref<10240x128xf32, #tpu.memory_space<hbm>>, %arg3: memref<32x10240xi32, #tpu.memory_space<hbm>>, %arg4: memref<32x10240xi32, #tpu.memory_space<hbm>>, %arg5: memref<2x10240x128xf32, #tpu.memory_space<hbm>>, %arg6: memref<2x80x128xf32, #tpu.memory_space<hbm>>, %arg7: memref<10240xi32, #tpu.memory_space<vmem>>, %arg8: memref<10240xi32, #tpu.memory_space<vmem>>, %arg9: memref<4x32x128xf32, #tpu.memory_space<vmem>>, %arg10: memref<!tpu.dma_semaphore, #tpu.memory_space<semaphore_mem>>, %arg11: memref<!tpu.dma_semaphore, #tpu.memory_space<semaphore_mem>>, %arg12: memref<!tpu.dma_semaphore, #tpu.memory_space<semaphore_mem>>, %arg13: memref<!tpu.dma_semaphore, #tpu.memory_space<semaphore_mem>>, %arg14: memref<10240x128xf32, #tpu.memory_space<vmem_shared>>, %arg15: memref<10240xf32, #tpu.memory_space<vmem>>, %arg16: memref<80x128xf32, #tpu.memory_space<vmem_shared>>, %arg17: memref<80xi32, #tpu.memory_space<vmem>>) attributes {dimension_semantics = [#tpu.dimension_semantics<core_parallel>, #tpu.dimension_semantics<subcore_parallel>], iteration_bounds = array<i64: 2, 16>, scalar_prefetch = 0 : i64, scratch_operands = 11 : i64, tpu.core_type = #tpu.core_type<sc_vector_subcore>, window_params = [{transform_indices = #map}, {transform_indices = #map}, {transform_indices = #map}, {transform_indices = #map1}, {transform_indices = #map1}]} {
    %mul3A = arith.constant 2 : i32
    %mul3A_0 = arith.muli %arg1, %mul3A : i32
    %add3A = arith.addi %mul3A_0, %arg0 : i32
    "tpu.region"() ({
      %run_scoped3A_212 = tpu.sem_alloc : memref<!tpu.dma_semaphore, #tpu.memory_space<semaphore_mem>>
      %dma_start3A_213 = arith.constant 0 : i32
      %dma_start3A_214 = tpu.memref_slice %arg3[%add3A, %dma_start3A_213] : memref<32x10240xi32, #tpu.memory_space<hbm>> -> memref<1x10240xi32, #tpu.memory_space<hbm>>
      %dma_start3A_215 = tpu.memref_squeeze %dma_start3A_214 : memref<1x10240xi32, #tpu.memory_space<hbm>> -> memref<10240xi32, #tpu.memory_space<hbm>>
      %dma_start3A_216 = arith.constant 0 : i32
      %dma_start3A_217 = tpu.memref_slice %arg3[%add3A, %dma_start3A_216] : memref<32x10240xi32, #tpu.memory_space<hbm>> -> memref<1x10240xi32, #tpu.memory_space<hbm>>
      %dma_start3A_218 = tpu.memref_squeeze %dma_start3A_217 : memref<1x10240xi32, #tpu.memory_space<hbm>> -> memref<10240xi32, #tpu.memory_space<hbm>>
      tpu.enqueue_dma source(%dma_start3A_218 : memref<10240xi32, #tpu.memory_space<hbm>>) target(%arg7 : memref<10240xi32, #tpu.memory_space<vmem>>) target_semaphore(%run_scoped3A_212 : memref<!tpu.dma_semaphore, #tpu.memory_space<semaphore_mem>>)
      %dma_wait3A = arith.constant 0 : i32
      %dma_wait3A_219 = tpu.memref_slice %arg3[%add3A, %dma_wait3A] : memref<32x10240xi32, #tpu.memory_space<hbm>> -> memref<1x10240xi32, #tpu.memory_space<hbm>>
      %dma_wait3A_220 = tpu.memref_squeeze %dma_wait3A_219 : memref<1x10240xi32, #tpu.memory_space<hbm>> -> memref<10240xi32, #tpu.memory_space<hbm>>
      %dma_wait3A_221 = arith.constant 0 : i32
      %dma_wait3A_222 = tpu.memref_slice %arg3[%add3A, %dma_wait3A_221] : memref<32x10240xi32, #tpu.memory_space<hbm>> -> memref<1x10240xi32, #tpu.memory_space<hbm>>
      %dma_wait3A_223 = tpu.memref_squeeze %dma_wait3A_222 : memref<1x10240xi32, #tpu.memory_space<hbm>> -> memref<10240xi32, #tpu.memory_space<hbm>>
      tpu.wait_dma2 semaphore(%run_scoped3A_212 : memref<!tpu.dma_semaphore, #tpu.memory_space<semaphore_mem>>) src(%dma_wait3A_223 : memref<10240xi32, #tpu.memory_space<hbm>>) dst(%arg7 : memref<10240xi32, #tpu.memory_space<vmem>>)
      tpu.yield
    }) : () -> ()
    "tpu.region"() ({
      %run_scoped3A_212 = tpu.sem_alloc : memref<!tpu.dma_semaphore, #tpu.memory_space<semaphore_mem>>
      %dma_start3A_213 = arith.constant 0 : i32
      %dma_start3A_214 = tpu.memref_slice %arg4[%add3A, %dma_start3A_213] : memref<32x10240xi32, #tpu.memory_space<hbm>> -> memref<1x10240xi32, #tpu.memory_space<hbm>>
      %dma_start3A_215 = tpu.memref_squeeze %dma_start3A_214 : memref<1x10240xi32, #tpu.memory_space<hbm>> -> memref<10240xi32, #tpu.memory_space<hbm>>
      %dma_start3A_216 = arith.constant 0 : i32
      %dma_start3A_217 = tpu.memref_slice %arg4[%add3A, %dma_start3A_216] : memref<32x10240xi32, #tpu.memory_space<hbm>> -> memref<1x10240xi32, #tpu.memory_space<hbm>>
      %dma_start3A_218 = tpu.memref_squeeze %dma_start3A_217 : memref<1x10240xi32, #tpu.memory_space<hbm>> -> memref<10240xi32, #tpu.memory_space<hbm>>
      tpu.enqueue_dma source(%dma_start3A_218 : memref<10240xi32, #tpu.memory_space<hbm>>) target(%arg8 : memref<10240xi32, #tpu.memory_space<vmem>>) target_semaphore(%run_scoped3A_212 : memref<!tpu.dma_semaphore, #tpu.memory_space<semaphore_mem>>)
      %dma_wait3A = arith.constant 0 : i32
      %dma_wait3A_219 = tpu.memref_slice %arg4[%add3A, %dma_wait3A] : memref<32x10240xi32, #tpu.memory_space<hbm>> -> memref<1x10240xi32, #tpu.memory_space<hbm>>
      %dma_wait3A_220 = tpu.memref_squeeze %dma_wait3A_219 : memref<1x10240xi32, #tpu.memory_space<hbm>> -> memref<10240xi32, #tpu.memory_space<hbm>>
      %dma_wait3A_221 = arith.constant 0 : i32
      %dma_wait3A_222 = tpu.memref_slice %arg4[%add3A, %dma_wait3A_221] : memref<32x10240xi32, #tpu.memory_space<hbm>> -> memref<1x10240xi32, #tpu.memory_space<hbm>>
      %dma_wait3A_223 = tpu.memref_squeeze %dma_wait3A_222 : memref<1x10240xi32, #tpu.memory_space<hbm>> -> memref<10240xi32, #tpu.memory_space<hbm>>
      tpu.wait_dma2 semaphore(%run_scoped3A_212 : memref<!tpu.dma_semaphore, #tpu.memory_space<semaphore_mem>>) src(%dma_wait3A_223 : memref<10240xi32, #tpu.memory_space<hbm>>) dst(%arg8 : memref<10240xi32, #tpu.memory_space<vmem>>)
      tpu.yield
    }) : () -> ()
    %scan3A = arith.constant 0 : i32
    %scan3A_1 = arith.constant 0 : i32
    %scan3A_2 = arith.constant 32 : i32
    %scan3A_3 = arith.addi %scan3A_1, %scan3A_2 : i32
    %scan3A_4 = arith.constant 1 : i32
    scf.for %scan3A_212 = %scan3A_1 to %scan3A_3 step %scan3A_4  : i32 {
      %broadcast_in_dim3A_213 = arith.constant 0.000000e+00 : f32
      %broadcast_in_dim3A_214 = vector.broadcast %broadcast_in_dim3A_213 : f32 to vector<16xf32>
      %swap3A_215 = arith.constant 0 : i32
      %swap3A_216 = arith.index_cast %swap3A_215 : i32 to index
      %swap3A_217 = arith.index_cast %scan3A_212 : i32 to index
      %swap3A_218 = arith.constant 0 : index
      %swap3A_219 = tpu.vector_load %arg9[%swap3A_216, %swap3A_217, %swap3A_218] {strides = array<i32>} : memref<4x32x128xf32, #tpu.memory_space<vmem>>, vector<16xf32>,
      tpu.vector_store %arg9[%swap3A_216, %swap3A_217, %swap3A_218], %broadcast_in_dim3A_214 {strides = array<i32>} : memref<4x32x128xf32, #tpu.memory_space<vmem>>, vector<16xf32>,
      %broadcast_in_dim3A_220 = arith.constant 0.000000e+00 : f32
      %broadcast_in_dim3A_221 = vector.broadcast %broadcast_in_dim3A_220 : f32 to vector<16xf32>
      %swap3A_222 = arith.constant 0 : i32
      %swap3A_223 = arith.index_cast %swap3A_222 : i32 to index
      %swap3A_224 = arith.index_cast %scan3A_212 : i32 to index
      %swap3A_225 = arith.constant 16 : index
      %swap3A_226 = tpu.vector_load %arg9[%swap3A_223, %swap3A_224, %swap3A_225] {strides = array<i32>} : memref<4x32x128xf32, #tpu.memory_space<vmem>>, vector<16xf32>,
      tpu.vector_store %arg9[%swap3A_223, %swap3A_224, %swap3A_225], %broadcast_in_dim3A_221 {strides = array<i32>} : memref<4x32x128xf32, #tpu.memory_space<vmem>>, vector<16xf32>,
      %broadcast_in_dim3A_227 = arith.constant 0.000000e+00 : f32
      %broadcast_in_dim3A_228 = vector.broadcast %broadcast_in_dim3A_227 : f32 to vector<16xf32>
      %swap3A_229 = arith.constant 0 : i32
      %swap3A_230 = arith.index_cast %swap3A_229 : i32 to index
      %swap3A_231 = arith.index_cast %scan3A_212 : i32 to index
      %swap3A_232 = arith.constant 32 : index
      %swap3A_233 = tpu.vector_load %arg9[%swap3A_230, %swap3A_231, %swap3A_232] {strides = array<i32>} : memref<4x32x128xf32, #tpu.memory_space<vmem>>, vector<16xf32>,
      tpu.vector_store %arg9[%swap3A_230, %swap3A_231, %swap3A_232], %broadcast_in_dim3A_228 {strides = array<i32>} : memref<4x32x128xf32, #tpu.memory_space<vmem>>, vector<16xf32>,
      %broadcast_in_dim3A_234 = arith.constant 0.000000e+00 : f32
      %broadcast_in_dim3A_235 = vector.broadcast %broadcast_in_dim3A_234 : f32 to vector<16xf32>
      %swap3A_236 = arith.constant 0 : i32
      %swap3A_237 = arith.index_cast %swap3A_236 : i32 to index
      %swap3A_238 = arith.index_cast %scan3A_212 : i32 to index
      %swap3A_239 = arith.constant 48 : index
      %swap3A_240 = tpu.vector_load %arg9[%swap3A_237, %swap3A_238, %swap3A_239] {strides = array<i32>} : memref<4x32x128xf32, #tpu.memory_space<vmem>>, vector<16xf32>,
      tpu.vector_store %arg9[%swap3A_237, %swap3A_238, %swap3A_239], %broadcast_in_dim3A_235 {strides = array<i32>} : memref<4x32x128xf32, #tpu.memory_space<vmem>>, vector<16xf32>,
      %broadcast_in_dim3A_241 = arith.constant 0.000000e+00 : f32
      %broadcast_in_dim3A_242 = vector.broadcast %broadcast_in_dim3A_241 : f32 to vector<16xf32>
      %swap3A_243 = arith.constant 0 : i32
      %swap3A_244 = arith.index_cast %swap3A_243 : i32 to index
      %swap3A_245 = arith.index_cast %scan3A_212 : i32 to index
      %swap3A_246 = arith.constant 64 : index
      %swap3A_247 = tpu.vector_load %arg9[%swap3A_244, %swap3A_245, %swap3A_246] {strides = array<i32>} : memref<4x32x128xf32, #tpu.memory_space<vmem>>, vector<16xf32>,
      tpu.vector_store %arg9[%swap3A_244, %swap3A_245, %swap3A_246], %broadcast_in_dim3A_242 {strides = array<i32>} : memref<4x32x128xf32, #tpu.memory_space<vmem>>, vector<16xf32>,
      %broadcast_in_dim3A_248 = arith.constant 0.000000e+00 : f32
      %broadcast_in_dim3A_249 = vector.broadcast %broadcast_in_dim3A_248 : f32 to vector<16xf32>
      %swap3A_250 = arith.constant 0 : i32
      %swap3A_251 = arith.index_cast %swap3A_250 : i32 to index
      %swap3A_252 = arith.index_cast %scan3A_212 : i32 to index
      %swap3A_253 = arith.constant 80 : index
      %swap3A_254 = tpu.vector_load %arg9[%swap3A_251, %swap3A_252, %swap3A_253] {strides = array<i32>} : memref<4x32x128xf32, #tpu.memory_space<vmem>>, vector<16xf32>,
      tpu.vector_store %arg9[%swap3A_251, %swap3A_252, %swap3A_253], %broadcast_in_dim3A_249 {strides = array<i32>} : memref<4x32x128xf32, #tpu.memory_space<vmem>>, vector<16xf32>,
      %broadcast_in_dim3A_255 = arith.constant 0.000000e+00 : f32
      %broadcast_in_dim3A_256 = vector.broadcast %broadcast_in_dim3A_255 : f32 to vector<16xf32>
      %swap3A_257 = arith.constant 0 : i32
      %swap3A_258 = arith.index_cast %swap3A_257 : i32 to index
      %swap3A_259 = arith.index_cast %scan3A_212 : i32 to index
      %swap3A_260 = arith.constant 96 : index
      %swap3A_261 = tpu.vector_load %arg9[%swap3A_258, %swap3A_259, %swap3A_260] {strides = array<i32>} : memref<4x32x128xf32, #tpu.memory_space<vmem>>, vector<16xf32>,
      tpu.vector_store %arg9[%swap3A_258, %swap3A_259, %swap3A_260], %broadcast_in_dim3A_256 {strides = array<i32>} : memref<4x32x128xf32, #tpu.memory_space<vmem>>, vector<16xf32>,
      %broadcast_in_dim3A_262 = arith.constant 0.000000e+00 : f32
      %broadcast_in_dim3A_263 = vector.broadcast %broadcast_in_dim3A_262 : f32 to vector<16xf32>
      %swap3A_264 = arith.constant 0 : i32
      %swap3A_265 = arith.index_cast %swap3A_264 : i32 to index
      %swap3A_266 = arith.index_cast %scan3A_212 : i32 to index
      %swap3A_267 = arith.constant 112 : index
      %swap3A_268 = tpu.vector_load %arg9[%swap3A_265, %swap3A_266, %swap3A_267] {strides = array<i32>} : memref<4x32x128xf32, #tpu.memory_space<vmem>>, vector<16xf32>,
      tpu.vector_store %arg9[%swap3A_265, %swap3A_266, %swap3A_267], %broadcast_in_dim3A_263 {strides = array<i32>} : memref<4x32x128xf32, #tpu.memory_space<vmem>>, vector<16xf32>,
    }
    %scan3A_5 = arith.constant 32 : i32
    %mul3A_6 = arith.constant 640 : i32
    %mul3A_7 = arith.muli %arg1, %mul3A_6 : i32
    %add3A_8 = arith.constant 0 : i32
    %add3A_9 = arith.addi %mul3A_7, %add3A_8 : i32
    %run_scoped3A = arith.constant 0 : i32
    "tpu.region"() ({
      %run_scoped3A_212 = tpu.sem_alloc : memref<!tpu.dma_semaphore, #tpu.memory_space<semaphore_mem>>
      %dma_start3A_213 = arith.constant 0 : i32
      %dma_start3A_214 = arith.constant 0 : i32
      %dma_start3A_215 = tpu.memref_slice %arg9[%run_scoped3A, %dma_start3A_213, %dma_start3A_214] : memref<4x32x128xf32, #tpu.memory_space<vmem>> -> memref<1x32x128xf32, #tpu.memory_space<vmem>>
      %dma_start3A_216 = tpu.memref_squeeze %dma_start3A_215 : memref<1x32x128xf32, #tpu.memory_space<vmem>> -> memref<32x128xf32, #tpu.memory_space<vmem>>
      %dma_start3A_217 = arith.constant 0 : i32
      %dma_start3A_218 = tpu.memref_slice %arg14[%add3A_9, %dma_start3A_217] : memref<10240x128xf32, #tpu.memory_space<vmem_shared>> -> memref<32x128xf32, #tpu.memory_space<vmem_shared>>
      %dma_start3A_219 = arith.constant 0 : i32
      %dma_start3A_220 = tpu.memref_slice %arg14[%add3A_9, %dma_start3A_219] : memref<10240x128xf32, #tpu.memory_space<vmem_shared>> -> memref<32x128xf32, #tpu.memory_space<vmem_shared>>
      %dma_start3A_221 = arith.constant 0 : i32
      %dma_start3A_222 = arith.constant 0 : i32
      %dma_start3A_223 = tpu.memref_slice %arg9[%run_scoped3A, %dma_start3A_221, %dma_start3A_222] : memref<4x32x128xf32, #tpu.memory_space<vmem>> -> memref<1x32x128xf32, #tpu.memory_space<vmem>>
      %dma_start3A_224 = tpu.memref_squeeze %dma_start3A_223 : memref<1x32x128xf32, #tpu.memory_space<vmem>> -> memref<32x128xf32, #tpu.memory_space<vmem>>
      tpu.enqueue_dma source(%dma_start3A_224 : memref<32x128xf32, #tpu.memory_space<vmem>>) target(%dma_start3A_220 : memref<32x128xf32, #tpu.memory_space<vmem_shared>>) target_semaphore(%run_scoped3A_212 : memref<!tpu.dma_semaphore, #tpu.memory_space<semaphore_mem>>)
      %dma_wait3A = arith.constant 0 : i32
      %dma_wait3A_225 = arith.constant 0 : i32
      %dma_wait3A_226 = tpu.memref_slice %arg9[%run_scoped3A, %dma_wait3A, %dma_wait3A_225] : memref<4x32x128xf32, #tpu.memory_space<vmem>> -> memref<1x32x128xf32, #tpu.memory_space<vmem>>
      %dma_wait3A_227 = tpu.memref_squeeze %dma_wait3A_226 : memref<1x32x128xf32, #tpu.memory_space<vmem>> -> memref<32x128xf32, #tpu.memory_space<vmem>>
      %dma_wait3A_228 = arith.constant 0 : i32
      %dma_wait3A_229 = tpu.memref_slice %arg14[%add3A_9, %dma_wait3A_228] : memref<10240x128xf32, #tpu.memory_space<vmem_shared>> -> memref<32x128xf32, #tpu.memory_space<vmem_shared>>
      %dma_wait3A_230 = arith.constant 0 : i32
      %dma_wait3A_231 = tpu.memref_slice %arg14[%add3A_9, %dma_wait3A_230] : memref<10240x128xf32, #tpu.memory_space<vmem_shared>> -> memref<32x128xf32, #tpu.memory_space<vmem_shared>>
      %dma_wait3A_232 = arith.constant 0 : i32
      %dma_wait3A_233 = arith.constant 0 : i32
      %dma_wait3A_234 = tpu.memref_slice %arg9[%run_scoped3A, %dma_wait3A_232, %dma_wait3A_233] : memref<4x32x128xf32, #tpu.memory_space<vmem>> -> memref<1x32x128xf32, #tpu.memory_space<vmem>>
      %dma_wait3A_235 = tpu.memref_squeeze %dma_wait3A_234 : memref<1x32x128xf32, #tpu.memory_space<vmem>> -> memref<32x128xf32, #tpu.memory_space<vmem>>
      tpu.wait_dma2 semaphore(%run_scoped3A_212 : memref<!tpu.dma_semaphore, #tpu.memory_space<semaphore_mem>>) src(%dma_wait3A_235 : memref<32x128xf32, #tpu.memory_space<vmem>>) dst(%dma_wait3A_231 : memref<32x128xf32, #tpu.memory_space<vmem_shared>>)
      tpu.yield
    }) : () -> ()
    %mul3A_10 = arith.constant 640 : i32
    %mul3A_11 = arith.muli %arg1, %mul3A_10 : i32
    %add3A_12 = arith.constant 32 : i32
    %add3A_13 = arith.addi %mul3A_11, %add3A_12 : i32
    %run_scoped3A_14 = arith.constant 0 : i32
    "tpu.region"() ({
      %run_scoped3A_212 = tpu.sem_alloc : memref<!tpu.dma_semaphore, #tpu.memory_space<semaphore_mem>>
      %dma_start3A_213 = arith.constant 0 : i32
      %dma_start3A_214 = arith.constant 0 : i32
      %dma_start3A_215 = tpu.memref_slice %arg9[%run_scoped3A_14, %dma_start3A_213, %dma_start3A_214] : memref<4x32x128xf32, #tpu.memory_space<vmem>> -> memref<1x32x128xf32, #tpu.memory_space<vmem>>
      %dma_start3A_216 = tpu.memref_squeeze %dma_start3A_215 : memref<1x32x128xf32, #tpu.memory_space<vmem>> -> memref<32x128xf32, #tpu.memory_space<vmem>>
      %dma_start3A_217 = arith.constant 0 : i32
      %dma_start3A_218 = tpu.memref_slice %arg14[%add3A_13, %dma_start3A_217] : memref<10240x128xf32, #tpu.memory_space<vmem_shared>> -> memref<32x128xf32, #tpu.memory_space<vmem_shared>>
      %dma_start3A_219 = arith.constant 0 : i32
      %dma_start3A_220 = tpu.memref_slice %arg14[%add3A_13, %dma_start3A_219] : memref<10240x128xf32, #tpu.memory_space<vmem_shared>> -> memref<32x128xf32, #tpu.memory_space<vmem_shared>>
      %dma_start3A_221 = arith.constant 0 : i32
      %dma_start3A_222 = arith.constant 0 : i32
      %dma_start3A_223 = tpu.memref_slice %arg9[%run_scoped3A_14, %dma_start3A_221, %dma_start3A_222] : memref<4x32x128xf32, #tpu.memory_space<vmem>> -> memref<1x32x128xf32, #tpu.memory_space<vmem>>
      %dma_start3A_224 = tpu.memref_squeeze %dma_start3A_223 : memref<1x32x128xf32, #tpu.memory_space<vmem>> -> memref<32x128xf32, #tpu.memory_space<vmem>>
      tpu.enqueue_dma source(%dma_start3A_224 : memref<32x128xf32, #tpu.memory_space<vmem>>) target(%dma_start3A_220 : memref<32x128xf32, #tpu.memory_space<vmem_shared>>) target_semaphore(%run_scoped3A_212 : memref<!tpu.dma_semaphore, #tpu.memory_space<semaphore_mem>>)
      %dma_wait3A = arith.constant 0 : i32
      %dma_wait3A_225 = arith.constant 0 : i32
      %dma_wait3A_226 = tpu.memref_slice %arg9[%run_scoped3A_14, %dma_wait3A, %dma_wait3A_225] : memref<4x32x128xf32, #tpu.memory_space<vmem>> -> memref<1x32x128xf32, #tpu.memory_space<vmem>>
      %dma_wait3A_227 = tpu.memref_squeeze %dma_wait3A_226 : memref<1x32x128xf32, #tpu.memory_space<vmem>> -> memref<32x128xf32, #tpu.memory_space<vmem>>
      %dma_wait3A_228 = arith.constant 0 : i32
      %dma_wait3A_229 = tpu.memref_slice %arg14[%add3A_13, %dma_wait3A_228] : memref<10240x128xf32, #tpu.memory_space<vmem_shared>> -> memref<32x128xf32, #tpu.memory_space<vmem_shared>>
      %dma_wait3A_230 = arith.constant 0 : i32
      %dma_wait3A_231 = tpu.memref_slice %arg14[%add3A_13, %dma_wait3A_230] : memref<10240x128xf32, #tpu.memory_space<vmem_shared>> -> memref<32x128xf32, #tpu.memory_space<vmem_shared>>
      %dma_wait3A_232 = arith.constant 0 : i32
      %dma_wait3A_233 = arith.constant 0 : i32
      %dma_wait3A_234 = tpu.memref_slice %arg9[%run_scoped3A_14, %dma_wait3A_232, %dma_wait3A_233] : memref<4x32x128xf32, #tpu.memory_space<vmem>> -> memref<1x32x128xf32, #tpu.memory_space<vmem>>
      %dma_wait3A_235 = tpu.memref_squeeze %dma_wait3A_234 : memref<1x32x128xf32, #tpu.memory_space<vmem>> -> memref<32x128xf32, #tpu.memory_space<vmem>>
      tpu.wait_dma2 semaphore(%run_scoped3A_212 : memref<!tpu.dma_semaphore, #tpu.memory_space<semaphore_mem>>) src(%dma_wait3A_235 : memref<32x128xf32, #tpu.memory_space<vmem>>) dst(%dma_wait3A_231 : memref<32x128xf32, #tpu.memory_space<vmem_shared>>)
      tpu.yield
    }) : () -> ()
    %mul3A_15 = arith.constant 640 : i32
    %mul3A_16 = arith.muli %arg1, %mul3A_15 : i32
    %add3A_17 = arith.constant 64 : i32
    %add3A_18 = arith.addi %mul3A_16, %add3A_17 : i32
    %run_scoped3A_19 = arith.constant 0 : i32
    "tpu.region"() ({
      %run_scoped3A_212 = tpu.sem_alloc : memref<!tpu.dma_semaphore, #tpu.memory_space<semaphore_mem>>
      %dma_start3A_213 = arith.constant 0 : i32
      %dma_start3A_214 = arith.constant 0 : i32
      %dma_start3A_215 = tpu.memref_slice %arg9[%run_scoped3A_19, %dma_start3A_213, %dma_start3A_214] : memref<4x32x128xf32, #tpu.memory_space<vmem>> -> memref<1x32x128xf32, #tpu.memory_space<vmem>>
      %dma_start3A_216 = tpu.memref_squeeze %dma_start3A_215 : memref<1x32x128xf32, #tpu.memory_space<vmem>> -> memref<32x128xf32, #tpu.memory_space<vmem>>
      %dma_start3A_217 = arith.constant 0 : i32
      %dma_start3A_218 = tpu.memref_slice %arg14[%add3A_18, %dma_start3A_217] : memref<10240x128xf32, #tpu.memory_space<vmem_shared>> -> memref<32x128xf32, #tpu.memory_space<vmem_shared>>
      %dma_start3A_219 = arith.constant 0 : i32
      %dma_start3A_220 = tpu.memref_slice %arg14[%add3A_18, %dma_start3A_219] : memref<10240x128xf32, #tpu.memory_space<vmem_shared>> -> memref<32x128xf32, #tpu.memory_space<vmem_shared>>
      %dma_start3A_221 = arith.constant 0 : i32
      %dma_start3A_222 = arith.constant 0 : i32
      %dma_start3A_223 = tpu.memref_slice %arg9[%run_scoped3A_19, %dma_start3A_221, %dma_start3A_222] : memref<4x32x128xf32, #tpu.memory_space<vmem>> -> memref<1x32x128xf32, #tpu.memory_space<vmem>>
      %dma_start3A_224 = tpu.memref_squeeze %dma_start3A_223 : memref<1x32x128xf32, #tpu.memory_space<vmem>> -> memref<32x128xf32, #tpu.memory_space<vmem>>
      tpu.enqueue_dma source(%dma_start3A_224 : memref<32x128xf32, #tpu.memory_space<vmem>>) target(%dma_start3A_220 : memref<32x128xf32, #tpu.memory_space<vmem_shared>>) target_semaphore(%run_scoped3A_212 : memref<!tpu.dma_semaphore, #tpu.memory_space<semaphore_mem>>)
      %dma_wait3A = arith.constant 0 : i32
      %dma_wait3A_225 = arith.constant 0 : i32
      %dma_wait3A_226 = tpu.memref_slice %arg9[%run_scoped3A_19, %dma_wait3A, %dma_wait3A_225] : memref<4x32x128xf32, #tpu.memory_space<vmem>> -> memref<1x32x128xf32, #tpu.memory_space<vmem>>
      %dma_wait3A_227 = tpu.memref_squeeze %dma_wait3A_226 : memref<1x32x128xf32, #tpu.memory_space<vmem>> -> memref<32x128xf32, #tpu.memory_space<vmem>>
      %dma_wait3A_228 = arith.constant 0 : i32
      %dma_wait3A_229 = tpu.memref_slice %arg14[%add3A_18, %dma_wait3A_228] : memref<10240x128xf32, #tpu.memory_space<vmem_shared>> -> memref<32x128xf32, #tpu.memory_space<vmem_shared>>
      %dma_wait3A_230 = arith.constant 0 : i32
      %dma_wait3A_231 = tpu.memref_slice %arg14[%add3A_18, %dma_wait3A_230] : memref<10240x128xf32, #tpu.memory_space<vmem_shared>> -> memref<32x128xf32, #tpu.memory_space<vmem_shared>>
      %dma_wait3A_232 = arith.constant 0 : i32
      %dma_wait3A_233 = arith.constant 0 : i32
      %dma_wait3A_234 = tpu.memref_slice %arg9[%run_scoped3A_19, %dma_wait3A_232, %dma_wait3A_233] : memref<4x32x128xf32, #tpu.memory_space<vmem>> -> memref<1x32x128xf32, #tpu.memory_space<vmem>>
      %dma_wait3A_235 = tpu.memref_squeeze %dma_wait3A_234 : memref<1x32x128xf32, #tpu.memory_space<vmem>> -> memref<32x128xf32, #tpu.memory_space<vmem>>
      tpu.wait_dma2 semaphore(%run_scoped3A_212 : memref<!tpu.dma_semaphore, #tpu.memory_space<semaphore_mem>>) src(%dma_wait3A_235 : memref<32x128xf32, #tpu.memory_space<vmem>>) dst(%dma_wait3A_231 : memref<32x128xf32, #tpu.memory_space<vmem_shared>>)
      tpu.yield
    }) : () -> ()
    %mul3A_20 = arith.constant 640 : i32
    %mul3A_21 = arith.muli %arg1, %mul3A_20 : i32
    %add3A_22 = arith.constant 96 : i32
    %add3A_23 = arith.addi %mul3A_21, %add3A_22 : i32
    %run_scoped3A_24 = arith.constant 0 : i32
    "tpu.region"() ({
      %run_scoped3A_212 = tpu.sem_alloc : memref<!tpu.dma_semaphore, #tpu.memory_space<semaphore_mem>>
      %dma_start3A_213 = arith.constant 0 : i32
      %dma_start3A_214 = arith.constant 0 : i32
      %dma_start3A_215 = tpu.memref_slice %arg9[%run_scoped3A_24, %dma_start3A_213, %dma_start3A_214] : memref<4x32x128xf32, #tpu.memory_space<vmem>> -> memref<1x32x128xf32, #tpu.memory_space<vmem>>
      %dma_start3A_216 = tpu.memref_squeeze %dma_start3A_215 : memref<1x32x128xf32, #tpu.memory_space<vmem>> -> memref<32x128xf32, #tpu.memory_space<vmem>>
      %dma_start3A_217 = arith.constant 0 : i32
      %dma_start3A_218 = tpu.memref_slice %arg14[%add3A_23, %dma_start3A_217] : memref<10240x128xf32, #tpu.memory_space<vmem_shared>> -> memref<32x128xf32, #tpu.memory_space<vmem_shared>>
      %dma_start3A_219 = arith.constant 0 : i32
      %dma_start3A_220 = tpu.memref_slice %arg14[%add3A_23, %dma_start3A_219] : memref<10240x128xf32, #tpu.memory_space<vmem_shared>> -> memref<32x128xf32, #tpu.memory_space<vmem_shared>>
      %dma_start3A_221 = arith.constant 0 : i32
      %dma_start3A_222 = arith.constant 0 : i32
      %dma_start3A_223 = tpu.memref_slice %arg9[%run_scoped3A_24, %dma_start3A_221, %dma_start3A_222] : memref<4x32x128xf32, #tpu.memory_space<vmem>> -> memref<1x32x128xf32, #tpu.memory_space<vmem>>
      %dma_start3A_224 = tpu.memref_squeeze %dma_start3A_223 : memref<1x32x128xf32, #tpu.memory_space<vmem>> -> memref<32x128xf32, #tpu.memory_space<vmem>>
      tpu.enqueue_dma source(%dma_start3A_224 : memref<32x128xf32, #tpu.memory_space<vmem>>) target(%dma_start3A_220 : memref<32x128xf32, #tpu.memory_space<vmem_shared>>) target_semaphore(%run_scoped3A_212 : memref<!tpu.dma_semaphore, #tpu.memory_space<semaphore_mem>>)
      %dma_wait3A = arith.constant 0 : i32
      %dma_wait3A_225 = arith.constant 0 : i32
      %dma_wait3A_226 = tpu.memref_slice %arg9[%run_scoped3A_24, %dma_wait3A, %dma_wait3A_225] : memref<4x32x128xf32, #tpu.memory_space<vmem>> -> memref<1x32x128xf32, #tpu.memory_space<vmem>>
      %dma_wait3A_227 = tpu.memref_squeeze %dma_wait3A_226 : memref<1x32x128xf32, #tpu.memory_space<vmem>> -> memref<32x128xf32, #tpu.memory_space<vmem>>
      %dma_wait3A_228 = arith.constant 0 : i32
      %dma_wait3A_229 = tpu.memref_slice %arg14[%add3A_23, %dma_wait3A_228] : memref<10240x128xf32, #tpu.memory_space<vmem_shared>> -> memref<32x128xf32, #tpu.memory_space<vmem_shared>>
      %dma_wait3A_230 = arith.constant 0 : i32
      %dma_wait3A_231 = tpu.memref_slice %arg14[%add3A_23, %dma_wait3A_230] : memref<10240x128xf32, #tpu.memory_space<vmem_shared>> -> memref<32x128xf32, #tpu.memory_space<vmem_shared>>
      %dma_wait3A_232 = arith.constant 0 : i32
      %dma_wait3A_233 = arith.constant 0 : i32
      %dma_wait3A_234 = tpu.memref_slice %arg9[%run_scoped3A_24, %dma_wait3A_232, %dma_wait3A_233] : memref<4x32x128xf32, #tpu.memory_space<vmem>> -> memref<1x32x128xf32, #tpu.memory_space<vmem>>
      %dma_wait3A_235 = tpu.memref_squeeze %dma_wait3A_234 : memref<1x32x128xf32, #tpu.memory_space<vmem>> -> memref<32x128xf32, #tpu.memory_space<vmem>>
      tpu.wait_dma2 semaphore(%run_scoped3A_212 : memref<!tpu.dma_semaphore, #tpu.memory_space<semaphore_mem>>) src(%dma_wait3A_235 : memref<32x128xf32, #tpu.memory_space<vmem>>) dst(%dma_wait3A_231 : memref<32x128xf32, #tpu.memory_space<vmem_shared>>)
      tpu.yield
    }) : () -> ()
    %mul3A_25 = arith.constant 640 : i32
    %mul3A_26 = arith.muli %arg1, %mul3A_25 : i32
    %add3A_27 = arith.constant 128 : i32
    %add3A_28 = arith.addi %mul3A_26, %add3A_27 : i32
    %run_scoped3A_29 = arith.constant 0 : i32
    "tpu.region"() ({
      %run_scoped3A_212 = tpu.sem_alloc : memref<!tpu.dma_semaphore, #tpu.memory_space<semaphore_mem>>
      %dma_start3A_213 = arith.constant 0 : i32
      %dma_start3A_214 = arith.constant 0 : i32
      %dma_start3A_215 = tpu.memref_slice %arg9[%run_scoped3A_29, %dma_start3A_213, %dma_start3A_214] : memref<4x32x128xf32, #tpu.memory_space<vmem>> -> memref<1x32x128xf32, #tpu.memory_space<vmem>>
      %dma_start3A_216 = tpu.memref_squeeze %dma_start3A_215 : memref<1x32x128xf32, #tpu.memory_space<vmem>> -> memref<32x128xf32, #tpu.memory_space<vmem>>
      %dma_start3A_217 = arith.constant 0 : i32
      %dma_start3A_218 = tpu.memref_slice %arg14[%add3A_28, %dma_start3A_217] : memref<10240x128xf32, #tpu.memory_space<vmem_shared>> -> memref<32x128xf32, #tpu.memory_space<vmem_shared>>
      %dma_start3A_219 = arith.constant 0 : i32
      %dma_start3A_220 = tpu.memref_slice %arg14[%add3A_28, %dma_start3A_219] : memref<10240x128xf32, #tpu.memory_space<vmem_shared>> -> memref<32x128xf32, #tpu.memory_space<vmem_shared>>
      %dma_start3A_221 = arith.constant 0 : i32
      %dma_start3A_222 = arith.constant 0 : i32
      %dma_start3A_223 = tpu.memref_slice %arg9[%run_scoped3A_29, %dma_start3A_221, %dma_start3A_222] : memref<4x32x128xf32, #tpu.memory_space<vmem>> -> memref<1x32x128xf32, #tpu.memory_space<vmem>>
      %dma_start3A_224 = tpu.memref_squeeze %dma_start3A_223 : memref<1x32x128xf32, #tpu.memory_space<vmem>> -> memref<32x128xf32, #tpu.memory_space<vmem>>
      tpu.enqueue_dma source(%dma_start3A_224 : memref<32x128xf32, #tpu.memory_space<vmem>>) target(%dma_start3A_220 : memref<32x128xf32, #tpu.memory_space<vmem_shared>>) target_semaphore(%run_scoped3A_212 : memref<!tpu.dma_semaphore, #tpu.memory_space<semaphore_mem>>)
      %dma_wait3A = arith.constant 0 : i32
      %dma_wait3A_225 = arith.constant 0 : i32
      %dma_wait3A_226 = tpu.memref_slice %arg9[%run_scoped3A_29, %dma_wait3A, %dma_wait3A_225] : memref<4x32x128xf32, #tpu.memory_space<vmem>> -> memref<1x32x128xf32, #tpu.memory_space<vmem>>
      %dma_wait3A_227 = tpu.memref_squeeze %dma_wait3A_226 : memref<1x32x128xf32, #tpu.memory_space<vmem>> -> memref<32x128xf32, #tpu.memory_space<vmem>>
      %dma_wait3A_228 = arith.constant 0 : i32
      %dma_wait3A_229 = tpu.memref_slice %arg14[%add3A_28, %dma_wait3A_228] : memref<10240x128xf32, #tpu.memory_space<vmem_shared>> -> memref<32x128xf32, #tpu.memory_space<vmem_shared>>
      %dma_wait3A_230 = arith.constant 0 : i32
      %dma_wait3A_231 = tpu.memref_slice %arg14[%add3A_28, %dma_wait3A_230] : memref<10240x128xf32, #tpu.memory_space<vmem_shared>> -> memref<32x128xf32, #tpu.memory_space<vmem_shared>>
      %dma_wait3A_232 = arith.constant 0 : i32
      %dma_wait3A_233 = arith.constant 0 : i32
      %dma_wait3A_234 = tpu.memref_slice %arg9[%run_scoped3A_29, %dma_wait3A_232, %dma_wait3A_233] : memref<4x32x128xf32, #tpu.memory_space<vmem>> -> memref<1x32x128xf32, #tpu.memory_space<vmem>>
      %dma_wait3A_235 = tpu.memref_squeeze %dma_wait3A_234 : memref<1x32x128xf32, #tpu.memory_space<vmem>> -> memref<32x128xf32, #tpu.memory_space<vmem>>
      tpu.wait_dma2 semaphore(%run_scoped3A_212 : memref<!tpu.dma_semaphore, #tpu.memory_space<semaphore_mem>>) src(%dma_wait3A_235 : memref<32x128xf32, #tpu.memory_space<vmem>>) dst(%dma_wait3A_231 : memref<32x128xf32, #tpu.memory_space<vmem_shared>>)
      tpu.yield
    }) : () -> ()
    %mul3A_30 = arith.constant 640 : i32
    %mul3A_31 = arith.muli %arg1, %mul3A_30 : i32
    %add3A_32 = arith.constant 160 : i32
    %add3A_33 = arith.addi %mul3A_31, %add3A_32 : i32
    %run_scoped3A_34 = arith.constant 0 : i32
    "tpu.region"() ({
      %run_scoped3A_212 = tpu.sem_alloc : memref<!tpu.dma_semaphore, #tpu.memory_space<semaphore_mem>>
      %dma_start3A_213 = arith.constant 0 : i32
      %dma_start3A_214 = arith.constant 0 : i32
      %dma_start3A_215 = tpu.memref_slice %arg9[%run_scoped3A_34, %dma_start3A_213, %dma_start3A_214] : memref<4x32x128xf32, #tpu.memory_space<vmem>> -> memref<1x32x128xf32, #tpu.memory_space<vmem>>
      %dma_start3A_216 = tpu.memref_squeeze %dma_start3A_215 : memref<1x32x128xf32, #tpu.memory_space<vmem>> -> memref<32x128xf32, #tpu.memory_space<vmem>>
      %dma_start3A_217 = arith.constant 0 : i32
      %dma_start3A_218 = tpu.memref_slice %arg14[%add3A_33, %dma_start3A_217] : memref<10240x128xf32, #tpu.memory_space<vmem_shared>> -> memref<32x128xf32, #tpu.memory_space<vmem_shared>>
      %dma_start3A_219 = arith.constant 0 : i32
      %dma_start3A_220 = tpu.memref_slice %arg14[%add3A_33, %dma_start3A_219] : memref<10240x128xf32, #tpu.memory_space<vmem_shared>> -> memref<32x128xf32, #tpu.memory_space<vmem_shared>>
      %dma_start3A_221 = arith.constant 0 : i32
      %dma_start3A_222 = arith.constant 0 : i32
      %dma_start3A_223 = tpu.memref_slice %arg9[%run_scoped3A_34, %dma_start3A_221, %dma_start3A_222] : memref<4x32x128xf32, #tpu.memory_space<vmem>> -> memref<1x32x128xf32, #tpu.memory_space<vmem>>
      %dma_start3A_224 = tpu.memref_squeeze %dma_start3A_223 : memref<1x32x128xf32, #tpu.memory_space<vmem>> -> memref<32x128xf32, #tpu.memory_space<vmem>>
      tpu.enqueue_dma source(%dma_start3A_224 : memref<32x128xf32, #tpu.memory_space<vmem>>) target(%dma_start3A_220 : memref<32x128xf32, #tpu.memory_space<vmem_shared>>) target_semaphore(%run_scoped3A_212 : memref<!tpu.dma_semaphore, #tpu.memory_space<semaphore_mem>>)
      %dma_wait3A = arith.constant 0 : i32
      %dma_wait3A_225 = arith.constant 0 : i32
      %dma_wait3A_226 = tpu.memref_slice %arg9[%run_scoped3A_34, %dma_wait3A, %dma_wait3A_225] : memref<4x32x128xf32, #tpu.memory_space<vmem>> -> memref<1x32x128xf32, #tpu.memory_space<vmem>>
      %dma_wait3A_227 = tpu.memref_squeeze %dma_wait3A_226 : memref<1x32x128xf32, #tpu.memory_space<vmem>> -> memref<32x128xf32, #tpu.memory_space<vmem>>
      %dma_wait3A_228 = arith.constant 0 : i32
      %dma_wait3A_229 = tpu.memref_slice %arg14[%add3A_33, %dma_wait3A_228] : memref<10240x128xf32, #tpu.memory_space<vmem_shared>> -> memref<32x128xf32, #tpu.memory_space<vmem_shared>>
      %dma_wait3A_230 = arith.constant 0 : i32
      %dma_wait3A_231 = tpu.memref_slice %arg14[%add3A_33, %dma_wait3A_230] : memref<10240x128xf32, #tpu.memory_space<vmem_shared>> -> memref<32x128xf32, #tpu.memory_space<vmem_shared>>
      %dma_wait3A_232 = arith.constant 0 : i32
      %dma_wait3A_233 = arith.constant 0 : i32
      %dma_wait3A_234 = tpu.memref_slice %arg9[%run_scoped3A_34, %dma_wait3A_232, %dma_wait3A_233] : memref<4x32x128xf32, #tpu.memory_space<vmem>> -> memref<1x32x128xf32, #tpu.memory_space<vmem>>
      %dma_wait3A_235 = tpu.memref_squeeze %dma_wait3A_234 : memref<1x32x128xf32, #tpu.memory_space<vmem>> -> memref<32x128xf32, #tpu.memory_space<vmem>>
      tpu.wait_dma2 semaphore(%run_scoped3A_212 : memref<!tpu.dma_semaphore, #tpu.memory_space<semaphore_mem>>) src(%dma_wait3A_235 : memref<32x128xf32, #tpu.memory_space<vmem>>) dst(%dma_wait3A_231 : memref<32x128xf32, #tpu.memory_space<vmem_shared>>)
      tpu.yield
    }) : () -> ()
    %mul3A_35 = arith.constant 640 : i32
    %mul3A_36 = arith.muli %arg1, %mul3A_35 : i32
    %add3A_37 = arith.constant 192 : i32
    %add3A_38 = arith.addi %mul3A_36, %add3A_37 : i32
    %run_scoped3A_39 = arith.constant 0 : i32
    "tpu.region"() ({
      %run_scoped3A_212 = tpu.sem_alloc : memref<!tpu.dma_semaphore, #tpu.memory_space<semaphore_mem>>
      %dma_start3A_213 = arith.constant 0 : i32
      %dma_start3A_214 = arith.constant 0 : i32
      %dma_start3A_215 = tpu.memref_slice %arg9[%run_scoped3A_39, %dma_start3A_213, %dma_start3A_214] : memref<4x32x128xf32, #tpu.memory_space<vmem>> -> memref<1x32x128xf32, #tpu.memory_space<vmem>>
      %dma_start3A_216 = tpu.memref_squeeze %dma_start3A_215 : memref<1x32x128xf32, #tpu.memory_space<vmem>> -> memref<32x128xf32, #tpu.memory_space<vmem>>
      %dma_start3A_217 = arith.constant 0 : i32
      %dma_start3A_218 = tpu.memref_slice %arg14[%add3A_38, %dma_start3A_217] : memref<10240x128xf32, #tpu.memory_space<vmem_shared>> -> memref<32x128xf32, #tpu.memory_space<vmem_shared>>
      %dma_start3A_219 = arith.constant 0 : i32
      %dma_start3A_220 = tpu.memref_slice %arg14[%add3A_38, %dma_start3A_219] : memref<10240x128xf32, #tpu.memory_space<vmem_shared>> -> memref<32x128xf32, #tpu.memory_space<vmem_shared>>
      %dma_start3A_221 = arith.constant 0 : i32
      %dma_start3A_222 = arith.constant 0 : i32
      %dma_start3A_223 = tpu.memref_slice %arg9[%run_scoped3A_39, %dma_start3A_221, %dma_start3A_222] : memref<4x32x128xf32, #tpu.memory_space<vmem>> -> memref<1x32x128xf32, #tpu.memory_space<vmem>>
      %dma_start3A_224 = tpu.memref_squeeze %dma_start3A_223 : memref<1x32x128xf32, #tpu.memory_space<vmem>> -> memref<32x128xf32, #tpu.memory_space<vmem>>
      tpu.enqueue_dma source(%dma_start3A_224 : memref<32x128xf32, #tpu.memory_space<vmem>>) target(%dma_start3A_220 : memref<32x128xf32, #tpu.memory_space<vmem_shared>>) target_semaphore(%run_scoped3A_212 : memref<!tpu.dma_semaphore, #tpu.memory_space<semaphore_mem>>)
      %dma_wait3A = arith.constant 0 : i32
      %dma_wait3A_225 = arith.constant 0 : i32
      %dma_wait3A_226 = tpu.memref_slice %arg9[%run_scoped3A_39, %dma_wait3A, %dma_wait3A_225] : memref<4x32x128xf32, #tpu.memory_space<vmem>> -> memref<1x32x128xf32, #tpu.memory_space<vmem>>
      %dma_wait3A_227 = tpu.memref_squeeze %dma_wait3A_226 : memref<1x32x128xf32, #tpu.memory_space<vmem>> -> memref<32x128xf32, #tpu.memory_space<vmem>>
      %dma_wait3A_228 = arith.constant 0 : i32
      %dma_wait3A_229 = tpu.memref_slice %arg14[%add3A_38, %dma_wait3A_228] : memref<10240x128xf32, #tpu.memory_space<vmem_shared>> -> memref<32x128xf32, #tpu.memory_space<vmem_shared>>
      %dma_wait3A_230 = arith.constant 0 : i32
      %dma_wait3A_231 = tpu.memref_slice %arg14[%add3A_38, %dma_wait3A_230] : memref<10240x128xf32, #tpu.memory_space<vmem_shared>> -> memref<32x128xf32, #tpu.memory_space<vmem_shared>>
      %dma_wait3A_232 = arith.constant 0 : i32
      %dma_wait3A_233 = arith.constant 0 : i32
      %dma_wait3A_234 = tpu.memref_slice %arg9[%run_scoped3A_39, %dma_wait3A_232, %dma_wait3A_233] : memref<4x32x128xf32, #tpu.memory_space<vmem>> -> memref<1x32x128xf32, #tpu.memory_space<vmem>>
      %dma_wait3A_235 = tpu.memref_squeeze %dma_wait3A_234 : memref<1x32x128xf32, #tpu.memory_space<vmem>> -> memref<32x128xf32, #tpu.memory_space<vmem>>
      tpu.wait_dma2 semaphore(%run_scoped3A_212 : memref<!tpu.dma_semaphore, #tpu.memory_space<semaphore_mem>>) src(%dma_wait3A_235 : memref<32x128xf32, #tpu.memory_space<vmem>>) dst(%dma_wait3A_231 : memref<32x128xf32, #tpu.memory_space<vmem_shared>>)
      tpu.yield
    }) : () -> ()
    %mul3A_40 = arith.constant 640 : i32
    %mul3A_41 = arith.muli %arg1, %mul3A_40 : i32
    %add3A_42 = arith.constant 224 : i32
    %add3A_43 = arith.addi %mul3A_41, %add3A_42 : i32
    %run_scoped3A_44 = arith.constant 0 : i32
    "tpu.region"() ({
      %run_scoped3A_212 = tpu.sem_alloc : memref<!tpu.dma_semaphore, #tpu.memory_space<semaphore_mem>>
      %dma_start3A_213 = arith.constant 0 : i32
      %dma_start3A_214 = arith.constant 0 : i32
      %dma_start3A_215 = tpu.memref_slice %arg9[%run_scoped3A_44, %dma_start3A_213, %dma_start3A_214] : memref<4x32x128xf32, #tpu.memory_space<vmem>> -> memref<1x32x128xf32, #tpu.memory_space<vmem>>
      %dma_start3A_216 = tpu.memref_squeeze %dma_start3A_215 : memref<1x32x128xf32, #tpu.memory_space<vmem>> -> memref<32x128xf32, #tpu.memory_space<vmem>>
      %dma_start3A_217 = arith.constant 0 : i32
      %dma_start3A_218 = tpu.memref_slice %arg14[%add3A_43, %dma_start3A_217] : memref<10240x128xf32, #tpu.memory_space<vmem_shared>> -> memref<32x128xf32, #tpu.memory_space<vmem_shared>>
      %dma_start3A_219 = arith.constant 0 : i32
      %dma_start3A_220 = tpu.memref_slice %arg14[%add3A_43, %dma_start3A_219] : memref<10240x128xf32, #tpu.memory_space<vmem_shared>> -> memref<32x128xf32, #tpu.memory_space<vmem_shared>>
      %dma_start3A_221 = arith.constant 0 : i32
      %dma_start3A_222 = arith.constant 0 : i32
      %dma_start3A_223 = tpu.memref_slice %arg9[%run_scoped3A_44, %dma_start3A_221, %dma_start3A_222] : memref<4x32x128xf32, #tpu.memory_space<vmem>> -> memref<1x32x128xf32, #tpu.memory_space<vmem>>
      %dma_start3A_224 = tpu.memref_squeeze %dma_start3A_223 : memref<1x32x128xf32, #tpu.memory_space<vmem>> -> memref<32x128xf32, #tpu.memory_space<vmem>>
      tpu.enqueue_dma source(%dma_start3A_224 : memref<32x128xf32, #tpu.memory_space<vmem>>) target(%dma_start3A_220 : memref<32x128xf32, #tpu.memory_space<vmem_shared>>) target_semaphore(%run_scoped3A_212 : memref<!tpu.dma_semaphore, #tpu.memory_space<semaphore_mem>>)
      %dma_wait3A = arith.constant 0 : i32
      %dma_wait3A_225 = arith.constant 0 : i32
      %dma_wait3A_226 = tpu.memref_slice %arg9[%run_scoped3A_44, %dma_wait3A, %dma_wait3A_225] : memref<4x32x128xf32, #tpu.memory_space<vmem>> -> memref<1x32x128xf32, #tpu.memory_space<vmem>>
      %dma_wait3A_227 = tpu.memref_squeeze %dma_wait3A_226 : memref<1x32x128xf32, #tpu.memory_space<vmem>> -> memref<32x128xf32, #tpu.memory_space<vmem>>
      %dma_wait3A_228 = arith.constant 0 : i32
      %dma_wait3A_229 = tpu.memref_slice %arg14[%add3A_43, %dma_wait3A_228] : memref<10240x128xf32, #tpu.memory_space<vmem_shared>> -> memref<32x128xf32, #tpu.memory_space<vmem_shared>>
      %dma_wait3A_230 = arith.constant 0 : i32
      %dma_wait3A_231 = tpu.memref_slice %arg14[%add3A_43, %dma_wait3A_230] : memref<10240x128xf32, #tpu.memory_space<vmem_shared>> -> memref<32x128xf32, #tpu.memory_space<vmem_shared>>
      %dma_wait3A_232 = arith.constant 0 : i32
      %dma_wait3A_233 = arith.constant 0 : i32
      %dma_wait3A_234 = tpu.memref_slice %arg9[%run_scoped3A_44, %dma_wait3A_232, %dma_wait3A_233] : memref<4x32x128xf32, #tpu.memory_space<vmem>> -> memref<1x32x128xf32, #tpu.memory_space<vmem>>
      %dma_wait3A_235 = tpu.memref_squeeze %dma_wait3A_234 : memref<1x32x128xf32, #tpu.memory_space<vmem>> -> memref<32x128xf32, #tpu.memory_space<vmem>>
      tpu.wait_dma2 semaphore(%run_scoped3A_212 : memref<!tpu.dma_semaphore, #tpu.memory_space<semaphore_mem>>) src(%dma_wait3A_235 : memref<32x128xf32, #tpu.memory_space<vmem>>) dst(%dma_wait3A_231 : memref<32x128xf32, #tpu.memory_space<vmem_shared>>)
      tpu.yield
    }) : () -> ()
    %mul3A_45 = arith.constant 640 : i32
    %mul3A_46 = arith.muli %arg1, %mul3A_45 : i32
    %add3A_47 = arith.constant 256 : i32
    %add3A_48 = arith.addi %mul3A_46, %add3A_47 : i32
    %run_scoped3A_49 = arith.constant 0 : i32
    "tpu.region"() ({
      %run_scoped3A_212 = tpu.sem_alloc : memref<!tpu.dma_semaphore, #tpu.memory_space<semaphore_mem>>
      %dma_start3A_213 = arith.constant 0 : i32
      %dma_start3A_214 = arith.constant 0 : i32
      %dma_start3A_215 = tpu.memref_slice %arg9[%run_scoped3A_49, %dma_start3A_213, %dma_start3A_214] : memref<4x32x128xf32, #tpu.memory_space<vmem>> -> memref<1x32x128xf32, #tpu.memory_space<vmem>>
      %dma_start3A_216 = tpu.memref_squeeze %dma_start3A_215 : memref<1x32x128xf32, #tpu.memory_space<vmem>> -> memref<32x128xf32, #tpu.memory_space<vmem>>
      %dma_start3A_217 = arith.constant 0 : i32
      %dma_start3A_218 = tpu.memref_slice %arg14[%add3A_48, %dma_start3A_217] : memref<10240x128xf32, #tpu.memory_space<vmem_shared>> -> memref<32x128xf32, #tpu.memory_space<vmem_shared>>
      %dma_start3A_219 = arith.constant 0 : i32
      %dma_start3A_220 = tpu.memref_slice %arg14[%add3A_48, %dma_start3A_219] : memref<10240x128xf32, #tpu.memory_space<vmem_shared>> -> memref<32x128xf32, #tpu.memory_space<vmem_shared>>
      %dma_start3A_221 = arith.constant 0 : i32
      %dma_start3A_222 = arith.constant 0 : i32
      %dma_start3A_223 = tpu.memref_slice %arg9[%run_scoped3A_49, %dma_start3A_221, %dma_start3A_222] : memref<4x32x128xf32, #tpu.memory_space<vmem>> -> memref<1x32x128xf32, #tpu.memory_space<vmem>>
      %dma_start3A_224 = tpu.memref_squeeze %dma_start3A_223 : memref<1x32x128xf32, #tpu.memory_space<vmem>> -> memref<32x128xf32, #tpu.memory_space<vmem>>
      tpu.enqueue_dma source(%dma_start3A_224 : memref<32x128xf32, #tpu.memory_space<vmem>>) target(%dma_start3A_220 : memref<32x128xf32, #tpu.memory_space<vmem_shared>>) target_semaphore(%run_scoped3A_212 : memref<!tpu.dma_semaphore, #tpu.memory_space<semaphore_mem>>)
      %dma_wait3A = arith.constant 0 : i32
      %dma_wait3A_225 = arith.constant 0 : i32
      %dma_wait3A_226 = tpu.memref_slice %arg9[%run_scoped3A_49, %dma_wait3A, %dma_wait3A_225] : memref<4x32x128xf32, #tpu.memory_space<vmem>> -> memref<1x32x128xf32, #tpu.memory_space<vmem>>
      %dma_wait3A_227 = tpu.memref_squeeze %dma_wait3A_226 : memref<1x32x128xf32, #tpu.memory_space<vmem>> -> memref<32x128xf32, #tpu.memory_space<vmem>>
      %dma_wait3A_228 = arith.constant 0 : i32
      %dma_wait3A_229 = tpu.memref_slice %arg14[%add3A_48, %dma_wait3A_228] : memref<10240x128xf32, #tpu.memory_space<vmem_shared>> -> memref<32x128xf32, #tpu.memory_space<vmem_shared>>
      %dma_wait3A_230 = arith.constant 0 : i32
      %dma_wait3A_231 = tpu.memref_slice %arg14[%add3A_48, %dma_wait3A_230] : memref<10240x128xf32, #tpu.memory_space<vmem_shared>> -> memref<32x128xf32, #tpu.memory_space<vmem_shared>>
      %dma_wait3A_232 = arith.constant 0 : i32
      %dma_wait3A_233 = arith.constant 0 : i32
      %dma_wait3A_234 = tpu.memref_slice %arg9[%run_scoped3A_49, %dma_wait3A_232, %dma_wait3A_233] : memref<4x32x128xf32, #tpu.memory_space<vmem>> -> memref<1x32x128xf32, #tpu.memory_space<vmem>>
      %dma_wait3A_235 = tpu.memref_squeeze %dma_wait3A_234 : memref<1x32x128xf32, #tpu.memory_space<vmem>> -> memref<32x128xf32, #tpu.memory_space<vmem>>
      tpu.wait_dma2 semaphore(%run_scoped3A_212 : memref<!tpu.dma_semaphore, #tpu.memory_space<semaphore_mem>>) src(%dma_wait3A_235 : memref<32x128xf32, #tpu.memory_space<vmem>>) dst(%dma_wait3A_231 : memref<32x128xf32, #tpu.memory_space<vmem_shared>>)
      tpu.yield
    }) : () -> ()
    %mul3A_50 = arith.constant 640 : i32
    %mul3A_51 = arith.muli %arg1, %mul3A_50 : i32
    %add3A_52 = arith.constant 288 : i32
    %add3A_53 = arith.addi %mul3A_51, %add3A_52 : i32
    %run_scoped3A_54 = arith.constant 0 : i32
    "tpu.region"() ({
      %run_scoped3A_212 = tpu.sem_alloc : memref<!tpu.dma_semaphore, #tpu.memory_space<semaphore_mem>>
      %dma_start3A_213 = arith.constant 0 : i32
      %dma_start3A_214 = arith.constant 0 : i32
      %dma_start3A_215 = tpu.memref_slice %arg9[%run_scoped3A_54, %dma_start3A_213, %dma_start3A_214] : memref<4x32x128xf32, #tpu.memory_space<vmem>> -> memref<1x32x128xf32, #tpu.memory_space<vmem>>
      %dma_start3A_216 = tpu.memref_squeeze %dma_start3A_215 : memref<1x32x128xf32, #tpu.memory_space<vmem>> -> memref<32x128xf32, #tpu.memory_space<vmem>>
      %dma_start3A_217 = arith.constant 0 : i32
      %dma_start3A_218 = tpu.memref_slice %arg14[%add3A_53, %dma_start3A_217] : memref<10240x128xf32, #tpu.memory_space<vmem_shared>> -> memref<32x128xf32, #tpu.memory_space<vmem_shared>>
      %dma_start3A_219 = arith.constant 0 : i32
      %dma_start3A_220 = tpu.memref_slice %arg14[%add3A_53, %dma_start3A_219] : memref<10240x128xf32, #tpu.memory_space<vmem_shared>> -> memref<32x128xf32, #tpu.memory_space<vmem_shared>>
      %dma_start3A_221 = arith.constant 0 : i32
      %dma_start3A_222 = arith.constant 0 : i32
      %dma_start3A_223 = tpu.memref_slice %arg9[%run_scoped3A_54, %dma_start3A_221, %dma_start3A_222] : memref<4x32x128xf32, #tpu.memory_space<vmem>> -> memref<1x32x128xf32, #tpu.memory_space<vmem>>
      %dma_start3A_224 = tpu.memref_squeeze %dma_start3A_223 : memref<1x32x128xf32, #tpu.memory_space<vmem>> -> memref<32x128xf32, #tpu.memory_space<vmem>>
      tpu.enqueue_dma source(%dma_start3A_224 : memref<32x128xf32, #tpu.memory_space<vmem>>) target(%dma_start3A_220 : memref<32x128xf32, #tpu.memory_space<vmem_shared>>) target_semaphore(%run_scoped3A_212 : memref<!tpu.dma_semaphore, #tpu.memory_space<semaphore_mem>>)
      %dma_wait3A = arith.constant 0 : i32
      %dma_wait3A_225 = arith.constant 0 : i32
      %dma_wait3A_226 = tpu.memref_slice %arg9[%run_scoped3A_54, %dma_wait3A, %dma_wait3A_225] : memref<4x32x128xf32, #tpu.memory_space<vmem>> -> memref<1x32x128xf32, #tpu.memory_space<vmem>>
      %dma_wait3A_227 = tpu.memref_squeeze %dma_wait3A_226 : memref<1x32x128xf32, #tpu.memory_space<vmem>> -> memref<32x128xf32, #tpu.memory_space<vmem>>
      %dma_wait3A_228 = arith.constant 0 : i32
      %dma_wait3A_229 = tpu.memref_slice %arg14[%add3A_53, %dma_wait3A_228] : memref<10240x128xf32, #tpu.memory_space<vmem_shared>> -> memref<32x128xf32, #tpu.memory_space<vmem_shared>>
      %dma_wait3A_230 = arith.constant 0 : i32
      %dma_wait3A_231 = tpu.memref_slice %arg14[%add3A_53, %dma_wait3A_230] : memref<10240x128xf32, #tpu.memory_space<vmem_shared>> -> memref<32x128xf32, #tpu.memory_space<vmem_shared>>
      %dma_wait3A_232 = arith.constant 0 : i32
      %dma_wait3A_233 = arith.constant 0 : i32
      %dma_wait3A_234 = tpu.memref_slice %arg9[%run_scoped3A_54, %dma_wait3A_232, %dma_wait3A_233] : memref<4x32x128xf32, #tpu.memory_space<vmem>> -> memref<1x32x128xf32, #tpu.memory_space<vmem>>
      %dma_wait3A_235 = tpu.memref_squeeze %dma_wait3A_234 : memref<1x32x128xf32, #tpu.memory_space<vmem>> -> memref<32x128xf32, #tpu.memory_space<vmem>>
      tpu.wait_dma2 semaphore(%run_scoped3A_212 : memref<!tpu.dma_semaphore, #tpu.memory_space<semaphore_mem>>) src(%dma_wait3A_235 : memref<32x128xf32, #tpu.memory_space<vmem>>) dst(%dma_wait3A_231 : memref<32x128xf32, #tpu.memory_space<vmem_shared>>)
      tpu.yield
    }) : () -> ()
    %mul3A_55 = arith.constant 640 : i32
    %mul3A_56 = arith.muli %arg1, %mul3A_55 : i32
    %add3A_57 = arith.constant 320 : i32
    %add3A_58 = arith.addi %mul3A_56, %add3A_57 : i32
    %run_scoped3A_59 = arith.constant 0 : i32
    "tpu.region"() ({
      %run_scoped3A_212 = tpu.sem_alloc : memref<!tpu.dma_semaphore, #tpu.memory_space<semaphore_mem>>
      %dma_start3A_213 = arith.constant 0 : i32
      %dma_start3A_214 = arith.constant 0 : i32
      %dma_start3A_215 = tpu.memref_slice %arg9[%run_scoped3A_59, %dma_start3A_213, %dma_start3A_214] : memref<4x32x128xf32, #tpu.memory_space<vmem>> -> memref<1x32x128xf32, #tpu.memory_space<vmem>>
      %dma_start3A_216 = tpu.memref_squeeze %dma_start3A_215 : memref<1x32x128xf32, #tpu.memory_space<vmem>> -> memref<32x128xf32, #tpu.memory_space<vmem>>
      %dma_start3A_217 = arith.constant 0 : i32
      %dma_start3A_218 = tpu.memref_slice %arg14[%add3A_58, %dma_start3A_217] : memref<10240x128xf32, #tpu.memory_space<vmem_shared>> -> memref<32x128xf32, #tpu.memory_space<vmem_shared>>
      %dma_start3A_219 = arith.constant 0 : i32
      %dma_start3A_220 = tpu.memref_slice %arg14[%add3A_58, %dma_start3A_219] : memref<10240x128xf32, #tpu.memory_space<vmem_shared>> -> memref<32x128xf32, #tpu.memory_space<vmem_shared>>
      %dma_start3A_221 = arith.constant 0 : i32
      %dma_start3A_222 = arith.constant 0 : i32
      %dma_start3A_223 = tpu.memref_slice %arg9[%run_scoped3A_59, %dma_start3A_221, %dma_start3A_222] : memref<4x32x128xf32, #tpu.memory_space<vmem>> -> memref<1x32x128xf32, #tpu.memory_space<vmem>>
      %dma_start3A_224 = tpu.memref_squeeze %dma_start3A_223 : memref<1x32x128xf32, #tpu.memory_space<vmem>> -> memref<32x128xf32, #tpu.memory_space<vmem>>
      tpu.enqueue_dma source(%dma_start3A_224 : memref<32x128xf32, #tpu.memory_space<vmem>>) target(%dma_start3A_220 : memref<32x128xf32, #tpu.memory_space<vmem_shared>>) target_semaphore(%run_scoped3A_212 : memref<!tpu.dma_semaphore, #tpu.memory_space<semaphore_mem>>)
      %dma_wait3A = arith.constant 0 : i32
      %dma_wait3A_225 = arith.constant 0 : i32
      %dma_wait3A_226 = tpu.memref_slice %arg9[%run_scoped3A_59, %dma_wait3A, %dma_wait3A_225] : memref<4x32x128xf32, #tpu.memory_space<vmem>> -> memref<1x32x128xf32, #tpu.memory_space<vmem>>
      %dma_wait3A_227 = tpu.memref_squeeze %dma_wait3A_226 : memref<1x32x128xf32, #tpu.memory_space<vmem>> -> memref<32x128xf32, #tpu.memory_space<vmem>>
      %dma_wait3A_228 = arith.constant 0 : i32
      %dma_wait3A_229 = tpu.memref_slice %arg14[%add3A_58, %dma_wait3A_228] : memref<10240x128xf32, #tpu.memory_space<vmem_shared>> -> memref<32x128xf32, #tpu.memory_space<vmem_shared>>
      %dma_wait3A_230 = arith.constant 0 : i32
      %dma_wait3A_231 = tpu.memref_slice %arg14[%add3A_58, %dma_wait3A_230] : memref<10240x128xf32, #tpu.memory_space<vmem_shared>> -> memref<32x128xf32, #tpu.memory_space<vmem_shared>>
      %dma_wait3A_232 = arith.constant 0 : i32
      %dma_wait3A_233 = arith.constant 0 : i32
      %dma_wait3A_234 = tpu.memref_slice %arg9[%run_scoped3A_59, %dma_wait3A_232, %dma_wait3A_233] : memref<4x32x128xf32, #tpu.memory_space<vmem>> -> memref<1x32x128xf32, #tpu.memory_space<vmem>>
      %dma_wait3A_235 = tpu.memref_squeeze %dma_wait3A_234 : memref<1x32x128xf32, #tpu.memory_space<vmem>> -> memref<32x128xf32, #tpu.memory_space<vmem>>
      tpu.wait_dma2 semaphore(%run_scoped3A_212 : memref<!tpu.dma_semaphore, #tpu.memory_space<semaphore_mem>>) src(%dma_wait3A_235 : memref<32x128xf32, #tpu.memory_space<vmem>>) dst(%dma_wait3A_231 : memref<32x128xf32, #tpu.memory_space<vmem_shared>>)
      tpu.yield
    }) : () -> ()
    %mul3A_60 = arith.constant 640 : i32
    %mul3A_61 = arith.muli %arg1, %mul3A_60 : i32
    %add3A_62 = arith.constant 352 : i32
    %add3A_63 = arith.addi %mul3A_61, %add3A_62 : i32
    %run_scoped3A_64 = arith.constant 0 : i32
    "tpu.region"() ({
      %run_scoped3A_212 = tpu.sem_alloc : memref<!tpu.dma_semaphore, #tpu.memory_space<semaphore_mem>>
      %dma_start3A_213 = arith.constant 0 : i32
      %dma_start3A_214 = arith.constant 0 : i32
      %dma_start3A_215 = tpu.memref_slice %arg9[%run_scoped3A_64, %dma_start3A_213, %dma_start3A_214] : memref<4x32x128xf32, #tpu.memory_space<vmem>> -> memref<1x32x128xf32, #tpu.memory_space<vmem>>
      %dma_start3A_216 = tpu.memref_squeeze %dma_start3A_215 : memref<1x32x128xf32, #tpu.memory_space<vmem>> -> memref<32x128xf32, #tpu.memory_space<vmem>>
      %dma_start3A_217 = arith.constant 0 : i32
      %dma_start3A_218 = tpu.memref_slice %arg14[%add3A_63, %dma_start3A_217] : memref<10240x128xf32, #tpu.memory_space<vmem_shared>> -> memref<32x128xf32, #tpu.memory_space<vmem_shared>>
      %dma_start3A_219 = arith.constant 0 : i32
      %dma_start3A_220 = tpu.memref_slice %arg14[%add3A_63, %dma_start3A_219] : memref<10240x128xf32, #tpu.memory_space<vmem_shared>> -> memref<32x128xf32, #tpu.memory_space<vmem_shared>>
      %dma_start3A_221 = arith.constant 0 : i32
      %dma_start3A_222 = arith.constant 0 : i32
      %dma_start3A_223 = tpu.memref_slice %arg9[%run_scoped3A_64, %dma_start3A_221, %dma_start3A_222] : memref<4x32x128xf32, #tpu.memory_space<vmem>> -> memref<1x32x128xf32, #tpu.memory_space<vmem>>
      %dma_start3A_224 = tpu.memref_squeeze %dma_start3A_223 : memref<1x32x128xf32, #tpu.memory_space<vmem>> -> memref<32x128xf32, #tpu.memory_space<vmem>>
      tpu.enqueue_dma source(%dma_start3A_224 : memref<32x128xf32, #tpu.memory_space<vmem>>) target(%dma_start3A_220 : memref<32x128xf32, #tpu.memory_space<vmem_shared>>) target_semaphore(%run_scoped3A_212 : memref<!tpu.dma_semaphore, #tpu.memory_space<semaphore_mem>>)
      %dma_wait3A = arith.constant 0 : i32
      %dma_wait3A_225 = arith.constant 0 : i32
      %dma_wait3A_226 = tpu.memref_slice %arg9[%run_scoped3A_64, %dma_wait3A, %dma_wait3A_225] : memref<4x32x128xf32, #tpu.memory_space<vmem>> -> memref<1x32x128xf32, #tpu.memory_space<vmem>>
      %dma_wait3A_227 = tpu.memref_squeeze %dma_wait3A_226 : memref<1x32x128xf32, #tpu.memory_space<vmem>> -> memref<32x128xf32, #tpu.memory_space<vmem>>
      %dma_wait3A_228 = arith.constant 0 : i32
      %dma_wait3A_229 = tpu.memref_slice %arg14[%add3A_63, %dma_wait3A_228] : memref<10240x128xf32, #tpu.memory_space<vmem_shared>> -> memref<32x128xf32, #tpu.memory_space<vmem_shared>>
      %dma_wait3A_230 = arith.constant 0 : i32
      %dma_wait3A_231 = tpu.memref_slice %arg14[%add3A_63, %dma_wait3A_230] : memref<10240x128xf32, #tpu.memory_space<vmem_shared>> -> memref<32x128xf32, #tpu.memory_space<vmem_shared>>
      %dma_wait3A_232 = arith.constant 0 : i32
      %dma_wait3A_233 = arith.constant 0 : i32
      %dma_wait3A_234 = tpu.memref_slice %arg9[%run_scoped3A_64, %dma_wait3A_232, %dma_wait3A_233] : memref<4x32x128xf32, #tpu.memory_space<vmem>> -> memref<1x32x128xf32, #tpu.memory_space<vmem>>
      %dma_wait3A_235 = tpu.memref_squeeze %dma_wait3A_234 : memref<1x32x128xf32, #tpu.memory_space<vmem>> -> memref<32x128xf32, #tpu.memory_space<vmem>>
      tpu.wait_dma2 semaphore(%run_scoped3A_212 : memref<!tpu.dma_semaphore, #tpu.memory_space<semaphore_mem>>) src(%dma_wait3A_235 : memref<32x128xf32, #tpu.memory_space<vmem>>) dst(%dma_wait3A_231 : memref<32x128xf32, #tpu.memory_space<vmem_shared>>)
      tpu.yield
    }) : () -> ()
    %mul3A_65 = arith.constant 640 : i32
    %mul3A_66 = arith.muli %arg1, %mul3A_65 : i32
    %add3A_67 = arith.constant 384 : i32
    %add3A_68 = arith.addi %mul3A_66, %add3A_67 : i32
    %run_scoped3A_69 = arith.constant 0 : i32
    "tpu.region"() ({
      %run_scoped3A_212 = tpu.sem_alloc : memref<!tpu.dma_semaphore, #tpu.memory_space<semaphore_mem>>
      %dma_start3A_213 = arith.constant 0 : i32
      %dma_start3A_214 = arith.constant 0 : i32
      %dma_start3A_215 = tpu.memref_slice %arg9[%run_scoped3A_69, %dma_start3A_213, %dma_start3A_214] : memref<4x32x128xf32, #tpu.memory_space<vmem>> -> memref<1x32x128xf32, #tpu.memory_space<vmem>>
      %dma_start3A_216 = tpu.memref_squeeze %dma_start3A_215 : memref<1x32x128xf32, #tpu.memory_space<vmem>> -> memref<32x128xf32, #tpu.memory_space<vmem>>
      %dma_start3A_217 = arith.constant 0 : i32
      %dma_start3A_218 = tpu.memref_slice %arg14[%add3A_68, %dma_start3A_217] : memref<10240x128xf32, #tpu.memory_space<vmem_shared>> -> memref<32x128xf32, #tpu.memory_space<vmem_shared>>
      %dma_start3A_219 = arith.constant 0 : i32
      %dma_start3A_220 = tpu.memref_slice %arg14[%add3A_68, %dma_start3A_219] : memref<10240x128xf32, #tpu.memory_space<vmem_shared>> -> memref<32x128xf32, #tpu.memory_space<vmem_shared>>
      %dma_start3A_221 = arith.constant 0 : i32
      %dma_start3A_222 = arith.constant 0 : i32
      %dma_start3A_223 = tpu.memref_slice %arg9[%run_scoped3A_69, %dma_start3A_221, %dma_start3A_222] : memref<4x32x128xf32, #tpu.memory_space<vmem>> -> memref<1x32x128xf32, #tpu.memory_space<vmem>>
      %dma_start3A_224 = tpu.memref_squeeze %dma_start3A_223 : memref<1x32x128xf32, #tpu.memory_space<vmem>> -> memref<32x128xf32, #tpu.memory_space<vmem>>
      tpu.enqueue_dma source(%dma_start3A_224 : memref<32x128xf32, #tpu.memory_space<vmem>>) target(%dma_start3A_220 : memref<32x128xf32, #tpu.memory_space<vmem_shared>>) target_semaphore(%run_scoped3A_212 : memref<!tpu.dma_semaphore, #tpu.memory_space<semaphore_mem>>)
      %dma_wait3A = arith.constant 0 : i32
      %dma_wait3A_225 = arith.constant 0 : i32
      %dma_wait3A_226 = tpu.memref_slice %arg9[%run_scoped3A_69, %dma_wait3A, %dma_wait3A_225] : memref<4x32x128xf32, #tpu.memory_space<vmem>> -> memref<1x32x128xf32, #tpu.memory_space<vmem>>
      %dma_wait3A_227 = tpu.memref_squeeze %dma_wait3A_226 : memref<1x32x128xf32, #tpu.memory_space<vmem>> -> memref<32x128xf32, #tpu.memory_space<vmem>>
      %dma_wait3A_228 = arith.constant 0 : i32
      %dma_wait3A_229 = tpu.memref_slice %arg14[%add3A_68, %dma_wait3A_228] : memref<10240x128xf32, #tpu.memory_space<vmem_shared>> -> memref<32x128xf32, #tpu.memory_space<vmem_shared>>
      %dma_wait3A_230 = arith.constant 0 : i32
      %dma_wait3A_231 = tpu.memref_slice %arg14[%add3A_68, %dma_wait3A_230] : memref<10240x128xf32, #tpu.memory_space<vmem_shared>> -> memref<32x128xf32, #tpu.memory_space<vmem_shared>>
      %dma_wait3A_232 = arith.constant 0 : i32
      %dma_wait3A_233 = arith.constant 0 : i32
      %dma_wait3A_234 = tpu.memref_slice %arg9[%run_scoped3A_69, %dma_wait3A_232, %dma_wait3A_233] : memref<4x32x128xf32, #tpu.memory_space<vmem>> -> memref<1x32x128xf32, #tpu.memory_space<vmem>>
      %dma_wait3A_235 = tpu.memref_squeeze %dma_wait3A_234 : memref<1x32x128xf32, #tpu.memory_space<vmem>> -> memref<32x128xf32, #tpu.memory_space<vmem>>
      tpu.wait_dma2 semaphore(%run_scoped3A_212 : memref<!tpu.dma_semaphore, #tpu.memory_space<semaphore_mem>>) src(%dma_wait3A_235 : memref<32x128xf32, #tpu.memory_space<vmem>>) dst(%dma_wait3A_231 : memref<32x128xf32, #tpu.memory_space<vmem_shared>>)
      tpu.yield
    }) : () -> ()
    %mul3A_70 = arith.constant 640 : i32
    %mul3A_71 = arith.muli %arg1, %mul3A_70 : i32
    %add3A_72 = arith.constant 416 : i32
    %add3A_73 = arith.addi %mul3A_71, %add3A_72 : i32
    %run_scoped3A_74 = arith.constant 0 : i32
    "tpu.region"() ({
      %run_scoped3A_212 = tpu.sem_alloc : memref<!tpu.dma_semaphore, #tpu.memory_space<semaphore_mem>>
      %dma_start3A_213 = arith.constant 0 : i32
      %dma_start3A_214 = arith.constant 0 : i32
      %dma_start3A_215 = tpu.memref_slice %arg9[%run_scoped3A_74, %dma_start3A_213, %dma_start3A_214] : memref<4x32x128xf32, #tpu.memory_space<vmem>> -> memref<1x32x128xf32, #tpu.memory_space<vmem>>
      %dma_start3A_216 = tpu.memref_squeeze %dma_start3A_215 : memref<1x32x128xf32, #tpu.memory_space<vmem>> -> memref<32x128xf32, #tpu.memory_space<vmem>>
      %dma_start3A_217 = arith.constant 0 : i32
      %dma_start3A_218 = tpu.memref_slice %arg14[%add3A_73, %dma_start3A_217] : memref<10240x128xf32, #tpu.memory_space<vmem_shared>> -> memref<32x128xf32, #tpu.memory_space<vmem_shared>>
      %dma_start3A_219 = arith.constant 0 : i32
      %dma_start3A_220 = tpu.memref_slice %arg14[%add3A_73, %dma_start3A_219] : memref<10240x128xf32, #tpu.memory_space<vmem_shared>> -> memref<32x128xf32, #tpu.memory_space<vmem_shared>>
      %dma_start3A_221 = arith.constant 0 : i32
      %dma_start3A_222 = arith.constant 0 : i32
      %dma_start3A_223 = tpu.memref_slice %arg9[%run_scoped3A_74, %dma_start3A_221, %dma_start3A_222] : memref<4x32x128xf32, #tpu.memory_space<vmem>> -> memref<1x32x128xf32, #tpu.memory_space<vmem>>
      %dma_start3A_224 = tpu.memref_squeeze %dma_start3A_223 : memref<1x32x128xf32, #tpu.memory_space<vmem>> -> memref<32x128xf32, #tpu.memory_space<vmem>>
      tpu.enqueue_dma source(%dma_start3A_224 : memref<32x128xf32, #tpu.memory_space<vmem>>) target(%dma_start3A_220 : memref<32x128xf32, #tpu.memory_space<vmem_shared>>) target_semaphore(%run_scoped3A_212 : memref<!tpu.dma_semaphore, #tpu.memory_space<semaphore_mem>>)
      %dma_wait3A = arith.constant 0 : i32
      %dma_wait3A_225 = arith.constant 0 : i32
      %dma_wait3A_226 = tpu.memref_slice %arg9[%run_scoped3A_74, %dma_wait3A, %dma_wait3A_225] : memref<4x32x128xf32, #tpu.memory_space<vmem>> -> memref<1x32x128xf32, #tpu.memory_space<vmem>>
      %dma_wait3A_227 = tpu.memref_squeeze %dma_wait3A_226 : memref<1x32x128xf32, #tpu.memory_space<vmem>> -> memref<32x128xf32, #tpu.memory_space<vmem>>
      %dma_wait3A_228 = arith.constant 0 : i32
      %dma_wait3A_229 = tpu.memref_slice %arg14[%add3A_73, %dma_wait3A_228] : memref<10240x128xf32, #tpu.memory_space<vmem_shared>> -> memref<32x128xf32, #tpu.memory_space<vmem_shared>>
      %dma_wait3A_230 = arith.constant 0 : i32
      %dma_wait3A_231 = tpu.memref_slice %arg14[%add3A_73, %dma_wait3A_230] : memref<10240x128xf32, #tpu.memory_space<vmem_shared>> -> memref<32x128xf32, #tpu.memory_space<vmem_shared>>
      %dma_wait3A_232 = arith.constant 0 : i32
      %dma_wait3A_233 = arith.constant 0 : i32
      %dma_wait3A_234 = tpu.memref_slice %arg9[%run_scoped3A_74, %dma_wait3A_232, %dma_wait3A_233] : memref<4x32x128xf32, #tpu.memory_space<vmem>> -> memref<1x32x128xf32, #tpu.memory_space<vmem>>
      %dma_wait3A_235 = tpu.memref_squeeze %dma_wait3A_234 : memref<1x32x128xf32, #tpu.memory_space<vmem>> -> memref<32x128xf32, #tpu.memory_space<vmem>>
      tpu.wait_dma2 semaphore(%run_scoped3A_212 : memref<!tpu.dma_semaphore, #tpu.memory_space<semaphore_mem>>) src(%dma_wait3A_235 : memref<32x128xf32, #tpu.memory_space<vmem>>) dst(%dma_wait3A_231 : memref<32x128xf32, #tpu.memory_space<vmem_shared>>)
      tpu.yield
    }) : () -> ()
    %mul3A_75 = arith.constant 640 : i32
    %mul3A_76 = arith.muli %arg1, %mul3A_75 : i32
    %add3A_77 = arith.constant 448 : i32
    %add3A_78 = arith.addi %mul3A_76, %add3A_77 : i32
    %run_scoped3A_79 = arith.constant 0 : i32
    "tpu.region"() ({
      %run_scoped3A_212 = tpu.sem_alloc : memref<!tpu.dma_semaphore, #tpu.memory_space<semaphore_mem>>
      %dma_start3A_213 = arith.constant 0 : i32
      %dma_start3A_214 = arith.constant 0 : i32
      %dma_start3A_215 = tpu.memref_slice %arg9[%run_scoped3A_79, %dma_start3A_213, %dma_start3A_214] : memref<4x32x128xf32, #tpu.memory_space<vmem>> -> memref<1x32x128xf32, #tpu.memory_space<vmem>>
      %dma_start3A_216 = tpu.memref_squeeze %dma_start3A_215 : memref<1x32x128xf32, #tpu.memory_space<vmem>> -> memref<32x128xf32, #tpu.memory_space<vmem>>
      %dma_start3A_217 = arith.constant 0 : i32
      %dma_start3A_218 = tpu.memref_slice %arg14[%add3A_78, %dma_start3A_217] : memref<10240x128xf32, #tpu.memory_space<vmem_shared>> -> memref<32x128xf32, #tpu.memory_space<vmem_shared>>
      %dma_start3A_219 = arith.constant 0 : i32
      %dma_start3A_220 = tpu.memref_slice %arg14[%add3A_78, %dma_start3A_219] : memref<10240x128xf32, #tpu.memory_space<vmem_shared>> -> memref<32x128xf32, #tpu.memory_space<vmem_shared>>
      %dma_start3A_221 = arith.constant 0 : i32
      %dma_start3A_222 = arith.constant 0 : i32
      %dma_start3A_223 = tpu.memref_slice %arg9[%run_scoped3A_79, %dma_start3A_221, %dma_start3A_222] : memref<4x32x128xf32, #tpu.memory_space<vmem>> -> memref<1x32x128xf32, #tpu.memory_space<vmem>>
      %dma_start3A_224 = tpu.memref_squeeze %dma_start3A_223 : memref<1x32x128xf32, #tpu.memory_space<vmem>> -> memref<32x128xf32, #tpu.memory_space<vmem>>
      tpu.enqueue_dma source(%dma_start3A_224 : memref<32x128xf32, #tpu.memory_space<vmem>>) target(%dma_start3A_220 : memref<32x128xf32, #tpu.memory_space<vmem_shared>>) target_semaphore(%run_scoped3A_212 : memref<!tpu.dma_semaphore, #tpu.memory_space<semaphore_mem>>)
      %dma_wait3A = arith.constant 0 : i32
      %dma_wait3A_225 = arith.constant 0 : i32
      %dma_wait3A_226 = tpu.memref_slice %arg9[%run_scoped3A_79, %dma_wait3A, %dma_wait3A_225] : memref<4x32x128xf32, #tpu.memory_space<vmem>> -> memref<1x32x128xf32, #tpu.memory_space<vmem>>
      %dma_wait3A_227 = tpu.memref_squeeze %dma_wait3A_226 : memref<1x32x128xf32, #tpu.memory_space<vmem>> -> memref<32x128xf32, #tpu.memory_space<vmem>>
      %dma_wait3A_228 = arith.constant 0 : i32
      %dma_wait3A_229 = tpu.memref_slice %arg14[%add3A_78, %dma_wait3A_228] : memref<10240x128xf32, #tpu.memory_space<vmem_shared>> -> memref<32x128xf32, #tpu.memory_space<vmem_shared>>
      %dma_wait3A_230 = arith.constant 0 : i32
      %dma_wait3A_231 = tpu.memref_slice %arg14[%add3A_78, %dma_wait3A_230] : memref<10240x128xf32, #tpu.memory_space<vmem_shared>> -> memref<32x128xf32, #tpu.memory_space<vmem_shared>>
      %dma_wait3A_232 = arith.constant 0 : i32
      %dma_wait3A_233 = arith.constant 0 : i32
      %dma_wait3A_234 = tpu.memref_slice %arg9[%run_scoped3A_79, %dma_wait3A_232, %dma_wait3A_233] : memref<4x32x128xf32, #tpu.memory_space<vmem>> -> memref<1x32x128xf32, #tpu.memory_space<vmem>>
      %dma_wait3A_235 = tpu.memref_squeeze %dma_wait3A_234 : memref<1x32x128xf32, #tpu.memory_space<vmem>> -> memref<32x128xf32, #tpu.memory_space<vmem>>
      tpu.wait_dma2 semaphore(%run_scoped3A_212 : memref<!tpu.dma_semaphore, #tpu.memory_space<semaphore_mem>>) src(%dma_wait3A_235 : memref<32x128xf32, #tpu.memory_space<vmem>>) dst(%dma_wait3A_231 : memref<32x128xf32, #tpu.memory_space<vmem_shared>>)
      tpu.yield
    }) : () -> ()
    %mul3A_80 = arith.constant 640 : i32
    %mul3A_81 = arith.muli %arg1, %mul3A_80 : i32
    %add3A_82 = arith.constant 480 : i32
    %add3A_83 = arith.addi %mul3A_81, %add3A_82 : i32
    %run_scoped3A_84 = arith.constant 0 : i32
    "tpu.region"() ({
      %run_scoped3A_212 = tpu.sem_alloc : memref<!tpu.dma_semaphore, #tpu.memory_space<semaphore_mem>>
      %dma_start3A_213 = arith.constant 0 : i32
      %dma_start3A_214 = arith.constant 0 : i32
      %dma_start3A_215 = tpu.memref_slice %arg9[%run_scoped3A_84, %dma_start3A_213, %dma_start3A_214] : memref<4x32x128xf32, #tpu.memory_space<vmem>> -> memref<1x32x128xf32, #tpu.memory_space<vmem>>
      %dma_start3A_216 = tpu.memref_squeeze %dma_start3A_215 : memref<1x32x128xf32, #tpu.memory_space<vmem>> -> memref<32x128xf32, #tpu.memory_space<vmem>>
      %dma_start3A_217 = arith.constant 0 : i32
      %dma_start3A_218 = tpu.memref_slice %arg14[%add3A_83, %dma_start3A_217] : memref<10240x128xf32, #tpu.memory_space<vmem_shared>> -> memref<32x128xf32, #tpu.memory_space<vmem_shared>>
      %dma_start3A_219 = arith.constant 0 : i32
      %dma_start3A_220 = tpu.memref_slice %arg14[%add3A_83, %dma_start3A_219] : memref<10240x128xf32, #tpu.memory_space<vmem_shared>> -> memref<32x128xf32, #tpu.memory_space<vmem_shared>>
      %dma_start3A_221 = arith.constant 0 : i32
      %dma_start3A_222 = arith.constant 0 : i32
      %dma_start3A_223 = tpu.memref_slice %arg9[%run_scoped3A_84, %dma_start3A_221, %dma_start3A_222] : memref<4x32x128xf32, #tpu.memory_space<vmem>> -> memref<1x32x128xf32, #tpu.memory_space<vmem>>
      %dma_start3A_224 = tpu.memref_squeeze %dma_start3A_223 : memref<1x32x128xf32, #tpu.memory_space<vmem>> -> memref<32x128xf32, #tpu.memory_space<vmem>>
      tpu.enqueue_dma source(%dma_start3A_224 : memref<32x128xf32, #tpu.memory_space<vmem>>) target(%dma_start3A_220 : memref<32x128xf32, #tpu.memory_space<vmem_shared>>) target_semaphore(%run_scoped3A_212 : memref<!tpu.dma_semaphore, #tpu.memory_space<semaphore_mem>>)
      %dma_wait3A = arith.constant 0 : i32
      %dma_wait3A_225 = arith.constant 0 : i32
      %dma_wait3A_226 = tpu.memref_slice %arg9[%run_scoped3A_84, %dma_wait3A, %dma_wait3A_225] : memref<4x32x128xf32, #tpu.memory_space<vmem>> -> memref<1x32x128xf32, #tpu.memory_space<vmem>>
      %dma_wait3A_227 = tpu.memref_squeeze %dma_wait3A_226 : memref<1x32x128xf32, #tpu.memory_space<vmem>> -> memref<32x128xf32, #tpu.memory_space<vmem>>
      %dma_wait3A_228 = arith.constant 0 : i32
      %dma_wait3A_229 = tpu.memref_slice %arg14[%add3A_83, %dma_wait3A_228] : memref<10240x128xf32, #tpu.memory_space<vmem_shared>> -> memref<32x128xf32, #tpu.memory_space<vmem_shared>>
      %dma_wait3A_230 = arith.constant 0 : i32
      %dma_wait3A_231 = tpu.memref_slice %arg14[%add3A_83, %dma_wait3A_230] : memref<10240x128xf32, #tpu.memory_space<vmem_shared>> -> memref<32x128xf32, #tpu.memory_space<vmem_shared>>
      %dma_wait3A_232 = arith.constant 0 : i32
      %dma_wait3A_233 = arith.constant 0 : i32
      %dma_wait3A_234 = tpu.memref_slice %arg9[%run_scoped3A_84, %dma_wait3A_232, %dma_wait3A_233] : memref<4x32x128xf32, #tpu.memory_space<vmem>> -> memref<1x32x128xf32, #tpu.memory_space<vmem>>
      %dma_wait3A_235 = tpu.memref_squeeze %dma_wait3A_234 : memref<1x32x128xf32, #tpu.memory_space<vmem>> -> memref<32x128xf32, #tpu.memory_space<vmem>>
      tpu.wait_dma2 semaphore(%run_scoped3A_212 : memref<!tpu.dma_semaphore, #tpu.memory_space<semaphore_mem>>) src(%dma_wait3A_235 : memref<32x128xf32, #tpu.memory_space<vmem>>) dst(%dma_wait3A_231 : memref<32x128xf32, #tpu.memory_space<vmem_shared>>)
      tpu.yield
    }) : () -> ()
    %mul3A_85 = arith.constant 640 : i32
    %mul3A_86 = arith.muli %arg1, %mul3A_85 : i32
    %add3A_87 = arith.constant 512 : i32
    %add3A_88 = arith.addi %mul3A_86, %add3A_87 : i32
    %run_scoped3A_89 = arith.constant 0 : i32
    "tpu.region"() ({
      %run_scoped3A_212 = tpu.sem_alloc : memref<!tpu.dma_semaphore, #tpu.memory_space<semaphore_mem>>
      %dma_start3A_213 = arith.constant 0 : i32
      %dma_start3A_214 = arith.constant 0 : i32
      %dma_start3A_215 = tpu.memref_slice %arg9[%run_scoped3A_89, %dma_start3A_213, %dma_start3A_214] : memref<4x32x128xf32, #tpu.memory_space<vmem>> -> memref<1x32x128xf32, #tpu.memory_space<vmem>>
      %dma_start3A_216 = tpu.memref_squeeze %dma_start3A_215 : memref<1x32x128xf32, #tpu.memory_space<vmem>> -> memref<32x128xf32, #tpu.memory_space<vmem>>
      %dma_start3A_217 = arith.constant 0 : i32
      %dma_start3A_218 = tpu.memref_slice %arg14[%add3A_88, %dma_start3A_217] : memref<10240x128xf32, #tpu.memory_space<vmem_shared>> -> memref<32x128xf32, #tpu.memory_space<vmem_shared>>
      %dma_start3A_219 = arith.constant 0 : i32
      %dma_start3A_220 = tpu.memref_slice %arg14[%add3A_88, %dma_start3A_219] : memref<10240x128xf32, #tpu.memory_space<vmem_shared>> -> memref<32x128xf32, #tpu.memory_space<vmem_shared>>
      %dma_start3A_221 = arith.constant 0 : i32
      %dma_start3A_222 = arith.constant 0 : i32
      %dma_start3A_223 = tpu.memref_slice %arg9[%run_scoped3A_89, %dma_start3A_221, %dma_start3A_222] : memref<4x32x128xf32, #tpu.memory_space<vmem>> -> memref<1x32x128xf32, #tpu.memory_space<vmem>>
      %dma_start3A_224 = tpu.memref_squeeze %dma_start3A_223 : memref<1x32x128xf32, #tpu.memory_space<vmem>> -> memref<32x128xf32, #tpu.memory_space<vmem>>
      tpu.enqueue_dma source(%dma_start3A_224 : memref<32x128xf32, #tpu.memory_space<vmem>>) target(%dma_start3A_220 : memref<32x128xf32, #tpu.memory_space<vmem_shared>>) target_semaphore(%run_scoped3A_212 : memref<!tpu.dma_semaphore, #tpu.memory_space<semaphore_mem>>)
      %dma_wait3A = arith.constant 0 : i32
      %dma_wait3A_225 = arith.constant 0 : i32
      %dma_wait3A_226 = tpu.memref_slice %arg9[%run_scoped3A_89, %dma_wait3A, %dma_wait3A_225] : memref<4x32x128xf32, #tpu.memory_space<vmem>> -> memref<1x32x128xf32, #tpu.memory_space<vmem>>
      %dma_wait3A_227 = tpu.memref_squeeze %dma_wait3A_226 : memref<1x32x128xf32, #tpu.memory_space<vmem>> -> memref<32x128xf32, #tpu.memory_space<vmem>>
      %dma_wait3A_228 = arith.constant 0 : i32
      %dma_wait3A_229 = tpu.memref_slice %arg14[%add3A_88, %dma_wait3A_228] : memref<10240x128xf32, #tpu.memory_space<vmem_shared>> -> memref<32x128xf32, #tpu.memory_space<vmem_shared>>
      %dma_wait3A_230 = arith.constant 0 : i32
      %dma_wait3A_231 = tpu.memref_slice %arg14[%add3A_88, %dma_wait3A_230] : memref<10240x128xf32, #tpu.memory_space<vmem_shared>> -> memref<32x128xf32, #tpu.memory_space<vmem_shared>>
      %dma_wait3A_232 = arith.constant 0 : i32
      %dma_wait3A_233 = arith.constant 0 : i32
      %dma_wait3A_234 = tpu.memref_slice %arg9[%run_scoped3A_89, %dma_wait3A_232, %dma_wait3A_233] : memref<4x32x128xf32, #tpu.memory_space<vmem>> -> memref<1x32x128xf32, #tpu.memory_space<vmem>>
      %dma_wait3A_235 = tpu.memref_squeeze %dma_wait3A_234 : memref<1x32x128xf32, #tpu.memory_space<vmem>> -> memref<32x128xf32, #tpu.memory_space<vmem>>
      tpu.wait_dma2 semaphore(%run_scoped3A_212 : memref<!tpu.dma_semaphore, #tpu.memory_space<semaphore_mem>>) src(%dma_wait3A_235 : memref<32x128xf32, #tpu.memory_space<vmem>>) dst(%dma_wait3A_231 : memref<32x128xf32, #tpu.memory_space<vmem_shared>>)
      tpu.yield
    }) : () -> ()
    %mul3A_90 = arith.constant 640 : i32
    %mul3A_91 = arith.muli %arg1, %mul3A_90 : i32
    %add3A_92 = arith.constant 544 : i32
    %add3A_93 = arith.addi %mul3A_91, %add3A_92 : i32
    %run_scoped3A_94 = arith.constant 0 : i32
    "tpu.region"() ({
      %run_scoped3A_212 = tpu.sem_alloc : memref<!tpu.dma_semaphore, #tpu.memory_space<semaphore_mem>>
      %dma_start3A_213 = arith.constant 0 : i32
      %dma_start3A_214 = arith.constant 0 : i32
      %dma_start3A_215 = tpu.memref_slice %arg9[%run_scoped3A_94, %dma_start3A_213, %dma_start3A_214] : memref<4x32x128xf32, #tpu.memory_space<vmem>> -> memref<1x32x128xf32, #tpu.memory_space<vmem>>
      %dma_start3A_216 = tpu.memref_squeeze %dma_start3A_215 : memref<1x32x128xf32, #tpu.memory_space<vmem>> -> memref<32x128xf32, #tpu.memory_space<vmem>>
      %dma_start3A_217 = arith.constant 0 : i32
      %dma_start3A_218 = tpu.memref_slice %arg14[%add3A_93, %dma_start3A_217] : memref<10240x128xf32, #tpu.memory_space<vmem_shared>> -> memref<32x128xf32, #tpu.memory_space<vmem_shared>>
      %dma_start3A_219 = arith.constant 0 : i32
      %dma_start3A_220 = tpu.memref_slice %arg14[%add3A_93, %dma_start3A_219] : memref<10240x128xf32, #tpu.memory_space<vmem_shared>> -> memref<32x128xf32, #tpu.memory_space<vmem_shared>>
      %dma_start3A_221 = arith.constant 0 : i32
      %dma_start3A_222 = arith.constant 0 : i32
      %dma_start3A_223 = tpu.memref_slice %arg9[%run_scoped3A_94, %dma_start3A_221, %dma_start3A_222] : memref<4x32x128xf32, #tpu.memory_space<vmem>> -> memref<1x32x128xf32, #tpu.memory_space<vmem>>
      %dma_start3A_224 = tpu.memref_squeeze %dma_start3A_223 : memref<1x32x128xf32, #tpu.memory_space<vmem>> -> memref<32x128xf32, #tpu.memory_space<vmem>>
      tpu.enqueue_dma source(%dma_start3A_224 : memref<32x128xf32, #tpu.memory_space<vmem>>) target(%dma_start3A_220 : memref<32x128xf32, #tpu.memory_space<vmem_shared>>) target_semaphore(%run_scoped3A_212 : memref<!tpu.dma_semaphore, #tpu.memory_space<semaphore_mem>>)
      %dma_wait3A = arith.constant 0 : i32
      %dma_wait3A_225 = arith.constant 0 : i32
      %dma_wait3A_226 = tpu.memref_slice %arg9[%run_scoped3A_94, %dma_wait3A, %dma_wait3A_225] : memref<4x32x128xf32, #tpu.memory_space<vmem>> -> memref<1x32x128xf32, #tpu.memory_space<vmem>>
      %dma_wait3A_227 = tpu.memref_squeeze %dma_wait3A_226 : memref<1x32x128xf32, #tpu.memory_space<vmem>> -> memref<32x128xf32, #tpu.memory_space<vmem>>
      %dma_wait3A_228 = arith.constant 0 : i32
      %dma_wait3A_229 = tpu.memref_slice %arg14[%add3A_93, %dma_wait3A_228] : memref<10240x128xf32, #tpu.memory_space<vmem_shared>> -> memref<32x128xf32, #tpu.memory_space<vmem_shared>>
      %dma_wait3A_230 = arith.constant 0 : i32
      %dma_wait3A_231 = tpu.memref_slice %arg14[%add3A_93, %dma_wait3A_230] : memref<10240x128xf32, #tpu.memory_space<vmem_shared>> -> memref<32x128xf32, #tpu.memory_space<vmem_shared>>
      %dma_wait3A_232 = arith.constant 0 : i32
      %dma_wait3A_233 = arith.constant 0 : i32
      %dma_wait3A_234 = tpu.memref_slice %arg9[%run_scoped3A_94, %dma_wait3A_232, %dma_wait3A_233] : memref<4x32x128xf32, #tpu.memory_space<vmem>> -> memref<1x32x128xf32, #tpu.memory_space<vmem>>
      %dma_wait3A_235 = tpu.memref_squeeze %dma_wait3A_234 : memref<1x32x128xf32, #tpu.memory_space<vmem>> -> memref<32x128xf32, #tpu.memory_space<vmem>>
      tpu.wait_dma2 semaphore(%run_scoped3A_212 : memref<!tpu.dma_semaphore, #tpu.memory_space<semaphore_mem>>) src(%dma_wait3A_235 : memref<32x128xf32, #tpu.memory_space<vmem>>) dst(%dma_wait3A_231 : memref<32x128xf32, #tpu.memory_space<vmem_shared>>)
      tpu.yield
    }) : () -> ()
    %mul3A_95 = arith.constant 640 : i32
    %mul3A_96 = arith.muli %arg1, %mul3A_95 : i32
    %add3A_97 = arith.constant 576 : i32
    %add3A_98 = arith.addi %mul3A_96, %add3A_97 : i32
    %run_scoped3A_99 = arith.constant 0 : i32
    "tpu.region"() ({
      %run_scoped3A_212 = tpu.sem_alloc : memref<!tpu.dma_semaphore, #tpu.memory_space<semaphore_mem>>
      %dma_start3A_213 = arith.constant 0 : i32
      %dma_start3A_214 = arith.constant 0 : i32
      %dma_start3A_215 = tpu.memref_slice %arg9[%run_scoped3A_99, %dma_start3A_213, %dma_start3A_214] : memref<4x32x128xf32, #tpu.memory_space<vmem>> -> memref<1x32x128xf32, #tpu.memory_space<vmem>>
      %dma_start3A_216 = tpu.memref_squeeze %dma_start3A_215 : memref<1x32x128xf32, #tpu.memory_space<vmem>> -> memref<32x128xf32, #tpu.memory_space<vmem>>
      %dma_start3A_217 = arith.constant 0 : i32
      %dma_start3A_218 = tpu.memref_slice %arg14[%add3A_98, %dma_start3A_217] : memref<10240x128xf32, #tpu.memory_space<vmem_shared>> -> memref<32x128xf32, #tpu.memory_space<vmem_shared>>
      %dma_start3A_219 = arith.constant 0 : i32
      %dma_start3A_220 = tpu.memref_slice %arg14[%add3A_98, %dma_start3A_219] : memref<10240x128xf32, #tpu.memory_space<vmem_shared>> -> memref<32x128xf32, #tpu.memory_space<vmem_shared>>
      %dma_start3A_221 = arith.constant 0 : i32
      %dma_start3A_222 = arith.constant 0 : i32
      %dma_start3A_223 = tpu.memref_slice %arg9[%run_scoped3A_99, %dma_start3A_221, %dma_start3A_222] : memref<4x32x128xf32, #tpu.memory_space<vmem>> -> memref<1x32x128xf32, #tpu.memory_space<vmem>>
      %dma_start3A_224 = tpu.memref_squeeze %dma_start3A_223 : memref<1x32x128xf32, #tpu.memory_space<vmem>> -> memref<32x128xf32, #tpu.memory_space<vmem>>
      tpu.enqueue_dma source(%dma_start3A_224 : memref<32x128xf32, #tpu.memory_space<vmem>>) target(%dma_start3A_220 : memref<32x128xf32, #tpu.memory_space<vmem_shared>>) target_semaphore(%run_scoped3A_212 : memref<!tpu.dma_semaphore, #tpu.memory_space<semaphore_mem>>)
      %dma_wait3A = arith.constant 0 : i32
      %dma_wait3A_225 = arith.constant 0 : i32
      %dma_wait3A_226 = tpu.memref_slice %arg9[%run_scoped3A_99, %dma_wait3A, %dma_wait3A_225] : memref<4x32x128xf32, #tpu.memory_space<vmem>> -> memref<1x32x128xf32, #tpu.memory_space<vmem>>
      %dma_wait3A_227 = tpu.memref_squeeze %dma_wait3A_226 : memref<1x32x128xf32, #tpu.memory_space<vmem>> -> memref<32x128xf32, #tpu.memory_space<vmem>>
      %dma_wait3A_228 = arith.constant 0 : i32
      %dma_wait3A_229 = tpu.memref_slice %arg14[%add3A_98, %dma_wait3A_228] : memref<10240x128xf32, #tpu.memory_space<vmem_shared>> -> memref<32x128xf32, #tpu.memory_space<vmem_shared>>
      %dma_wait3A_230 = arith.constant 0 : i32
      %dma_wait3A_231 = tpu.memref_slice %arg14[%add3A_98, %dma_wait3A_230] : memref<10240x128xf32, #tpu.memory_space<vmem_shared>> -> memref<32x128xf32, #tpu.memory_space<vmem_shared>>
      %dma_wait3A_232 = arith.constant 0 : i32
      %dma_wait3A_233 = arith.constant 0 : i32
      %dma_wait3A_234 = tpu.memref_slice %arg9[%run_scoped3A_99, %dma_wait3A_232, %dma_wait3A_233] : memref<4x32x128xf32, #tpu.memory_space<vmem>> -> memref<1x32x128xf32, #tpu.memory_space<vmem>>
      %dma_wait3A_235 = tpu.memref_squeeze %dma_wait3A_234 : memref<1x32x128xf32, #tpu.memory_space<vmem>> -> memref<32x128xf32, #tpu.memory_space<vmem>>
      tpu.wait_dma2 semaphore(%run_scoped3A_212 : memref<!tpu.dma_semaphore, #tpu.memory_space<semaphore_mem>>) src(%dma_wait3A_235 : memref<32x128xf32, #tpu.memory_space<vmem>>) dst(%dma_wait3A_231 : memref<32x128xf32, #tpu.memory_space<vmem_shared>>)
      tpu.yield
    }) : () -> ()
    %mul3A_100 = arith.constant 640 : i32
    %mul3A_101 = arith.muli %arg1, %mul3A_100 : i32
    %add3A_102 = arith.constant 608 : i32
    %add3A_103 = arith.addi %mul3A_101, %add3A_102 : i32
    %run_scoped3A_104 = arith.constant 0 : i32
    "tpu.region"() ({
      %run_scoped3A_212 = tpu.sem_alloc : memref<!tpu.dma_semaphore, #tpu.memory_space<semaphore_mem>>
      %dma_start3A_213 = arith.constant 0 : i32
      %dma_start3A_214 = arith.constant 0 : i32
      %dma_start3A_215 = tpu.memref_slice %arg9[%run_scoped3A_104, %dma_start3A_213, %dma_start3A_214] : memref<4x32x128xf32, #tpu.memory_space<vmem>> -> memref<1x32x128xf32, #tpu.memory_space<vmem>>
      %dma_start3A_216 = tpu.memref_squeeze %dma_start3A_215 : memref<1x32x128xf32, #tpu.memory_space<vmem>> -> memref<32x128xf32, #tpu.memory_space<vmem>>
      %dma_start3A_217 = arith.constant 0 : i32
      %dma_start3A_218 = tpu.memref_slice %arg14[%add3A_103, %dma_start3A_217] : memref<10240x128xf32, #tpu.memory_space<vmem_shared>> -> memref<32x128xf32, #tpu.memory_space<vmem_shared>>
      %dma_start3A_219 = arith.constant 0 : i32
      %dma_start3A_220 = tpu.memref_slice %arg14[%add3A_103, %dma_start3A_219] : memref<10240x128xf32, #tpu.memory_space<vmem_shared>> -> memref<32x128xf32, #tpu.memory_space<vmem_shared>>
      %dma_start3A_221 = arith.constant 0 : i32
      %dma_start3A_222 = arith.constant 0 : i32
      %dma_start3A_223 = tpu.memref_slice %arg9[%run_scoped3A_104, %dma_start3A_221, %dma_start3A_222] : memref<4x32x128xf32, #tpu.memory_space<vmem>> -> memref<1x32x128xf32, #tpu.memory_space<vmem>>
      %dma_start3A_224 = tpu.memref_squeeze %dma_start3A_223 : memref<1x32x128xf32, #tpu.memory_space<vmem>> -> memref<32x128xf32, #tpu.memory_space<vmem>>
      tpu.enqueue_dma source(%dma_start3A_224 : memref<32x128xf32, #tpu.memory_space<vmem>>) target(%dma_start3A_220 : memref<32x128xf32, #tpu.memory_space<vmem_shared>>) target_semaphore(%run_scoped3A_212 : memref<!tpu.dma_semaphore, #tpu.memory_space<semaphore_mem>>)
      %dma_wait3A = arith.constant 0 : i32
      %dma_wait3A_225 = arith.constant 0 : i32
      %dma_wait3A_226 = tpu.memref_slice %arg9[%run_scoped3A_104, %dma_wait3A, %dma_wait3A_225] : memref<4x32x128xf32, #tpu.memory_space<vmem>> -> memref<1x32x128xf32, #tpu.memory_space<vmem>>
      %dma_wait3A_227 = tpu.memref_squeeze %dma_wait3A_226 : memref<1x32x128xf32, #tpu.memory_space<vmem>> -> memref<32x128xf32, #tpu.memory_space<vmem>>
      %dma_wait3A_228 = arith.constant 0 : i32
      %dma_wait3A_229 = tpu.memref_slice %arg14[%add3A_103, %dma_wait3A_228] : memref<10240x128xf32, #tpu.memory_space<vmem_shared>> -> memref<32x128xf32, #tpu.memory_space<vmem_shared>>
      %dma_wait3A_230 = arith.constant 0 : i32
      %dma_wait3A_231 = tpu.memref_slice %arg14[%add3A_103, %dma_wait3A_230] : memref<10240x128xf32, #tpu.memory_space<vmem_shared>> -> memref<32x128xf32, #tpu.memory_space<vmem_shared>>
      %dma_wait3A_232 = arith.constant 0 : i32
      %dma_wait3A_233 = arith.constant 0 : i32
      %dma_wait3A_234 = tpu.memref_slice %arg9[%run_scoped3A_104, %dma_wait3A_232, %dma_wait3A_233] : memref<4x32x128xf32, #tpu.memory_space<vmem>> -> memref<1x32x128xf32, #tpu.memory_space<vmem>>
      %dma_wait3A_235 = tpu.memref_squeeze %dma_wait3A_234 : memref<1x32x128xf32, #tpu.memory_space<vmem>> -> memref<32x128xf32, #tpu.memory_space<vmem>>
      tpu.wait_dma2 semaphore(%run_scoped3A_212 : memref<!tpu.dma_semaphore, #tpu.memory_space<semaphore_mem>>) src(%dma_wait3A_235 : memref<32x128xf32, #tpu.memory_space<vmem>>) dst(%dma_wait3A_231 : memref<32x128xf32, #tpu.memory_space<vmem_shared>>)
      tpu.yield
    }) : () -> ()
    %scan3A_105 = arith.constant 0 : i32
    %scan3A_106 = arith.constant 0 : i32
    %scan3A_107 = arith.constant 640 : i32
    %scan3A_108 = arith.addi %scan3A_106, %scan3A_107 : i32
    %scan3A_109 = arith.constant 1 : i32
    scf.for %scan3A_212 = %scan3A_106 to %scan3A_108 step %scan3A_109  : i32 {
      %broadcast_in_dim3A_213 = arith.constant 0.000000e+00 : f32
      %broadcast_in_dim3A_214 = vector.broadcast %broadcast_in_dim3A_213 : f32 to vector<16xf32>
      %mul3A_215 = arith.constant 16 : i32
      %mul3A_216 = arith.muli %mul3A_215, %scan3A_212 : i32
      %swap3A_217 = arith.index_cast %mul3A_216 : i32 to index
      %swap3A_218 = tpu.vector_load %arg15[%swap3A_217] {strides = array<i32>} : memref<10240xf32, #tpu.memory_space<vmem>>, vector<16xf32>,
      tpu.vector_store %arg15[%swap3A_217], %broadcast_in_dim3A_214 {strides = array<i32>} : memref<10240xf32, #tpu.memory_space<vmem>>, vector<16xf32>,
    }
    %scan3A_110 = arith.constant 640 : i32
    %iota3A = tpu.iota {dimensions = array<i32: 0>} : vector<16xi32>
    %add3A_111 = arith.constant 0 : i32
    %add3A_112 = vector.broadcast %add3A_111 : i32 to vector<16xi32>
    %add3A_113 = arith.addi %iota3A, %add3A_112 : vector<16xi32>
    %swap3A = arith.constant 0 : index
    %swap3A_114 = tpu.vector_load %arg17[%swap3A] {strides = array<i32>} : memref<80xi32, #tpu.memory_space<vmem>>, vector<16xi32>,
    tpu.vector_store %arg17[%swap3A], %add3A_113 {strides = array<i32>} : memref<80xi32, #tpu.memory_space<vmem>>, vector<16xi32>,
    %iota3A_115 = tpu.iota {dimensions = array<i32: 0>} : vector<16xi32>
    %add3A_116 = arith.constant 16 : i32
    %add3A_117 = vector.broadcast %add3A_116 : i32 to vector<16xi32>
    %add3A_118 = arith.addi %iota3A_115, %add3A_117 : vector<16xi32>
    %swap3A_119 = arith.constant 16 : index
    %swap3A_120 = tpu.vector_load %arg17[%swap3A_119] {strides = array<i32>} : memref<80xi32, #tpu.memory_space<vmem>>, vector<16xi32>,
    tpu.vector_store %arg17[%swap3A_119], %add3A_118 {strides = array<i32>} : memref<80xi32, #tpu.memory_space<vmem>>, vector<16xi32>,
    %iota3A_121 = tpu.iota {dimensions = array<i32: 0>} : vector<16xi32>
    %add3A_122 = arith.constant 32 : i32
    %add3A_123 = vector.broadcast %add3A_122 : i32 to vector<16xi32>
    %add3A_124 = arith.addi %iota3A_121, %add3A_123 : vector<16xi32>
    %swap3A_125 = arith.constant 32 : index
    %swap3A_126 = tpu.vector_load %arg17[%swap3A_125] {strides = array<i32>} : memref<80xi32, #tpu.memory_space<vmem>>, vector<16xi32>,
    tpu.vector_store %arg17[%swap3A_125], %add3A_124 {strides = array<i32>} : memref<80xi32, #tpu.memory_space<vmem>>, vector<16xi32>,
    %iota3A_127 = tpu.iota {dimensions = array<i32: 0>} : vector<16xi32>
    %add3A_128 = arith.constant 48 : i32
    %add3A_129 = vector.broadcast %add3A_128 : i32 to vector<16xi32>
    %add3A_130 = arith.addi %iota3A_127, %add3A_129 : vector<16xi32>
    %swap3A_131 = arith.constant 48 : index
    %swap3A_132 = tpu.vector_load %arg17[%swap3A_131] {strides = array<i32>} : memref<80xi32, #tpu.memory_space<vmem>>, vector<16xi32>,
    tpu.vector_store %arg17[%swap3A_131], %add3A_130 {strides = array<i32>} : memref<80xi32, #tpu.memory_space<vmem>>, vector<16xi32>,
    %iota3A_133 = tpu.iota {dimensions = array<i32: 0>} : vector<16xi32>
    %add3A_134 = arith.constant 64 : i32
    %add3A_135 = vector.broadcast %add3A_134 : i32 to vector<16xi32>
    %add3A_136 = arith.addi %iota3A_133, %add3A_135 : vector<16xi32>
    %swap3A_137 = arith.constant 64 : index
    %swap3A_138 = tpu.vector_load %arg17[%swap3A_137] {strides = array<i32>} : memref<80xi32, #tpu.memory_space<vmem>>, vector<16xi32>,
    tpu.vector_store %arg17[%swap3A_137], %add3A_136 {strides = array<i32>} : memref<80xi32, #tpu.memory_space<vmem>>, vector<16xi32>,
    %lt3A = arith.constant 10 : i32
    %lt3A_139 = arith.cmpi slt, %arg1, %lt3A : i32
    %convert_element_type3A = arith.extui %lt3A_139 : i1 to i32
    %cond3A = arith.constant 0 : i32
    %cond3A_140 = arith.cmpi ne, %convert_element_type3A, %cond3A : i32
    scf.if %cond3A_140 {
      %mul3A_212 = arith.constant 8 : i32
      %mul3A_213 = arith.muli %arg1, %mul3A_212 : i32
      %run_scoped3A_214 = arith.constant 0 : i32
      "tpu.region"() ({
        %run_scoped3A_215 = tpu.sem_alloc : memref<!tpu.dma_semaphore, #tpu.memory_space<semaphore_mem>>
        %dma_start3A_216 = arith.constant 0 : i32
        %dma_start3A_217 = arith.constant 0 : i32
        %dma_start3A_218 = tpu.memref_slice %arg9[%run_scoped3A_214, %dma_start3A_216, %dma_start3A_217] : memref<4x32x128xf32, #tpu.memory_space<vmem>> -> memref<1x8x128xf32, #tpu.memory_space<vmem>>
        %dma_start3A_219 = tpu.memref_squeeze %dma_start3A_218 : memref<1x8x128xf32, #tpu.memory_space<vmem>> -> memref<8x128xf32, #tpu.memory_space<vmem>>
        %dma_start3A_220 = arith.constant 0 : i32
        %dma_start3A_221 = tpu.memref_slice %arg16[%mul3A_213, %dma_start3A_220] : memref<80x128xf32, #tpu.memory_space<vmem_shared>> -> memref<8x128xf32, #tpu.memory_space<vmem_shared>>
        %dma_start3A_222 = arith.constant 0 : i32
        %dma_start3A_223 = tpu.memref_slice %arg16[%mul3A_213, %dma_start3A_222] : memref<80x128xf32, #tpu.memory_space<vmem_shared>> -> memref<8x128xf32, #tpu.memory_space<vmem_shared>>
        %dma_start3A_224 = arith.constant 0 : i32
        %dma_start3A_225 = arith.constant 0 : i32
        %dma_start3A_226 = tpu.memref_slice %arg9[%run_scoped3A_214, %dma_start3A_224, %dma_start3A_225] : memref<4x32x128xf32, #tpu.memory_space<vmem>> -> memref<1x8x128xf32, #tpu.memory_space<vmem>>
        %dma_start3A_227 = tpu.memref_squeeze %dma_start3A_226 : memref<1x8x128xf32, #tpu.memory_space<vmem>> -> memref<8x128xf32, #tpu.memory_space<vmem>>
        tpu.enqueue_dma source(%dma_start3A_227 : memref<8x128xf32, #tpu.memory_space<vmem>>) target(%dma_start3A_223 : memref<8x128xf32, #tpu.memory_space<vmem_shared>>) target_semaphore(%run_scoped3A_215 : memref<!tpu.dma_semaphore, #tpu.memory_space<semaphore_mem>>)
        %dma_wait3A = arith.constant 0 : i32
        %dma_wait3A_228 = arith.constant 0 : i32
        %dma_wait3A_229 = tpu.memref_slice %arg9[%run_scoped3A_214, %dma_wait3A, %dma_wait3A_228] : memref<4x32x128xf32, #tpu.memory_space<vmem>> -> memref<1x8x128xf32, #tpu.memory_space<vmem>>
        %dma_wait3A_230 = tpu.memref_squeeze %dma_wait3A_229 : memref<1x8x128xf32, #tpu.memory_space<vmem>> -> memref<8x128xf32, #tpu.memory_space<vmem>>
        %dma_wait3A_231 = arith.constant 0 : i32
        %dma_wait3A_232 = tpu.memref_slice %arg16[%mul3A_213, %dma_wait3A_231] : memref<80x128xf32, #tpu.memory_space<vmem_shared>> -> memref<8x128xf32, #tpu.memory_space<vmem_shared>>
        %dma_wait3A_233 = arith.constant 0 : i32
        %dma_wait3A_234 = tpu.memref_slice %arg16[%mul3A_213, %dma_wait3A_233] : memref<80x128xf32, #tpu.memory_space<vmem_shared>> -> memref<8x128xf32, #tpu.memory_space<vmem_shared>>
        %dma_wait3A_235 = arith.constant 0 : i32
        %dma_wait3A_236 = arith.constant 0 : i32
        %dma_wait3A_237 = tpu.memref_slice %arg9[%run_scoped3A_214, %dma_wait3A_235, %dma_wait3A_236] : memref<4x32x128xf32, #tpu.memory_space<vmem>> -> memref<1x8x128xf32, #tpu.memory_space<vmem>>
        %dma_wait3A_238 = tpu.memref_squeeze %dma_wait3A_237 : memref<1x8x128xf32, #tpu.memory_space<vmem>> -> memref<8x128xf32, #tpu.memory_space<vmem>>
        tpu.wait_dma2 semaphore(%run_scoped3A_215 : memref<!tpu.dma_semaphore, #tpu.memory_space<semaphore_mem>>) src(%dma_wait3A_238 : memref<8x128xf32, #tpu.memory_space<vmem>>) dst(%dma_wait3A_234 : memref<8x128xf32, #tpu.memory_space<vmem_shared>>)
        tpu.yield
      }) : () -> ()
    } else {
    }
    %barrier3A = arith.constant 0 : index
    tpu.barrier barrier_id(%barrier3A)
    %broadcast_in_dim3A = arith.constant 1.000000e+00 : f32
    %broadcast_in_dim3A_141 = vector.broadcast %broadcast_in_dim3A : f32 to vector<16xf32>
    %dma_start3A = arith.constant 0 : i32
    %dma_start3A_142 = arith.constant 0 : i32
    %dma_start3A_143 = arith.constant 0 : i32
    %dma_start3A_144 = tpu.memref_slice %arg9[%dma_start3A, %dma_start3A_142, %dma_start3A_143] : memref<4x32x128xf32, #tpu.memory_space<vmem>> -> memref<1x32x128xf32, #tpu.memory_space<vmem>>
    %dma_start3A_145 = tpu.memref_squeeze %dma_start3A_144 : memref<1x32x128xf32, #tpu.memory_space<vmem>> -> memref<32x128xf32, #tpu.memory_space<vmem>>
    %dma_start3A_146 = arith.constant 0 : i32
    %dma_start3A_147 = tpu.memref_slice %arg7[%dma_start3A_146] : memref<10240xi32, #tpu.memory_space<vmem>> -> memref<32xi32, #tpu.memory_space<vmem>>
    %dma_start3A_148 = arith.constant 0 : i32
    %dma_start3A_149 = arith.constant 0 : i32
    %dma_start3A_150 = tpu.memref_slice %arg2[%dma_start3A_148, %dma_start3A_149] : memref<10240x128xf32, #tpu.memory_space<hbm>> -> memref<10240x128xf32, #tpu.memory_space<hbm>>
    tpu.enqueue_indirect_dma source(%dma_start3A_150 : memref<10240x128xf32, #tpu.memory_space<hbm>>) target(%dma_start3A_145 : memref<32x128xf32, #tpu.memory_space<vmem>>) offsets(%dma_start3A_147 : memref<32xi32, #tpu.memory_space<vmem>>) semaphore(%arg10 : memref<!tpu.dma_semaphore, #tpu.memory_space<semaphore_mem>>)
    %dma_start3A_151 = arith.constant 1 : i32
    %dma_start3A_152 = arith.constant 0 : i32
    %dma_start3A_153 = arith.constant 0 : i32
    %dma_start3A_154 = tpu.memref_slice %arg9[%dma_start3A_151, %dma_start3A_152, %dma_start3A_153] : memref<4x32x128xf32, #tpu.memory_space<vmem>> -> memref<1x32x128xf32, #tpu.memory_space<vmem>>
    %dma_start3A_155 = tpu.memref_squeeze %dma_start3A_154 : memref<1x32x128xf32, #tpu.memory_space<vmem>> -> memref<32x128xf32, #tpu.memory_space<vmem>>
    %dma_start3A_156 = arith.constant 32 : i32
    %dma_start3A_157 = tpu.memref_slice %arg7[%dma_start3A_156] : memref<10240xi32, #tpu.memory_space<vmem>> -> memref<32xi32, #tpu.memory_space<vmem>>
    %dma_start3A_158 = arith.constant 0 : i32
    %dma_start3A_159 = arith.constant 0 : i32
    %dma_start3A_160 = tpu.memref_slice %arg2[%dma_start3A_158, %dma_start3A_159] : memref<10240x128xf32, #tpu.memory_space<hbm>> -> memref<10240x128xf32, #tpu.memory_space<hbm>>
    tpu.enqueue_indirect_dma source(%dma_start3A_160 : memref<10240x128xf32, #tpu.memory_space<hbm>>) target(%dma_start3A_155 : memref<32x128xf32, #tpu.memory_space<vmem>>) offsets(%dma_start3A_157 : memref<32xi32, #tpu.memory_space<vmem>>) semaphore(%arg11 : memref<!tpu.dma_semaphore, #tpu.memory_space<semaphore_mem>>)
    %scan3A_161 = arith.constant 0 : i32
    %scan3A_162 = arith.constant 0 : i32
    %scan3A_163 = arith.constant 80 : i32
    %scan3A_164 = arith.addi %scan3A_162, %scan3A_163 : i32
    %scan3A_165 = arith.constant 1 : i32
    scf.for %scan3A_212 = %scan3A_162 to %scan3A_164 step %scan3A_165  : i32 {
      %mul3A_213 = arith.constant 4 : i32
      %mul3A_214 = arith.muli %scan3A_212, %mul3A_213 : i32
      %add3A_215 = arith.constant 0 : i32
      %add3A_216 = arith.addi %mul3A_214, %add3A_215 : i32
      %add3A_217 = arith.constant 2 : i32
      %add3A_218 = arith.addi %add3A_216, %add3A_217 : i32
      %lt3A_219 = arith.constant 320 : i32
      %lt3A_220 = arith.cmpi slt, %add3A_218, %lt3A_219 : i32
      %convert_element_type3A_221 = arith.extui %lt3A_220 : i1 to i32
      %cond3A_222 = arith.constant 0 : i32
      %cond3A_223 = arith.cmpi ne, %convert_element_type3A_221, %cond3A_222 : i32
      scf.if %cond3A_223 {
        %mul3A_359 = arith.constant 32 : i32
        %mul3A_360 = arith.muli %add3A_218, %mul3A_359 : i32
        %dma_start3A_361 = arith.constant 2 : i32
        %dma_start3A_362 = arith.constant 0 : i32
        %dma_start3A_363 = arith.constant 0 : i32
        %dma_start3A_364 = tpu.memref_slice %arg9[%dma_start3A_361, %dma_start3A_362, %dma_start3A_363] : memref<4x32x128xf32, #tpu.memory_space<vmem>> -> memref<1x32x128xf32, #tpu.memory_space<vmem>>
        %dma_start3A_365 = tpu.memref_squeeze %dma_start3A_364 : memref<1x32x128xf32, #tpu.memory_space<vmem>> -> memref<32x128xf32, #tpu.memory_space<vmem>>
        %dma_start3A_366 = tpu.memref_slice %arg7[%mul3A_360] : memref<10240xi32, #tpu.memory_space<vmem>> -> memref<32xi32, #tpu.memory_space<vmem>>
        %dma_start3A_367 = arith.constant 0 : i32
        %dma_start3A_368 = arith.constant 0 : i32
        %dma_start3A_369 = tpu.memref_slice %arg2[%dma_start3A_367, %dma_start3A_368] : memref<10240x128xf32, #tpu.memory_space<hbm>> -> memref<10240x128xf32, #tpu.memory_space<hbm>>
        tpu.enqueue_indirect_dma source(%dma_start3A_369 : memref<10240x128xf32, #tpu.memory_space<hbm>>) target(%dma_start3A_365 : memref<32x128xf32, #tpu.memory_space<vmem>>) offsets(%dma_start3A_366 : memref<32xi32, #tpu.memory_space<vmem>>) semaphore(%arg12 : memref<!tpu.dma_semaphore, #tpu.memory_space<semaphore_mem>>)
      } else {
      }
      %mul3A_224 = arith.constant 32 : i32
      %mul3A_225 = arith.muli %add3A_216, %mul3A_224 : i32
      %add3A_226 = arith.constant 0 : i32
      %add3A_227 = arith.addi %mul3A_225, %add3A_226 : i32
      %get3A = arith.index_cast %add3A_227 : i32 to index
      %get3A_228 = tpu.vector_load %arg8[%get3A] {strides = array<i32>} : memref<10240xi32, #tpu.memory_space<vmem>>, vector<16xi32>,
      tpu.vector_store_idx %arg15[%get3A_228], %broadcast_in_dim3A_141 {add = true} : memref<10240xf32, #tpu.memory_space<vmem>>[vector<16xi32>], vector<16xf32>,
      %mul3A_229 = arith.constant 32 : i32
      %mul3A_230 = arith.muli %add3A_216, %mul3A_229 : i32
      %add3A_231 = arith.constant 16 : i32
      %add3A_232 = arith.addi %mul3A_230, %add3A_231 : i32
      %get3A_233 = arith.index_cast %add3A_232 : i32 to index
      %get3A_234 = tpu.vector_load %arg8[%get3A_233] {strides = array<i32>} : memref<10240xi32, #tpu.memory_space<vmem>>, vector<16xi32>,
      tpu.vector_store_idx %arg15[%get3A_234], %broadcast_in_dim3A_141 {add = true} : memref<10240xf32, #tpu.memory_space<vmem>>[vector<16xi32>], vector<16xf32>,
      %mul3A_235 = arith.constant 32 : i32
      %mul3A_236 = arith.muli %add3A_216, %mul3A_235 : i32
      %dma_wait3A = arith.constant 0 : i32
      %dma_wait3A_237 = arith.constant 0 : i32
      %dma_wait3A_238 = arith.constant 0 : i32
      %dma_wait3A_239 = tpu.memref_slice %arg9[%dma_wait3A, %dma_wait3A_237, %dma_wait3A_238] : memref<4x32x128xf32, #tpu.memory_space<vmem>> -> memref<1x32x128xf32, #tpu.memory_space<vmem>>
      %dma_wait3A_240 = tpu.memref_squeeze %dma_wait3A_239 : memref<1x32x128xf32, #tpu.memory_space<vmem>> -> memref<32x128xf32, #tpu.memory_space<vmem>>
      %dma_wait3A_241 = tpu.memref_slice %arg7[%mul3A_236] : memref<10240xi32, #tpu.memory_space<vmem>> -> memref<32xi32, #tpu.memory_space<vmem>>
      %dma_wait3A_242 = arith.constant 0 : i32
      %dma_wait3A_243 = arith.constant 0 : i32
      %dma_wait3A_244 = tpu.memref_slice %arg2[%dma_wait3A_242, %dma_wait3A_243] : memref<10240x128xf32, #tpu.memory_space<hbm>> -> memref<10240x128xf32, #tpu.memory_space<hbm>>
      tpu.wait_indirect_dma semaphore(%arg10 : memref<!tpu.dma_semaphore, #tpu.memory_space<semaphore_mem>>) src(%dma_wait3A_244 : memref<10240x128xf32, #tpu.memory_space<hbm>>) dst(%dma_wait3A_240 : memref<32x128xf32, #tpu.memory_space<vmem>>)
      %mul3A_245 = arith.constant 32 : i32
      %mul3A_246 = arith.muli %add3A_216, %mul3A_245 : i32
      %run_scoped3A_247 = arith.constant 0 : i32
      "tpu.region"() ({
        %run_scoped3A_359 = tpu.sem_alloc : memref<!tpu.dma_semaphore, #tpu.memory_space<semaphore_mem>>
        %dma_start3A_360 = arith.constant 0 : i32
        %dma_start3A_361 = arith.constant 0 : i32
        %dma_start3A_362 = tpu.memref_slice %arg9[%run_scoped3A_247, %dma_start3A_360, %dma_start3A_361] : memref<4x32x128xf32, #tpu.memory_space<vmem>> -> memref<1x32x128xf32, #tpu.memory_space<vmem>>
        %dma_start3A_363 = tpu.memref_squeeze %dma_start3A_362 : memref<1x32x128xf32, #tpu.memory_space<vmem>> -> memref<32x128xf32, #tpu.memory_space<vmem>>
        %dma_start3A_364 = tpu.memref_slice %arg8[%mul3A_246] : memref<10240xi32, #tpu.memory_space<vmem>> -> memref<32xi32, #tpu.memory_space<vmem>>
        %dma_start3A_365 = arith.constant 0 : i32
        %dma_start3A_366 = arith.constant 0 : i32
        %dma_start3A_367 = tpu.memref_slice %arg14[%dma_start3A_365, %dma_start3A_366] : memref<10240x128xf32, #tpu.memory_space<vmem_shared>> -> memref<10240x128xf32, #tpu.memory_space<vmem_shared>>
        tpu.enqueue_indirect_dma source(%dma_start3A_363 : memref<32x128xf32, #tpu.memory_space<vmem>>) target(%dma_start3A_367 : memref<10240x128xf32, #tpu.memory_space<vmem_shared>>) offsets(%dma_start3A_364 : memref<32xi32, #tpu.memory_space<vmem>>) semaphore(%run_scoped3A_359 : memref<!tpu.dma_semaphore, #tpu.memory_space<semaphore_mem>>) {add = true}
        %dma_wait3A_368 = arith.constant 0 : i32
        %dma_wait3A_369 = arith.constant 0 : i32
        %dma_wait3A_370 = tpu.memref_slice %arg9[%run_scoped3A_247, %dma_wait3A_368, %dma_wait3A_369] : memref<4x32x128xf32, #tpu.memory_space<vmem>> -> memref<1x32x128xf32, #tpu.memory_space<vmem>>
        %dma_wait3A_371 = tpu.memref_squeeze %dma_wait3A_370 : memref<1x32x128xf32, #tpu.memory_space<vmem>> -> memref<32x128xf32, #tpu.memory_space<vmem>>
        %dma_wait3A_372 = tpu.memref_slice %arg8[%mul3A_246] : memref<10240xi32, #tpu.memory_space<vmem>> -> memref<32xi32, #tpu.memory_space<vmem>>
        %dma_wait3A_373 = arith.constant 0 : i32
        %dma_wait3A_374 = arith.constant 0 : i32
        %dma_wait3A_375 = tpu.memref_slice %arg14[%dma_wait3A_373, %dma_wait3A_374] : memref<10240x128xf32, #tpu.memory_space<vmem_shared>> -> memref<10240x128xf32, #tpu.memory_space<vmem_shared>>
        tpu.wait_indirect_dma semaphore(%run_scoped3A_359 : memref<!tpu.dma_semaphore, #tpu.memory_space<semaphore_mem>>) src(%dma_wait3A_371 : memref<32x128xf32, #tpu.memory_space<vmem>>) dst(%dma_wait3A_375 : memref<10240x128xf32, #tpu.memory_space<vmem_shared>>)
        tpu.yield
      }) : () -> ()
      %mul3A_248 = arith.constant 4 : i32
      %mul3A_249 = arith.muli %scan3A_212, %mul3A_248 : i32
      %add3A_250 = arith.constant 1 : i32
      %add3A_251 = arith.addi %mul3A_249, %add3A_250 : i32
      %add3A_252 = arith.constant 2 : i32
      %add3A_253 = arith.addi %add3A_251, %add3A_252 : i32
      %lt3A_254 = arith.constant 320 : i32
      %lt3A_255 = arith.cmpi slt, %add3A_253, %lt3A_254 : i32
      %convert_element_type3A_256 = arith.extui %lt3A_255 : i1 to i32
      %cond3A_257 = arith.constant 0 : i32
      %cond3A_258 = arith.cmpi ne, %convert_element_type3A_256, %cond3A_257 : i32
      scf.if %cond3A_258 {
        %mul3A_359 = arith.constant 32 : i32
        %mul3A_360 = arith.muli %add3A_253, %mul3A_359 : i32
        %dma_start3A_361 = arith.constant 3 : i32
        %dma_start3A_362 = arith.constant 0 : i32
        %dma_start3A_363 = arith.constant 0 : i32
        %dma_start3A_364 = tpu.memref_slice %arg9[%dma_start3A_361, %dma_start3A_362, %dma_start3A_363] : memref<4x32x128xf32, #tpu.memory_space<vmem>> -> memref<1x32x128xf32, #tpu.memory_space<vmem>>
        %dma_start3A_365 = tpu.memref_squeeze %dma_start3A_364 : memref<1x32x128xf32, #tpu.memory_space<vmem>> -> memref<32x128xf32, #tpu.memory_space<vmem>>
        %dma_start3A_366 = tpu.memref_slice %arg7[%mul3A_360] : memref<10240xi32, #tpu.memory_space<vmem>> -> memref<32xi32, #tpu.memory_space<vmem>>
        %dma_start3A_367 = arith.constant 0 : i32
        %dma_start3A_368 = arith.constant 0 : i32
        %dma_start3A_369 = tpu.memref_slice %arg2[%dma_start3A_367, %dma_start3A_368] : memref<10240x128xf32, #tpu.memory_space<hbm>> -> memref<10240x128xf32, #tpu.memory_space<hbm>>
        tpu.enqueue_indirect_dma source(%dma_start3A_369 : memref<10240x128xf32, #tpu.memory_space<hbm>>) target(%dma_start3A_365 : memref<32x128xf32, #tpu.memory_space<vmem>>) offsets(%dma_start3A_366 : memref<32xi32, #tpu.memory_space<vmem>>) semaphore(%arg13 : memref<!tpu.dma_semaphore, #tpu.memory_space<semaphore_mem>>)
      } else {
      }
      %mul3A_259 = arith.constant 32 : i32
      %mul3A_260 = arith.muli %add3A_251, %mul3A_259 : i32
      %add3A_261 = arith.constant 0 : i32
      %add3A_262 = arith.addi %mul3A_260, %add3A_261 : i32
      %get3A_263 = arith.index_cast %add3A_262 : i32 to index
      %get3A_264 = tpu.vector_load %arg8[%get3A_263] {strides = array<i32>} : memref<10240xi32, #tpu.memory_space<vmem>>, vector<16xi32>,
      tpu.vector_store_idx %arg15[%get3A_264], %broadcast_in_dim3A_141 {add = true} : memref<10240xf32, #tpu.memory_space<vmem>>[vector<16xi32>], vector<16xf32>,
      %mul3A_265 = arith.constant 32 : i32
      %mul3A_266 = arith.muli %add3A_251, %mul3A_265 : i32
      %add3A_267 = arith.constant 16 : i32
      %add3A_268 = arith.addi %mul3A_266, %add3A_267 : i32
      %get3A_269 = arith.index_cast %add3A_268 : i32 to index
      %get3A_270 = tpu.vector_load %arg8[%get3A_269] {strides = array<i32>} : memref<10240xi32, #tpu.memory_space<vmem>>, vector<16xi32>,
      tpu.vector_store_idx %arg15[%get3A_270], %broadcast_in_dim3A_141 {add = true} : memref<10240xf32, #tpu.memory_space<vmem>>[vector<16xi32>], vector<16xf32>,
      %mul3A_271 = arith.constant 32 : i32
      %mul3A_272 = arith.muli %add3A_251, %mul3A_271 : i32
      %dma_wait3A_273 = arith.constant 1 : i32
      %dma_wait3A_274 = arith.constant 0 : i32
      %dma_wait3A_275 = arith.constant 0 : i32
      %dma_wait3A_276 = tpu.memref_slice %arg9[%dma_wait3A_273, %dma_wait3A_274, %dma_wait3A_275] : memref<4x32x128xf32, #tpu.memory_space<vmem>> -> memref<1x32x128xf32, #tpu.memory_space<vmem>>
      %dma_wait3A_277 = tpu.memref_squeeze %dma_wait3A_276 : memref<1x32x128xf32, #tpu.memory_space<vmem>> -> memref<32x128xf32, #tpu.memory_space<vmem>>
      %dma_wait3A_278 = tpu.memref_slice %arg7[%mul3A_272] : memref<10240xi32, #tpu.memory_space<vmem>> -> memref<32xi32, #tpu.memory_space<vmem>>
      %dma_wait3A_279 = arith.constant 0 : i32
      %dma_wait3A_280 = arith.constant 0 : i32
      %dma_wait3A_281 = tpu.memref_slice %arg2[%dma_wait3A_279, %dma_wait3A_280] : memref<10240x128xf32, #tpu.memory_space<hbm>> -> memref<10240x128xf32, #tpu.memory_space<hbm>>
      tpu.wait_indirect_dma semaphore(%arg11 : memref<!tpu.dma_semaphore, #tpu.memory_space<semaphore_mem>>) src(%dma_wait3A_281 : memref<10240x128xf32, #tpu.memory_space<hbm>>) dst(%dma_wait3A_277 : memref<32x128xf32, #tpu.memory_space<vmem>>)
      %mul3A_282 = arith.constant 32 : i32
      %mul3A_283 = arith.muli %add3A_251, %mul3A_282 : i32
      %run_scoped3A_284 = arith.constant 1 : i32
      "tpu.region"() ({
        %run_scoped3A_359 = tpu.sem_alloc : memref<!tpu.dma_semaphore, #tpu.memory_space<semaphore_mem>>
        %dma_start3A_360 = arith.constant 0 : i32
        %dma_start3A_361 = arith.constant 0 : i32
        %dma_start3A_362 = tpu.memref_slice %arg9[%run_scoped3A_284, %dma_start3A_360, %dma_start3A_361] : memref<4x32x128xf32, #tpu.memory_space<vmem>> -> memref<1x32x128xf32, #tpu.memory_space<vmem>>
        %dma_start3A_363 = tpu.memref_squeeze %dma_start3A_362 : memref<1x32x128xf32, #tpu.memory_space<vmem>> -> memref<32x128xf32, #tpu.memory_space<vmem>>
        %dma_start3A_364 = tpu.memref_slice %arg8[%mul3A_283] : memref<10240xi32, #tpu.memory_space<vmem>> -> memref<32xi32, #tpu.memory_space<vmem>>
        %dma_start3A_365 = arith.constant 0 : i32
        %dma_start3A_366 = arith.constant 0 : i32
        %dma_start3A_367 = tpu.memref_slice %arg14[%dma_start3A_365, %dma_start3A_366] : memref<10240x128xf32, #tpu.memory_space<vmem_shared>> -> memref<10240x128xf32, #tpu.memory_space<vmem_shared>>
        tpu.enqueue_indirect_dma source(%dma_start3A_363 : memref<32x128xf32, #tpu.memory_space<vmem>>) target(%dma_start3A_367 : memref<10240x128xf32, #tpu.memory_space<vmem_shared>>) offsets(%dma_start3A_364 : memref<32xi32, #tpu.memory_space<vmem>>) semaphore(%run_scoped3A_359 : memref<!tpu.dma_semaphore, #tpu.memory_space<semaphore_mem>>) {add = true}
        %dma_wait3A_368 = arith.constant 0 : i32
        %dma_wait3A_369 = arith.constant 0 : i32
        %dma_wait3A_370 = tpu.memref_slice %arg9[%run_scoped3A_284, %dma_wait3A_368, %dma_wait3A_369] : memref<4x32x128xf32, #tpu.memory_space<vmem>> -> memref<1x32x128xf32, #tpu.memory_space<vmem>>
        %dma_wait3A_371 = tpu.memref_squeeze %dma_wait3A_370 : memref<1x32x128xf32, #tpu.memory_space<vmem>> -> memref<32x128xf32, #tpu.memory_space<vmem>>
        %dma_wait3A_372 = tpu.memref_slice %arg8[%mul3A_283] : memref<10240xi32, #tpu.memory_space<vmem>> -> memref<32xi32, #tpu.memory_space<vmem>>
        %dma_wait3A_373 = arith.constant 0 : i32
        %dma_wait3A_374 = arith.constant 0 : i32
        %dma_wait3A_375 = tpu.memref_slice %arg14[%dma_wait3A_373, %dma_wait3A_374] : memref<10240x128xf32, #tpu.memory_space<vmem_shared>> -> memref<10240x128xf32, #tpu.memory_space<vmem_shared>>
        tpu.wait_indirect_dma semaphore(%run_scoped3A_359 : memref<!tpu.dma_semaphore, #tpu.memory_space<semaphore_mem>>) src(%dma_wait3A_371 : memref<32x128xf32, #tpu.memory_space<vmem>>) dst(%dma_wait3A_375 : memref<10240x128xf32, #tpu.memory_space<vmem_shared>>)
        tpu.yield
      }) : () -> ()
      %mul3A_285 = arith.constant 4 : i32
      %mul3A_286 = arith.muli %scan3A_212, %mul3A_285 : i32
      %add3A_287 = arith.constant 2 : i32
      %add3A_288 = arith.addi %mul3A_286, %add3A_287 : i32
      %add3A_289 = arith.constant 2 : i32
      %add3A_290 = arith.addi %add3A_288, %add3A_289 : i32
      %lt3A_291 = arith.constant 320 : i32
      %lt3A_292 = arith.cmpi slt, %add3A_290, %lt3A_291 : i32
      %convert_element_type3A_293 = arith.extui %lt3A_292 : i1 to i32
      %cond3A_294 = arith.constant 0 : i32
      %cond3A_295 = arith.cmpi ne, %convert_element_type3A_293, %cond3A_294 : i32
      scf.if %cond3A_295 {
        %mul3A_359 = arith.constant 32 : i32
        %mul3A_360 = arith.muli %add3A_290, %mul3A_359 : i32
        %dma_start3A_361 = arith.constant 0 : i32
        %dma_start3A_362 = arith.constant 0 : i32
        %dma_start3A_363 = arith.constant 0 : i32
        %dma_start3A_364 = tpu.memref_slice %arg9[%dma_start3A_361, %dma_start3A_362, %dma_start3A_363] : memref<4x32x128xf32, #tpu.memory_space<vmem>> -> memref<1x32x128xf32, #tpu.memory_space<vmem>>
        %dma_start3A_365 = tpu.memref_squeeze %dma_start3A_364 : memref<1x32x128xf32, #tpu.memory_space<vmem>> -> memref<32x128xf32, #tpu.memory_space<vmem>>
        %dma_start3A_366 = tpu.memref_slice %arg7[%mul3A_360] : memref<10240xi32, #tpu.memory_space<vmem>> -> memref<32xi32, #tpu.memory_space<vmem>>
        %dma_start3A_367 = arith.constant 0 : i32
        %dma_start3A_368 = arith.constant 0 : i32
        %dma_start3A_369 = tpu.memref_slice %arg2[%dma_start3A_367, %dma_start3A_368] : memref<10240x128xf32, #tpu.memory_space<hbm>> -> memref<10240x128xf32, #tpu.memory_space<hbm>>
        tpu.enqueue_indirect_dma source(%dma_start3A_369 : memref<10240x128xf32, #tpu.memory_space<hbm>>) target(%dma_start3A_365 : memref<32x128xf32, #tpu.memory_space<vmem>>) offsets(%dma_start3A_366 : memref<32xi32, #tpu.memory_space<vmem>>) semaphore(%arg10 : memref<!tpu.dma_semaphore, #tpu.memory_space<semaphore_mem>>)
      } else {
      }
      %mul3A_296 = arith.constant 32 : i32
      %mul3A_297 = arith.muli %add3A_288, %mul3A_296 : i32
      %add3A_298 = arith.constant 0 : i32
      %add3A_299 = arith.addi %mul3A_297, %add3A_298 : i32
      %get3A_300 = arith.index_cast %add3A_299 : i32 to index
      %get3A_301 = tpu.vector_load %arg8[%get3A_300] {strides = array<i32>} : memref<10240xi32, #tpu.memory_space<vmem>>, vector<16xi32>,
      tpu.vector_store_idx %arg15[%get3A_301], %broadcast_in_dim3A_141 {add = true} : memref<10240xf32, #tpu.memory_space<vmem>>[vector<16xi32>], vector<16xf32>,
      %mul3A_302 = arith.constant 32 : i32
      %mul3A_303 = arith.muli %add3A_288, %mul3A_302 : i32
      %add3A_304 = arith.constant 16 : i32
      %add3A_305 = arith.addi %mul3A_303, %add3A_304 : i32
      %get3A_306 = arith.index_cast %add3A_305 : i32 to index
      %get3A_307 = tpu.vector_load %arg8[%get3A_306] {strides = array<i32>} : memref<10240xi32, #tpu.memory_space<vmem>>, vector<16xi32>,
      tpu.vector_store_idx %arg15[%get3A_307], %broadcast_in_dim3A_141 {add = true} : memref<10240xf32, #tpu.memory_space<vmem>>[vector<16xi32>], vector<16xf32>,
      %mul3A_308 = arith.constant 32 : i32
      %mul3A_309 = arith.muli %add3A_288, %mul3A_308 : i32
      %dma_wait3A_310 = arith.constant 2 : i32
      %dma_wait3A_311 = arith.constant 0 : i32
      %dma_wait3A_312 = arith.constant 0 : i32
      %dma_wait3A_313 = tpu.memref_slice %arg9[%dma_wait3A_310, %dma_wait3A_311, %dma_wait3A_312] : memref<4x32x128xf32, #tpu.memory_space<vmem>> -> memref<1x32x128xf32, #tpu.memory_space<vmem>>
      %dma_wait3A_314 = tpu.memref_squeeze %dma_wait3A_313 : memref<1x32x128xf32, #tpu.memory_space<vmem>> -> memref<32x128xf32, #tpu.memory_space<vmem>>
      %dma_wait3A_315 = tpu.memref_slice %arg7[%mul3A_309] : memref<10240xi32, #tpu.memory_space<vmem>> -> memref<32xi32, #tpu.memory_space<vmem>>
      %dma_wait3A_316 = arith.constant 0 : i32
      %dma_wait3A_317 = arith.constant 0 : i32
      %dma_wait3A_318 = tpu.memref_slice %arg2[%dma_wait3A_316, %dma_wait3A_317] : memref<10240x128xf32, #tpu.memory_space<hbm>> -> memref<10240x128xf32, #tpu.memory_space<hbm>>
      tpu.wait_indirect_dma semaphore(%arg12 : memref<!tpu.dma_semaphore, #tpu.memory_space<semaphore_mem>>) src(%dma_wait3A_318 : memref<10240x128xf32, #tpu.memory_space<hbm>>) dst(%dma_wait3A_314 : memref<32x128xf32, #tpu.memory_space<vmem>>)
      %mul3A_319 = arith.constant 32 : i32
      %mul3A_320 = arith.muli %add3A_288, %mul3A_319 : i32
      %run_scoped3A_321 = arith.constant 2 : i32
      "tpu.region"() ({
        %run_scoped3A_359 = tpu.sem_alloc : memref<!tpu.dma_semaphore, #tpu.memory_space<semaphore_mem>>
        %dma_start3A_360 = arith.constant 0 : i32
        %dma_start3A_361 = arith.constant 0 : i32
        %dma_start3A_362 = tpu.memref_slice %arg9[%run_scoped3A_321, %dma_start3A_360, %dma_start3A_361] : memref<4x32x128xf32, #tpu.memory_space<vmem>> -> memref<1x32x128xf32, #tpu.memory_space<vmem>>
        %dma_start3A_363 = tpu.memref_squeeze %dma_start3A_362 : memref<1x32x128xf32, #tpu.memory_space<vmem>> -> memref<32x128xf32, #tpu.memory_space<vmem>>
        %dma_start3A_364 = tpu.memref_slice %arg8[%mul3A_320] : memref<10240xi32, #tpu.memory_space<vmem>> -> memref<32xi32, #tpu.memory_space<vmem>>
        %dma_start3A_365 = arith.constant 0 : i32
        %dma_start3A_366 = arith.constant 0 : i32
        %dma_start3A_367 = tpu.memref_slice %arg14[%dma_start3A_365, %dma_start3A_366] : memref<10240x128xf32, #tpu.memory_space<vmem_shared>> -> memref<10240x128xf32, #tpu.memory_space<vmem_shared>>
        tpu.enqueue_indirect_dma source(%dma_start3A_363 : memref<32x128xf32, #tpu.memory_space<vmem>>) target(%dma_start3A_367 : memref<10240x128xf32, #tpu.memory_space<vmem_shared>>) offsets(%dma_start3A_364 : memref<32xi32, #tpu.memory_space<vmem>>) semaphore(%run_scoped3A_359 : memref<!tpu.dma_semaphore, #tpu.memory_space<semaphore_mem>>) {add = true}
        %dma_wait3A_368 = arith.constant 0 : i32
        %dma_wait3A_369 = arith.constant 0 : i32
        %dma_wait3A_370 = tpu.memref_slice %arg9[%run_scoped3A_321, %dma_wait3A_368, %dma_wait3A_369] : memref<4x32x128xf32, #tpu.memory_space<vmem>> -> memref<1x32x128xf32, #tpu.memory_space<vmem>>
        %dma_wait3A_371 = tpu.memref_squeeze %dma_wait3A_370 : memref<1x32x128xf32, #tpu.memory_space<vmem>> -> memref<32x128xf32, #tpu.memory_space<vmem>>
        %dma_wait3A_372 = tpu.memref_slice %arg8[%mul3A_320] : memref<10240xi32, #tpu.memory_space<vmem>> -> memref<32xi32, #tpu.memory_space<vmem>>
        %dma_wait3A_373 = arith.constant 0 : i32
        %dma_wait3A_374 = arith.constant 0 : i32
        %dma_wait3A_375 = tpu.memref_slice %arg14[%dma_wait3A_373, %dma_wait3A_374] : memref<10240x128xf32, #tpu.memory_space<vmem_shared>> -> memref<10240x128xf32, #tpu.memory_space<vmem_shared>>
        tpu.wait_indirect_dma semaphore(%run_scoped3A_359 : memref<!tpu.dma_semaphore, #tpu.memory_space<semaphore_mem>>) src(%dma_wait3A_371 : memref<32x128xf32, #tpu.memory_space<vmem>>) dst(%dma_wait3A_375 : memref<10240x128xf32, #tpu.memory_space<vmem_shared>>)
        tpu.yield
      }) : () -> ()
      %mul3A_322 = arith.constant 4 : i32
      %mul3A_323 = arith.muli %scan3A_212, %mul3A_322 : i32
      %add3A_324 = arith.constant 3 : i32
      %add3A_325 = arith.addi %mul3A_323, %add3A_324 : i32
      %add3A_326 = arith.constant 2 : i32
      %add3A_327 = arith.addi %add3A_325, %add3A_326 : i32
      %lt3A_328 = arith.constant 320 : i32
      %lt3A_329 = arith.cmpi slt, %add3A_327, %lt3A_328 : i32
      %convert_element_type3A_330 = arith.extui %lt3A_329 : i1 to i32
      %cond3A_331 = arith.constant 0 : i32
      %cond3A_332 = arith.cmpi ne, %convert_element_type3A_330, %cond3A_331 : i32
      scf.if %cond3A_332 {
        %mul3A_359 = arith.constant 32 : i32
        %mul3A_360 = arith.muli %add3A_327, %mul3A_359 : i32
        %dma_start3A_361 = arith.constant 1 : i32
        %dma_start3A_362 = arith.constant 0 : i32
        %dma_start3A_363 = arith.constant 0 : i32
        %dma_start3A_364 = tpu.memref_slice %arg9[%dma_start3A_361, %dma_start3A_362, %dma_start3A_363] : memref<4x32x128xf32, #tpu.memory_space<vmem>> -> memref<1x32x128xf32, #tpu.memory_space<vmem>>
        %dma_start3A_365 = tpu.memref_squeeze %dma_start3A_364 : memref<1x32x128xf32, #tpu.memory_space<vmem>> -> memref<32x128xf32, #tpu.memory_space<vmem>>
        %dma_start3A_366 = tpu.memref_slice %arg7[%mul3A_360] : memref<10240xi32, #tpu.memory_space<vmem>> -> memref<32xi32, #tpu.memory_space<vmem>>
        %dma_start3A_367 = arith.constant 0 : i32
        %dma_start3A_368 = arith.constant 0 : i32
        %dma_start3A_369 = tpu.memref_slice %arg2[%dma_start3A_367, %dma_start3A_368] : memref<10240x128xf32, #tpu.memory_space<hbm>> -> memref<10240x128xf32, #tpu.memory_space<hbm>>
        tpu.enqueue_indirect_dma source(%dma_start3A_369 : memref<10240x128xf32, #tpu.memory_space<hbm>>) target(%dma_start3A_365 : memref<32x128xf32, #tpu.memory_space<vmem>>) offsets(%dma_start3A_366 : memref<32xi32, #tpu.memory_space<vmem>>) semaphore(%arg11 : memref<!tpu.dma_semaphore, #tpu.memory_space<semaphore_mem>>)
      } else {
      }
      %mul3A_333 = arith.constant 32 : i32
      %mul3A_334 = arith.muli %add3A_325, %mul3A_333 : i32
      %add3A_335 = arith.constant 0 : i32
      %add3A_336 = arith.addi %mul3A_334, %add3A_335 : i32
      %get3A_337 = arith.index_cast %add3A_336 : i32 to index
      %get3A_338 = tpu.vector_load %arg8[%get3A_337] {strides = array<i32>} : memref<10240xi32, #tpu.memory_space<vmem>>, vector<16xi32>,
      tpu.vector_store_idx %arg15[%get3A_338], %broadcast_in_dim3A_141 {add = true} : memref<10240xf32, #tpu.memory_space<vmem>>[vector<16xi32>], vector<16xf32>,
      %mul3A_339 = arith.constant 32 : i32
      %mul3A_340 = arith.muli %add3A_325, %mul3A_339 : i32
      %add3A_341 = arith.constant 16 : i32
      %add3A_342 = arith.addi %mul3A_340, %add3A_341 : i32
      %get3A_343 = arith.index_cast %add3A_342 : i32 to index
      %get3A_344 = tpu.vector_load %arg8[%get3A_343] {strides = array<i32>} : memref<10240xi32, #tpu.memory_space<vmem>>, vector<16xi32>,
      tpu.vector_store_idx %arg15[%get3A_344], %broadcast_in_dim3A_141 {add = true} : memref<10240xf32, #tpu.memory_space<vmem>>[vector<16xi32>], vector<16xf32>,
      %mul3A_345 = arith.constant 32 : i32
      %mul3A_346 = arith.muli %add3A_325, %mul3A_345 : i32
      %dma_wait3A_347 = arith.constant 3 : i32
      %dma_wait3A_348 = arith.constant 0 : i32
      %dma_wait3A_349 = arith.constant 0 : i32
      %dma_wait3A_350 = tpu.memref_slice %arg9[%dma_wait3A_347, %dma_wait3A_348, %dma_wait3A_349] : memref<4x32x128xf32, #tpu.memory_space<vmem>> -> memref<1x32x128xf32, #tpu.memory_space<vmem>>
      %dma_wait3A_351 = tpu.memref_squeeze %dma_wait3A_350 : memref<1x32x128xf32, #tpu.memory_space<vmem>> -> memref<32x128xf32, #tpu.memory_space<vmem>>
      %dma_wait3A_352 = tpu.memref_slice %arg7[%mul3A_346] : memref<10240xi32, #tpu.memory_space<vmem>> -> memref<32xi32, #tpu.memory_space<vmem>>
      %dma_wait3A_353 = arith.constant 0 : i32
      %dma_wait3A_354 = arith.constant 0 : i32
      %dma_wait3A_355 = tpu.memref_slice %arg2[%dma_wait3A_353, %dma_wait3A_354] : memref<10240x128xf32, #tpu.memory_space<hbm>> -> memref<10240x128xf32, #tpu.memory_space<hbm>>
      tpu.wait_indirect_dma semaphore(%arg13 : memref<!tpu.dma_semaphore, #tpu.memory_space<semaphore_mem>>) src(%dma_wait3A_355 : memref<10240x128xf32, #tpu.memory_space<hbm>>) dst(%dma_wait3A_351 : memref<32x128xf32, #tpu.memory_space<vmem>>)
      %mul3A_356 = arith.constant 32 : i32
      %mul3A_357 = arith.muli %add3A_325, %mul3A_356 : i32
      %run_scoped3A_358 = arith.constant 3 : i32
      "tpu.region"() ({
        %run_scoped3A_359 = tpu.sem_alloc : memref<!tpu.dma_semaphore, #tpu.memory_space<semaphore_mem>>
        %dma_start3A_360 = arith.constant 0 : i32
        %dma_start3A_361 = arith.constant 0 : i32
        %dma_start3A_362 = tpu.memref_slice %arg9[%run_scoped3A_358, %dma_start3A_360, %dma_start3A_361] : memref<4x32x128xf32, #tpu.memory_space<vmem>> -> memref<1x32x128xf32, #tpu.memory_space<vmem>>
        %dma_start3A_363 = tpu.memref_squeeze %dma_start3A_362 : memref<1x32x128xf32, #tpu.memory_space<vmem>> -> memref<32x128xf32, #tpu.memory_space<vmem>>
        %dma_start3A_364 = tpu.memref_slice %arg8[%mul3A_357] : memref<10240xi32, #tpu.memory_space<vmem>> -> memref<32xi32, #tpu.memory_space<vmem>>
        %dma_start3A_365 = arith.constant 0 : i32
        %dma_start3A_366 = arith.constant 0 : i32
        %dma_start3A_367 = tpu.memref_slice %arg14[%dma_start3A_365, %dma_start3A_366] : memref<10240x128xf32, #tpu.memory_space<vmem_shared>> -> memref<10240x128xf32, #tpu.memory_space<vmem_shared>>
        tpu.enqueue_indirect_dma source(%dma_start3A_363 : memref<32x128xf32, #tpu.memory_space<vmem>>) target(%dma_start3A_367 : memref<10240x128xf32, #tpu.memory_space<vmem_shared>>) offsets(%dma_start3A_364 : memref<32xi32, #tpu.memory_space<vmem>>) semaphore(%run_scoped3A_359 : memref<!tpu.dma_semaphore, #tpu.memory_space<semaphore_mem>>) {add = true}
        %dma_wait3A_368 = arith.constant 0 : i32
        %dma_wait3A_369 = arith.constant 0 : i32
        %dma_wait3A_370 = tpu.memref_slice %arg9[%run_scoped3A_358, %dma_wait3A_368, %dma_wait3A_369] : memref<4x32x128xf32, #tpu.memory_space<vmem>> -> memref<1x32x128xf32, #tpu.memory_space<vmem>>
        %dma_wait3A_371 = tpu.memref_squeeze %dma_wait3A_370 : memref<1x32x128xf32, #tpu.memory_space<vmem>> -> memref<32x128xf32, #tpu.memory_space<vmem>>
        %dma_wait3A_372 = tpu.memref_slice %arg8[%mul3A_357] : memref<10240xi32, #tpu.memory_space<vmem>> -> memref<32xi32, #tpu.memory_space<vmem>>
        %dma_wait3A_373 = arith.constant 0 : i32
        %dma_wait3A_374 = arith.constant 0 : i32
        %dma_wait3A_375 = tpu.memref_slice %arg14[%dma_wait3A_373, %dma_wait3A_374] : memref<10240x128xf32, #tpu.memory_space<vmem_shared>> -> memref<10240x128xf32, #tpu.memory_space<vmem_shared>>
        tpu.wait_indirect_dma semaphore(%run_scoped3A_359 : memref<!tpu.dma_semaphore, #tpu.memory_space<semaphore_mem>>) src(%dma_wait3A_371 : memref<32x128xf32, #tpu.memory_space<vmem>>) dst(%dma_wait3A_375 : memref<10240x128xf32, #tpu.memory_space<vmem_shared>>)
        tpu.yield
      }) : () -> ()
    }
    %scan3A_166 = arith.constant 80 : i32
    %scan3A_167 = arith.constant 0 : i32
    %scan3A_168 = arith.constant 0 : i32
    %scan3A_169 = arith.constant 16 : i32
    %scan3A_170 = arith.addi %scan3A_168, %scan3A_169 : i32
    %scan3A_171 = arith.constant 1 : i32
    scf.for %scan3A_212 = %scan3A_168 to %scan3A_170 step %scan3A_171  : i32 {
      %add3A_213 = arith.constant 0 : i32
      %add3A_214 = arith.addi %add3A_213, %scan3A_212 : i32
      %mul3A_215 = arith.constant 128 : i32
      %mul3A_216 = arith.muli %mul3A_215, %add3A_214 : i32
      %add3A_217 = arith.constant 0 : i32
      %add3A_218 = arith.addi %mul3A_216, %add3A_217 : i32
      %get3A = arith.index_cast %add3A_218 : i32 to index
      %get3A_219 = tpu.vector_load %arg15[%get3A] {strides = array<i32>} : memref<10240xf32, #tpu.memory_space<vmem>>, vector<16xf32>,
      %swap3A_220 = arith.constant 0 : i32
      %swap3A_221 = arith.index_cast %swap3A_220 : i32 to index
      %swap3A_222 = arith.index_cast %scan3A_212 : i32 to index
      %swap3A_223 = arith.constant 0 : index
      %swap3A_224 = tpu.vector_load %arg9[%swap3A_221, %swap3A_222, %swap3A_223] {strides = array<i32>} : memref<4x32x128xf32, #tpu.memory_space<vmem>>, vector<16xf32>,
      tpu.vector_store %arg9[%swap3A_221, %swap3A_222, %swap3A_223], %get3A_219 {strides = array<i32>} : memref<4x32x128xf32, #tpu.memory_space<vmem>>, vector<16xf32>,
      %mul3A_225 = arith.constant 128 : i32
      %mul3A_226 = arith.muli %mul3A_225, %add3A_214 : i32
      %add3A_227 = arith.constant 16 : i32
      %add3A_228 = arith.addi %mul3A_226, %add3A_227 : i32
      %get3A_229 = arith.index_cast %add3A_228 : i32 to index
      %get3A_230 = tpu.vector_load %arg15[%get3A_229] {strides = array<i32>} : memref<10240xf32, #tpu.memory_space<vmem>>, vector<16xf32>,
      %swap3A_231 = arith.constant 0 : i32
      %swap3A_232 = arith.index_cast %swap3A_231 : i32 to index
      %swap3A_233 = arith.index_cast %scan3A_212 : i32 to index
      %swap3A_234 = arith.constant 16 : index
      %swap3A_235 = tpu.vector_load %arg9[%swap3A_232, %swap3A_233, %swap3A_234] {strides = array<i32>} : memref<4x32x128xf32, #tpu.memory_space<vmem>>, vector<16xf32>,
      tpu.vector_store %arg9[%swap3A_232, %swap3A_233, %swap3A_234], %get3A_230 {strides = array<i32>} : memref<4x32x128xf32, #tpu.memory_space<vmem>>, vector<16xf32>,
      %mul3A_236 = arith.constant 128 : i32
      %mul3A_237 = arith.muli %mul3A_236, %add3A_214 : i32
      %add3A_238 = arith.constant 32 : i32
      %add3A_239 = arith.addi %mul3A_237, %add3A_238 : i32
      %get3A_240 = arith.index_cast %add3A_239 : i32 to index
      %get3A_241 = tpu.vector_load %arg15[%get3A_240] {strides = array<i32>} : memref<10240xf32, #tpu.memory_space<vmem>>, vector<16xf32>,
      %swap3A_242 = arith.constant 0 : i32
      %swap3A_243 = arith.index_cast %swap3A_242 : i32 to index
      %swap3A_244 = arith.index_cast %scan3A_212 : i32 to index
      %swap3A_245 = arith.constant 32 : index
      %swap3A_246 = tpu.vector_load %arg9[%swap3A_243, %swap3A_244, %swap3A_245] {strides = array<i32>} : memref<4x32x128xf32, #tpu.memory_space<vmem>>, vector<16xf32>,
      tpu.vector_store %arg9[%swap3A_243, %swap3A_244, %swap3A_245], %get3A_241 {strides = array<i32>} : memref<4x32x128xf32, #tpu.memory_space<vmem>>, vector<16xf32>,
      %mul3A_247 = arith.constant 128 : i32
      %mul3A_248 = arith.muli %mul3A_247, %add3A_214 : i32
      %add3A_249 = arith.constant 48 : i32
      %add3A_250 = arith.addi %mul3A_248, %add3A_249 : i32
      %get3A_251 = arith.index_cast %add3A_250 : i32 to index
      %get3A_252 = tpu.vector_load %arg15[%get3A_251] {strides = array<i32>} : memref<10240xf32, #tpu.memory_space<vmem>>, vector<16xf32>,
      %swap3A_253 = arith.constant 0 : i32
      %swap3A_254 = arith.index_cast %swap3A_253 : i32 to index
      %swap3A_255 = arith.index_cast %scan3A_212 : i32 to index
      %swap3A_256 = arith.constant 48 : index
      %swap3A_257 = tpu.vector_load %arg9[%swap3A_254, %swap3A_255, %swap3A_256] {strides = array<i32>} : memref<4x32x128xf32, #tpu.memory_space<vmem>>, vector<16xf32>,
      tpu.vector_store %arg9[%swap3A_254, %swap3A_255, %swap3A_256], %get3A_252 {strides = array<i32>} : memref<4x32x128xf32, #tpu.memory_space<vmem>>, vector<16xf32>,
      %mul3A_258 = arith.constant 128 : i32
      %mul3A_259 = arith.muli %mul3A_258, %add3A_214 : i32
      %add3A_260 = arith.constant 64 : i32
      %add3A_261 = arith.addi %mul3A_259, %add3A_260 : i32
      %get3A_262 = arith.index_cast %add3A_261 : i32 to index
      %get3A_263 = tpu.vector_load %arg15[%get3A_262] {strides = array<i32>} : memref<10240xf32, #tpu.memory_space<vmem>>, vector<16xf32>,
      %swap3A_264 = arith.constant 0 : i32
      %swap3A_265 = arith.index_cast %swap3A_264 : i32 to index
      %swap3A_266 = arith.index_cast %scan3A_212 : i32 to index
      %swap3A_267 = arith.constant 64 : index
      %swap3A_268 = tpu.vector_load %arg9[%swap3A_265, %swap3A_266, %swap3A_267] {strides = array<i32>} : memref<4x32x128xf32, #tpu.memory_space<vmem>>, vector<16xf32>,
      tpu.vector_store %arg9[%swap3A_265, %swap3A_266, %swap3A_267], %get3A_263 {strides = array<i32>} : memref<4x32x128xf32, #tpu.memory_space<vmem>>, vector<16xf32>,
      %mul3A_269 = arith.constant 128 : i32
      %mul3A_270 = arith.muli %mul3A_269, %add3A_214 : i32
      %add3A_271 = arith.constant 80 : i32
      %add3A_272 = arith.addi %mul3A_270, %add3A_271 : i32
      %get3A_273 = arith.index_cast %add3A_272 : i32 to index
      %get3A_274 = tpu.vector_load %arg15[%get3A_273] {strides = array<i32>} : memref<10240xf32, #tpu.memory_space<vmem>>, vector<16xf32>,
      %swap3A_275 = arith.constant 0 : i32
      %swap3A_276 = arith.index_cast %swap3A_275 : i32 to index
      %swap3A_277 = arith.index_cast %scan3A_212 : i32 to index
      %swap3A_278 = arith.constant 80 : index
      %swap3A_279 = tpu.vector_load %arg9[%swap3A_276, %swap3A_277, %swap3A_278] {strides = array<i32>} : memref<4x32x128xf32, #tpu.memory_space<vmem>>, vector<16xf32>,
      tpu.vector_store %arg9[%swap3A_276, %swap3A_277, %swap3A_278], %get3A_274 {strides = array<i32>} : memref<4x32x128xf32, #tpu.memory_space<vmem>>, vector<16xf32>,
      %mul3A_280 = arith.constant 128 : i32
      %mul3A_281 = arith.muli %mul3A_280, %add3A_214 : i32
      %add3A_282 = arith.constant 96 : i32
      %add3A_283 = arith.addi %mul3A_281, %add3A_282 : i32
      %get3A_284 = arith.index_cast %add3A_283 : i32 to index
      %get3A_285 = tpu.vector_load %arg15[%get3A_284] {strides = array<i32>} : memref<10240xf32, #tpu.memory_space<vmem>>, vector<16xf32>,
      %swap3A_286 = arith.constant 0 : i32
      %swap3A_287 = arith.index_cast %swap3A_286 : i32 to index
      %swap3A_288 = arith.index_cast %scan3A_212 : i32 to index
      %swap3A_289 = arith.constant 96 : index
      %swap3A_290 = tpu.vector_load %arg9[%swap3A_287, %swap3A_288, %swap3A_289] {strides = array<i32>} : memref<4x32x128xf32, #tpu.memory_space<vmem>>, vector<16xf32>,
      tpu.vector_store %arg9[%swap3A_287, %swap3A_288, %swap3A_289], %get3A_285 {strides = array<i32>} : memref<4x32x128xf32, #tpu.memory_space<vmem>>, vector<16xf32>,
      %mul3A_291 = arith.constant 128 : i32
      %mul3A_292 = arith.muli %mul3A_291, %add3A_214 : i32
      %add3A_293 = arith.constant 112 : i32
      %add3A_294 = arith.addi %mul3A_292, %add3A_293 : i32
      %get3A_295 = arith.index_cast %add3A_294 : i32 to index
      %get3A_296 = tpu.vector_load %arg15[%get3A_295] {strides = array<i32>} : memref<10240xf32, #tpu.memory_space<vmem>>, vector<16xf32>,
      %swap3A_297 = arith.constant 0 : i32
      %swap3A_298 = arith.index_cast %swap3A_297 : i32 to index
      %swap3A_299 = arith.index_cast %scan3A_212 : i32 to index
      %swap3A_300 = arith.constant 112 : index
      %swap3A_301 = tpu.vector_load %arg9[%swap3A_298, %swap3A_299, %swap3A_300] {strides = array<i32>} : memref<4x32x128xf32, #tpu.memory_space<vmem>>, vector<16xf32>,
      tpu.vector_store %arg9[%swap3A_298, %swap3A_299, %swap3A_300], %get3A_296 {strides = array<i32>} : memref<4x32x128xf32, #tpu.memory_space<vmem>>, vector<16xf32>,
    }
    %scan3A_172 = arith.constant 16 : i32
    %run_scoped3A_173 = arith.constant 0 : i32
    "tpu.region"() ({
      %run_scoped3A_212 = tpu.sem_alloc : memref<!tpu.dma_semaphore, #tpu.memory_space<semaphore_mem>>
      %dma_start3A_213 = arith.constant 0 : i32
      %dma_start3A_214 = arith.constant 0 : i32
      %dma_start3A_215 = tpu.memref_slice %arg9[%run_scoped3A_173, %dma_start3A_213, %dma_start3A_214] : memref<4x32x128xf32, #tpu.memory_space<vmem>> -> memref<1x16x128xf32, #tpu.memory_space<vmem>>
      %dma_start3A_216 = tpu.memref_squeeze %dma_start3A_215 : memref<1x16x128xf32, #tpu.memory_space<vmem>> -> memref<16x128xf32, #tpu.memory_space<vmem>>
      %dma_start3A_217 = arith.constant 0 : i32
      %dma_start3A_218 = tpu.memref_slice %arg17[%dma_start3A_217] : memref<80xi32, #tpu.memory_space<vmem>> -> memref<16xi32, #tpu.memory_space<vmem>>
      %dma_start3A_219 = arith.constant 0 : i32
      %dma_start3A_220 = arith.constant 0 : i32
      %dma_start3A_221 = tpu.memref_slice %arg16[%dma_start3A_219, %dma_start3A_220] : memref<80x128xf32, #tpu.memory_space<vmem_shared>> -> memref<80x128xf32, #tpu.memory_space<vmem_shared>>
      tpu.enqueue_indirect_dma source(%dma_start3A_216 : memref<16x128xf32, #tpu.memory_space<vmem>>) target(%dma_start3A_221 : memref<80x128xf32, #tpu.memory_space<vmem_shared>>) offsets(%dma_start3A_218 : memref<16xi32, #tpu.memory_space<vmem>>) semaphore(%run_scoped3A_212 : memref<!tpu.dma_semaphore, #tpu.memory_space<semaphore_mem>>) {add = true}
      %dma_wait3A = arith.constant 0 : i32
      %dma_wait3A_222 = arith.constant 0 : i32
      %dma_wait3A_223 = tpu.memref_slice %arg9[%run_scoped3A_173, %dma_wait3A, %dma_wait3A_222] : memref<4x32x128xf32, #tpu.memory_space<vmem>> -> memref<1x16x128xf32, #tpu.memory_space<vmem>>
      %dma_wait3A_224 = tpu.memref_squeeze %dma_wait3A_223 : memref<1x16x128xf32, #tpu.memory_space<vmem>> -> memref<16x128xf32, #tpu.memory_space<vmem>>
      %dma_wait3A_225 = arith.constant 0 : i32
      %dma_wait3A_226 = tpu.memref_slice %arg17[%dma_wait3A_225] : memref<80xi32, #tpu.memory_space<vmem>> -> memref<16xi32, #tpu.memory_space<vmem>>
      %dma_wait3A_227 = arith.constant 0 : i32
      %dma_wait3A_228 = arith.constant 0 : i32
      %dma_wait3A_229 = tpu.memref_slice %arg16[%dma_wait3A_227, %dma_wait3A_228] : memref<80x128xf32, #tpu.memory_space<vmem_shared>> -> memref<80x128xf32, #tpu.memory_space<vmem_shared>>
      tpu.wait_indirect_dma semaphore(%run_scoped3A_212 : memref<!tpu.dma_semaphore, #tpu.memory_space<semaphore_mem>>) src(%dma_wait3A_224 : memref<16x128xf32, #tpu.memory_space<vmem>>) dst(%dma_wait3A_229 : memref<80x128xf32, #tpu.memory_space<vmem_shared>>)
      tpu.yield
    }) : () -> ()
    %scan3A_174 = arith.constant 0 : i32
    %scan3A_175 = arith.constant 0 : i32
    %scan3A_176 = arith.constant 16 : i32
    %scan3A_177 = arith.addi %scan3A_175, %scan3A_176 : i32
    %scan3A_178 = arith.constant 1 : i32
    scf.for %scan3A_212 = %scan3A_175 to %scan3A_177 step %scan3A_178  : i32 {
      %add3A_213 = arith.constant 16 : i32
      %add3A_214 = arith.addi %add3A_213, %scan3A_212 : i32
      %mul3A_215 = arith.constant 128 : i32
      %mul3A_216 = arith.muli %mul3A_215, %add3A_214 : i32
      %add3A_217 = arith.constant 0 : i32
      %add3A_218 = arith.addi %mul3A_216, %add3A_217 : i32
      %get3A = arith.index_cast %add3A_218 : i32 to index
      %get3A_219 = tpu.vector_load %arg15[%get3A] {strides = array<i32>} : memref<10240xf32, #tpu.memory_space<vmem>>, vector<16xf32>,
      %swap3A_220 = arith.constant 1 : i32
      %swap3A_221 = arith.index_cast %swap3A_220 : i32 to index
      %swap3A_222 = arith.index_cast %scan3A_212 : i32 to index
      %swap3A_223 = arith.constant 0 : index
      %swap3A_224 = tpu.vector_load %arg9[%swap3A_221, %swap3A_222, %swap3A_223] {strides = array<i32>} : memref<4x32x128xf32, #tpu.memory_space<vmem>>, vector<16xf32>,
      tpu.vector_store %arg9[%swap3A_221, %swap3A_222, %swap3A_223], %get3A_219 {strides = array<i32>} : memref<4x32x128xf32, #tpu.memory_space<vmem>>, vector<16xf32>,
      %mul3A_225 = arith.constant 128 : i32
      %mul3A_226 = arith.muli %mul3A_225, %add3A_214 : i32
      %add3A_227 = arith.constant 16 : i32
      %add3A_228 = arith.addi %mul3A_226, %add3A_227 : i32
      %get3A_229 = arith.index_cast %add3A_228 : i32 to index
      %get3A_230 = tpu.vector_load %arg15[%get3A_229] {strides = array<i32>} : memref<10240xf32, #tpu.memory_space<vmem>>, vector<16xf32>,
      %swap3A_231 = arith.constant 1 : i32
      %swap3A_232 = arith.index_cast %swap3A_231 : i32 to index
      %swap3A_233 = arith.index_cast %scan3A_212 : i32 to index
      %swap3A_234 = arith.constant 16 : index
      %swap3A_235 = tpu.vector_load %arg9[%swap3A_232, %swap3A_233, %swap3A_234] {strides = array<i32>} : memref<4x32x128xf32, #tpu.memory_space<vmem>>, vector<16xf32>,
      tpu.vector_store %arg9[%swap3A_232, %swap3A_233, %swap3A_234], %get3A_230 {strides = array<i32>} : memref<4x32x128xf32, #tpu.memory_space<vmem>>, vector<16xf32>,
      %mul3A_236 = arith.constant 128 : i32
      %mul3A_237 = arith.muli %mul3A_236, %add3A_214 : i32
      %add3A_238 = arith.constant 32 : i32
      %add3A_239 = arith.addi %mul3A_237, %add3A_238 : i32
      %get3A_240 = arith.index_cast %add3A_239 : i32 to index
      %get3A_241 = tpu.vector_load %arg15[%get3A_240] {strides = array<i32>} : memref<10240xf32, #tpu.memory_space<vmem>>, vector<16xf32>,
      %swap3A_242 = arith.constant 1 : i32
      %swap3A_243 = arith.index_cast %swap3A_242 : i32 to index
      %swap3A_244 = arith.index_cast %scan3A_212 : i32 to index
      %swap3A_245 = arith.constant 32 : index
      %swap3A_246 = tpu.vector_load %arg9[%swap3A_243, %swap3A_244, %swap3A_245] {strides = array<i32>} : memref<4x32x128xf32, #tpu.memory_space<vmem>>, vector<16xf32>,
      tpu.vector_store %arg9[%swap3A_243, %swap3A_244, %swap3A_245], %get3A_241 {strides = array<i32>} : memref<4x32x128xf32, #tpu.memory_space<vmem>>, vector<16xf32>,
      %mul3A_247 = arith.constant 128 : i32
      %mul3A_248 = arith.muli %mul3A_247, %add3A_214 : i32
      %add3A_249 = arith.constant 48 : i32
      %add3A_250 = arith.addi %mul3A_248, %add3A_249 : i32
      %get3A_251 = arith.index_cast %add3A_250 : i32 to index
      %get3A_252 = tpu.vector_load %arg15[%get3A_251] {strides = array<i32>} : memref<10240xf32, #tpu.memory_space<vmem>>, vector<16xf32>,
      %swap3A_253 = arith.constant 1 : i32
      %swap3A_254 = arith.index_cast %swap3A_253 : i32 to index
      %swap3A_255 = arith.index_cast %scan3A_212 : i32 to index
      %swap3A_256 = arith.constant 48 : index
      %swap3A_257 = tpu.vector_load %arg9[%swap3A_254, %swap3A_255, %swap3A_256] {strides = array<i32>} : memref<4x32x128xf32, #tpu.memory_space<vmem>>, vector<16xf32>,
      tpu.vector_store %arg9[%swap3A_254, %swap3A_255, %swap3A_256], %get3A_252 {strides = array<i32>} : memref<4x32x128xf32, #tpu.memory_space<vmem>>, vector<16xf32>,
      %mul3A_258 = arith.constant 128 : i32
      %mul3A_259 = arith.muli %mul3A_258, %add3A_214 : i32
      %add3A_260 = arith.constant 64 : i32
      %add3A_261 = arith.addi %mul3A_259, %add3A_260 : i32
      %get3A_262 = arith.index_cast %add3A_261 : i32 to index
      %get3A_263 = tpu.vector_load %arg15[%get3A_262] {strides = array<i32>} : memref<10240xf32, #tpu.memory_space<vmem>>, vector<16xf32>,
      %swap3A_264 = arith.constant 1 : i32
      %swap3A_265 = arith.index_cast %swap3A_264 : i32 to index
      %swap3A_266 = arith.index_cast %scan3A_212 : i32 to index
      %swap3A_267 = arith.constant 64 : index
      %swap3A_268 = tpu.vector_load %arg9[%swap3A_265, %swap3A_266, %swap3A_267] {strides = array<i32>} : memref<4x32x128xf32, #tpu.memory_space<vmem>>, vector<16xf32>,
      tpu.vector_store %arg9[%swap3A_265, %swap3A_266, %swap3A_267], %get3A_263 {strides = array<i32>} : memref<4x32x128xf32, #tpu.memory_space<vmem>>, vector<16xf32>,
      %mul3A_269 = arith.constant 128 : i32
      %mul3A_270 = arith.muli %mul3A_269, %add3A_214 : i32
      %add3A_271 = arith.constant 80 : i32
      %add3A_272 = arith.addi %mul3A_270, %add3A_271 : i32
      %get3A_273 = arith.index_cast %add3A_272 : i32 to index
      %get3A_274 = tpu.vector_load %arg15[%get3A_273] {strides = array<i32>} : memref<10240xf32, #tpu.memory_space<vmem>>, vector<16xf32>,
      %swap3A_275 = arith.constant 1 : i32
      %swap3A_276 = arith.index_cast %swap3A_275 : i32 to index
      %swap3A_277 = arith.index_cast %scan3A_212 : i32 to index
      %swap3A_278 = arith.constant 80 : index
      %swap3A_279 = tpu.vector_load %arg9[%swap3A_276, %swap3A_277, %swap3A_278] {strides = array<i32>} : memref<4x32x128xf32, #tpu.memory_space<vmem>>, vector<16xf32>,
      tpu.vector_store %arg9[%swap3A_276, %swap3A_277, %swap3A_278], %get3A_274 {strides = array<i32>} : memref<4x32x128xf32, #tpu.memory_space<vmem>>, vector<16xf32>,
      %mul3A_280 = arith.constant 128 : i32
      %mul3A_281 = arith.muli %mul3A_280, %add3A_214 : i32
      %add3A_282 = arith.constant 96 : i32
      %add3A_283 = arith.addi %mul3A_281, %add3A_282 : i32
      %get3A_284 = arith.index_cast %add3A_283 : i32 to index
      %get3A_285 = tpu.vector_load %arg15[%get3A_284] {strides = array<i32>} : memref<10240xf32, #tpu.memory_space<vmem>>, vector<16xf32>,
      %swap3A_286 = arith.constant 1 : i32
      %swap3A_287 = arith.index_cast %swap3A_286 : i32 to index
      %swap3A_288 = arith.index_cast %scan3A_212 : i32 to index
      %swap3A_289 = arith.constant 96 : index
      %swap3A_290 = tpu.vector_load %arg9[%swap3A_287, %swap3A_288, %swap3A_289] {strides = array<i32>} : memref<4x32x128xf32, #tpu.memory_space<vmem>>, vector<16xf32>,
      tpu.vector_store %arg9[%swap3A_287, %swap3A_288, %swap3A_289], %get3A_285 {strides = array<i32>} : memref<4x32x128xf32, #tpu.memory_space<vmem>>, vector<16xf32>,
      %mul3A_291 = arith.constant 128 : i32
      %mul3A_292 = arith.muli %mul3A_291, %add3A_214 : i32
      %add3A_293 = arith.constant 112 : i32
      %add3A_294 = arith.addi %mul3A_292, %add3A_293 : i32
      %get3A_295 = arith.index_cast %add3A_294 : i32 to index
      %get3A_296 = tpu.vector_load %arg15[%get3A_295] {strides = array<i32>} : memref<10240xf32, #tpu.memory_space<vmem>>, vector<16xf32>,
      %swap3A_297 = arith.constant 1 : i32
      %swap3A_298 = arith.index_cast %swap3A_297 : i32 to index
      %swap3A_299 = arith.index_cast %scan3A_212 : i32 to index
      %swap3A_300 = arith.constant 112 : index
      %swap3A_301 = tpu.vector_load %arg9[%swap3A_298, %swap3A_299, %swap3A_300] {strides = array<i32>} : memref<4x32x128xf32, #tpu.memory_space<vmem>>, vector<16xf32>,
      tpu.vector_store %arg9[%swap3A_298, %swap3A_299, %swap3A_300], %get3A_296 {strides = array<i32>} : memref<4x32x128xf32, #tpu.memory_space<vmem>>, vector<16xf32>,
    }
    %scan3A_179 = arith.constant 16 : i32
    %run_scoped3A_180 = arith.constant 1 : i32
    "tpu.region"() ({
      %run_scoped3A_212 = tpu.sem_alloc : memref<!tpu.dma_semaphore, #tpu.memory_space<semaphore_mem>>
      %dma_start3A_213 = arith.constant 0 : i32
      %dma_start3A_214 = arith.constant 0 : i32
      %dma_start3A_215 = tpu.memref_slice %arg9[%run_scoped3A_180, %dma_start3A_213, %dma_start3A_214] : memref<4x32x128xf32, #tpu.memory_space<vmem>> -> memref<1x16x128xf32, #tpu.memory_space<vmem>>
      %dma_start3A_216 = tpu.memref_squeeze %dma_start3A_215 : memref<1x16x128xf32, #tpu.memory_space<vmem>> -> memref<16x128xf32, #tpu.memory_space<vmem>>
      %dma_start3A_217 = arith.constant 16 : i32
      %dma_start3A_218 = tpu.memref_slice %arg17[%dma_start3A_217] : memref<80xi32, #tpu.memory_space<vmem>> -> memref<16xi32, #tpu.memory_space<vmem>>
      %dma_start3A_219 = arith.constant 0 : i32
      %dma_start3A_220 = arith.constant 0 : i32
      %dma_start3A_221 = tpu.memref_slice %arg16[%dma_start3A_219, %dma_start3A_220] : memref<80x128xf32, #tpu.memory_space<vmem_shared>> -> memref<80x128xf32, #tpu.memory_space<vmem_shared>>
      tpu.enqueue_indirect_dma source(%dma_start3A_216 : memref<16x128xf32, #tpu.memory_space<vmem>>) target(%dma_start3A_221 : memref<80x128xf32, #tpu.memory_space<vmem_shared>>) offsets(%dma_start3A_218 : memref<16xi32, #tpu.memory_space<vmem>>) semaphore(%run_scoped3A_212 : memref<!tpu.dma_semaphore, #tpu.memory_space<semaphore_mem>>) {add = true}
      %dma_wait3A = arith.constant 0 : i32
      %dma_wait3A_222 = arith.constant 0 : i32
      %dma_wait3A_223 = tpu.memref_slice %arg9[%run_scoped3A_180, %dma_wait3A, %dma_wait3A_222] : memref<4x32x128xf32, #tpu.memory_space<vmem>> -> memref<1x16x128xf32, #tpu.memory_space<vmem>>
      %dma_wait3A_224 = tpu.memref_squeeze %dma_wait3A_223 : memref<1x16x128xf32, #tpu.memory_space<vmem>> -> memref<16x128xf32, #tpu.memory_space<vmem>>
      %dma_wait3A_225 = arith.constant 16 : i32
      %dma_wait3A_226 = tpu.memref_slice %arg17[%dma_wait3A_225] : memref<80xi32, #tpu.memory_space<vmem>> -> memref<16xi32, #tpu.memory_space<vmem>>
      %dma_wait3A_227 = arith.constant 0 : i32
      %dma_wait3A_228 = arith.constant 0 : i32
      %dma_wait3A_229 = tpu.memref_slice %arg16[%dma_wait3A_227, %dma_wait3A_228] : memref<80x128xf32, #tpu.memory_space<vmem_shared>> -> memref<80x128xf32, #tpu.memory_space<vmem_shared>>
      tpu.wait_indirect_dma semaphore(%run_scoped3A_212 : memref<!tpu.dma_semaphore, #tpu.memory_space<semaphore_mem>>) src(%dma_wait3A_224 : memref<16x128xf32, #tpu.memory_space<vmem>>) dst(%dma_wait3A_229 : memref<80x128xf32, #tpu.memory_space<vmem_shared>>)
      tpu.yield
    }) : () -> ()
    %scan3A_181 = arith.constant 0 : i32
    %scan3A_182 = arith.constant 0 : i32
    %scan3A_183 = arith.constant 16 : i32
    %scan3A_184 = arith.addi %scan3A_182, %scan3A_183 : i32
    %scan3A_185 = arith.constant 1 : i32
    scf.for %scan3A_212 = %scan3A_182 to %scan3A_184 step %scan3A_185  : i32 {
      %add3A_213 = arith.constant 32 : i32
      %add3A_214 = arith.addi %add3A_213, %scan3A_212 : i32
      %mul3A_215 = arith.constant 128 : i32
      %mul3A_216 = arith.muli %mul3A_215, %add3A_214 : i32
      %add3A_217 = arith.constant 0 : i32
      %add3A_218 = arith.addi %mul3A_216, %add3A_217 : i32
      %get3A = arith.index_cast %add3A_218 : i32 to index
      %get3A_219 = tpu.vector_load %arg15[%get3A] {strides = array<i32>} : memref<10240xf32, #tpu.memory_space<vmem>>, vector<16xf32>,
      %swap3A_220 = arith.constant 2 : i32
      %swap3A_221 = arith.index_cast %swap3A_220 : i32 to index
      %swap3A_222 = arith.index_cast %scan3A_212 : i32 to index
      %swap3A_223 = arith.constant 0 : index
      %swap3A_224 = tpu.vector_load %arg9[%swap3A_221, %swap3A_222, %swap3A_223] {strides = array<i32>} : memref<4x32x128xf32, #tpu.memory_space<vmem>>, vector<16xf32>,
      tpu.vector_store %arg9[%swap3A_221, %swap3A_222, %swap3A_223], %get3A_219 {strides = array<i32>} : memref<4x32x128xf32, #tpu.memory_space<vmem>>, vector<16xf32>,
      %mul3A_225 = arith.constant 128 : i32
      %mul3A_226 = arith.muli %mul3A_225, %add3A_214 : i32
      %add3A_227 = arith.constant 16 : i32
      %add3A_228 = arith.addi %mul3A_226, %add3A_227 : i32
      %get3A_229 = arith.index_cast %add3A_228 : i32 to index
      %get3A_230 = tpu.vector_load %arg15[%get3A_229] {strides = array<i32>} : memref<10240xf32, #tpu.memory_space<vmem>>, vector<16xf32>,
      %swap3A_231 = arith.constant 2 : i32
      %swap3A_232 = arith.index_cast %swap3A_231 : i32 to index
      %swap3A_233 = arith.index_cast %scan3A_212 : i32 to index
      %swap3A_234 = arith.constant 16 : index
      %swap3A_235 = tpu.vector_load %arg9[%swap3A_232, %swap3A_233, %swap3A_234] {strides = array<i32>} : memref<4x32x128xf32, #tpu.memory_space<vmem>>, vector<16xf32>,
      tpu.vector_store %arg9[%swap3A_232, %swap3A_233, %swap3A_234], %get3A_230 {strides = array<i32>} : memref<4x32x128xf32, #tpu.memory_space<vmem>>, vector<16xf32>,
      %mul3A_236 = arith.constant 128 : i32
      %mul3A_237 = arith.muli %mul3A_236, %add3A_214 : i32
      %add3A_238 = arith.constant 32 : i32
      %add3A_239 = arith.addi %mul3A_237, %add3A_238 : i32
      %get3A_240 = arith.index_cast %add3A_239 : i32 to index
      %get3A_241 = tpu.vector_load %arg15[%get3A_240] {strides = array<i32>} : memref<10240xf32, #tpu.memory_space<vmem>>, vector<16xf32>,
      %swap3A_242 = arith.constant 2 : i32
      %swap3A_243 = arith.index_cast %swap3A_242 : i32 to index
      %swap3A_244 = arith.index_cast %scan3A_212 : i32 to index
      %swap3A_245 = arith.constant 32 : index
      %swap3A_246 = tpu.vector_load %arg9[%swap3A_243, %swap3A_244, %swap3A_245] {strides = array<i32>} : memref<4x32x128xf32, #tpu.memory_space<vmem>>, vector<16xf32>,
      tpu.vector_store %arg9[%swap3A_243, %swap3A_244, %swap3A_245], %get3A_241 {strides = array<i32>} : memref<4x32x128xf32, #tpu.memory_space<vmem>>, vector<16xf32>,
      %mul3A_247 = arith.constant 128 : i32
      %mul3A_248 = arith.muli %mul3A_247, %add3A_214 : i32
      %add3A_249 = arith.constant 48 : i32
      %add3A_250 = arith.addi %mul3A_248, %add3A_249 : i32
      %get3A_251 = arith.index_cast %add3A_250 : i32 to index
      %get3A_252 = tpu.vector_load %arg15[%get3A_251] {strides = array<i32>} : memref<10240xf32, #tpu.memory_space<vmem>>, vector<16xf32>,
      %swap3A_253 = arith.constant 2 : i32
      %swap3A_254 = arith.index_cast %swap3A_253 : i32 to index
      %swap3A_255 = arith.index_cast %scan3A_212 : i32 to index
      %swap3A_256 = arith.constant 48 : index
      %swap3A_257 = tpu.vector_load %arg9[%swap3A_254, %swap3A_255, %swap3A_256] {strides = array<i32>} : memref<4x32x128xf32, #tpu.memory_space<vmem>>, vector<16xf32>,
      tpu.vector_store %arg9[%swap3A_254, %swap3A_255, %swap3A_256], %get3A_252 {strides = array<i32>} : memref<4x32x128xf32, #tpu.memory_space<vmem>>, vector<16xf32>,
      %mul3A_258 = arith.constant 128 : i32
      %mul3A_259 = arith.muli %mul3A_258, %add3A_214 : i32
      %add3A_260 = arith.constant 64 : i32
      %add3A_261 = arith.addi %mul3A_259, %add3A_260 : i32
      %get3A_262 = arith.index_cast %add3A_261 : i32 to index
      %get3A_263 = tpu.vector_load %arg15[%get3A_262] {strides = array<i32>} : memref<10240xf32, #tpu.memory_space<vmem>>, vector<16xf32>,
      %swap3A_264 = arith.constant 2 : i32
      %swap3A_265 = arith.index_cast %swap3A_264 : i32 to index
      %swap3A_266 = arith.index_cast %scan3A_212 : i32 to index
      %swap3A_267 = arith.constant 64 : index
      %swap3A_268 = tpu.vector_load %arg9[%swap3A_265, %swap3A_266, %swap3A_267] {strides = array<i32>} : memref<4x32x128xf32, #tpu.memory_space<vmem>>, vector<16xf32>,
      tpu.vector_store %arg9[%swap3A_265, %swap3A_266, %swap3A_267], %get3A_263 {strides = array<i32>} : memref<4x32x128xf32, #tpu.memory_space<vmem>>, vector<16xf32>,
      %mul3A_269 = arith.constant 128 : i32
      %mul3A_270 = arith.muli %mul3A_269, %add3A_214 : i32
      %add3A_271 = arith.constant 80 : i32
      %add3A_272 = arith.addi %mul3A_270, %add3A_271 : i32
      %get3A_273 = arith.index_cast %add3A_272 : i32 to index
      %get3A_274 = tpu.vector_load %arg15[%get3A_273] {strides = array<i32>} : memref<10240xf32, #tpu.memory_space<vmem>>, vector<16xf32>,
      %swap3A_275 = arith.constant 2 : i32
      %swap3A_276 = arith.index_cast %swap3A_275 : i32 to index
      %swap3A_277 = arith.index_cast %scan3A_212 : i32 to index
      %swap3A_278 = arith.constant 80 : index
      %swap3A_279 = tpu.vector_load %arg9[%swap3A_276, %swap3A_277, %swap3A_278] {strides = array<i32>} : memref<4x32x128xf32, #tpu.memory_space<vmem>>, vector<16xf32>,
      tpu.vector_store %arg9[%swap3A_276, %swap3A_277, %swap3A_278], %get3A_274 {strides = array<i32>} : memref<4x32x128xf32, #tpu.memory_space<vmem>>, vector<16xf32>,
      %mul3A_280 = arith.constant 128 : i32
      %mul3A_281 = arith.muli %mul3A_280, %add3A_214 : i32
      %add3A_282 = arith.constant 96 : i32
      %add3A_283 = arith.addi %mul3A_281, %add3A_282 : i32
      %get3A_284 = arith.index_cast %add3A_283 : i32 to index
      %get3A_285 = tpu.vector_load %arg15[%get3A_284] {strides = array<i32>} : memref<10240xf32, #tpu.memory_space<vmem>>, vector<16xf32>,
      %swap3A_286 = arith.constant 2 : i32
      %swap3A_287 = arith.index_cast %swap3A_286 : i32 to index
      %swap3A_288 = arith.index_cast %scan3A_212 : i32 to index
      %swap3A_289 = arith.constant 96 : index
      %swap3A_290 = tpu.vector_load %arg9[%swap3A_287, %swap3A_288, %swap3A_289] {strides = array<i32>} : memref<4x32x128xf32, #tpu.memory_space<vmem>>, vector<16xf32>,
      tpu.vector_store %arg9[%swap3A_287, %swap3A_288, %swap3A_289], %get3A_285 {strides = array<i32>} : memref<4x32x128xf32, #tpu.memory_space<vmem>>, vector<16xf32>,
      %mul3A_291 = arith.constant 128 : i32
      %mul3A_292 = arith.muli %mul3A_291, %add3A_214 : i32
      %add3A_293 = arith.constant 112 : i32
      %add3A_294 = arith.addi %mul3A_292, %add3A_293 : i32
      %get3A_295 = arith.index_cast %add3A_294 : i32 to index
      %get3A_296 = tpu.vector_load %arg15[%get3A_295] {strides = array<i32>} : memref<10240xf32, #tpu.memory_space<vmem>>, vector<16xf32>,
      %swap3A_297 = arith.constant 2 : i32
      %swap3A_298 = arith.index_cast %swap3A_297 : i32 to index
      %swap3A_299 = arith.index_cast %scan3A_212 : i32 to index
      %swap3A_300 = arith.constant 112 : index
      %swap3A_301 = tpu.vector_load %arg9[%swap3A_298, %swap3A_299, %swap3A_300] {strides = array<i32>} : memref<4x32x128xf32, #tpu.memory_space<vmem>>, vector<16xf32>,
      tpu.vector_store %arg9[%swap3A_298, %swap3A_299, %swap3A_300], %get3A_296 {strides = array<i32>} : memref<4x32x128xf32, #tpu.memory_space<vmem>>, vector<16xf32>,
    }
    %scan3A_186 = arith.constant 16 : i32
    %run_scoped3A_187 = arith.constant 2 : i32
    "tpu.region"() ({
      %run_scoped3A_212 = tpu.sem_alloc : memref<!tpu.dma_semaphore, #tpu.memory_space<semaphore_mem>>
      %dma_start3A_213 = arith.constant 0 : i32
      %dma_start3A_214 = arith.constant 0 : i32
      %dma_start3A_215 = tpu.memref_slice %arg9[%run_scoped3A_187, %dma_start3A_213, %dma_start3A_214] : memref<4x32x128xf32, #tpu.memory_space<vmem>> -> memref<1x16x128xf32, #tpu.memory_space<vmem>>
      %dma_start3A_216 = tpu.memref_squeeze %dma_start3A_215 : memref<1x16x128xf32, #tpu.memory_space<vmem>> -> memref<16x128xf32, #tpu.memory_space<vmem>>
      %dma_start3A_217 = arith.constant 32 : i32
      %dma_start3A_218 = tpu.memref_slice %arg17[%dma_start3A_217] : memref<80xi32, #tpu.memory_space<vmem>> -> memref<16xi32, #tpu.memory_space<vmem>>
      %dma_start3A_219 = arith.constant 0 : i32
      %dma_start3A_220 = arith.constant 0 : i32
      %dma_start3A_221 = tpu.memref_slice %arg16[%dma_start3A_219, %dma_start3A_220] : memref<80x128xf32, #tpu.memory_space<vmem_shared>> -> memref<80x128xf32, #tpu.memory_space<vmem_shared>>
      tpu.enqueue_indirect_dma source(%dma_start3A_216 : memref<16x128xf32, #tpu.memory_space<vmem>>) target(%dma_start3A_221 : memref<80x128xf32, #tpu.memory_space<vmem_shared>>) offsets(%dma_start3A_218 : memref<16xi32, #tpu.memory_space<vmem>>) semaphore(%run_scoped3A_212 : memref<!tpu.dma_semaphore, #tpu.memory_space<semaphore_mem>>) {add = true}
      %dma_wait3A = arith.constant 0 : i32
      %dma_wait3A_222 = arith.constant 0 : i32
      %dma_wait3A_223 = tpu.memref_slice %arg9[%run_scoped3A_187, %dma_wait3A, %dma_wait3A_222] : memref<4x32x128xf32, #tpu.memory_space<vmem>> -> memref<1x16x128xf32, #tpu.memory_space<vmem>>
      %dma_wait3A_224 = tpu.memref_squeeze %dma_wait3A_223 : memref<1x16x128xf32, #tpu.memory_space<vmem>> -> memref<16x128xf32, #tpu.memory_space<vmem>>
      %dma_wait3A_225 = arith.constant 32 : i32
      %dma_wait3A_226 = tpu.memref_slice %arg17[%dma_wait3A_225] : memref<80xi32, #tpu.memory_space<vmem>> -> memref<16xi32, #tpu.memory_space<vmem>>
      %dma_wait3A_227 = arith.constant 0 : i32
      %dma_wait3A_228 = arith.constant 0 : i32
      %dma_wait3A_229 = tpu.memref_slice %arg16[%dma_wait3A_227, %dma_wait3A_228] : memref<80x128xf32, #tpu.memory_space<vmem_shared>> -> memref<80x128xf32, #tpu.memory_space<vmem_shared>>
      tpu.wait_indirect_dma semaphore(%run_scoped3A_212 : memref<!tpu.dma_semaphore, #tpu.memory_space<semaphore_mem>>) src(%dma_wait3A_224 : memref<16x128xf32, #tpu.memory_space<vmem>>) dst(%dma_wait3A_229 : memref<80x128xf32, #tpu.memory_space<vmem_shared>>)
      tpu.yield
    }) : () -> ()
    %scan3A_188 = arith.constant 0 : i32
    %scan3A_189 = arith.constant 0 : i32
    %scan3A_190 = arith.constant 16 : i32
    %scan3A_191 = arith.addi %scan3A_189, %scan3A_190 : i32
    %scan3A_192 = arith.constant 1 : i32
    scf.for %scan3A_212 = %scan3A_189 to %scan3A_191 step %scan3A_192  : i32 {
      %add3A_213 = arith.constant 48 : i32
      %add3A_214 = arith.addi %add3A_213, %scan3A_212 : i32
      %mul3A_215 = arith.constant 128 : i32
      %mul3A_216 = arith.muli %mul3A_215, %add3A_214 : i32
      %add3A_217 = arith.constant 0 : i32
      %add3A_218 = arith.addi %mul3A_216, %add3A_217 : i32
      %get3A = arith.index_cast %add3A_218 : i32 to index
      %get3A_219 = tpu.vector_load %arg15[%get3A] {strides = array<i32>} : memref<10240xf32, #tpu.memory_space<vmem>>, vector<16xf32>,
      %swap3A_220 = arith.constant 3 : i32
      %swap3A_221 = arith.index_cast %swap3A_220 : i32 to index
      %swap3A_222 = arith.index_cast %scan3A_212 : i32 to index
      %swap3A_223 = arith.constant 0 : index
      %swap3A_224 = tpu.vector_load %arg9[%swap3A_221, %swap3A_222, %swap3A_223] {strides = array<i32>} : memref<4x32x128xf32, #tpu.memory_space<vmem>>, vector<16xf32>,
      tpu.vector_store %arg9[%swap3A_221, %swap3A_222, %swap3A_223], %get3A_219 {strides = array<i32>} : memref<4x32x128xf32, #tpu.memory_space<vmem>>, vector<16xf32>,
      %mul3A_225 = arith.constant 128 : i32
      %mul3A_226 = arith.muli %mul3A_225, %add3A_214 : i32
      %add3A_227 = arith.constant 16 : i32
      %add3A_228 = arith.addi %mul3A_226, %add3A_227 : i32
      %get3A_229 = arith.index_cast %add3A_228 : i32 to index
      %get3A_230 = tpu.vector_load %arg15[%get3A_229] {strides = array<i32>} : memref<10240xf32, #tpu.memory_space<vmem>>, vector<16xf32>,
      %swap3A_231 = arith.constant 3 : i32
      %swap3A_232 = arith.index_cast %swap3A_231 : i32 to index
      %swap3A_233 = arith.index_cast %scan3A_212 : i32 to index
      %swap3A_234 = arith.constant 16 : index
      %swap3A_235 = tpu.vector_load %arg9[%swap3A_232, %swap3A_233, %swap3A_234] {strides = array<i32>} : memref<4x32x128xf32, #tpu.memory_space<vmem>>, vector<16xf32>,
      tpu.vector_store %arg9[%swap3A_232, %swap3A_233, %swap3A_234], %get3A_230 {strides = array<i32>} : memref<4x32x128xf32, #tpu.memory_space<vmem>>, vector<16xf32>,
      %mul3A_236 = arith.constant 128 : i32
      %mul3A_237 = arith.muli %mul3A_236, %add3A_214 : i32
      %add3A_238 = arith.constant 32 : i32
      %add3A_239 = arith.addi %mul3A_237, %add3A_238 : i32
      %get3A_240 = arith.index_cast %add3A_239 : i32 to index
      %get3A_241 = tpu.vector_load %arg15[%get3A_240] {strides = array<i32>} : memref<10240xf32, #tpu.memory_space<vmem>>, vector<16xf32>,
      %swap3A_242 = arith.constant 3 : i32
      %swap3A_243 = arith.index_cast %swap3A_242 : i32 to index
      %swap3A_244 = arith.index_cast %scan3A_212 : i32 to index
      %swap3A_245 = arith.constant 32 : index
      %swap3A_246 = tpu.vector_load %arg9[%swap3A_243, %swap3A_244, %swap3A_245] {strides = array<i32>} : memref<4x32x128xf32, #tpu.memory_space<vmem>>, vector<16xf32>,
      tpu.vector_store %arg9[%swap3A_243, %swap3A_244, %swap3A_245], %get3A_241 {strides = array<i32>} : memref<4x32x128xf32, #tpu.memory_space<vmem>>, vector<16xf32>,
      %mul3A_247 = arith.constant 128 : i32
      %mul3A_248 = arith.muli %mul3A_247, %add3A_214 : i32
      %add3A_249 = arith.constant 48 : i32
      %add3A_250 = arith.addi %mul3A_248, %add3A_249 : i32
      %get3A_251 = arith.index_cast %add3A_250 : i32 to index
      %get3A_252 = tpu.vector_load %arg15[%get3A_251] {strides = array<i32>} : memref<10240xf32, #tpu.memory_space<vmem>>, vector<16xf32>,
      %swap3A_253 = arith.constant 3 : i32
      %swap3A_254 = arith.index_cast %swap3A_253 : i32 to index
      %swap3A_255 = arith.index_cast %scan3A_212 : i32 to index
      %swap3A_256 = arith.constant 48 : index
      %swap3A_257 = tpu.vector_load %arg9[%swap3A_254, %swap3A_255, %swap3A_256] {strides = array<i32>} : memref<4x32x128xf32, #tpu.memory_space<vmem>>, vector<16xf32>,
      tpu.vector_store %arg9[%swap3A_254, %swap3A_255, %swap3A_256], %get3A_252 {strides = array<i32>} : memref<4x32x128xf32, #tpu.memory_space<vmem>>, vector<16xf32>,
      %mul3A_258 = arith.constant 128 : i32
      %mul3A_259 = arith.muli %mul3A_258, %add3A_214 : i32
      %add3A_260 = arith.constant 64 : i32
      %add3A_261 = arith.addi %mul3A_259, %add3A_260 : i32
      %get3A_262 = arith.index_cast %add3A_261 : i32 to index
      %get3A_263 = tpu.vector_load %arg15[%get3A_262] {strides = array<i32>} : memref<10240xf32, #tpu.memory_space<vmem>>, vector<16xf32>,
      %swap3A_264 = arith.constant 3 : i32
      %swap3A_265 = arith.index_cast %swap3A_264 : i32 to index
      %swap3A_266 = arith.index_cast %scan3A_212 : i32 to index
      %swap3A_267 = arith.constant 64 : index
      %swap3A_268 = tpu.vector_load %arg9[%swap3A_265, %swap3A_266, %swap3A_267] {strides = array<i32>} : memref<4x32x128xf32, #tpu.memory_space<vmem>>, vector<16xf32>,
      tpu.vector_store %arg9[%swap3A_265, %swap3A_266, %swap3A_267], %get3A_263 {strides = array<i32>} : memref<4x32x128xf32, #tpu.memory_space<vmem>>, vector<16xf32>,
      %mul3A_269 = arith.constant 128 : i32
      %mul3A_270 = arith.muli %mul3A_269, %add3A_214 : i32
      %add3A_271 = arith.constant 80 : i32
      %add3A_272 = arith.addi %mul3A_270, %add3A_271 : i32
      %get3A_273 = arith.index_cast %add3A_272 : i32 to index
      %get3A_274 = tpu.vector_load %arg15[%get3A_273] {strides = array<i32>} : memref<10240xf32, #tpu.memory_space<vmem>>, vector<16xf32>,
      %swap3A_275 = arith.constant 3 : i32
      %swap3A_276 = arith.index_cast %swap3A_275 : i32 to index
      %swap3A_277 = arith.index_cast %scan3A_212 : i32 to index
      %swap3A_278 = arith.constant 80 : index
      %swap3A_279 = tpu.vector_load %arg9[%swap3A_276, %swap3A_277, %swap3A_278] {strides = array<i32>} : memref<4x32x128xf32, #tpu.memory_space<vmem>>, vector<16xf32>,
      tpu.vector_store %arg9[%swap3A_276, %swap3A_277, %swap3A_278], %get3A_274 {strides = array<i32>} : memref<4x32x128xf32, #tpu.memory_space<vmem>>, vector<16xf32>,
      %mul3A_280 = arith.constant 128 : i32
      %mul3A_281 = arith.muli %mul3A_280, %add3A_214 : i32
      %add3A_282 = arith.constant 96 : i32
      %add3A_283 = arith.addi %mul3A_281, %add3A_282 : i32
      %get3A_284 = arith.index_cast %add3A_283 : i32 to index
      %get3A_285 = tpu.vector_load %arg15[%get3A_284] {strides = array<i32>} : memref<10240xf32, #tpu.memory_space<vmem>>, vector<16xf32>,
      %swap3A_286 = arith.constant 3 : i32
      %swap3A_287 = arith.index_cast %swap3A_286 : i32 to index
      %swap3A_288 = arith.index_cast %scan3A_212 : i32 to index
      %swap3A_289 = arith.constant 96 : index
      %swap3A_290 = tpu.vector_load %arg9[%swap3A_287, %swap3A_288, %swap3A_289] {strides = array<i32>} : memref<4x32x128xf32, #tpu.memory_space<vmem>>, vector<16xf32>,
      tpu.vector_store %arg9[%swap3A_287, %swap3A_288, %swap3A_289], %get3A_285 {strides = array<i32>} : memref<4x32x128xf32, #tpu.memory_space<vmem>>, vector<16xf32>,
      %mul3A_291 = arith.constant 128 : i32
      %mul3A_292 = arith.muli %mul3A_291, %add3A_214 : i32
      %add3A_293 = arith.constant 112 : i32
      %add3A_294 = arith.addi %mul3A_292, %add3A_293 : i32
      %get3A_295 = arith.index_cast %add3A_294 : i32 to index
      %get3A_296 = tpu.vector_load %arg15[%get3A_295] {strides = array<i32>} : memref<10240xf32, #tpu.memory_space<vmem>>, vector<16xf32>,
      %swap3A_297 = arith.constant 3 : i32
      %swap3A_298 = arith.index_cast %swap3A_297 : i32 to index
      %swap3A_299 = arith.index_cast %scan3A_212 : i32 to index
      %swap3A_300 = arith.constant 112 : index
      %swap3A_301 = tpu.vector_load %arg9[%swap3A_298, %swap3A_299, %swap3A_300] {strides = array<i32>} : memref<4x32x128xf32, #tpu.memory_space<vmem>>, vector<16xf32>,
      tpu.vector_store %arg9[%swap3A_298, %swap3A_299, %swap3A_300], %get3A_296 {strides = array<i32>} : memref<4x32x128xf32, #tpu.memory_space<vmem>>, vector<16xf32>,
    }
    %scan3A_193 = arith.constant 16 : i32
    %run_scoped3A_194 = arith.constant 3 : i32
    "tpu.region"() ({
      %run_scoped3A_212 = tpu.sem_alloc : memref<!tpu.dma_semaphore, #tpu.memory_space<semaphore_mem>>
      %dma_start3A_213 = arith.constant 0 : i32
      %dma_start3A_214 = arith.constant 0 : i32
      %dma_start3A_215 = tpu.memref_slice %arg9[%run_scoped3A_194, %dma_start3A_213, %dma_start3A_214] : memref<4x32x128xf32, #tpu.memory_space<vmem>> -> memref<1x16x128xf32, #tpu.memory_space<vmem>>
      %dma_start3A_216 = tpu.memref_squeeze %dma_start3A_215 : memref<1x16x128xf32, #tpu.memory_space<vmem>> -> memref<16x128xf32, #tpu.memory_space<vmem>>
      %dma_start3A_217 = arith.constant 48 : i32
      %dma_start3A_218 = tpu.memref_slice %arg17[%dma_start3A_217] : memref<80xi32, #tpu.memory_space<vmem>> -> memref<16xi32, #tpu.memory_space<vmem>>
      %dma_start3A_219 = arith.constant 0 : i32
      %dma_start3A_220 = arith.constant 0 : i32
      %dma_start3A_221 = tpu.memref_slice %arg16[%dma_start3A_219, %dma_start3A_220] : memref<80x128xf32, #tpu.memory_space<vmem_shared>> -> memref<80x128xf32, #tpu.memory_space<vmem_shared>>
      tpu.enqueue_indirect_dma source(%dma_start3A_216 : memref<16x128xf32, #tpu.memory_space<vmem>>) target(%dma_start3A_221 : memref<80x128xf32, #tpu.memory_space<vmem_shared>>) offsets(%dma_start3A_218 : memref<16xi32, #tpu.memory_space<vmem>>) semaphore(%run_scoped3A_212 : memref<!tpu.dma_semaphore, #tpu.memory_space<semaphore_mem>>) {add = true}
      %dma_wait3A = arith.constant 0 : i32
      %dma_wait3A_222 = arith.constant 0 : i32
      %dma_wait3A_223 = tpu.memref_slice %arg9[%run_scoped3A_194, %dma_wait3A, %dma_wait3A_222] : memref<4x32x128xf32, #tpu.memory_space<vmem>> -> memref<1x16x128xf32, #tpu.memory_space<vmem>>
      %dma_wait3A_224 = tpu.memref_squeeze %dma_wait3A_223 : memref<1x16x128xf32, #tpu.memory_space<vmem>> -> memref<16x128xf32, #tpu.memory_space<vmem>>
      %dma_wait3A_225 = arith.constant 48 : i32
      %dma_wait3A_226 = tpu.memref_slice %arg17[%dma_wait3A_225] : memref<80xi32, #tpu.memory_space<vmem>> -> memref<16xi32, #tpu.memory_space<vmem>>
      %dma_wait3A_227 = arith.constant 0 : i32
      %dma_wait3A_228 = arith.constant 0 : i32
      %dma_wait3A_229 = tpu.memref_slice %arg16[%dma_wait3A_227, %dma_wait3A_228] : memref<80x128xf32, #tpu.memory_space<vmem_shared>> -> memref<80x128xf32, #tpu.memory_space<vmem_shared>>
      tpu.wait_indirect_dma semaphore(%run_scoped3A_212 : memref<!tpu.dma_semaphore, #tpu.memory_space<semaphore_mem>>) src(%dma_wait3A_224 : memref<16x128xf32, #tpu.memory_space<vmem>>) dst(%dma_wait3A_229 : memref<80x128xf32, #tpu.memory_space<vmem_shared>>)
      tpu.yield
    }) : () -> ()
    %scan3A_195 = arith.constant 0 : i32
    %scan3A_196 = arith.constant 0 : i32
    %scan3A_197 = arith.constant 16 : i32
    %scan3A_198 = arith.addi %scan3A_196, %scan3A_197 : i32
    %scan3A_199 = arith.constant 1 : i32
    scf.for %scan3A_212 = %scan3A_196 to %scan3A_198 step %scan3A_199  : i32 {
      %add3A_213 = arith.constant 64 : i32
      %add3A_214 = arith.addi %add3A_213, %scan3A_212 : i32
      %mul3A_215 = arith.constant 128 : i32
      %mul3A_216 = arith.muli %mul3A_215, %add3A_214 : i32
      %add3A_217 = arith.constant 0 : i32
      %add3A_218 = arith.addi %mul3A_216, %add3A_217 : i32
      %get3A = arith.index_cast %add3A_218 : i32 to index
      %get3A_219 = tpu.vector_load %arg15[%get3A] {strides = array<i32>} : memref<10240xf32, #tpu.memory_space<vmem>>, vector<16xf32>,
      %swap3A_220 = arith.constant 0 : i32
      %swap3A_221 = arith.index_cast %swap3A_220 : i32 to index
      %swap3A_222 = arith.index_cast %scan3A_212 : i32 to index
      %swap3A_223 = arith.constant 0 : index
      %swap3A_224 = tpu.vector_load %arg9[%swap3A_221, %swap3A_222, %swap3A_223] {strides = array<i32>} : memref<4x32x128xf32, #tpu.memory_space<vmem>>, vector<16xf32>,
      tpu.vector_store %arg9[%swap3A_221, %swap3A_222, %swap3A_223], %get3A_219 {strides = array<i32>} : memref<4x32x128xf32, #tpu.memory_space<vmem>>, vector<16xf32>,
      %mul3A_225 = arith.constant 128 : i32
      %mul3A_226 = arith.muli %mul3A_225, %add3A_214 : i32
      %add3A_227 = arith.constant 16 : i32
      %add3A_228 = arith.addi %mul3A_226, %add3A_227 : i32
      %get3A_229 = arith.index_cast %add3A_228 : i32 to index
      %get3A_230 = tpu.vector_load %arg15[%get3A_229] {strides = array<i32>} : memref<10240xf32, #tpu.memory_space<vmem>>, vector<16xf32>,
      %swap3A_231 = arith.constant 0 : i32
      %swap3A_232 = arith.index_cast %swap3A_231 : i32 to index
      %swap3A_233 = arith.index_cast %scan3A_212 : i32 to index
      %swap3A_234 = arith.constant 16 : index
      %swap3A_235 = tpu.vector_load %arg9[%swap3A_232, %swap3A_233, %swap3A_234] {strides = array<i32>} : memref<4x32x128xf32, #tpu.memory_space<vmem>>, vector<16xf32>,
      tpu.vector_store %arg9[%swap3A_232, %swap3A_233, %swap3A_234], %get3A_230 {strides = array<i32>} : memref<4x32x128xf32, #tpu.memory_space<vmem>>, vector<16xf32>,
      %mul3A_236 = arith.constant 128 : i32
      %mul3A_237 = arith.muli %mul3A_236, %add3A_214 : i32
      %add3A_238 = arith.constant 32 : i32
      %add3A_239 = arith.addi %mul3A_237, %add3A_238 : i32
      %get3A_240 = arith.index_cast %add3A_239 : i32 to index
      %get3A_241 = tpu.vector_load %arg15[%get3A_240] {strides = array<i32>} : memref<10240xf32, #tpu.memory_space<vmem>>, vector<16xf32>,
      %swap3A_242 = arith.constant 0 : i32
      %swap3A_243 = arith.index_cast %swap3A_242 : i32 to index
      %swap3A_244 = arith.index_cast %scan3A_212 : i32 to index
      %swap3A_245 = arith.constant 32 : index
      %swap3A_246 = tpu.vector_load %arg9[%swap3A_243, %swap3A_244, %swap3A_245] {strides = array<i32>} : memref<4x32x128xf32, #tpu.memory_space<vmem>>, vector<16xf32>,
      tpu.vector_store %arg9[%swap3A_243, %swap3A_244, %swap3A_245], %get3A_241 {strides = array<i32>} : memref<4x32x128xf32, #tpu.memory_space<vmem>>, vector<16xf32>,
      %mul3A_247 = arith.constant 128 : i32
      %mul3A_248 = arith.muli %mul3A_247, %add3A_214 : i32
      %add3A_249 = arith.constant 48 : i32
      %add3A_250 = arith.addi %mul3A_248, %add3A_249 : i32
      %get3A_251 = arith.index_cast %add3A_250 : i32 to index
      %get3A_252 = tpu.vector_load %arg15[%get3A_251] {strides = array<i32>} : memref<10240xf32, #tpu.memory_space<vmem>>, vector<16xf32>,
      %swap3A_253 = arith.constant 0 : i32
      %swap3A_254 = arith.index_cast %swap3A_253 : i32 to index
      %swap3A_255 = arith.index_cast %scan3A_212 : i32 to index
      %swap3A_256 = arith.constant 48 : index
      %swap3A_257 = tpu.vector_load %arg9[%swap3A_254, %swap3A_255, %swap3A_256] {strides = array<i32>} : memref<4x32x128xf32, #tpu.memory_space<vmem>>, vector<16xf32>,
      tpu.vector_store %arg9[%swap3A_254, %swap3A_255, %swap3A_256], %get3A_252 {strides = array<i32>} : memref<4x32x128xf32, #tpu.memory_space<vmem>>, vector<16xf32>,
      %mul3A_258 = arith.constant 128 : i32
      %mul3A_259 = arith.muli %mul3A_258, %add3A_214 : i32
      %add3A_260 = arith.constant 64 : i32
      %add3A_261 = arith.addi %mul3A_259, %add3A_260 : i32
      %get3A_262 = arith.index_cast %add3A_261 : i32 to index
      %get3A_263 = tpu.vector_load %arg15[%get3A_262] {strides = array<i32>} : memref<10240xf32, #tpu.memory_space<vmem>>, vector<16xf32>,
      %swap3A_264 = arith.constant 0 : i32
      %swap3A_265 = arith.index_cast %swap3A_264 : i32 to index
      %swap3A_266 = arith.index_cast %scan3A_212 : i32 to index
      %swap3A_267 = arith.constant 64 : index
      %swap3A_268 = tpu.vector_load %arg9[%swap3A_265, %swap3A_266, %swap3A_267] {strides = array<i32>} : memref<4x32x128xf32, #tpu.memory_space<vmem>>, vector<16xf32>,
      tpu.vector_store %arg9[%swap3A_265, %swap3A_266, %swap3A_267], %get3A_263 {strides = array<i32>} : memref<4x32x128xf32, #tpu.memory_space<vmem>>, vector<16xf32>,
      %mul3A_269 = arith.constant 128 : i32
      %mul3A_270 = arith.muli %mul3A_269, %add3A_214 : i32
      %add3A_271 = arith.constant 80 : i32
      %add3A_272 = arith.addi %mul3A_270, %add3A_271 : i32
      %get3A_273 = arith.index_cast %add3A_272 : i32 to index
      %get3A_274 = tpu.vector_load %arg15[%get3A_273] {strides = array<i32>} : memref<10240xf32, #tpu.memory_space<vmem>>, vector<16xf32>,
      %swap3A_275 = arith.constant 0 : i32
      %swap3A_276 = arith.index_cast %swap3A_275 : i32 to index
      %swap3A_277 = arith.index_cast %scan3A_212 : i32 to index
      %swap3A_278 = arith.constant 80 : index
      %swap3A_279 = tpu.vector_load %arg9[%swap3A_276, %swap3A_277, %swap3A_278] {strides = array<i32>} : memref<4x32x128xf32, #tpu.memory_space<vmem>>, vector<16xf32>,
      tpu.vector_store %arg9[%swap3A_276, %swap3A_277, %swap3A_278], %get3A_274 {strides = array<i32>} : memref<4x32x128xf32, #tpu.memory_space<vmem>>, vector<16xf32>,
      %mul3A_280 = arith.constant 128 : i32
      %mul3A_281 = arith.muli %mul3A_280, %add3A_214 : i32
      %add3A_282 = arith.constant 96 : i32
      %add3A_283 = arith.addi %mul3A_281, %add3A_282 : i32
      %get3A_284 = arith.index_cast %add3A_283 : i32 to index
      %get3A_285 = tpu.vector_load %arg15[%get3A_284] {strides = array<i32>} : memref<10240xf32, #tpu.memory_space<vmem>>, vector<16xf32>,
      %swap3A_286 = arith.constant 0 : i32
      %swap3A_287 = arith.index_cast %swap3A_286 : i32 to index
      %swap3A_288 = arith.index_cast %scan3A_212 : i32 to index
      %swap3A_289 = arith.constant 96 : index
      %swap3A_290 = tpu.vector_load %arg9[%swap3A_287, %swap3A_288, %swap3A_289] {strides = array<i32>} : memref<4x32x128xf32, #tpu.memory_space<vmem>>, vector<16xf32>,
      tpu.vector_store %arg9[%swap3A_287, %swap3A_288, %swap3A_289], %get3A_285 {strides = array<i32>} : memref<4x32x128xf32, #tpu.memory_space<vmem>>, vector<16xf32>,
      %mul3A_291 = arith.constant 128 : i32
      %mul3A_292 = arith.muli %mul3A_291, %add3A_214 : i32
      %add3A_293 = arith.constant 112 : i32
      %add3A_294 = arith.addi %mul3A_292, %add3A_293 : i32
      %get3A_295 = arith.index_cast %add3A_294 : i32 to index
      %get3A_296 = tpu.vector_load %arg15[%get3A_295] {strides = array<i32>} : memref<10240xf32, #tpu.memory_space<vmem>>, vector<16xf32>,
      %swap3A_297 = arith.constant 0 : i32
      %swap3A_298 = arith.index_cast %swap3A_297 : i32 to index
      %swap3A_299 = arith.index_cast %scan3A_212 : i32 to index
      %swap3A_300 = arith.constant 112 : index
      %swap3A_301 = tpu.vector_load %arg9[%swap3A_298, %swap3A_299, %swap3A_300] {strides = array<i32>} : memref<4x32x128xf32, #tpu.memory_space<vmem>>, vector<16xf32>,
      tpu.vector_store %arg9[%swap3A_298, %swap3A_299, %swap3A_300], %get3A_296 {strides = array<i32>} : memref<4x32x128xf32, #tpu.memory_space<vmem>>, vector<16xf32>,
    }
    %scan3A_200 = arith.constant 16 : i32
    %run_scoped3A_201 = arith.constant 0 : i32
    "tpu.region"() ({
      %run_scoped3A_212 = tpu.sem_alloc : memref<!tpu.dma_semaphore, #tpu.memory_space<semaphore_mem>>
      %dma_start3A_213 = arith.constant 0 : i32
      %dma_start3A_214 = arith.constant 0 : i32
      %dma_start3A_215 = tpu.memref_slice %arg9[%run_scoped3A_201, %dma_start3A_213, %dma_start3A_214] : memref<4x32x128xf32, #tpu.memory_space<vmem>> -> memref<1x16x128xf32, #tpu.memory_space<vmem>>
      %dma_start3A_216 = tpu.memref_squeeze %dma_start3A_215 : memref<1x16x128xf32, #tpu.memory_space<vmem>> -> memref<16x128xf32, #tpu.memory_space<vmem>>
      %dma_start3A_217 = arith.constant 64 : i32
      %dma_start3A_218 = tpu.memref_slice %arg17[%dma_start3A_217] : memref<80xi32, #tpu.memory_space<vmem>> -> memref<16xi32, #tpu.memory_space<vmem>>
      %dma_start3A_219 = arith.constant 0 : i32
      %dma_start3A_220 = arith.constant 0 : i32
      %dma_start3A_221 = tpu.memref_slice %arg16[%dma_start3A_219, %dma_start3A_220] : memref<80x128xf32, #tpu.memory_space<vmem_shared>> -> memref<80x128xf32, #tpu.memory_space<vmem_shared>>
      tpu.enqueue_indirect_dma source(%dma_start3A_216 : memref<16x128xf32, #tpu.memory_space<vmem>>) target(%dma_start3A_221 : memref<80x128xf32, #tpu.memory_space<vmem_shared>>) offsets(%dma_start3A_218 : memref<16xi32, #tpu.memory_space<vmem>>) semaphore(%run_scoped3A_212 : memref<!tpu.dma_semaphore, #tpu.memory_space<semaphore_mem>>) {add = true}
      %dma_wait3A = arith.constant 0 : i32
      %dma_wait3A_222 = arith.constant 0 : i32
      %dma_wait3A_223 = tpu.memref_slice %arg9[%run_scoped3A_201, %dma_wait3A, %dma_wait3A_222] : memref<4x32x128xf32, #tpu.memory_space<vmem>> -> memref<1x16x128xf32, #tpu.memory_space<vmem>>
      %dma_wait3A_224 = tpu.memref_squeeze %dma_wait3A_223 : memref<1x16x128xf32, #tpu.memory_space<vmem>> -> memref<16x128xf32, #tpu.memory_space<vmem>>
      %dma_wait3A_225 = arith.constant 64 : i32
      %dma_wait3A_226 = tpu.memref_slice %arg17[%dma_wait3A_225] : memref<80xi32, #tpu.memory_space<vmem>> -> memref<16xi32, #tpu.memory_space<vmem>>
      %dma_wait3A_227 = arith.constant 0 : i32
      %dma_wait3A_228 = arith.constant 0 : i32
      %dma_wait3A_229 = tpu.memref_slice %arg16[%dma_wait3A_227, %dma_wait3A_228] : memref<80x128xf32, #tpu.memory_space<vmem_shared>> -> memref<80x128xf32, #tpu.memory_space<vmem_shared>>
      tpu.wait_indirect_dma semaphore(%run_scoped3A_212 : memref<!tpu.dma_semaphore, #tpu.memory_space<semaphore_mem>>) src(%dma_wait3A_224 : memref<16x128xf32, #tpu.memory_space<vmem>>) dst(%dma_wait3A_229 : memref<80x128xf32, #tpu.memory_space<vmem_shared>>)
      tpu.yield
    }) : () -> ()
    %barrier3A_202 = arith.constant 0 : index
    tpu.barrier barrier_id(%barrier3A_202)
    %mul3A_203 = arith.constant 640 : i32
    %mul3A_204 = arith.muli %arg1, %mul3A_203 : i32
    %mul3A_205 = arith.constant 640 : i32
    %mul3A_206 = arith.muli %arg1, %mul3A_205 : i32
    "tpu.region"() ({
      %run_scoped3A_212 = tpu.sem_alloc : memref<!tpu.dma_semaphore, #tpu.memory_space<semaphore_mem>>
      %dma_start3A_213 = arith.constant 0 : i32
      %dma_start3A_214 = tpu.memref_slice %arg5[%arg0, %mul3A_206, %dma_start3A_213] : memref<2x10240x128xf32, #tpu.memory_space<hbm>> -> memref<1x640x128xf32, #tpu.memory_space<hbm>>
      %dma_start3A_215 = tpu.memref_squeeze %dma_start3A_214 : memref<1x640x128xf32, #tpu.memory_space<hbm>> -> memref<640x128xf32, #tpu.memory_space<hbm>>
      %dma_start3A_216 = arith.constant 0 : i32
      %dma_start3A_217 = tpu.memref_slice %arg14[%mul3A_204, %dma_start3A_216] : memref<10240x128xf32, #tpu.memory_space<vmem_shared>> -> memref<640x128xf32, #tpu.memory_space<vmem_shared>>
      tpu.enqueue_dma source(%dma_start3A_217 : memref<640x128xf32, #tpu.memory_space<vmem_shared>>) target(%dma_start3A_215 : memref<640x128xf32, #tpu.memory_space<hbm>>) target_semaphore(%run_scoped3A_212 : memref<!tpu.dma_semaphore, #tpu.memory_space<semaphore_mem>>)
      %dma_wait3A = arith.constant 0 : i32
      %dma_wait3A_218 = tpu.memref_slice %arg5[%arg0, %mul3A_206, %dma_wait3A] : memref<2x10240x128xf32, #tpu.memory_space<hbm>> -> memref<1x640x128xf32, #tpu.memory_space<hbm>>
      %dma_wait3A_219 = tpu.memref_squeeze %dma_wait3A_218 : memref<1x640x128xf32, #tpu.memory_space<hbm>> -> memref<640x128xf32, #tpu.memory_space<hbm>>
      %dma_wait3A_220 = arith.constant 0 : i32
      %dma_wait3A_221 = tpu.memref_slice %arg14[%mul3A_204, %dma_wait3A_220] : memref<10240x128xf32, #tpu.memory_space<vmem_shared>> -> memref<640x128xf32, #tpu.memory_space<vmem_shared>>
      tpu.wait_dma2 semaphore(%run_scoped3A_212 : memref<!tpu.dma_semaphore, #tpu.memory_space<semaphore_mem>>) src(%dma_wait3A_221 : memref<640x128xf32, #tpu.memory_space<vmem_shared>>) dst(%dma_wait3A_219 : memref<640x128xf32, #tpu.memory_space<hbm>>)
      tpu.yield
    }) : () -> ()
    %lt3A_207 = arith.constant 10 : i32
    %lt3A_208 = arith.cmpi slt, %arg1, %lt3A_207 : i32
    %convert_element_type3A_209 = arith.extui %lt3A_208 : i1 to i32
    %cond3A_210 = arith.constant 0 : i32
    %cond3A_211 = arith.cmpi ne, %convert_element_type3A_209, %cond3A_210 : i32
    scf.if %cond3A_211 {
      %mul3A_212 = arith.constant 8 : i32
      %mul3A_213 = arith.muli %arg1, %mul3A_212 : i32
      %mul3A_214 = arith.constant 8 : i32
      %mul3A_215 = arith.muli %arg1, %mul3A_214 : i32
      "tpu.region"() ({
        %run_scoped3A_216 = tpu.sem_alloc : memref<!tpu.dma_semaphore, #tpu.memory_space<semaphore_mem>>
        %dma_start3A_217 = arith.constant 0 : i32
        %dma_start3A_218 = tpu.memref_slice %arg6[%arg0, %mul3A_215, %dma_start3A_217] : memref<2x80x128xf32, #tpu.memory_space<hbm>> -> memref<1x8x128xf32, #tpu.memory_space<hbm>>
        %dma_start3A_219 = tpu.memref_squeeze %dma_start3A_218 : memref<1x8x128xf32, #tpu.memory_space<hbm>> -> memref<8x128xf32, #tpu.memory_space<hbm>>
        %dma_start3A_220 = arith.constant 0 : i32
        %dma_start3A_221 = tpu.memref_slice %arg16[%mul3A_213, %dma_start3A_220] : memref<80x128xf32, #tpu.memory_space<vmem_shared>> -> memref<8x128xf32, #tpu.memory_space<vmem_shared>>
        tpu.enqueue_dma source(%dma_start3A_221 : memref<8x128xf32, #tpu.memory_space<vmem_shared>>) target(%dma_start3A_219 : memref<8x128xf32, #tpu.memory_space<hbm>>) target_semaphore(%run_scoped3A_216 : memref<!tpu.dma_semaphore, #tpu.memory_space<semaphore_mem>>)
        %dma_wait3A = arith.constant 0 : i32
        %dma_wait3A_222 = tpu.memref_slice %arg6[%arg0, %mul3A_215, %dma_wait3A] : memref<2x80x128xf32, #tpu.memory_space<hbm>> -> memref<1x8x128xf32, #tpu.memory_space<hbm>>
        %dma_wait3A_223 = tpu.memref_squeeze %dma_wait3A_222 : memref<1x8x128xf32, #tpu.memory_space<hbm>> -> memref<8x128xf32, #tpu.memory_space<hbm>>
        %dma_wait3A_224 = arith.constant 0 : i32
        %dma_wait3A_225 = tpu.memref_slice %arg16[%mul3A_213, %dma_wait3A_224] : memref<80x128xf32, #tpu.memory_space<vmem_shared>> -> memref<8x128xf32, #tpu.memory_space<vmem_shared>>
        tpu.wait_dma2 semaphore(%run_scoped3A_216 : memref<!tpu.dma_semaphore, #tpu.memory_space<semaphore_mem>>) src(%dma_wait3A_225 : memref<8x128xf32, #tpu.memory_space<vmem_shared>>) dst(%dma_wait3A_223 : memref<8x128xf32, #tpu.memory_space<hbm>>)
        tpu.yield
      }) : () -> ()
    } else {
    }
    return
  }
}

module attributes {stable_mosaic.version = 14 : i64} {
  func.func @_tc0_body(%arg0: i32, %arg1: memref<1x1024x128xf32, #tpu.memory_space<vmem>>, %arg2: memref<1x1024x128xf32, #tpu.memory_space<vmem>>, %arg3: memref<1x1024x1xf32, #tpu.memory_space<vmem>>, %arg4: memref<1x1024x1xf32, #tpu.memory_space<vmem>>, %arg5: memref<1024x128xf32, #tpu.memory_space<vmem>>, %arg6: memref<128x128xf32, #tpu.memory_space<vmem>>, %arg7: memref<1x128xf32, #tpu.memory_space<vmem>>, %arg8: memref<128x128xf32, #tpu.memory_space<vmem>>, %arg9: memref<1024x128xf32, #tpu.memory_space<vmem>>, %arg10: memref<1024x1xf32, #tpu.memory_space<vmem>>) attributes {dimension_semantics = [#tpu.dimension_semantics<arbitrary>], iteration_bounds = array<i64: 10>, scalar_prefetch = 0 : i64, scratch_operands = 0 : i64, tpu.core_type = #tpu.core_type<tc>, window_params = [{transform_indices = @transform_0, window_bounds = array<i64: 1, 1024, 128>}, {transform_indices = @transform_1, window_bounds = array<i64: 1, 1024, 128>}, {transform_indices = @transform_2, window_bounds = array<i64: 1, 1024, 1>}, {transform_indices = @transform_3, window_bounds = array<i64: 1, 1024, 1>}, {transform_indices = @transform_4, window_bounds = array<i64: 1024, 128>}, {pipeline_mode = #tpu.pipeline_mode<synchronous>, transform_indices = @transform_5, window_bounds = array<i64: 128, 128>}, {pipeline_mode = #tpu.pipeline_mode<synchronous>, transform_indices = @transform_6, window_bounds = array<i64: 1, 128>}, {pipeline_mode = #tpu.pipeline_mode<synchronous>, transform_indices = @transform_7, window_bounds = array<i64: 128, 128>}, {transform_indices = @transform_8, window_bounds = array<i64: 1024, 128>}, {transform_indices = @transform_9, window_bounds = array<i64: 1024, 1>}]} {
    %get3A = arith.constant 0 : index
    %get3A_0 = arith.constant 0 : index
    %get3A_1 = arith.constant 0 : index
    %get3A_2 = vector.load %arg3[%get3A, %get3A_0, %get3A_1] : memref<1x1024x1xf32, #tpu.memory_space<vmem>>, vector<1x1024x1xf32>
    %get3A_3 = vector.shape_cast %get3A_2 : vector<1x1024x1xf32> to vector<1024x1xf32>
    %get3A_4 = arith.constant 0 : index
    %get3A_5 = arith.constant 0 : index
    %get3A_6 = arith.constant 0 : index
    %get3A_7 = vector.load %arg4[%get3A_4, %get3A_5, %get3A_6] : memref<1x1024x1xf32, #tpu.memory_space<vmem>>, vector<1x1024x1xf32>
    %get3A_8 = vector.shape_cast %get3A_7 : vector<1x1024x1xf32> to vector<1024x1xf32>
    %add3A = arith.addf %get3A_3, %get3A_8 : vector<1024x1xf32>
    %max3A = arith.constant 1.000000e+00 : f32
    %max3A_9 = vector.broadcast %max3A : f32 to vector<1024x1xf32>
    %max3A_10 = arith.maximumf %add3A, %max3A_9 : vector<1024x1xf32>
    %div3A = arith.constant 1.000000e+00 : f32
    %div3A_11 = vector.broadcast %div3A : f32 to vector<1024x1xf32>
    %div3A_12 = arith.divf %div3A_11, %max3A_10 : vector<1024x1xf32>
    %get3A_13 = arith.constant 0 : index
    %get3A_14 = arith.constant 0 : index
    %get3A_15 = arith.constant 0 : index
    %get3A_16 = vector.load %arg1[%get3A_13, %get3A_14, %get3A_15] : memref<1x1024x128xf32, #tpu.memory_space<vmem>>, vector<1x1024x128xf32>
    %get3A_17 = vector.shape_cast %get3A_16 : vector<1x1024x128xf32> to vector<1024x128xf32>
    %get3A_18 = arith.constant 0 : index
    %get3A_19 = arith.constant 0 : index
    %get3A_20 = arith.constant 0 : index
    %get3A_21 = vector.load %arg2[%get3A_18, %get3A_19, %get3A_20] : memref<1x1024x128xf32, #tpu.memory_space<vmem>>, vector<1x1024x128xf32>
    %get3A_22 = vector.shape_cast %get3A_21 : vector<1x1024x128xf32> to vector<1024x128xf32>
    %add3A_23 = arith.addf %get3A_17, %get3A_22 : vector<1024x128xf32>
    %mul3A = vector.broadcast %div3A_12 : vector<1024x1xf32> to vector<1024x128xf32>
    %mul3A_24 = arith.mulf %add3A_23, %mul3A : vector<1024x128xf32>
    %get3A_25 = arith.constant 0 : index
    %get3A_26 = arith.constant 0 : index
    %get3A_27 = vector.load %arg6[%get3A_25, %get3A_26] : memref<128x128xf32, #tpu.memory_space<vmem>>, vector<128x128xf32>
    %dot_general3A = arith.constant dense<0.000000e+00> : vector<1024x128xf32>
    %dot_general3A_28 = tpu.matmul %mul3A_24, %get3A_27, %dot_general3A {dimension_numbers = #tpu.dot_dimension_numbers<[1], [1], [0], [0], [0, 0, 1, 0], [], []>, transpose_lhs_hint = false} : vector<1024x128xf32>, vector<128x128xf32>, vector<1024x128xf32> -> vector<1024x128xf32>
    %get3A_29 = arith.constant 0 : index
    %get3A_30 = arith.constant 0 : index
    %get3A_31 = vector.load %arg7[%get3A_29, %get3A_30] : memref<1x128xf32, #tpu.memory_space<vmem>>, vector<1x128xf32>
    %add3A_32 = vector.broadcast %get3A_31 : vector<1x128xf32> to vector<1024x128xf32>
    %add3A_33 = arith.addf %dot_general3A_28, %add3A_32 : vector<1024x128xf32>
    %get3A_34 = arith.constant 0 : index
    %get3A_35 = arith.constant 0 : index
    %get3A_36 = vector.load %arg5[%get3A_34, %get3A_35] : memref<1024x128xf32, #tpu.memory_space<vmem>>, vector<1024x128xf32>
    %get3A_37 = arith.constant 0 : index
    %get3A_38 = arith.constant 0 : index
    %get3A_39 = vector.load %arg8[%get3A_37, %get3A_38] : memref<128x128xf32, #tpu.memory_space<vmem>>, vector<128x128xf32>
    %dot_general3A_40 = arith.constant dense<0.000000e+00> : vector<1024x128xf32>
    %dot_general3A_41 = tpu.matmul %get3A_36, %get3A_39, %dot_general3A_40 {dimension_numbers = #tpu.dot_dimension_numbers<[1], [1], [0], [0], [0, 0, 1, 0], [], []>, transpose_lhs_hint = false} : vector<1024x128xf32>, vector<128x128xf32>, vector<1024x128xf32> -> vector<1024x128xf32>
    %add3A_42 = arith.addf %add3A_33, %dot_general3A_41 : vector<1024x128xf32>
    %max3A_43 = arith.constant 0.000000e+00 : f32
    %max3A_44 = vector.broadcast %max3A_43 : f32 to vector<1024x128xf32>
    %max3A_45 = arith.maximumf %add3A_42, %max3A_44 : vector<1024x128xf32>
    %swap3A = arith.constant 0 : index
    %swap3A_46 = arith.constant 0 : index
    %swap3A_47 = vector.load %arg9[%swap3A, %swap3A_46] : memref<1024x128xf32, #tpu.memory_space<vmem>>, vector<1024x128xf32>
    tpu.vector_store %arg9[%swap3A, %swap3A_46], %max3A_45 {strides = array<i32>} : memref<1024x128xf32, #tpu.memory_space<vmem>>, vector<1024x128xf32>,
    %swap3A_48 = arith.constant 0 : index
    %swap3A_49 = arith.constant 0 : index
    %swap3A_50 = vector.load %arg10[%swap3A_48, %swap3A_49] : memref<1024x1xf32, #tpu.memory_space<vmem>>, vector<1024x1xf32>
    tpu.vector_store %arg10[%swap3A_48, %swap3A_49], %div3A_12 {strides = array<i32>} : memref<1024x1xf32, #tpu.memory_space<vmem>>, vector<1024x1xf32>,
    return
  }
  func.func @transform_0(%arg0: i32) -> (i32, i32, i32) {
    %c0_i32 = arith.constant 0 : i32
    %c0_i32_0 = arith.constant 0 : i32
    %c0_i32_1 = arith.constant 0 : i32
    return %c0_i32, %arg0, %c0_i32_0 : i32, i32, i32
  }
  func.func @transform_1(%arg0: i32) -> (i32, i32, i32) {
    %c1_i32 = arith.constant 1 : i32
    %c0_i32 = arith.constant 0 : i32
    %c0_i32_0 = arith.constant 0 : i32
    return %c1_i32, %arg0, %c0_i32 : i32, i32, i32
  }
  func.func @transform_2(%arg0: i32) -> (i32, i32, i32) {
    %c0_i32 = arith.constant 0 : i32
    %c0_i32_0 = arith.constant 0 : i32
    %c0_i32_1 = arith.constant 0 : i32
    return %c0_i32, %arg0, %c0_i32_0 : i32, i32, i32
  }
  func.func @transform_3(%arg0: i32) -> (i32, i32, i32) {
    %c1_i32 = arith.constant 1 : i32
    %c0_i32 = arith.constant 0 : i32
    %c0_i32_0 = arith.constant 0 : i32
    return %c1_i32, %arg0, %c0_i32 : i32, i32, i32
  }
  func.func @transform_4(%arg0: i32) -> (i32, i32) {
    %c0_i32 = arith.constant 0 : i32
    %c0_i32_0 = arith.constant 0 : i32
    return %arg0, %c0_i32 : i32, i32
  }
  func.func @transform_5(%arg0: i32) -> (i32, i32) {
    %c0_i32 = arith.constant 0 : i32
    %c0_i32_0 = arith.constant 0 : i32
    %c0_i32_1 = arith.constant 0 : i32
    return %c0_i32, %c0_i32_0 : i32, i32
  }
  func.func @transform_6(%arg0: i32) -> (i32, i32) {
    %c0_i32 = arith.constant 0 : i32
    %c0_i32_0 = arith.constant 0 : i32
    %c0_i32_1 = arith.constant 0 : i32
    return %c0_i32, %c0_i32_0 : i32, i32
  }
  func.func @transform_7(%arg0: i32) -> (i32, i32) {
    %c0_i32 = arith.constant 0 : i32
    %c0_i32_0 = arith.constant 0 : i32
    %c0_i32_1 = arith.constant 0 : i32
    return %c0_i32, %c0_i32_0 : i32, i32
  }
  func.func @transform_8(%arg0: i32) -> (i32, i32) {
    %c0_i32 = arith.constant 0 : i32
    %c0_i32_0 = arith.constant 0 : i32
    return %arg0, %c0_i32 : i32, i32
  }
  func.func @transform_9(%arg0: i32) -> (i32, i32) {
    %c0_i32 = arith.constant 0 : i32
    %c0_i32_0 = arith.constant 0 : i32
    return %arg0, %c0_i32 : i32, i32
  }
}

module attributes {stable_mosaic.version = 14 : i64} {
  func.func @_tc1_body(%arg0: i32, %arg1: memref<1x1024x128xf32, #tpu.memory_space<vmem>>, %arg2: memref<1x1024x128xf32, #tpu.memory_space<vmem>>, %arg3: memref<1024x128xf32, #tpu.memory_space<vmem>>, %arg4: memref<1024x1xf32, #tpu.memory_space<vmem>>, %arg5: memref<128x128xf32, #tpu.memory_space<vmem>>, %arg6: memref<1x128xf32, #tpu.memory_space<vmem>>, %arg7: memref<128x128xf32, #tpu.memory_space<vmem>>, %arg8: memref<128x128xf32, #tpu.memory_space<vmem>>, %arg9: memref<1x128xf32, #tpu.memory_space<vmem>>, %arg10: memref<1024x128xf32, #tpu.memory_space<vmem>>) attributes {dimension_semantics = [#tpu.dimension_semantics<arbitrary>], iteration_bounds = array<i64: 10>, scalar_prefetch = 0 : i64, scratch_operands = 0 : i64, tpu.core_type = #tpu.core_type<tc>, window_params = [{transform_indices = @transform_0, window_bounds = array<i64: 1, 1024, 128>}, {transform_indices = @transform_1, window_bounds = array<i64: 1, 1024, 128>}, {transform_indices = @transform_2, window_bounds = array<i64: 1024, 128>}, {transform_indices = @transform_3, window_bounds = array<i64: 1024, 1>}, {pipeline_mode = #tpu.pipeline_mode<synchronous>, transform_indices = @transform_4, window_bounds = array<i64: 128, 128>}, {pipeline_mode = #tpu.pipeline_mode<synchronous>, transform_indices = @transform_5, window_bounds = array<i64: 1, 128>}, {pipeline_mode = #tpu.pipeline_mode<synchronous>, transform_indices = @transform_6, window_bounds = array<i64: 128, 128>}, {pipeline_mode = #tpu.pipeline_mode<synchronous>, transform_indices = @transform_7, window_bounds = array<i64: 128, 128>}, {pipeline_mode = #tpu.pipeline_mode<synchronous>, transform_indices = @transform_8, window_bounds = array<i64: 1, 128>}, {transform_indices = @transform_9, window_bounds = array<i64: 1024, 128>}]} {
    %get3A = arith.constant 0 : index
    %get3A_0 = arith.constant 0 : index
    %get3A_1 = arith.constant 0 : index
    %get3A_2 = vector.load %arg1[%get3A, %get3A_0, %get3A_1] : memref<1x1024x128xf32, #tpu.memory_space<vmem>>, vector<1x1024x128xf32>
    %get3A_3 = vector.shape_cast %get3A_2 : vector<1x1024x128xf32> to vector<1024x128xf32>
    %get3A_4 = arith.constant 0 : index
    %get3A_5 = arith.constant 0 : index
    %get3A_6 = arith.constant 0 : index
    %get3A_7 = vector.load %arg2[%get3A_4, %get3A_5, %get3A_6] : memref<1x1024x128xf32, #tpu.memory_space<vmem>>, vector<1x1024x128xf32>
    %get3A_8 = vector.shape_cast %get3A_7 : vector<1x1024x128xf32> to vector<1024x128xf32>
    %add3A = arith.addf %get3A_3, %get3A_8 : vector<1024x128xf32>
    %get3A_9 = arith.constant 0 : index
    %get3A_10 = arith.constant 0 : index
    %get3A_11 = vector.load %arg4[%get3A_9, %get3A_10] : memref<1024x1xf32, #tpu.memory_space<vmem>>, vector<1024x1xf32>
    %mul3A = vector.broadcast %get3A_11 : vector<1024x1xf32> to vector<1024x128xf32>
    %mul3A_12 = arith.mulf %add3A, %mul3A : vector<1024x128xf32>
    %get3A_13 = arith.constant 0 : index
    %get3A_14 = arith.constant 0 : index
    %get3A_15 = vector.load %arg5[%get3A_13, %get3A_14] : memref<128x128xf32, #tpu.memory_space<vmem>>, vector<128x128xf32>
    %dot_general3A = arith.constant dense<0.000000e+00> : vector<1024x128xf32>
    %dot_general3A_16 = tpu.matmul %mul3A_12, %get3A_15, %dot_general3A {dimension_numbers = #tpu.dot_dimension_numbers<[1], [1], [0], [0], [0, 0, 1, 0], [], []>, transpose_lhs_hint = false} : vector<1024x128xf32>, vector<128x128xf32>, vector<1024x128xf32> -> vector<1024x128xf32>
    %get3A_17 = arith.constant 0 : index
    %get3A_18 = arith.constant 0 : index
    %get3A_19 = vector.load %arg6[%get3A_17, %get3A_18] : memref<1x128xf32, #tpu.memory_space<vmem>>, vector<1x128xf32>
    %add3A_20 = vector.broadcast %get3A_19 : vector<1x128xf32> to vector<1024x128xf32>
    %add3A_21 = arith.addf %dot_general3A_16, %add3A_20 : vector<1024x128xf32>
    %get3A_22 = arith.constant 0 : index
    %get3A_23 = arith.constant 0 : index
    %get3A_24 = vector.load %arg3[%get3A_22, %get3A_23] : memref<1024x128xf32, #tpu.memory_space<vmem>>, vector<1024x128xf32>
    %get3A_25 = arith.constant 0 : index
    %get3A_26 = arith.constant 0 : index
    %get3A_27 = vector.load %arg7[%get3A_25, %get3A_26] : memref<128x128xf32, #tpu.memory_space<vmem>>, vector<128x128xf32>
    %dot_general3A_28 = arith.constant dense<0.000000e+00> : vector<1024x128xf32>
    %dot_general3A_29 = tpu.matmul %get3A_24, %get3A_27, %dot_general3A_28 {dimension_numbers = #tpu.dot_dimension_numbers<[1], [1], [0], [0], [0, 0, 1, 0], [], []>, transpose_lhs_hint = false} : vector<1024x128xf32>, vector<128x128xf32>, vector<1024x128xf32> -> vector<1024x128xf32>
    %add3A_30 = arith.addf %add3A_21, %dot_general3A_29 : vector<1024x128xf32>
    %max3A = arith.constant 0.000000e+00 : f32
    %max3A_31 = vector.broadcast %max3A : f32 to vector<1024x128xf32>
    %max3A_32 = arith.maximumf %add3A_30, %max3A_31 : vector<1024x128xf32>
    %get3A_33 = arith.constant 0 : index
    %get3A_34 = arith.constant 0 : index
    %get3A_35 = vector.load %arg8[%get3A_33, %get3A_34] : memref<128x128xf32, #tpu.memory_space<vmem>>, vector<128x128xf32>
    %dot_general3A_36 = arith.constant dense<0.000000e+00> : vector<1024x128xf32>
    %dot_general3A_37 = tpu.matmul %max3A_32, %get3A_35, %dot_general3A_36 {dimension_numbers = #tpu.dot_dimension_numbers<[1], [1], [0], [0], [0, 0, 1, 0], [], []>, transpose_lhs_hint = false} : vector<1024x128xf32>, vector<128x128xf32>, vector<1024x128xf32> -> vector<1024x128xf32>
    %get3A_38 = arith.constant 0 : index
    %get3A_39 = arith.constant 0 : index
    %get3A_40 = vector.load %arg9[%get3A_38, %get3A_39] : memref<1x128xf32, #tpu.memory_space<vmem>>, vector<1x128xf32>
    %add3A_41 = vector.broadcast %get3A_40 : vector<1x128xf32> to vector<1024x128xf32>
    %add3A_42 = arith.addf %dot_general3A_37, %add3A_41 : vector<1024x128xf32>
    %swap3A = arith.constant 0 : index
    %swap3A_43 = arith.constant 0 : index
    %swap3A_44 = vector.load %arg10[%swap3A, %swap3A_43] : memref<1024x128xf32, #tpu.memory_space<vmem>>, vector<1024x128xf32>
    tpu.vector_store %arg10[%swap3A, %swap3A_43], %add3A_42 {strides = array<i32>} : memref<1024x128xf32, #tpu.memory_space<vmem>>, vector<1024x128xf32>,
    return
  }
  func.func @transform_0(%arg0: i32) -> (i32, i32, i32) {
    %c0_i32 = arith.constant 0 : i32
    %c0_i32_0 = arith.constant 0 : i32
    %c0_i32_1 = arith.constant 0 : i32
    return %c0_i32, %arg0, %c0_i32_0 : i32, i32, i32
  }
  func.func @transform_1(%arg0: i32) -> (i32, i32, i32) {
    %c1_i32 = arith.constant 1 : i32
    %c0_i32 = arith.constant 0 : i32
    %c0_i32_0 = arith.constant 0 : i32
    return %c1_i32, %arg0, %c0_i32 : i32, i32, i32
  }
  func.func @transform_2(%arg0: i32) -> (i32, i32) {
    %c0_i32 = arith.constant 0 : i32
    %c0_i32_0 = arith.constant 0 : i32
    return %arg0, %c0_i32 : i32, i32
  }
  func.func @transform_3(%arg0: i32) -> (i32, i32) {
    %c0_i32 = arith.constant 0 : i32
    %c0_i32_0 = arith.constant 0 : i32
    return %arg0, %c0_i32 : i32, i32
  }
  func.func @transform_4(%arg0: i32) -> (i32, i32) {
    %c0_i32 = arith.constant 0 : i32
    %c0_i32_0 = arith.constant 0 : i32
    %c0_i32_1 = arith.constant 0 : i32
    return %c0_i32, %c0_i32_0 : i32, i32
  }
  func.func @transform_5(%arg0: i32) -> (i32, i32) {
    %c0_i32 = arith.constant 0 : i32
    %c0_i32_0 = arith.constant 0 : i32
    %c0_i32_1 = arith.constant 0 : i32
    return %c0_i32, %c0_i32_0 : i32, i32
  }
  func.func @transform_6(%arg0: i32) -> (i32, i32) {
    %c0_i32 = arith.constant 0 : i32
    %c0_i32_0 = arith.constant 0 : i32
    %c0_i32_1 = arith.constant 0 : i32
    return %c0_i32, %c0_i32_0 : i32, i32
  }
  func.func @transform_7(%arg0: i32) -> (i32, i32) {
    %c0_i32 = arith.constant 0 : i32
    %c0_i32_0 = arith.constant 0 : i32
    %c0_i32_1 = arith.constant 0 : i32
    return %c0_i32, %c0_i32_0 : i32, i32
  }
  func.func @transform_8(%arg0: i32) -> (i32, i32) {
    %c0_i32 = arith.constant 0 : i32
    %c0_i32_0 = arith.constant 0 : i32
    %c0_i32_1 = arith.constant 0 : i32
    return %c0_i32, %c0_i32_0 : i32, i32
  }
  func.func @transform_9(%arg0: i32) -> (i32, i32) {
    %c0_i32 = arith.constant 0 : i32
    %c0_i32_0 = arith.constant 0 : i32
    return %arg0, %c0_i32 : i32, i32
  }
}

</mosaic_0001>

<sc_bundles>
// kernel: kernel.6.cloned.1.call-start
scs
__scs_entry_jumppad:
0x0: {  	(pc) =	sbr.rel $0x88, $3  }
0x1: {  	(tag) =	ssettag $0x0;
	lr =	simm.s32 $0x1  }
0x2: {  	[smem:$0x3F97] =	sst lr;
	_ =	strace $0xD0000000  }
0x3: {  	_ = 	snop  }
0x4: {  	_ = 	snop  }
0x5: {  	_ = 	snop  }
0x6: {  	_ = 	snop  }
0x7: {  	_ = 	snop  }
__scs_overlays_trampoline_lowered:
0x8: {  	[smem:$0x3FA6] =	sst s0  }
0x9: {  	[smem:$0x3FA7] =	sst s1  }
0xa: {  	[smem:$0x3FA8] =	sst s2  }
0xb: {  	[smem:$0x3FA9] =	sst s3  }
0xc: {  	[smem:$0x3FAA] =	sst s4  }
0xd: {  	[smem:$0x3FAB] =	sst s5  }
0xe: {  	[smem:$0x3FAC] =	sst s6  }
0xf: {  	[smem:$0x3FAD] =	sst s7  }
0x10: {  	[smem:$0x3FAE] =	sst s8  }
0x11: {  	[smem:$0x3FAF] =	sst s9;
	s0 =	simm.s32 @!p0 $0x0  }
0x12: {  	s1 =	sld [smem:$0x3F95];
	s0 =	simm.s32 @p0 $0x1  }
0x13: {  	[smem:$0x3FB0] =	sst s0;
	s0 =	simm.s32 @!p1 $0x0  }
0x14: {  	s2 =	sld [smem:$0x3F94];
	s0 =	simm.s32 @p1 $0x1  }
0x15: {  	[smem:$0x3FB1] =	sst s0;
	s0 =	simm.s32 @!p2 $0x0  }
0x16: {  	s3 =	sld [smem:$0x3FDB];
	s0 =	simm.s32 @p2 $0x1  }
0x17: {  	s4 =	simm.s32 $0x1BF5;
	[smem:$0x3FB3] =	sst s0  }
0x18: {  	s0 =	sld [smem:$0x3F96];
	_ =	swait.ge [sflag:s4], $0x0  }
0x19: {  	s7 =	sld [smem:$0x3F97]  }
0x1a: {  	s8 =	sadd.s32 $0xFFFFE003, lr  }
0x1b: {  	s9 =	sadd.s32 $0xFFFFFEF7, lr;
	s5 =	simm.s32 $0xFFFFFFFF;
	p2 =	slt.u32 s8, $0xFFFFF086  }
0x1c: {  	p1 =	slt.u32 s9, $0xF7A;
	s5 =	simm.s32 @!p2 $0x0  }
0x1d: {  	s5 =	simm.s32 @p1 $0x1;
	p0 =	seq.s32 s7, s2  }
0x1e: {  	s7 =	smul.u32 @!p0 $0xF7A, s2;
	p2 =	seq.s32 @!p0 s5, $0x0  }
0x1f: {  	s9 =	smul.u32 $0xF7A, s1;
	s8 =	simm.s32 @!p0 $0x1BF5;
	p2 =	por !p2, p0  }
0x20: {  	[sflag:s8] =	ssyncset.s32 @!p0 $0xFFFFF086;
	s6 =	sadd.s32 @!p0 s3, s7;
	s7 =	simm.s32 @!p0 $0x108  }
0x21: {  	s3 =	sadd.s32 s3, s9;
	s6 =	sadd.s32 @!p0 $0x88, s6;
	s7 =	simm.s32 @p2 $0x1082  }
0x22: {  	[simem:s7], [sflag:s8] =	dma.local @!p0 [hbm:s6], $0xF7A  }
0x23: {  	s9 =	sor.u32 $0xD0000000, s2;
	s6 =	simm.s32 $0x108;
	_ =	swait.ge @!p0 [sflag:s8], $0x0  }
0x24: {  	s3 =	sadd.s32 $0x88, s3;
	s6 =	simm.s32 @!p1 $0x1082;
	[sflag:s4] =	ssyncset.s32 $0xFFFFF086  }
0x25: {  	[simem:s6], [sflag:s4] =	dma.local [hbm:s3], $0xF7A  }
0x26: {  	[smem:$0x3F97] =	sst s1;
	(tag) =	ssettag s2;
	_ =	strace s9  }
0x27: {  	s1 =	sld [smem:$0x3FA7]  }
0x28: {  	s2 =	sld [smem:$0x3FA8]  }
0x29: {  	s4 =	sld [smem:$0x3FAA]  }
0x2a: {  	p0 =	seq.s32 s5, $0x0;
	s5 =	sld [smem:$0x3FAB]  }
0x2b: {  	s6 =	sld [smem:$0x3FAC]  }
0x2c: {  	s7 =	sld [smem:$0x3FAD]  }
0x2d: {  	s3 =	simm.s32 $0x108;
	s8 =	sld [smem:$0x3FAE]  }
0x2e: {  	s3 =	simm.s32 @!p0 $0x1082;
	s9 =	sld [smem:$0x3FAF]  }
0x2f: {  	lr =	sadd.s32 s0, s3;
	s0 =	sld [smem:$0x3FA6]  }
0x30: {  	s3 =	sld [smem:$0x3FA9]  }
0x31: {  	[smem:$0x3FB2] =	sst s10  }
0x32: {  	s10 =	sld [smem:$0x3FB0];
	_ =	sdelay $0x3  }
0x33: {  	p0 =	seq.s32 s10, $0x1;
	s10 =	sld [smem:$0x3FB2];
	_ =	sdelay $0x3  }
0x34: {  	[smem:$0x3FB2] =	sst s10  }
0x35: {  	s10 =	sld [smem:$0x3FB1];
	_ =	sdelay $0x3  }
0x36: {  	p1 =	seq.s32 s10, $0x1;
	s10 =	sld [smem:$0x3FB2];
	_ =	sdelay $0x3  }
0x37: {  	[smem:$0x3FB2] =	sst s10  }
0x38: {  	s10 =	sld [smem:$0x3FB3]  }
0x39: {  	_ = 	snop;
	(pc) =	sbr.ind lr, $3  }
0x3a: {  	_ = 	snop  }
0x3b: {  	_ = 	snop  }
0x3c: {  	p2 =	seq.s32 s10, $0x1;
	s10 =	sld [smem:$0x3FB2]  }
0x3d: {  	_ =	shalt  }
0x3e: {  	_ =	shalt  }
0x3f: {  	_ =	shalt  }
0x40: {  	_ =	shalt  }
0x41: {  	_ =	shalt  }
0x42: {  	_ =	shalt  }
0x43: {  	_ =	shalt  }
0x44: {  	_ =	shalt  }
0x45: {  	_ =	shalt  }
0x46: {  	_ =	shalt  }
0x47: {  	_ =	shalt  }
0x48: {  	_ =	shalt  }
0x49: {  	_ =	shalt  }
0x4a: {  	_ =	shalt  }
0x4b: {  	_ =	shalt  }
0x4c: {  	_ =	shalt  }
0x4d: {  	_ =	shalt  }
0x4e: {  	_ =	shalt  }
0x4f: {  	_ =	shalt  }
0x50: {  	_ =	shalt  }
0x51: {  	_ =	shalt  }
0x52: {  	_ =	shalt  }
0x53: {  	_ =	shalt  }
0x54: {  	_ =	shalt  }
0x55: {  	_ =	shalt  }
0x56: {  	_ =	shalt  }
0x57: {  	_ =	shalt  }
0x58: {  	_ =	shalt  }
0x59: {  	_ =	shalt  }
0x5a: {  	_ =	shalt  }
0x5b: {  	_ =	shalt  }
0x5c: {  	_ =	shalt  }
0x5d: {  	_ =	shalt  }
0x5e: {  	_ =	shalt  }
0x5f: {  	_ =	shalt  }
0x60: {  	_ =	shalt  }
0x61: {  	_ =	shalt  }
0x62: {  	_ =	shalt  }
0x63: {  	_ =	shalt  }
0x64: {  	_ =	shalt  }
0x65: {  	_ =	shalt  }
0x66: {  	_ =	shalt  }
0x67: {  	_ =	shalt  }
0x68: {  	_ =	shalt  }
0x69: {  	_ =	shalt  }
0x6a: {  	_ =	shalt  }
0x6b: {  	_ =	shalt  }
0x6c: {  	_ =	shalt  }
0x6d: {  	_ =	shalt  }
0x6e: {  	_ =	shalt  }
0x6f: {  	_ =	shalt  }
0x70: {  	_ =	shalt  }
0x71: {  	_ =	shalt  }
0x72: {  	_ =	shalt  }
0x73: {  	_ =	shalt  }
0x74: {  	_ =	shalt  }
0x75: {  	_ =	shalt  }
0x76: {  	_ =	shalt  }
0x77: {  	_ =	shalt  }
0x78: {  	_ =	shalt  }
0x79: {  	_ =	shalt  }
0x7a: {  	_ =	shalt  }
0x7b: {  	_ =	shalt  }
0x7c: {  	_ =	shalt  }
0x7d: {  	_ =	shalt  }
0x7e: {  	_ =	shalt  }
0x7f: {  	_ =	shalt  }
0x80: {  	_ =	shalt  }
0x81: {  	_ =	shalt  }
0x82: {  	_ =	shalt  }
0x83: {  	_ =	shalt  }
0x84: {  	_ =	shalt  }
0x85: {  	_ =	shalt  }
0x86: {  	_ =	shalt  }
0x87: {  	_ =	shalt  }
.Lfunc_end0:
.L_simem_size_0:
called_computation_lowered:
.L_overlay_start_0:
0x88: {  	s2 =	sld [smem:$0x3FD9]  }
0x89: {  	s3 =	sld [smem:$0x3FFE];
	_ =	sdelay $0x1  }
0x8a: {  	s1 =	srdreg.scid  }
0x8b: {  	s0 =	sand.u32 $0x1, s1  }
0x8c: {  	s17 =	sshll.u32 s0, $0xA;
	s2 =	sadd.s32 s3, s2  }
0x8d: {  	s2 =	sadd.s32 s2, s17  }
0x8e: {  	[smem:$0x3FBE] =	sst s2  }
0x8f: {  	_ = 	snop  }
0x90: {  	s2 =	sld [smem:$0x3FD0];
	(tm) =	ssettm $0x1  }
0x91: {  	s18 =	sld [smem:$0x3FFB];
	_ =	sdelay $0x3  }
0x92: {  	_ =	strace s18  }
0x93: {  	s3 =	sld [smem:$0x3FFC];
	_ =	sdelay $0x3  }
0x94: {  	_ =	strace s3  }
0x95: {  	s3 =	sld [smem:$0x3FFD];
	_ =	sdelay $0x3  }
0x96: {  	_ =	strace s3  }
0x97: {  	_ =	strace $0x8FFFFFFF  }
0x98: {  	s19 =	sld [smem:$0x3FDB];
	_ =	sdelay $0x1  }
0x99: {  	s4 =	simm.s32 $_scs_section_size  }
0x9a: {  	s5 =	simm.s32 $_size__tile_overlayer_lowered;
	s6 =	simm.s32 $_tile_overlayer_lowered  }
0x9b: {  	s22 =	simm.s32 $0x1BFF;
	s21 =	sshll.u32 s6, $0x1;
	s3 =	sadd.s32 s4, s19  }
0x9c: {  	s7 =	simm.s32 $0x0;
	s20 =	sshll.u32 s5, $0x1;
	s5 =	sadd.s32 s21, s3  }
0x9d: {  	[timem:s7], [sflag:s22] =	dma.local [hbm:s5], s20  }
0x9e: {  	_ =	swait.ge [sflag:s22], s20  }
0x9f: {  	s4 =	ssub.s32 $0x0, s20;
	[sflag:s22] =	ssyncset.done $0x0  }
0xa0: {  	[sflag:s22] =	ssyncadd.s32 s4;
	_ =	sdelay $0x1  }
0xa1: {  	s23 =	simm.s32 $0x1B8B  }
0xa2: {  	_ =	swait.ge [sflag:s23], $0x1  }
0xa3: {  	[sflag:s23] =	ssyncset.done $0x0  }
0xa4: {  	s25 =	simm.s32 $0x1B8E;
	s24 =	sld [smem:$0x3FFE];
	[sflag:s23] =	ssyncadd.s32 $0xFFFFFFFF  }
0xa5: {  	s26 =	simm.s32 $execute0_lowered;
	[smem:$0x3FD2] =	sst s25  }
0xa6: {  	s5 =	sshll.u32 s26, $0x1;
	_ =	strace $0x80000046;
	[dreg:$0x1] =	wrdreg $0xFFFFFFFF  }
0xa7: {  	s28 =	simm.s32 $_size_execute0_lowered;
	s3 =	sadd.s32 s3, s5;
	[dreg:$0x0] =	wrdreg $0x0  }
0xa8: {  	s5 =	sshll.u32 s28, $0x1;
	[dreg:$0x2] =	wrdreg s3  }
0xa9: {  	[dreg:$0x3] =	wrdreg s5  }
0xaa: {  	[dreg:$0x4] =	wrdreg $0xC0  }
0xab: {  	_ =	task [dreg:s7], $0x5FFFF  }
0xac: {  	[dreg:$0x1] =	wrdreg $0xFFFFFFFF  }
0xad: {  	[dreg:$0x0] =	wrdreg $0x60  }
0xae: {  	[dreg:$0x2] =	wrdreg s24  }
0xaf: {  	[dreg:$0x3] =	wrdreg s2  }
0xb0: {  	[dreg:$0x4] =	wrdreg $0x90000  }
0xb1: {  	[dreg:$0x5] =	wrdreg $0x1F8000  }
0xb2: {  	[dreg:$0x6] =	wrdreg $0x9  }
0xb3: {  	_ =	task.clear_ibuf [dreg:s7], $0x7FFFF;
	_ =	strace $0x90000046  }
0xb4: {  	s29 =	simm.s32 $0x9;
	_ =	strace $0x80000048  }
0xb5: {  	_ =	swait.ge [sflag:s29], $0x1  }
0xb6: {  	[sflag:s29] =	ssyncadd.s32 $0xFFFFFFFF  }
0xb7: {  	_ =	strace $0x90000048  }
0xb8: {  	_ =	sfence  }
0xb9: {  	s30 =	sld [smem:$0x0];
	_ =	sdelay $0x2  }
0xba: {  	s31 =	sshll.u32 s1, $0xD;
	s1 =	sshrl.u32 s1, $0x2  }
0xbb: {  	s3 =	sand.u32 $0x4000, s31;
	s1 =	sadd.s32 s1, s30  }
0xbc: {  	s0 =	sor.u32 s3, s0;
	s1 =	sshll.u32 s1, $0x11  }
0xbd: {  	s0 =	sor.u32 s1, s0  }
0xbe: {  	s0 =	sadd.s32 $0x8F2B, s0  }
0xbf: {  	[sflag:s0] =	ssyncadd.remote.s32 $0x1  }
0xc0: {  	_ =	sfence.sel $0xFFFF  }
0xc1: {  	[dreg:$0x0] =	wrdreg $0xFFFFFFFF;
	(pc) =	sbr.abs _section_cstart, $3  }
0xc2: {  	[dreg:$0x1] =	wrdreg $0xFFFFFFFF  }
0xc3: {  	_ =	task.clear_ibuf [dreg:s7], $0x2FFFF;
	_ =	strace $0x9FFFFFFF  }
0xc4: {  	(tm) =	ssettm $0x7FFFFFFF  }
0xc5: {  	_ =	shalt  }
tec
execute0_lowered:
.L_overlay_start_1:
0x0: {  	(tag) =	ssettag $0x1  }
0x1: {  	s0 =	rddreg [dreg:$0x0]  }
0x2: {  	s1 =	rddreg [dreg:$0x1]  }
0x3: {  	s2 =	rddreg [dreg:$0x2]  }
0x4: {  	s3 =	rddreg [dreg:$0x3];
	s13 =	stileid.u32  }
0x5: {  	s9 =	simm.s32 $0x0;
	s4 =	srdreg.scid;
	s22 =	smul.u32 $0x14000, s13  }
0x6: {  	s5 =	sshrl.u32 s13, $0x2;
	s4 =	sand.u32 $0x1, s4;
	s11 =	smul.u32 $0x50000, s13  }
0x7: {  	s21 =	sshll.u32 s13, $0x8;
	[smem:$0x7FF] =	sst s9;
	s6 =	smul.u32 $0x14000, s5  }
0x8: {  	s10 =	sshll.u32 s13, $0xA;
	s7 =	sshll.u32 s4, $0x7;
	s8 =	smul.u32 $0x140000, s4  }
0x9: {  	s5 =	sand.u32 $0x300, s21;
	_ =	strace $0x80000047;
	s24 =	smul.u32 $0x2800, s4  }
0xa: {  	s4 =	ssub.s32 $0x2, s4;
	s7 =	sor.u32 s7, s5;
	s5 =	sadd.s32 $0xD000, s0  }
0xb: {  	s12 =	sshrl.u32 s4, $0x1;
	s26 =	sshrl.u32 s11, $0x2;
	s6 =	sor.u32 s6, s7  }
0xc: {  	s23 =	sadd.s32 s22, s8;
	s8 =	sadd.s32 s10, s24;
	s6 =	sshrl.u32 s6, $0x3  }
0xd: {  	s7 =	sshrl.u32 s23, $0x3;
	s8 =	sshrl.u32 s8, $0x3;
	s25 =	sadd.s32 s6, s0  }
0xe: {  	s7 =	sadd.s32 s7, s0;
	s0 =	sadd.s32 s8, s0;
	s1 =	sadd.s32 s1, s6  }
0xf: {  	s8 =	sadd.s32 s26, s2;
	[dreg:$0x5] =	wrdreg s1;
	s11 =	sadd.s32 $0x3000, s25  }
0x10: {  	s4 =	ssub.s32 s4, s12;
	s12 =	sadd.s32 $0x1000, s8;
	[dreg:$0x6] =	wrdreg s11  }
0x11: {  	s14 =	sadd.s32 $0x2000, s8;
	[dreg:$0x7] =	wrdreg s12  }
0x12: {  	s15 =	sadd.s32 $0x3000, s8;
	[dreg:$0x8] =	wrdreg s14  }
0x13: {  	s16 =	sadd.s32 $0x4000, s8;
	[dreg:$0x9] =	wrdreg s15  }
0x14: {  	p0 =	sgt.u32 s13, $0x9;
	s17 =	sadd.s32 $0x5000, s8;
	[dreg:$0xa] =	wrdreg s16  }
0x15: {  	s9 =	simm.s32 $0x20;
	s18 =	sadd.s32 $0x6000, s8;
	[dreg:$0xb] =	wrdreg s17  }
0x16: {  	s13 =	simm.s32 $0x1;
	s19 =	sadd.s32 $0x7000, s8;
	[dreg:$0xc] =	wrdreg s18  }
0x17: {  	s6 =	simm.s32 $0x5;
	s20 =	sadd.s32 $0x8000, s8;
	[dreg:$0xd] =	wrdreg s19  }
0x18: {  	s21 =	sadd.s32 $0x9000, s8;
	s22 =	sadd.s32 $0xA000, s8;
	[dreg:$0xe] =	wrdreg s20  }
0x19: {  	s23 =	sadd.s32 $0xB000, s8;
	s24 =	sadd.s32 $0xC000, s8;
	[dreg:$0xf] =	wrdreg s21  }
0x1a: {  	s25 =	sadd.s32 $0xD000, s8;
	s26 =	sadd.s32 $0x35A00, s7;
	[dreg:$0x10] =	wrdreg s22  }
0x1b: {  	s28 =	sadd.s32 $0xF000, s8;
	s29 =	sadd.s32 $0x10000, s8;
	[dreg:$0x11] =	wrdreg s23  }
0x1c: {  	s30 =	sadd.s32 $0x11000, s8;
	s31 =	sadd.s32 $0x12000, s8;
	[dreg:$0x12] =	wrdreg s24  }
0x1d: {  	s1 =	simm.s32 $0x400;
	s7 =	simm.s32 $0x5000;
	[dreg:$0x13] =	wrdreg s25  }
0x1e: {  	s22 =	sadd.s32 s10, s3;
	[dreg:$0x14] =	wrdreg s26;
	s24 =	sadd.s32 $0x35000, s0  }
0x1f: {  	s25 =	smax.u32 s4, $0x1;
	s26 =	sadd.s32 $0xE000, s8;
	s0 =	sadd.s32 $0x13000, s8  }
0x20: {  	v0 =	vlaneseq.u32;
	s10 =	simm.s32 $0x6000;
	s11 =	simm.s32 $0x7000;
	s12 =	simm.s32 $0x1D000  }
0x21: {  	v1 =	vimm.f32 $0.0e+00;
	v6 =	vimm.f32 $1.000000000e+00;
	v2 =	vor.u32 $0x10, v0;
	s14 =	simm.s32 $0x8000;
	s15 =	simm.s32 $0x2;
	s16 =	simm.s32 $0x3  }
0x22: {  	v3 =	vor.u32 $0x20, v0;
	v4 =	vor.u32 $0x30, v0;
	v5 =	vor.u32 $0x40, v0;
	s17 =	simm.s32 $0x4;
	s18 =	simm.s32 $0x10;
	s19 =	simm.s32 $0x0  }
.LBB2_1:
0x23: {  	s4 =	simm.s32 $0x0;
	s20 =	rddreg [dreg:$0x5];
	s21 =	simm.s32 $0x80  }
0x24: {  	[tilespmem:s4], [sflag:$0x5] =	stream.strided.gather [hbm4b:s20+s21], $0x2800, s1, s21, $0x38;
	[tilespmem:$0x1FB00] =	vst v63  }
0x25: {  	_ =	swait.ge [sflag:s6], $0x2800  }
0x26: {  	[sflag:s6] =	ssyncset.done $0x0  }
0x27: {  	s23 =	simm.s32 $0x2800;
	s20 =	rddreg [dreg:$0x6];
	[sflag:s6] =	ssyncadd.s32 $0xFFFFD800  }
0x28: {  	[tilespmem:s23], [sflag:$0x5] =	stream.strided.gather [hbm4b:s20+s21], $0x2800, s1, s21, $0x38;
	[tilespmem:$0x1FB00] =	vst v63  }
0x29: {  	_ =	swait.ge [sflag:s6], $0x2800  }
0x2a: {  	[sflag:s6] =	ssyncset.done $0x0  }
0x2b: {  	s4 =	simm.s32 $0x0;
	s20 =	simm.s32 $0x200;
	[sflag:s6] =	ssyncadd.s32 $0xFFFFD800  }
.LBB2_2:
0x2c: {  	p1 =	sne.s32 s20, $0x3E00;
	[tilespmem:s4+$0x5070] =	vst v1  }
0x2d: {  	[tilespmem:s4+$0x5000] =	vst v1  }
0x2e: {  	[tilespmem:s4+$0x5010] =	vst v1  }
.Ltmp0:
0x2f: {  	[tilespmem:s4+$0x5020] =	vst v1;
	(pc) =	sbr.rel @p1 .LBB2_2-.Ltmp0, $4  }
0x30: {  	[tilespmem:s4+$0x5030] =	vst v1  }
0x31: {  	[tilespmem:s4+$0x5040] =	vst v1  }
0x32: {  	[tilespmem:s4+$0x5050] =	vst v1  }
0x33: {  	[tilespmem:s4+$0x5060] =	vst v1;
	s4 =	sshra.s32 s20, $0x2;
	s20 =	sadd.s32 $0x200, s20  }
0x34: {  	[tilespmem:s4+$0x5070] =	vst v1  }
0x35: {  	[tilespmem:s4+$0x5000] =	vst v1  }
0x36: {  	[tilespmem:s4+$0x5010] =	vst v1  }
0x37: {  	[tilespmem:s4+$0x5020] =	vst v1  }
0x38: {  	[tilespmem:s4+$0x5030] =	vst v1  }
0x39: {  	[tilespmem:s4+$0x5040] =	vst v1  }
0x3a: {  	[tilespmem:s4+$0x5050] =	vst v1  }
0x3b: {  	[tilespmem:s4+$0x5060] =	vst v1  }
0x3c: {  	[spmem:s8] =	stream.linear.scatter [tilespmem:s7], [sflag:$0x5], $0x1000, $0x38;
	[tilespmem:$0x1FB00] =	vst v63  }
0x3d: {  	_ =	swait.ge [sflag:s6], $0x1000  }
0x3e: {  	[sflag:s6] =	ssyncset.done $0x0  }
0x3f: {  	s23 =	rddreg [dreg:$0x7];
	[sflag:s6] =	ssyncadd.s32 $0xFFFFF000  }
0x40: {  	[spmem:s23] =	stream.linear.scatter [tilespmem:s7], [sflag:$0x5], $0x1000, $0x38;
	[tilespmem:$0x1FB00] =	vst v63  }
0x41: {  	_ =	swait.ge [sflag:s6], $0x1000  }
0x42: {  	[sflag:s6] =	ssyncset.done $0x0  }
0x43: {  	s20 =	rddreg [dreg:$0x8];
	[sflag:s6] =	ssyncadd.s32 $0xFFFFF000  }
0x44: {  	[spmem:s20] =	stream.linear.scatter [tilespmem:s7], [sflag:$0x5], $0x1000, $0x38;
	[tilespmem:$0x1FB00] =	vst v63  }
0x45: {  	_ =	swait.ge [sflag:s6], $0x1000  }
0x46: {  	[sflag:s6] =	ssyncset.done $0x0  }
0x47: {  	s21 =	rddreg [dreg:$0x9];
	[sflag:s6] =	ssyncadd.s32 $0xFFFFF000  }
0x48: {  	[spmem:s21] =	stream.linear.scatter [tilespmem:s7], [sflag:$0x5], $0x1000, $0x38;
	[tilespmem:$0x1FB00] =	vst v63  }
0x49: {  	_ =	swait.ge [sflag:s6], $0x1000  }
0x4a: {  	[sflag:s6] =	ssyncset.done $0x0  }
0x4b: {  	s23 =	rddreg [dreg:$0xa];
	[sflag:s6] =	ssyncadd.s32 $0xFFFFF000  }
0x4c: {  	[spmem:s23] =	stream.linear.scatter [tilespmem:s7], [sflag:$0x5], $0x1000, $0x38;
	[tilespmem:$0x1FB00] =	vst v63  }
0x4d: {  	_ =	swait.ge [sflag:s6], $0x1000  }
0x4e: {  	[sflag:s6] =	ssyncset.done $0x0  }
0x4f: {  	s20 =	rddreg [dreg:$0xb];
	[sflag:s6] =	ssyncadd.s32 $0xFFFFF000  }
0x50: {  	[spmem:s20] =	stream.linear.scatter [tilespmem:s7], [sflag:$0x5], $0x1000, $0x38;
	[tilespmem:$0x1FB00] =	vst v63  }
0x51: {  	_ =	swait.ge [sflag:s6], $0x1000  }
0x52: {  	[sflag:s6] =	ssyncset.done $0x0  }
0x53: {  	s21 =	rddreg [dreg:$0xc];
	[sflag:s6] =	ssyncadd.s32 $0xFFFFF000  }
0x54: {  	[spmem:s21] =	stream.linear.scatter [tilespmem:s7], [sflag:$0x5], $0x1000, $0x38;
	[tilespmem:$0x1FB00] =	vst v63  }
0x55: {  	_ =	swait.ge [sflag:s6], $0x1000  }
0x56: {  	[sflag:s6] =	ssyncset.done $0x0  }
0x57: {  	s23 =	rddreg [dreg:$0xd];
	[sflag:s6] =	ssyncadd.s32 $0xFFFFF000  }
0x58: {  	[spmem:s23] =	stream.linear.scatter [tilespmem:s7], [sflag:$0x5], $0x1000, $0x38;
	[tilespmem:$0x1FB00] =	vst v63  }
0x59: {  	_ =	swait.ge [sflag:s6], $0x1000  }
0x5a: {  	[sflag:s6] =	ssyncset.done $0x0  }
0x5b: {  	s20 =	rddreg [dreg:$0xe];
	[sflag:s6] =	ssyncadd.s32 $0xFFFFF000  }
0x5c: {  	[spmem:s20] =	stream.linear.scatter [tilespmem:s7], [sflag:$0x5], $0x1000, $0x38;
	[tilespmem:$0x1FB00] =	vst v63  }
0x5d: {  	_ =	swait.ge [sflag:s6], $0x1000  }
0x5e: {  	[sflag:s6] =	ssyncset.done $0x0  }
0x5f: {  	s21 =	rddreg [dreg:$0xf];
	[sflag:s6] =	ssyncadd.s32 $0xFFFFF000  }
0x60: {  	[spmem:s21] =	stream.linear.scatter [tilespmem:s7], [sflag:$0x5], $0x1000, $0x38;
	[tilespmem:$0x1FB00] =	vst v63  }
0x61: {  	_ =	swait.ge [sflag:s6], $0x1000  }
0x62: {  	[sflag:s6] =	ssyncset.done $0x0  }
0x63: {  	s23 =	rddreg [dreg:$0x10];
	[sflag:s6] =	ssyncadd.s32 $0xFFFFF000  }
0x64: {  	[spmem:s23] =	stream.linear.scatter [tilespmem:s7], [sflag:$0x5], $0x1000, $0x38;
	[tilespmem:$0x1FB00] =	vst v63  }
0x65: {  	_ =	swait.ge [sflag:s6], $0x1000  }
0x66: {  	[sflag:s6] =	ssyncset.done $0x0  }
0x67: {  	s20 =	rddreg [dreg:$0x11];
	[sflag:s6] =	ssyncadd.s32 $0xFFFFF000  }
0x68: {  	[spmem:s20] =	stream.linear.scatter [tilespmem:s7], [sflag:$0x5], $0x1000, $0x38;
	[tilespmem:$0x1FB00] =	vst v63  }
0x69: {  	_ =	swait.ge [sflag:s6], $0x1000  }
0x6a: {  	[sflag:s6] =	ssyncset.done $0x0  }
0x6b: {  	s21 =	rddreg [dreg:$0x12];
	[sflag:s6] =	ssyncadd.s32 $0xFFFFF000  }
0x6c: {  	[spmem:s21] =	stream.linear.scatter [tilespmem:s7], [sflag:$0x5], $0x1000, $0x38;
	[tilespmem:$0x1FB00] =	vst v63  }
0x6d: {  	_ =	swait.ge [sflag:s6], $0x1000  }
0x6e: {  	[sflag:s6] =	ssyncset.done $0x0  }
0x6f: {  	s23 =	rddreg [dreg:$0x13];
	[sflag:s6] =	ssyncadd.s32 $0xFFFFF000  }
0x70: {  	[spmem:s23] =	stream.linear.scatter [tilespmem:s7], [sflag:$0x5], $0x1000, $0x38;
	[tilespmem:$0x1FB00] =	vst v63  }
0x71: {  	_ =	swait.ge [sflag:s6], $0x1000  }
0x72: {  	[sflag:s6] =	ssyncset.done $0x0  }
0x73: {  	[sflag:s6] =	ssyncadd.s32 $0xFFFFF000  }
0x74: {  	[spmem:s26] =	stream.linear.scatter [tilespmem:s7], [sflag:$0x5], $0x1000, $0x38;
	[tilespmem:$0x1FB00] =	vst v63  }
0x75: {  	_ =	swait.ge [sflag:s6], $0x1000  }
0x76: {  	[sflag:s6] =	ssyncset.done $0x0  }
0x77: {  	[sflag:s6] =	ssyncadd.s32 $0xFFFFF000  }
0x78: {  	[spmem:s28] =	stream.linear.scatter [tilespmem:s7], [sflag:$0x5], $0x1000, $0x38;
	[tilespmem:$0x1FB00] =	vst v63  }
0x79: {  	_ =	swait.ge [sflag:s6], $0x1000  }
0x7a: {  	[sflag:s6] =	ssyncset.done $0x0  }
0x7b: {  	[sflag:s6] =	ssyncadd.s32 $0xFFFFF000  }
0x7c: {  	[spmem:s29] =	stream.linear.scatter [tilespmem:s7], [sflag:$0x5], $0x1000, $0x38;
	[tilespmem:$0x1FB00] =	vst v63  }
0x7d: {  	_ =	swait.ge [sflag:s6], $0x1000  }
0x7e: {  	[sflag:s6] =	ssyncset.done $0x0  }
0x7f: {  	[sflag:s6] =	ssyncadd.s32 $0xFFFFF000  }
0x80: {  	[spmem:s30] =	stream.linear.scatter [tilespmem:s7], [sflag:$0x5], $0x1000, $0x38;
	[tilespmem:$0x1FB00] =	vst v63  }
0x81: {  	_ =	swait.ge [sflag:s6], $0x1000  }
0x82: {  	[sflag:s6] =	ssyncset.done $0x0  }
0x83: {  	[sflag:s6] =	ssyncadd.s32 $0xFFFFF000  }
0x84: {  	[spmem:s31] =	stream.linear.scatter [tilespmem:s7], [sflag:$0x5], $0x1000, $0x38;
	[tilespmem:$0x1FB00] =	vst v63  }
0x85: {  	_ =	swait.ge [sflag:s6], $0x1000  }
0x86: {  	[sflag:s6] =	ssyncset.done $0x0  }
0x87: {  	[sflag:s6] =	ssyncadd.s32 $0xFFFFF000  }
0x88: {  	[spmem:s0] =	stream.linear.scatter [tilespmem:s7], [sflag:$0x5], $0x1000, $0x38;
	[tilespmem:$0x1FB00] =	vst v63  }
0x89: {  	_ =	swait.ge [sflag:s6], $0x1000  }
0x8a: {  	[sflag:s6] =	ssyncset.done $0x0  }
0x8b: {  	s4 =	simm.s32 $0x40;
	s20 =	simm.s32 $0x0;
	[sflag:s6] =	ssyncadd.s32 $0xFFFFF000  }
.LBB2_4:
0x8c: {  	p1 =	sne.s32 s4, $0x9FC0;
	[tilespmem:s20+$0x1D000] =	vst v1;
	s20 =	smov.u32 s4;
	s4 =	sadd.s32 $0x40, s4  }
.Ltmp1:
0x8d: {  	(pc) =	sbr.rel @p1 .LBB2_4-.Ltmp1, $2  }
0x8e: {  	_ =	sdelay $0x2  }
0x8f: {  	s20 =	sshra.s32 s20, $0x2  }
0x90: {  	[tilespmem:s20+$0x1D000] =	vst v1  }
0x91: {  	[tilespmem:$0x1FA80] =	vst v0  }
0x92: {  	[tilespmem:$0x1FA90] =	vst v2  }
0x93: {  	[tilespmem:$0x1FAA0] =	vst v3  }
0x94: {  	[tilespmem:$0x1FAB0] =	vst v4  }
0x95: {  	s4 =	simm.s32 @!p0 $0x5000;
	[tilespmem:$0x1FAC0] =	vst v5  }
0x96: {  	[spmem:s22] =	stream.linear.scatter @!p0 [tilespmem:s4], [sflag:$0x5], $0x400, $0x38;
	[tilespmem:$0x1FB00] =	vst v63  }
0x97: {  	s4 =	simm.s32 @!p0 $0x5  }
0x98: {  	_ =	swait.ge @!p0 [sflag:s4], $0x400  }
0x99: {  	[sflag:s4] =	ssyncset.done @!p0 $0x0  }
0x9a: {  	[sflag:s4] =	ssyncadd.s32 @!p0 $0xFFFFFC00  }
0x9b: {  	s20 =	simm.s32 $0x0;
	[bflag:$0x0] =	sbarrier.arrive $0xFFFF  }
0x9c: {  	[tilespmem:s7], [sflag:$0x1] =	stream.indirect.gather [hbm4b:s5+s9], $0x80, s20, s9, $0xb8;
	[tilespmem:$0x1FB00] =	vst v63  }
0x9d: {  	s21 =	simm.s32 $0x60  }
0x9e: {  	[tilespmem:s10], [sflag:$0x2] =	stream.indirect.gather [hbm4b:s5+s9], $0x80, s9, s9, $0xb8;
	[tilespmem:$0x1FB00] =	vst v63  }
.LBB2_6:
0x9f: {  	s4 =	sshra.s32 s20, $0x2  }
0xa0: {  	s23 =	sadd.s32 $0x40, s4  }
0xa1: {  	[tilespmem:s11], [sflag:$0x3] =	stream.indirect.gather [hbm4b:s5+s9], $0x80, s23, s9, $0xb8;
	[tilespmem:$0x1FB00] =	vst v63  }
0xa2: {  	v7 =	vld [tilespmem:s4+$0x2800];
	_ =	sdelay $0x7  }
0xa3: {  	[tilespmem:v7+s12+$0x0] =	vst.idx.add.f32.msk $0xffff, v6  }
0xa4: {  	v7 =	vld [tilespmem:s4+$0x2810];
	_ =	sdelay $0x7  }
0xa5: {  	[tilespmem:v7+s12+$0x0] =	vst.idx.add.f32.msk $0xffff, v6  }
0xa6: {  	_ =	swait.ge [sflag:s13], $0x1000  }
0xa7: {  	[sflag:s13] =	ssyncset.done $0x0  }
0xa8: {  	s23 =	sadd.s32 $0x2800, s4;
	[sflag:s13] =	ssyncadd.s32 $0xFFFFF000  }
0xa9: {  	[spmem:s2] =	stream.indirect.scatter.add.f32 [tilespmem:s7], [sflag:$0x5], $0x80, s23, s9, $0xb8;
	[tilespmem:$0x1FB00] =	vst v63  }
0xaa: {  	_ =	swait.ge [sflag:s6], $0x1000  }
0xab: {  	[sflag:s6] =	ssyncset.done $0x0  }
0xac: {  	s23 =	sadd.s32 $0x60, s4;
	[sflag:s6] =	ssyncadd.s32 $0xFFFFF000  }
0xad: {  	[tilespmem:s14], [sflag:$0x4] =	stream.indirect.gather [hbm4b:s5+s9], $0x80, s23, s9, $0xb8;
	[tilespmem:$0x1FB00] =	vst v63  }
0xae: {  	v7 =	vld [tilespmem:s4+$0x2820];
	_ =	sdelay $0x7  }
0xaf: {  	[tilespmem:v7+s12+$0x0] =	vst.idx.add.f32.msk $0xffff, v6  }
0xb0: {  	v7 =	vld [tilespmem:s4+$0x2830];
	_ =	sdelay $0x7  }
0xb1: {  	[tilespmem:v7+s12+$0x0] =	vst.idx.add.f32.msk $0xffff, v6  }
0xb2: {  	_ =	swait.ge [sflag:s15], $0x1000  }
0xb3: {  	[sflag:s15] =	ssyncset.done $0x0  }
0xb4: {  	s23 =	sadd.s32 $0x2820, s4;
	[sflag:s15] =	ssyncadd.s32 $0xFFFFF000  }
0xb5: {  	[spmem:s2] =	stream.indirect.scatter.add.f32 [tilespmem:s10], [sflag:$0x5], $0x80, s23, s9, $0xb8;
	[tilespmem:$0x1FB00] =	vst v63  }
0xb6: {  	_ =	swait.ge [sflag:s6], $0x1000  }
0xb7: {  	[sflag:s6] =	ssyncset.done $0x0  }
0xb8: {  	s23 =	sadd.s32 $0x80, s4;
	[sflag:s6] =	ssyncadd.s32 $0xFFFFF000  }
0xb9: {  	[tilespmem:s7], [sflag:$0x1] =	stream.indirect.gather [hbm4b:s5+s9], $0x80, s23, s9, $0xb8;
	[tilespmem:$0x1FB00] =	vst v63  }
0xba: {  	v7 =	vld [tilespmem:s4+$0x2840];
	_ =	sdelay $0x6  }
0xbb: {  	s23 =	sadd.s32 $0xFFFFFFE0, s21  }
0xbc: {  	s23 =	sor.u32 $0x50, s23;
	[tilespmem:v7+s12+$0x0] =	vst.idx.add.f32.msk $0xffff, v6  }
0xbd: {  	v7 =	vld [tilespmem:s23+$0x2800];
	_ =	sdelay $0x7  }
0xbe: {  	[tilespmem:v7+s12+$0x0] =	vst.idx.add.f32.msk $0xffff, v6  }
0xbf: {  	_ =	swait.ge [sflag:s16], $0x1000  }
0xc0: {  	[sflag:s16] =	ssyncset.done $0x0  }
0xc1: {  	s23 =	sadd.s32 $0x2840, s4;
	[sflag:s16] =	ssyncadd.s32 $0xFFFFF000  }
0xc2: {  	[spmem:s2] =	stream.indirect.scatter.add.f32 [tilespmem:s11], [sflag:$0x5], $0x80, s23, s9, $0xb8;
	[tilespmem:$0x1FB00] =	vst v63  }
0xc3: {  	_ =	swait.ge [sflag:s6], $0x1000  }
0xc4: {  	[sflag:s6] =	ssyncset.done $0x0  }
0xc5: {  	s23 =	sadd.s32 $0xA0, s4;
	[sflag:s6] =	ssyncadd.s32 $0xFFFFF000  }
0xc6: {  	[tilespmem:s10], [sflag:$0x2] =	stream.indirect.gather [hbm4b:s5+s9], $0x80, s23, s9, $0xb8;
	[tilespmem:$0x1FB00] =	vst v63  }
0xc7: {  	v7 =	vld [tilespmem:s4+$0x2860];
	_ =	sdelay $0x7  }
0xc8: {  	s23 =	sor.u32 $0x70, s21;
	[tilespmem:v7+s12+$0x0] =	vst.idx.add.f32.msk $0xffff, v6  }
0xc9: {  	v7 =	vld [tilespmem:s23+$0x2800];
	_ =	sdelay $0x7  }
0xca: {  	[tilespmem:v7+s12+$0x0] =	vst.idx.add.f32.msk $0xffff, v6  }
0xcb: {  	_ =	swait.ge [sflag:s17], $0x1000  }
0xcc: {  	p1 =	sne.s32 s20, $0x9C00;
	[sflag:s17] =	ssyncset.done $0x0  }
.Ltmp2:
0xcd: {  	s4 =	sadd.s32 $0x2860, s4;
	[sflag:s17] =	ssyncadd.s32 $0xFFFFF000;
	(pc) =	sbr.rel @p1 .LBB2_6-.Ltmp2, $4  }
0xce: {  	[spmem:s2] =	stream.indirect.scatter.add.f32 [tilespmem:s14], [sflag:$0x5], $0x80, s4, s9, $0xb8;
	[tilespmem:$0x1FB00] =	vst v63  }
0xcf: {  	_ =	swait.ge [sflag:s6], $0x1000  }
0xd0: {  	[sflag:s6] =	ssyncset.done $0x0  }
0xd1: {  	s20 =	sadd.s32 $0x200, s20;
	s21 =	sadd.s32 $0x80, s21;
	[sflag:s6] =	ssyncadd.s32 $0xFFFFF000  }
0xd2: {  	s4 =	simm.s32 $0x27C0  }
0xd3: {  	[tilespmem:s11], [sflag:$0x3] =	stream.indirect.gather [hbm4b:s5+s9], $0x80, s4, s9, $0xb8;
	[tilespmem:$0x1FB00] =	vst v63  }
0xd4: {  	v7 =	vld [tilespmem:$0x4F80];
	_ =	sdelay $0x7  }
0xd5: {  	[tilespmem:v7+s12+$0x0] =	vst.idx.add.f32.msk $0xffff, v6  }
0xd6: {  	v7 =	vld [tilespmem:$0x4F90];
	_ =	sdelay $0x7  }
0xd7: {  	[tilespmem:v7+s12+$0x0] =	vst.idx.add.f32.msk $0xffff, v6  }
0xd8: {  	_ =	swait.ge [sflag:s13], $0x1000  }
0xd9: {  	[sflag:s13] =	ssyncset.done $0x0  }
0xda: {  	s21 =	simm.s32 $0x4F80;
	[sflag:s13] =	ssyncadd.s32 $0xFFFFF000  }
0xdb: {  	[spmem:s2] =	stream.indirect.scatter.add.f32 [tilespmem:s7], [sflag:$0x5], $0x80, s21, s9, $0xb8;
	[tilespmem:$0x1FB00] =	vst v63  }
0xdc: {  	_ =	swait.ge [sflag:s6], $0x1000  }
0xdd: {  	[sflag:s6] =	ssyncset.done $0x0  }
0xde: {  	s23 =	simm.s32 $0x27E0;
	[sflag:s6] =	ssyncadd.s32 $0xFFFFF000  }
0xdf: {  	[tilespmem:s14], [sflag:$0x4] =	stream.indirect.gather [hbm4b:s5+s9], $0x80, s23, s9, $0xb8;
	[tilespmem:$0x1FB00] =	vst v63  }
0xe0: {  	v7 =	vld [tilespmem:$0x4FA0];
	_ =	sdelay $0x7  }
0xe1: {  	[tilespmem:v7+s12+$0x0] =	vst.idx.add.f32.msk $0xffff, v6  }
0xe2: {  	v7 =	vld [tilespmem:$0x4FB0];
	_ =	sdelay $0x7  }
0xe3: {  	[tilespmem:v7+s12+$0x0] =	vst.idx.add.f32.msk $0xffff, v6  }
0xe4: {  	_ =	swait.ge [sflag:s15], $0x1000  }
0xe5: {  	[sflag:s15] =	ssyncset.done $0x0  }
0xe6: {  	s20 =	simm.s32 $0x4FA0;
	[sflag:s15] =	ssyncadd.s32 $0xFFFFF000  }
0xe7: {  	[spmem:s2] =	stream.indirect.scatter.add.f32 [tilespmem:s10], [sflag:$0x5], $0x80, s20, s9, $0xb8;
	[tilespmem:$0x1FB00] =	vst v63  }
0xe8: {  	_ =	swait.ge [sflag:s6], $0x1000  }
0xe9: {  	[sflag:s6] =	ssyncset.done $0x0  }
0xea: {  	[sflag:s6] =	ssyncadd.s32 $0xFFFFF000  }
0xeb: {  	v7 =	vld [tilespmem:$0x4FC0];
	_ =	sdelay $0x7  }
0xec: {  	[tilespmem:v7+s12+$0x0] =	vst.idx.add.f32.msk $0xffff, v6  }
0xed: {  	v7 =	vld [tilespmem:$0x4FD0];
	_ =	sdelay $0x7  }
0xee: {  	[tilespmem:v7+s12+$0x0] =	vst.idx.add.f32.msk $0xffff, v6  }
0xef: {  	_ =	swait.ge [sflag:s16], $0x1000  }
0xf0: {  	[sflag:s16] =	ssyncset.done $0x0  }
0xf1: {  	s21 =	simm.s32 $0x4FC0;
	[sflag:s16] =	ssyncadd.s32 $0xFFFFF000  }
0xf2: {  	[spmem:s2] =	stream.indirect.scatter.add.f32 [tilespmem:s11], [sflag:$0x5], $0x80, s21, s9, $0xb8;
	[tilespmem:$0x1FB00] =	vst v63  }
0xf3: {  	_ =	swait.ge [sflag:s6], $0x1000  }
0xf4: {  	[sflag:s6] =	ssyncset.done $0x0  }
0xf5: {  	[sflag:s6] =	ssyncadd.s32 $0xFFFFF000  }
0xf6: {  	v7 =	vld [tilespmem:$0x4FE0];
	_ =	sdelay $0x7  }
0xf7: {  	[tilespmem:v7+s12+$0x0] =	vst.idx.add.f32.msk $0xffff, v6  }
0xf8: {  	v7 =	vld [tilespmem:$0x4FF0];
	_ =	sdelay $0x7  }
0xf9: {  	[tilespmem:v7+s12+$0x0] =	vst.idx.add.f32.msk $0xffff, v6  }
0xfa: {  	_ =	swait.ge [sflag:s17], $0x1000  }
0xfb: {  	[sflag:s17] =	ssyncset.done $0x0  }
0xfc: {  	s23 =	simm.s32 $0x4FE0;
	[sflag:s17] =	ssyncadd.s32 $0xFFFFF000  }
0xfd: {  	[spmem:s2] =	stream.indirect.scatter.add.f32 [tilespmem:s14], [sflag:$0x5], $0x80, s23, s9, $0xb8;
	[tilespmem:$0x1FB00] =	vst v63  }
0xfe: {  	_ =	swait.ge [sflag:s6], $0x1000  }
0xff: {  	[sflag:s6] =	ssyncset.done $0x0  }
0x100: {  	s20 =	simm.s32 $0x0;
	[sflag:s6] =	ssyncadd.s32 $0xFFFFF000  }
0x101: {  	v10 =	vld [tilespmem:s20+$0x1D070]  }
0x102: {  	v11 =	vld [tilespmem:s20+$0x1D000]  }
0x103: {  	v12 =	vld [tilespmem:s20+$0x1D010]  }
0x104: {  	v9 =	vld [tilespmem:s20+$0x1D020]  }
0x105: {  	v7 =	vld [tilespmem:s20+$0x1D030]  }
0x106: {  	v8 =	vld [tilespmem:s20+$0x1D040];
	[tilespmem:s20+$0x5070] =	vst v10  }
0x107: {  	[tilespmem:s20+$0x5000] =	vst v11;
	v10 =	vld [tilespmem:s20+$0x1D050]  }
0x108: {  	s4 =	simm.s32 $0x400;
	s21 =	simm.s32 $0x80;
	[tilespmem:s20+$0x5010] =	vst v12;
	v11 =	vld [tilespmem:s20+$0x1D060]  }
.LBB2_8:
0x109: {  	p1 =	sne.s32 s4, $0x1E00;
	v12 =	vld [tilespmem:s21+$0x1D070];
	[tilespmem:s20+$0x5020] =	vst v9  }
0x10a: {  	v13 =	vld [tilespmem:s21+$0x1D000];
	[tilespmem:s20+$0x5030] =	vst v7  }
0x10b: {  	v14 =	vld [tilespmem:s21+$0x1D010];
	[tilespmem:s20+$0x5040] =	vst v8  }
.Ltmp3:
0x10c: {  	v9 =	vld [tilespmem:s21+$0x1D020];
	[tilespmem:s20+$0x5050] =	vst v10;
	(pc) =	sbr.rel @p1 .LBB2_8-.Ltmp3, $4  }
0x10d: {  	v7 =	vld [tilespmem:s21+$0x1D030];
	[tilespmem:s20+$0x5060] =	vst v11;
	s20 =	smov.u32 s21  }
0x10e: {  	v8 =	vld [tilespmem:s20+$0x1D040];
	[tilespmem:s20+$0x5070] =	vst v12  }
0x10f: {  	[tilespmem:s20+$0x5000] =	vst v13;
	v10 =	vld [tilespmem:s20+$0x1D050]  }
0x110: {  	s21 =	sshra.s32 s4, $0x2;
	s4 =	sadd.s32 $0x200, s4;
	[tilespmem:s20+$0x5010] =	vst v14;
	v11 =	vld [tilespmem:s20+$0x1D060]  }
0x111: {  	v12 =	vld [tilespmem:s21+$0x1D070];
	[tilespmem:s20+$0x5020] =	vst v9  }
0x112: {  	v9 =	vld [tilespmem:s21+$0x1D000];
	[tilespmem:s20+$0x5030] =	vst v7  }
0x113: {  	v7 =	vld [tilespmem:s21+$0x1D010];
	[tilespmem:s20+$0x5040] =	vst v8  }
0x114: {  	v8 =	vld [tilespmem:s21+$0x1D020];
	[tilespmem:s20+$0x5050] =	vst v10  }
0x115: {  	v10 =	vld [tilespmem:s21+$0x1D030];
	[tilespmem:s20+$0x5060] =	vst v11  }
0x116: {  	v11 =	vld [tilespmem:s21+$0x1D040];
	[tilespmem:s21+$0x5070] =	vst v12  }
0x117: {  	[tilespmem:s21+$0x5000] =	vst v9;
	v9 =	vld [tilespmem:s21+$0x1D050]  }
0x118: {  	[tilespmem:s21+$0x5010] =	vst v7;
	v7 =	vld [tilespmem:s21+$0x1D060]  }
0x119: {  	[tilespmem:s21+$0x5020] =	vst v8  }
0x11a: {  	[tilespmem:s21+$0x5030] =	vst v10  }
0x11b: {  	[tilespmem:s21+$0x5040] =	vst v11  }
0x11c: {  	[tilespmem:s21+$0x5050] =	vst v9  }
0x11d: {  	s4 =	simm.s32 $0x1FA80;
	[tilespmem:s21+$0x5060] =	vst v7  }
0x11e: {  	[spmem:s3] =	stream.indirect.scatter.add.f32 [tilespmem:s7], [sflag:$0x5], $0x80, s4, s18, $0xb8;
	[tilespmem:$0x1FB00] =	vst v63  }
0x11f: {  	_ =	swait.ge [sflag:s6], $0x800  }
0x120: {  	[sflag:s6] =	ssyncset.done $0x0  }
0x121: {  	s20 =	simm.s32 $0x0;
	[sflag:s6] =	ssyncadd.s32 $0xFFFFF800  }
0x122: {  	v10 =	vld [tilespmem:s20+$0x1D870]  }
0x123: {  	v11 =	vld [tilespmem:s20+$0x1D800]  }
0x124: {  	v63 =	vld [tilespmem:s20+$0x1D810]  }
0x125: {  	v9 =	vld [tilespmem:s20+$0x1D820]  }
0x126: {  	v7 =	vld [tilespmem:s20+$0x1D830]  }
0x127: {  	v8 =	vld [tilespmem:s20+$0x1D840];
	[tilespmem:s20+$0x6070] =	vst v10  }
0x128: {  	[tilespmem:s20+$0x6000] =	vst v11;
	v10 =	vld [tilespmem:s20+$0x1D850]  }
0x129: {  	s21 =	simm.s32 $0x80;
	s4 =	simm.s32 $0x400;
	[tilespmem:s20+$0x6010] =	vst v63;
	v11 =	vld [tilespmem:s20+$0x1D860]  }
.LBB2_10:
0x12a: {  	p1 =	sne.s32 s4, $0x1E00;
	v12 =	vld [tilespmem:s21+$0x1D870];
	[tilespmem:s20+$0x6020] =	vst v9  }
0x12b: {  	v13 =	vld [tilespmem:s21+$0x1D800];
	[tilespmem:s20+$0x6030] =	vst v7  }
0x12c: {  	v14 =	vld [tilespmem:s21+$0x1D810];
	[tilespmem:s20+$0x6040] =	vst v8  }
.Ltmp4:
0x12d: {  	v9 =	vld [tilespmem:s21+$0x1D820];
	[tilespmem:s20+$0x6050] =	vst v10;
	(pc) =	sbr.rel @p1 .LBB2_10-.Ltmp4, $4  }
0x12e: {  	v7 =	vld [tilespmem:s21+$0x1D830];
	[tilespmem:s20+$0x6060] =	vst v11;
	s20 =	smov.u32 s21  }
0x12f: {  	v8 =	vld [tilespmem:s20+$0x1D840];
	[tilespmem:s20+$0x6070] =	vst v12  }
0x130: {  	[tilespmem:s20+$0x6000] =	vst v13;
	v10 =	vld [tilespmem:s20+$0x1D850]  }
0x131: {  	s21 =	sshra.s32 s4, $0x2;
	s4 =	sadd.s32 $0x200, s4;
	[tilespmem:s20+$0x6010] =	vst v14;
	v11 =	vld [tilespmem:s20+$0x1D860]  }
0x132: {  	v12 =	vld [tilespmem:s21+$0x1D870];
	[tilespmem:s20+$0x6020] =	vst v9  }
0x133: {  	v9 =	vld [tilespmem:s21+$0x1D800];
	[tilespmem:s20+$0x6030] =	vst v7  }
0x134: {  	v7 =	vld [tilespmem:s21+$0x1D810];
	[tilespmem:s20+$0x6040] =	vst v8  }
0x135: {  	v8 =	vld [tilespmem:s21+$0x1D820];
	[tilespmem:s20+$0x6050] =	vst v10  }
0x136: {  	v10 =	vld [tilespmem:s21+$0x1D830];
	[tilespmem:s20+$0x6060] =	vst v11  }
0x137: {  	v11 =	vld [tilespmem:s21+$0x1D840];
	[tilespmem:s21+$0x6070] =	vst v12  }
0x138: {  	[tilespmem:s21+$0x6000] =	vst v9;
	v9 =	vld [tilespmem:s21+$0x1D850]  }
0x139: {  	[tilespmem:s21+$0x6010] =	vst v7;
	v7 =	vld [tilespmem:s21+$0x1D860]  }
0x13a: {  	[tilespmem:s21+$0x6020] =	vst v8  }
0x13b: {  	[tilespmem:s21+$0x6030] =	vst v10  }
0x13c: {  	[tilespmem:s21+$0x6040] =	vst v11  }
0x13d: {  	[tilespmem:s21+$0x6050] =	vst v9  }
0x13e: {  	s4 =	simm.s32 $0x1FA90;
	[tilespmem:s21+$0x6060] =	vst v7  }
0x13f: {  	[spmem:s3] =	stream.indirect.scatter.add.f32 [tilespmem:s10], [sflag:$0x5], $0x80, s4, s18, $0xb8;
	[tilespmem:$0x1FB00] =	vst v63  }
0x140: {  	_ =	swait.ge [sflag:s6], $0x800  }
0x141: {  	[sflag:s6] =	ssyncset.done $0x0  }
0x142: {  	s20 =	simm.s32 $0x0;
	[sflag:s6] =	ssyncadd.s32 $0xFFFFF800  }
0x143: {  	v10 =	vld [tilespmem:s20+$0x1E070]  }
0x144: {  	v11 =	vld [tilespmem:s20+$0x1E000]  }
0x145: {  	v63 =	vld [tilespmem:s20+$0x1E010]  }
0x146: {  	v9 =	vld [tilespmem:s20+$0x1E020]  }
0x147: {  	v7 =	vld [tilespmem:s20+$0x1E030]  }
0x148: {  	v8 =	vld [tilespmem:s20+$0x1E040];
	[tilespmem:s20+$0x7070] =	vst v10  }
0x149: {  	[tilespmem:s20+$0x7000] =	vst v11;
	v10 =	vld [tilespmem:s20+$0x1E050]  }
0x14a: {  	s21 =	simm.s32 $0x80;
	s4 =	simm.s32 $0x400;
	[tilespmem:s20+$0x7010] =	vst v63;
	v11 =	vld [tilespmem:s20+$0x1E060]  }
.LBB2_12:
0x14b: {  	p1 =	sne.s32 s4, $0x1E00;
	v12 =	vld [tilespmem:s21+$0x1E070];
	[tilespmem:s20+$0x7020] =	vst v9  }
0x14c: {  	v13 =	vld [tilespmem:s21+$0x1E000];
	[tilespmem:s20+$0x7030] =	vst v7  }
0x14d: {  	v14 =	vld [tilespmem:s21+$0x1E010];
	[tilespmem:s20+$0x7040] =	vst v8  }
.Ltmp5:
0x14e: {  	v9 =	vld [tilespmem:s21+$0x1E020];
	[tilespmem:s20+$0x7050] =	vst v10;
	(pc) =	sbr.rel @p1 .LBB2_12-.Ltmp5, $4  }
0x14f: {  	v7 =	vld [tilespmem:s21+$0x1E030];
	[tilespmem:s20+$0x7060] =	vst v11;
	s20 =	smov.u32 s21  }
0x150: {  	v8 =	vld [tilespmem:s20+$0x1E040];
	[tilespmem:s20+$0x7070] =	vst v12  }
0x151: {  	[tilespmem:s20+$0x7000] =	vst v13;
	v10 =	vld [tilespmem:s20+$0x1E050]  }
0x152: {  	s21 =	sshra.s32 s4, $0x2;
	s4 =	sadd.s32 $0x200, s4;
	[tilespmem:s20+$0x7010] =	vst v14;
	v11 =	vld [tilespmem:s20+$0x1E060]  }
0x153: {  	v12 =	vld [tilespmem:s21+$0x1E070];
	[tilespmem:s20+$0x7020] =	vst v9  }
0x154: {  	v9 =	vld [tilespmem:s21+$0x1E000];
	[tilespmem:s20+$0x7030] =	vst v7  }
0x155: {  	v7 =	vld [tilespmem:s21+$0x1E010];
	[tilespmem:s20+$0x7040] =	vst v8  }
0x156: {  	v8 =	vld [tilespmem:s21+$0x1E020];
	[tilespmem:s20+$0x7050] =	vst v10  }
0x157: {  	v10 =	vld [tilespmem:s21+$0x1E030];
	[tilespmem:s20+$0x7060] =	vst v11  }
0x158: {  	v11 =	vld [tilespmem:s21+$0x1E040];
	[tilespmem:s21+$0x7070] =	vst v12  }
0x159: {  	[tilespmem:s21+$0x7000] =	vst v9;
	v9 =	vld [tilespmem:s21+$0x1E050]  }
0x15a: {  	[tilespmem:s21+$0x7010] =	vst v7;
	v7 =	vld [tilespmem:s21+$0x1E060]  }
0x15b: {  	[tilespmem:s21+$0x7020] =	vst v8  }
0x15c: {  	[tilespmem:s21+$0x7030] =	vst v10  }
0x15d: {  	[tilespmem:s21+$0x7040] =	vst v11  }
0x15e: {  	[tilespmem:s21+$0x7050] =	vst v9  }
0x15f: {  	s4 =	simm.s32 $0x1FAA0;
	[tilespmem:s21+$0x7060] =	vst v7  }
0x160: {  	[spmem:s3] =	stream.indirect.scatter.add.f32 [tilespmem:s11], [sflag:$0x5], $0x80, s4, s18, $0xb8;
	[tilespmem:$0x1FB00] =	vst v63  }
0x161: {  	_ =	swait.ge [sflag:s6], $0x800  }
0x162: {  	[sflag:s6] =	ssyncset.done $0x0  }
0x163: {  	s20 =	simm.s32 $0x0;
	[sflag:s6] =	ssyncadd.s32 $0xFFFFF800  }
0x164: {  	v10 =	vld [tilespmem:s20+$0x1E870]  }
0x165: {  	v11 =	vld [tilespmem:s20+$0x1E800]  }
0x166: {  	v63 =	vld [tilespmem:s20+$0x1E810]  }
0x167: {  	v9 =	vld [tilespmem:s20+$0x1E820]  }
0x168: {  	v7 =	vld [tilespmem:s20+$0x1E830]  }
0x169: {  	v8 =	vld [tilespmem:s20+$0x1E840];
	[tilespmem:s20+$0x8070] =	vst v10  }
0x16a: {  	[tilespmem:s20+$0x8000] =	vst v11;
	v10 =	vld [tilespmem:s20+$0x1E850]  }
0x16b: {  	s21 =	simm.s32 $0x80;
	s4 =	simm.s32 $0x400;
	[tilespmem:s20+$0x8010] =	vst v63;
	v11 =	vld [tilespmem:s20+$0x1E860]  }
.LBB2_14:
0x16c: {  	p1 =	sne.s32 s4, $0x1E00;
	v12 =	vld [tilespmem:s21+$0x1E870];
	[tilespmem:s20+$0x8020] =	vst v9  }
0x16d: {  	v13 =	vld [tilespmem:s21+$0x1E800];
	[tilespmem:s20+$0x8030] =	vst v7  }
0x16e: {  	v14 =	vld [tilespmem:s21+$0x1E810];
	[tilespmem:s20+$0x8040] =	vst v8  }
.Ltmp6:
0x16f: {  	v9 =	vld [tilespmem:s21+$0x1E820];
	[tilespmem:s20+$0x8050] =	vst v10;
	(pc) =	sbr.rel @p1 .LBB2_14-.Ltmp6, $4  }
0x170: {  	v7 =	vld [tilespmem:s21+$0x1E830];
	[tilespmem:s20+$0x8060] =	vst v11;
	s20 =	smov.u32 s21  }
0x171: {  	v8 =	vld [tilespmem:s20+$0x1E840];
	[tilespmem:s20+$0x8070] =	vst v12  }
0x172: {  	[tilespmem:s20+$0x8000] =	vst v13;
	v10 =	vld [tilespmem:s20+$0x1E850]  }
0x173: {  	s21 =	sshra.s32 s4, $0x2;
	s4 =	sadd.s32 $0x200, s4;
	[tilespmem:s20+$0x8010] =	vst v14;
	v11 =	vld [tilespmem:s20+$0x1E860]  }
0x174: {  	v12 =	vld [tilespmem:s21+$0x1E870];
	[tilespmem:s20+$0x8020] =	vst v9  }
0x175: {  	v9 =	vld [tilespmem:s21+$0x1E800];
	[tilespmem:s20+$0x8030] =	vst v7  }
0x176: {  	v7 =	vld [tilespmem:s21+$0x1E810];
	[tilespmem:s20+$0x8040] =	vst v8  }
0x177: {  	v8 =	vld [tilespmem:s21+$0x1E820];
	[tilespmem:s20+$0x8050] =	vst v10  }
0x178: {  	v10 =	vld [tilespmem:s21+$0x1E830];
	[tilespmem:s20+$0x8060] =	vst v11  }
0x179: {  	v11 =	vld [tilespmem:s21+$0x1E840];
	[tilespmem:s21+$0x8070] =	vst v12  }
0x17a: {  	[tilespmem:s21+$0x8000] =	vst v9;
	v9 =	vld [tilespmem:s21+$0x1E850]  }
0x17b: {  	[tilespmem:s21+$0x8010] =	vst v7;
	v7 =	vld [tilespmem:s21+$0x1E860]  }
0x17c: {  	[tilespmem:s21+$0x8020] =	vst v8  }
0x17d: {  	[tilespmem:s21+$0x8030] =	vst v10  }
0x17e: {  	[tilespmem:s21+$0x8040] =	vst v11  }
0x17f: {  	[tilespmem:s21+$0x8050] =	vst v9  }
0x180: {  	s4 =	simm.s32 $0x1FAB0;
	[tilespmem:s21+$0x8060] =	vst v7  }
0x181: {  	[spmem:s3] =	stream.indirect.scatter.add.f32 [tilespmem:s14], [sflag:$0x5], $0x80, s4, s18, $0xb8;
	[tilespmem:$0x1FB00] =	vst v63  }
0x182: {  	_ =	swait.ge [sflag:s6], $0x800  }
0x183: {  	[sflag:s6] =	ssyncset.done $0x0  }
0x184: {  	s20 =	simm.s32 $0x0;
	[sflag:s6] =	ssyncadd.s32 $0xFFFFF800  }
0x185: {  	v10 =	vld [tilespmem:s20+$0x1F070]  }
0x186: {  	v11 =	vld [tilespmem:s20+$0x1F000]  }
0x187: {  	v63 =	vld [tilespmem:s20+$0x1F010]  }
0x188: {  	v9 =	vld [tilespmem:s20+$0x1F020]  }
0x189: {  	v7 =	vld [tilespmem:s20+$0x1F030]  }
0x18a: {  	v8 =	vld [tilespmem:s20+$0x1F040];
	[tilespmem:s20+$0x5070] =	vst v10  }
0x18b: {  	[tilespmem:s20+$0x5000] =	vst v11;
	v10 =	vld [tilespmem:s20+$0x1F050]  }
0x18c: {  	s21 =	simm.s32 $0x80;
	s4 =	simm.s32 $0x400;
	[tilespmem:s20+$0x5010] =	vst v63;
	v11 =	vld [tilespmem:s20+$0x1F060]  }
.LBB2_16:
0x18d: {  	p1 =	sne.s32 s4, $0x1E00;
	v12 =	vld [tilespmem:s21+$0x1F070];
	[tilespmem:s20+$0x5020] =	vst v9  }
0x18e: {  	v13 =	vld [tilespmem:s21+$0x1F000];
	[tilespmem:s20+$0x5030] =	vst v7  }
0x18f: {  	v14 =	vld [tilespmem:s21+$0x1F010];
	[tilespmem:s20+$0x5040] =	vst v8  }
.Ltmp7:
0x190: {  	v9 =	vld [tilespmem:s21+$0x1F020];
	[tilespmem:s20+$0x5050] =	vst v10;
	(pc) =	sbr.rel @p1 .LBB2_16-.Ltmp7, $4  }
0x191: {  	v7 =	vld [tilespmem:s21+$0x1F030];
	[tilespmem:s20+$0x5060] =	vst v11;
	s20 =	smov.u32 s21  }
0x192: {  	v8 =	vld [tilespmem:s20+$0x1F040];
	[tilespmem:s20+$0x5070] =	vst v12  }
0x193: {  	[tilespmem:s20+$0x5000] =	vst v13;
	v10 =	vld [tilespmem:s20+$0x1F050]  }
0x194: {  	s21 =	sshra.s32 s4, $0x2;
	s4 =	sadd.s32 $0x200, s4;
	[tilespmem:s20+$0x5010] =	vst v14;
	v11 =	vld [tilespmem:s20+$0x1F060]  }
0x195: {  	v12 =	vld [tilespmem:s21+$0x1F070];
	[tilespmem:s20+$0x5020] =	vst v9  }
0x196: {  	v9 =	vld [tilespmem:s21+$0x1F000];
	[tilespmem:s20+$0x5030] =	vst v7  }
0x197: {  	v7 =	vld [tilespmem:s21+$0x1F010];
	[tilespmem:s20+$0x5040] =	vst v8  }
0x198: {  	v8 =	vld [tilespmem:s21+$0x1F020];
	[tilespmem:s20+$0x5050] =	vst v10  }
0x199: {  	v10 =	vld [tilespmem:s21+$0x1F030];
	[tilespmem:s20+$0x5060] =	vst v11  }
0x19a: {  	v11 =	vld [tilespmem:s21+$0x1F040];
	[tilespmem:s21+$0x5070] =	vst v12  }
0x19b: {  	v63 =	vld [tilespmem:s21+$0x1F050];
	[tilespmem:s21+$0x5000] =	vst v9  }
0x19c: {  	[tilespmem:s21+$0x5010] =	vst v7;
	v7 =	vld [tilespmem:s21+$0x1F060]  }
0x19d: {  	[tilespmem:s21+$0x5020] =	vst v8  }
0x19e: {  	[tilespmem:s21+$0x5030] =	vst v10  }
0x19f: {  	[tilespmem:s21+$0x5040] =	vst v11  }
0x1a0: {  	[tilespmem:s21+$0x5050] =	vst v63  }
0x1a1: {  	s4 =	simm.s32 $0x1FAC0;
	[tilespmem:s21+$0x5060] =	vst v7  }
0x1a2: {  	[spmem:s3] =	stream.indirect.scatter.add.f32 [tilespmem:s7], [sflag:$0x5], $0x80, s4, s18, $0xb8;
	[tilespmem:$0x1FB00] =	vst v63  }
0x1a3: {  	_ =	swait.ge [sflag:s6], $0x800  }
0x1a4: {  	[sflag:s6] =	ssyncset.done $0x0  }
0x1a5: {  	s20 =	stileid.u32;
	[sflag:s6] =	ssyncadd.s32 $0xFFFFF800  }
0x1a6: {  	s4 =	sshll.u32 s20, $0x6;
	[bflag:$0x0] =	sbarrier.arrive $0xFFFF  }
0x1a7: {  	s21 =	sshrl.u32 s8, $0x3;
	s4 =	sor.u32 $0x1C05, s4;
	s23 =	rddreg [dreg:$0x14]  }
0x1a8: {  	[hbm:s23], [sflag:s4] =	dma.local [spmem:s21], $0x2800  }
0x1a9: {  	_ =	swait.ge [sflag:s6], $0x2800  }
0x1aa: {  	s19 =	sadd.s32 $0x1, s19;
	[sflag:s6] =	ssyncset.done $0x0  }
0x1ab: {  	p1 =	sne.s32 s19, s25;
	s20 =	sshrl.u32 @!p0 s22, $0x3;
	[sflag:s6] =	ssyncadd.s32 $0xFFFFD800  }
0x1ac: {  	[hbm:s24], [sflag:s4] =	dma.local @!p0 [spmem:s20], $0x80  }
.Ltmp8:
0x1ad: {  	_ = 	snop;
	(pc) =	sbr.rel @p1 .LBB2_1-.Ltmp8, $4  }
0x1ae: {  	s4 =	simm.s32 @!p0 $0x5  }
0x1af: {  	_ =	swait.ge @!p0 [sflag:s4], $0x80  }
0x1b0: {  	[sflag:s4] =	ssyncset.done @!p0 $0x0  }
0x1b1: {  	[sflag:s4] =	ssyncadd.s32 @!p0 $0xFFFFFF80  }
0x1b2: {  	_ =	sfence.sel $0x180000  }
0x1b3: {  	[bflag:$0x0] =	sbarrier.arrive $0xFFFF  }
0x1b4: {  	_ =	strace $0x90000047  }
0x1b5: {  	s0 =	stileid.u32;
	[bflag:$0x2] =	sbarrier.arrive $0xFFFF  }
0x1b6: {  	p0 =	sne.s32 s0, $0x0;
	s0 =	rddreg [dreg:$0x4]  }
0x1b7: {  	s0 =	sadd.s32 @!p0 $0x100000, s0  }
0x1b8: {  	[sflag:s0] =	ssyncadd.tile.s32 @!p0 $0x1;
	_ =	shalt  }
.Lfunc_end2:
_tile_overlayer_lowered:
.L_overlay_start_2:
0x1b9: {  	(tag) =	ssettag $0x2  }
0x1ba: {  	s0 =	rddreg [dreg:$0x0];
	s2 =	stileid.u32  }
0x1bb: {  	s1 =	rddreg [dreg:$0x1];
	p0 =	sne.s32 s2, $0x0  }
0x1bc: {  	s3 =	rddreg [dreg:$0x2];
	[bflag:$0x3] =	sbarrier.arrive $0xFFFF;
	s2 =	simm.s32 @!p0 $0x1C05  }
0x1bd: {  	[timem:s3], [sflag:s2] =	dma.local @!p0 [hbm:s0], s1  }
0x1be: {  	s0 =	simm.s32 @!p0 $0x5  }
0x1bf: {  	_ =	swait.ge @!p0 [sflag:s0], s1  }
0x1c0: {  	s1 =	ssub.s32 @!p0 $0x0, s1;
	[sflag:s0] =	ssyncset.done @!p0 $0x0  }
0x1c1: {  	[sflag:s0] =	ssyncadd.s32 @!p0 s1  }
0x1c2: {  	[bflag:$0x3] =	sbarrier.arrive $0xFFFF  }
0x1c3: {  	_ =	shalt  }

// kernel: kernel.9.cloned.1.call-start
scs
__scs_entry_jumppad:
0x0: {  	(pc) =	sbr.rel $0x88, $3  }
0x1: {  	(tag) =	ssettag $0x0;
	lr =	simm.s32 $0x1  }
0x2: {  	[smem:$0x3F97] =	sst lr;
	_ =	strace $0xD0000000  }
0x3: {  	_ = 	snop  }
0x4: {  	_ = 	snop  }
0x5: {  	_ = 	snop  }
0x6: {  	_ = 	snop  }
0x7: {  	_ = 	snop  }
__scs_overlays_trampoline_lowered:
0x8: {  	[smem:$0x3FA6] =	sst s0  }
0x9: {  	[smem:$0x3FA7] =	sst s1  }
0xa: {  	[smem:$0x3FA8] =	sst s2  }
0xb: {  	[smem:$0x3FA9] =	sst s3  }
0xc: {  	[smem:$0x3FAA] =	sst s4  }
0xd: {  	[smem:$0x3FAB] =	sst s5  }
0xe: {  	[smem:$0x3FAC] =	sst s6  }
0xf: {  	[smem:$0x3FAD] =	sst s7  }
0x10: {  	[smem:$0x3FAE] =	sst s8  }
0x11: {  	[smem:$0x3FAF] =	sst s9;
	s0 =	simm.s32 @!p0 $0x0  }
0x12: {  	s1 =	sld [smem:$0x3F95];
	s0 =	simm.s32 @p0 $0x1  }
0x13: {  	[smem:$0x3FB0] =	sst s0;
	s0 =	simm.s32 @!p1 $0x0  }
0x14: {  	s2 =	sld [smem:$0x3F94];
	s0 =	simm.s32 @p1 $0x1  }
0x15: {  	[smem:$0x3FB1] =	sst s0;
	s0 =	simm.s32 @!p2 $0x0  }
0x16: {  	s3 =	sld [smem:$0x3FDB];
	s0 =	simm.s32 @p2 $0x1  }
0x17: {  	s4 =	simm.s32 $0x1BF5;
	[smem:$0x3FB3] =	sst s0  }
0x18: {  	s0 =	sld [smem:$0x3F96];
	_ =	swait.ge [sflag:s4], $0x0  }
0x19: {  	s7 =	sld [smem:$0x3F97]  }
0x1a: {  	s8 =	sadd.s32 $0xFFFFE003, lr  }
0x1b: {  	s9 =	sadd.s32 $0xFFFFFEF7, lr;
	s5 =	simm.s32 $0xFFFFFFFF;
	p2 =	slt.u32 s8, $0xFFFFF086  }
0x1c: {  	p1 =	slt.u32 s9, $0xF7A;
	s5 =	simm.s32 @!p2 $0x0  }
0x1d: {  	s5 =	simm.s32 @p1 $0x1;
	p0 =	seq.s32 s7, s2  }
0x1e: {  	s7 =	smul.u32 @!p0 $0xF7A, s2;
	p2 =	seq.s32 @!p0 s5, $0x0  }
0x1f: {  	s9 =	smul.u32 $0xF7A, s1;
	s8 =	simm.s32 @!p0 $0x1BF5;
	p2 =	por !p2, p0  }
0x20: {  	[sflag:s8] =	ssyncset.s32 @!p0 $0xFFFFF086;
	s6 =	sadd.s32 @!p0 s3, s7;
	s7 =	simm.s32 @!p0 $0x108  }
0x21: {  	s3 =	sadd.s32 s3, s9;
	s6 =	sadd.s32 @!p0 $0x88, s6;
	s7 =	simm.s32 @p2 $0x1082  }
0x22: {  	[simem:s7], [sflag:s8] =	dma.local @!p0 [hbm:s6], $0xF7A  }
0x23: {  	s9 =	sor.u32 $0xD0000000, s2;
	s6 =	simm.s32 $0x108;
	_ =	swait.ge @!p0 [sflag:s8], $0x0  }
0x24: {  	s3 =	sadd.s32 $0x88, s3;
	s6 =	simm.s32 @!p1 $0x1082;
	[sflag:s4] =	ssyncset.s32 $0xFFFFF086  }
0x25: {  	[simem:s6], [sflag:s4] =	dma.local [hbm:s3], $0xF7A  }
0x26: {  	[smem:$0x3F97] =	sst s1;
	(tag) =	ssettag s2;
	_ =	strace s9  }
0x27: {  	s1 =	sld [smem:$0x3FA7]  }
0x28: {  	s2 =	sld [smem:$0x3FA8]  }
0x29: {  	s4 =	sld [smem:$0x3FAA]  }
0x2a: {  	p0 =	seq.s32 s5, $0x0;
	s5 =	sld [smem:$0x3FAB]  }
0x2b: {  	s6 =	sld [smem:$0x3FAC]  }
0x2c: {  	s7 =	sld [smem:$0x3FAD]  }
0x2d: {  	s3 =	simm.s32 $0x108;
	s8 =	sld [smem:$0x3FAE]  }
0x2e: {  	s3 =	simm.s32 @!p0 $0x1082;
	s9 =	sld [smem:$0x3FAF]  }
0x2f: {  	lr =	sadd.s32 s0, s3;
	s0 =	sld [smem:$0x3FA6]  }
0x30: {  	s3 =	sld [smem:$0x3FA9]  }
0x31: {  	[smem:$0x3FB2] =	sst s10  }
0x32: {  	s10 =	sld [smem:$0x3FB0];
	_ =	sdelay $0x3  }
0x33: {  	p0 =	seq.s32 s10, $0x1;
	s10 =	sld [smem:$0x3FB2];
	_ =	sdelay $0x3  }
0x34: {  	[smem:$0x3FB2] =	sst s10  }
0x35: {  	s10 =	sld [smem:$0x3FB1];
	_ =	sdelay $0x3  }
0x36: {  	p1 =	seq.s32 s10, $0x1;
	s10 =	sld [smem:$0x3FB2];
	_ =	sdelay $0x3  }
0x37: {  	[smem:$0x3FB2] =	sst s10  }
0x38: {  	s10 =	sld [smem:$0x3FB3]  }
0x39: {  	_ = 	snop;
	(pc) =	sbr.ind lr, $3  }
0x3a: {  	_ = 	snop  }
0x3b: {  	_ = 	snop  }
0x3c: {  	p2 =	seq.s32 s10, $0x1;
	s10 =	sld [smem:$0x3FB2]  }
0x3d: {  	_ =	shalt  }
0x3e: {  	_ =	shalt  }
0x3f: {  	_ =	shalt  }
0x40: {  	_ =	shalt  }
0x41: {  	_ =	shalt  }
0x42: {  	_ =	shalt  }
0x43: {  	_ =	shalt  }
0x44: {  	_ =	shalt  }
0x45: {  	_ =	shalt  }
0x46: {  	_ =	shalt  }
0x47: {  	_ =	shalt  }
0x48: {  	_ =	shalt  }
0x49: {  	_ =	shalt  }
0x4a: {  	_ =	shalt  }
0x4b: {  	_ =	shalt  }
0x4c: {  	_ =	shalt  }
0x4d: {  	_ =	shalt  }
0x4e: {  	_ =	shalt  }
0x4f: {  	_ =	shalt  }
0x50: {  	_ =	shalt  }
0x51: {  	_ =	shalt  }
0x52: {  	_ =	shalt  }
0x53: {  	_ =	shalt  }
0x54: {  	_ =	shalt  }
0x55: {  	_ =	shalt  }
0x56: {  	_ =	shalt  }
0x57: {  	_ =	shalt  }
0x58: {  	_ =	shalt  }
0x59: {  	_ =	shalt  }
0x5a: {  	_ =	shalt  }
0x5b: {  	_ =	shalt  }
0x5c: {  	_ =	shalt  }
0x5d: {  	_ =	shalt  }
0x5e: {  	_ =	shalt  }
0x5f: {  	_ =	shalt  }
0x60: {  	_ =	shalt  }
0x61: {  	_ =	shalt  }
0x62: {  	_ =	shalt  }
0x63: {  	_ =	shalt  }
0x64: {  	_ =	shalt  }
0x65: {  	_ =	shalt  }
0x66: {  	_ =	shalt  }
0x67: {  	_ =	shalt  }
0x68: {  	_ =	shalt  }
0x69: {  	_ =	shalt  }
0x6a: {  	_ =	shalt  }
0x6b: {  	_ =	shalt  }
0x6c: {  	_ =	shalt  }
0x6d: {  	_ =	shalt  }
0x6e: {  	_ =	shalt  }
0x6f: {  	_ =	shalt  }
0x70: {  	_ =	shalt  }
0x71: {  	_ =	shalt  }
0x72: {  	_ =	shalt  }
0x73: {  	_ =	shalt  }
0x74: {  	_ =	shalt  }
0x75: {  	_ =	shalt  }
0x76: {  	_ =	shalt  }
0x77: {  	_ =	shalt  }
0x78: {  	_ =	shalt  }
0x79: {  	_ =	shalt  }
0x7a: {  	_ =	shalt  }
0x7b: {  	_ =	shalt  }
0x7c: {  	_ =	shalt  }
0x7d: {  	_ =	shalt  }
0x7e: {  	_ =	shalt  }
0x7f: {  	_ =	shalt  }
0x80: {  	_ =	shalt  }
0x81: {  	_ =	shalt  }
0x82: {  	_ =	shalt  }
0x83: {  	_ =	shalt  }
0x84: {  	_ =	shalt  }
0x85: {  	_ =	shalt  }
0x86: {  	_ =	shalt  }
0x87: {  	_ =	shalt  }
.Lfunc_end0:
.L_simem_size_0:
called_computation.1_lowered:
.L_overlay_start_0:
0x88: {  	s2 =	sld [smem:$0x3FD9]  }
0x89: {  	s3 =	sld [smem:$0x3FFE];
	_ =	sdelay $0x1  }
0x8a: {  	s1 =	srdreg.scid  }
0x8b: {  	s0 =	sand.u32 $0x1, s1  }
0x8c: {  	s17 =	sshll.u32 s0, $0xA;
	s2 =	sadd.s32 s3, s2  }
0x8d: {  	s2 =	sadd.s32 s2, s17  }
0x8e: {  	[smem:$0x3FBE] =	sst s2  }
0x8f: {  	_ = 	snop  }
0x90: {  	s2 =	sld [smem:$0x3FD0];
	(tm) =	ssettm $0x1  }
0x91: {  	s18 =	sld [smem:$0x3FFB];
	_ =	sdelay $0x3  }
0x92: {  	_ =	strace s18  }
0x93: {  	s3 =	sld [smem:$0x3FFC];
	_ =	sdelay $0x3  }
0x94: {  	_ =	strace s3  }
0x95: {  	s3 =	sld [smem:$0x3FFD];
	_ =	sdelay $0x3  }
0x96: {  	_ =	strace s3  }
0x97: {  	_ =	strace $0x8FFFFFFF  }
0x98: {  	s19 =	sld [smem:$0x3FDB];
	_ =	sdelay $0x1  }
0x99: {  	s4 =	simm.s32 $_scs_section_size  }
0x9a: {  	s5 =	simm.s32 $_size__tile_overlayer_lowered;
	s6 =	simm.s32 $_tile_overlayer_lowered  }
0x9b: {  	s22 =	simm.s32 $0x1BFF;
	s21 =	sshll.u32 s6, $0x1;
	s3 =	sadd.s32 s4, s19  }
0x9c: {  	s7 =	simm.s32 $0x0;
	s20 =	sshll.u32 s5, $0x1;
	s5 =	sadd.s32 s21, s3  }
0x9d: {  	[timem:s7], [sflag:s22] =	dma.local [hbm:s5], s20  }
0x9e: {  	_ =	swait.ge [sflag:s22], s20  }
0x9f: {  	s4 =	ssub.s32 $0x0, s20;
	[sflag:s22] =	ssyncset.done $0x0  }
0xa0: {  	[sflag:s22] =	ssyncadd.s32 s4;
	_ =	sdelay $0x1  }
0xa1: {  	s23 =	simm.s32 $0x1B8B  }
0xa2: {  	_ =	swait.ge [sflag:s23], $0x1  }
0xa3: {  	[sflag:s23] =	ssyncset.done $0x0  }
0xa4: {  	s25 =	simm.s32 $0x1B8E;
	s24 =	sld [smem:$0x3FFE];
	[sflag:s23] =	ssyncadd.s32 $0xFFFFFFFF  }
0xa5: {  	s26 =	simm.s32 $execute0_lowered;
	[smem:$0x3FD2] =	sst s25  }
0xa6: {  	s5 =	sshll.u32 s26, $0x1;
	_ =	strace $0x80000049;
	[dreg:$0x1] =	wrdreg $0xFFFFFFFF  }
0xa7: {  	s28 =	simm.s32 $_size_execute0_lowered;
	s3 =	sadd.s32 s3, s5;
	[dreg:$0x0] =	wrdreg $0x0  }
0xa8: {  	s5 =	sshll.u32 s28, $0x1;
	[dreg:$0x2] =	wrdreg s3  }
0xa9: {  	[dreg:$0x3] =	wrdreg s5  }
0xaa: {  	[dreg:$0x4] =	wrdreg $0xC0  }
0xab: {  	_ =	task [dreg:s7], $0x5FFFF  }
0xac: {  	[dreg:$0x1] =	wrdreg $0xFFFFFFFF  }
0xad: {  	[dreg:$0x0] =	wrdreg $0x60  }
0xae: {  	[dreg:$0x2] =	wrdreg s24  }
0xaf: {  	[dreg:$0x3] =	wrdreg s2  }
0xb0: {  	[dreg:$0x4] =	wrdreg $0x90000  }
0xb1: {  	[dreg:$0x5] =	wrdreg $0x9  }
0xb2: {  	_ =	task.clear_ibuf [dreg:s7], $0x6FFFF;
	_ =	strace $0x90000049  }
0xb3: {  	s29 =	simm.s32 $0x9;
	_ =	strace $0x8000004B  }
0xb4: {  	_ =	swait.ge [sflag:s29], $0x1  }
0xb5: {  	[sflag:s29] =	ssyncadd.s32 $0xFFFFFFFF  }
0xb6: {  	_ =	strace $0x9000004B  }
0xb7: {  	_ =	sfence  }
0xb8: {  	s30 =	sld [smem:$0x0];
	_ =	sdelay $0x2  }
0xb9: {  	s31 =	sshll.u32 s1, $0xD;
	s1 =	sshrl.u32 s1, $0x2  }
0xba: {  	s3 =	sand.u32 $0x4000, s31;
	s1 =	sadd.s32 s1, s30  }
0xbb: {  	s0 =	sor.u32 s3, s0;
	s1 =	sshll.u32 s1, $0x11  }
0xbc: {  	s0 =	sor.u32 s1, s0  }
0xbd: {  	s0 =	sadd.s32 $0x8F2B, s0  }
0xbe: {  	[sflag:s0] =	ssyncadd.remote.s32 $0x1  }
0xbf: {  	_ =	sfence.sel $0xFFFF  }
0xc0: {  	[dreg:$0x0] =	wrdreg $0xFFFFFFFF;
	(pc) =	sbr.abs _section_cstart, $3  }
0xc1: {  	[dreg:$0x1] =	wrdreg $0xFFFFFFFF  }
0xc2: {  	_ =	task.clear_ibuf [dreg:s7], $0x2FFFF;
	_ =	strace $0x9FFFFFFF  }
0xc3: {  	(tm) =	ssettm $0x7FFFFFFF  }
tec
execute0_lowered:
.L_overlay_start_1:
0x0: {  	(tag) =	ssettag $0x1  }
0x1: {  	s0 =	rddreg [dreg:$0x0]  }
0x2: {  	s1 =	rddreg [dreg:$0x1]  }
0x3: {  	s2 =	rddreg [dreg:$0x2];
	s9 =	stileid.u32  }
0x4: {  	s8 =	simm.s32 $0x0;
	s3 =	srdreg.scid;
	s30 =	simm.s32 $0x80  }
0x5: {  	s31 =	simm.s32 $0x400;
	s4 =	sshrl.u32 s9, $0x2;
	s10 =	smul.u32 $0x14000, s9  }
0x6: {  	s3 =	sand.u32 $0x1, s3;
	s7 =	sshll.u32 s9, $0x8;
	s12 =	smul.u32 $0x50000, s9  }
0x7: {  	[smem:$0x7FF] =	sst s8;
	s8 =	simm.s32 $0x1;
	s5 =	smul.u32 $0x14000, s4  }
0x8: {  	s6 =	sshll.u32 s3, $0x7;
	s4 =	sand.u32 $0x300, s7;
	s7 =	smul.u32 $0x140000, s3  }
0x9: {  	s9 =	simm.s32 $0x8000;
	_ =	strace $0x8000004A;
	s6 =	sor.u32 s6, s4  }
0xa: {  	s4 =	sadd.s32 $0xD000, s0;
	s5 =	sor.u32 s5, s6;
	s11 =	sadd.s32 s10, s7  }
0xb: {  	s7 =	sshrl.u32 s12, $0x2;
	s5 =	sshrl.u32 s5, $0x3;
	s6 =	sshrl.u32 s11, $0x3  }
0xc: {  	s13 =	sadd.s32 s5, s0;
	s0 =	sadd.s32 s6, s0;
	s1 =	sadd.s32 s1, s5  }
0xd: {  	s6 =	sadd.s32 s7, s2;
	[dreg:$0x4] =	wrdreg s1;
	s15 =	sadd.s32 $0x3000, s13  }
0xe: {  	s3 =	ssub.s32 $0x2, s3;
	s16 =	sadd.s32 $0x1000, s6;
	[dreg:$0x5] =	wrdreg s15  }
0xf: {  	s14 =	sshrl.u32 s3, $0x1;
	s17 =	sadd.s32 $0x2000, s6;
	[dreg:$0x6] =	wrdreg s16  }
0x10: {  	s3 =	ssub.s32 s3, s14;
	s18 =	sadd.s32 $0x3000, s6;
	[dreg:$0x7] =	wrdreg s17  }
0x11: {  	s10 =	simm.s32 $0x2;
	s19 =	sadd.s32 $0x4000, s6;
	[dreg:$0x8] =	wrdreg s18  }
0x12: {  	s12 =	simm.s32 $0x4;
	s20 =	sadd.s32 $0x5000, s6;
	[dreg:$0x9] =	wrdreg s19  }
0x13: {  	s11 =	simm.s32 $0x3;
	s21 =	sadd.s32 $0x6000, s6;
	[dreg:$0xa] =	wrdreg s20  }
0x14: {  	s5 =	simm.s32 $0x6000;
	s22 =	sadd.s32 $0x7000, s6;
	[dreg:$0xb] =	wrdreg s21  }
0x15: {  	s7 =	simm.s32 $0x7000;
	s23 =	sadd.s32 $0x8000, s6;
	[dreg:$0xc] =	wrdreg s22  }
0x16: {  	s24 =	sadd.s32 $0x9000, s6;
	s25 =	sadd.s32 $0xA000, s6;
	[dreg:$0xd] =	wrdreg s23  }
0x17: {  	s26 =	sadd.s32 $0xB000, s6;
	s28 =	sadd.s32 $0x12000, s6;
	[dreg:$0xe] =	wrdreg s24  }
0x18: {  	s29 =	sadd.s32 $0x13000, s6;
	s1 =	simm.s32 $0x5000;
	[dreg:$0xf] =	wrdreg s25  }
0x19: {  	s13 =	simm.s32 $0x0;
	[dreg:$0x10] =	wrdreg s26;
	s19 =	sadd.s32 $0xC000, s6  }
0x1a: {  	s20 =	sadd.s32 $0xD000, s6;
	s21 =	sadd.s32 $0xE000, s6;
	s22 =	sadd.s32 $0xF000, s6  }
0x1b: {  	s23 =	sadd.s32 $0x10000, s6;
	s24 =	sadd.s32 $0x35000, s0;
	s25 =	smax.u32 s3, $0x1  }
0x1c: {  	v0 =	vimm.f32 $0.0e+00;
	s26 =	sadd.s32 $0x11000, s6;
	s0 =	simm.s32 $0x5;
	s3 =	simm.s32 $0x20  }
.LBB2_1:
0x1d: {  	s14 =	simm.s32 $0x0;
	s15 =	rddreg [dreg:$0x4]  }
0x1e: {  	[tilespmem:s14], [sflag:$0x5] =	stream.strided.gather [hbm4b:s15+s30], $0x2800, s31, s30, $0x38;
	[tilespmem:$0x1D000] =	vst v63  }
0x1f: {  	_ =	swait.ge [sflag:s0], $0x2800  }
0x20: {  	[sflag:s0] =	ssyncset.done $0x0  }
0x21: {  	s18 =	simm.s32 $0x2800;
	s17 =	rddreg [dreg:$0x5];
	[sflag:s0] =	ssyncadd.s32 $0xFFFFD800  }
0x22: {  	[tilespmem:s18], [sflag:$0x5] =	stream.strided.gather [hbm4b:s17+s30], $0x2800, s31, s30, $0x38;
	[tilespmem:$0x1D000] =	vst v63  }
0x23: {  	_ =	swait.ge [sflag:s0], $0x2800  }
0x24: {  	[sflag:s0] =	ssyncset.done $0x0  }
0x25: {  	s14 =	simm.s32 $0x0;
	s15 =	simm.s32 $0x200;
	[sflag:s0] =	ssyncadd.s32 $0xFFFFD800  }
.LBB2_2:
0x26: {  	p0 =	sne.s32 s15, $0x3E00;
	[tilespmem:s14+$0x5070] =	vst v0  }
0x27: {  	[tilespmem:s14+$0x5000] =	vst v0  }
0x28: {  	[tilespmem:s14+$0x5010] =	vst v0  }
.Ltmp0:
0x29: {  	[tilespmem:s14+$0x5020] =	vst v0;
	(pc) =	sbr.rel @p0 .LBB2_2-.Ltmp0, $4  }
0x2a: {  	[tilespmem:s14+$0x5030] =	vst v0  }
0x2b: {  	[tilespmem:s14+$0x5040] =	vst v0  }
0x2c: {  	[tilespmem:s14+$0x5050] =	vst v0  }
0x2d: {  	[tilespmem:s14+$0x5060] =	vst v0;
	s14 =	sshra.s32 s15, $0x2;
	s15 =	sadd.s32 $0x200, s15  }
0x2e: {  	[tilespmem:s14+$0x5070] =	vst v0  }
0x2f: {  	[tilespmem:s14+$0x5000] =	vst v0  }
0x30: {  	[tilespmem:s14+$0x5010] =	vst v0  }
0x31: {  	[tilespmem:s14+$0x5020] =	vst v0  }
0x32: {  	[tilespmem:s14+$0x5030] =	vst v0  }
0x33: {  	[tilespmem:s14+$0x5040] =	vst v0  }
0x34: {  	[tilespmem:s14+$0x5050] =	vst v0  }
0x35: {  	[tilespmem:s14+$0x5060] =	vst v0  }
0x36: {  	[spmem:s6] =	stream.linear.scatter [tilespmem:s1], [sflag:$0x5], $0x1000, $0x38;
	[tilespmem:$0x1D000] =	vst v63  }
0x37: {  	_ =	swait.ge [sflag:s0], $0x1000  }
0x38: {  	[sflag:s0] =	ssyncset.done $0x0  }
0x39: {  	s15 =	rddreg [dreg:$0x6];
	[sflag:s0] =	ssyncadd.s32 $0xFFFFF000  }
0x3a: {  	[spmem:s15] =	stream.linear.scatter [tilespmem:s1], [sflag:$0x5], $0x1000, $0x38;
	[tilespmem:$0x1D000] =	vst v63  }
0x3b: {  	_ =	swait.ge [sflag:s0], $0x1000  }
0x3c: {  	[sflag:s0] =	ssyncset.done $0x0  }
0x3d: {  	s16 =	rddreg [dreg:$0x7];
	[sflag:s0] =	ssyncadd.s32 $0xFFFFF000  }
0x3e: {  	[spmem:s16] =	stream.linear.scatter [tilespmem:s1], [sflag:$0x5], $0x1000, $0x38;
	[tilespmem:$0x1D000] =	vst v63  }
0x3f: {  	_ =	swait.ge [sflag:s0], $0x1000  }
0x40: {  	[sflag:s0] =	ssyncset.done $0x0  }
0x41: {  	s17 =	rddreg [dreg:$0x8];
	[sflag:s0] =	ssyncadd.s32 $0xFFFFF000  }
0x42: {  	[spmem:s17] =	stream.linear.scatter [tilespmem:s1], [sflag:$0x5], $0x1000, $0x38;
	[tilespmem:$0x1D000] =	vst v63  }
0x43: {  	_ =	swait.ge [sflag:s0], $0x1000  }
0x44: {  	[sflag:s0] =	ssyncset.done $0x0  }
0x45: {  	s18 =	rddreg [dreg:$0x9];
	[sflag:s0] =	ssyncadd.s32 $0xFFFFF000  }
0x46: {  	[spmem:s18] =	stream.linear.scatter [tilespmem:s1], [sflag:$0x5], $0x1000, $0x38;
	[tilespmem:$0x1D000] =	vst v63  }
0x47: {  	_ =	swait.ge [sflag:s0], $0x1000  }
0x48: {  	[sflag:s0] =	ssyncset.done $0x0  }
0x49: {  	s15 =	rddreg [dreg:$0xa];
	[sflag:s0] =	ssyncadd.s32 $0xFFFFF000  }
0x4a: {  	[spmem:s15] =	stream.linear.scatter [tilespmem:s1], [sflag:$0x5], $0x1000, $0x38;
	[tilespmem:$0x1D000] =	vst v63  }
0x4b: {  	_ =	swait.ge [sflag:s0], $0x1000  }
0x4c: {  	[sflag:s0] =	ssyncset.done $0x0  }
0x4d: {  	s16 =	rddreg [dreg:$0xb];
	[sflag:s0] =	ssyncadd.s32 $0xFFFFF000  }
0x4e: {  	[spmem:s16] =	stream.linear.scatter [tilespmem:s1], [sflag:$0x5], $0x1000, $0x38;
	[tilespmem:$0x1D000] =	vst v63  }
0x4f: {  	_ =	swait.ge [sflag:s0], $0x1000  }
0x50: {  	[sflag:s0] =	ssyncset.done $0x0  }
0x51: {  	s17 =	rddreg [dreg:$0xc];
	[sflag:s0] =	ssyncadd.s32 $0xFFFFF000  }
0x52: {  	[spmem:s17] =	stream.linear.scatter [tilespmem:s1], [sflag:$0x5], $0x1000, $0x38;
	[tilespmem:$0x1D000] =	vst v63  }
0x53: {  	_ =	swait.ge [sflag:s0], $0x1000  }
0x54: {  	[sflag:s0] =	ssyncset.done $0x0  }
0x55: {  	s18 =	rddreg [dreg:$0xd];
	[sflag:s0] =	ssyncadd.s32 $0xFFFFF000  }
0x56: {  	[spmem:s18] =	stream.linear.scatter [tilespmem:s1], [sflag:$0x5], $0x1000, $0x38;
	[tilespmem:$0x1D000] =	vst v63  }
0x57: {  	_ =	swait.ge [sflag:s0], $0x1000  }
0x58: {  	[sflag:s0] =	ssyncset.done $0x0  }
0x59: {  	s15 =	rddreg [dreg:$0xe];
	[sflag:s0] =	ssyncadd.s32 $0xFFFFF000  }
0x5a: {  	[spmem:s15] =	stream.linear.scatter [tilespmem:s1], [sflag:$0x5], $0x1000, $0x38;
	[tilespmem:$0x1D000] =	vst v63  }
0x5b: {  	_ =	swait.ge [sflag:s0], $0x1000  }
0x5c: {  	[sflag:s0] =	ssyncset.done $0x0  }
0x5d: {  	s16 =	rddreg [dreg:$0xf];
	[sflag:s0] =	ssyncadd.s32 $0xFFFFF000  }
0x5e: {  	[spmem:s16] =	stream.linear.scatter [tilespmem:s1], [sflag:$0x5], $0x1000, $0x38;
	[tilespmem:$0x1D000] =	vst v63  }
0x5f: {  	_ =	swait.ge [sflag:s0], $0x1000  }
0x60: {  	[sflag:s0] =	ssyncset.done $0x0  }
0x61: {  	s17 =	rddreg [dreg:$0x10];
	[sflag:s0] =	ssyncadd.s32 $0xFFFFF000  }
0x62: {  	[spmem:s17] =	stream.linear.scatter [tilespmem:s1], [sflag:$0x5], $0x1000, $0x38;
	[tilespmem:$0x1D000] =	vst v63  }
0x63: {  	_ =	swait.ge [sflag:s0], $0x1000  }
0x64: {  	[sflag:s0] =	ssyncset.done $0x0  }
0x65: {  	[sflag:s0] =	ssyncadd.s32 $0xFFFFF000  }
0x66: {  	[spmem:s19] =	stream.linear.scatter [tilespmem:s1], [sflag:$0x5], $0x1000, $0x38;
	[tilespmem:$0x1D000] =	vst v63  }
0x67: {  	_ =	swait.ge [sflag:s0], $0x1000  }
0x68: {  	[sflag:s0] =	ssyncset.done $0x0  }
0x69: {  	[sflag:s0] =	ssyncadd.s32 $0xFFFFF000  }
0x6a: {  	[spmem:s20] =	stream.linear.scatter [tilespmem:s1], [sflag:$0x5], $0x1000, $0x38;
	[tilespmem:$0x1D000] =	vst v63  }
0x6b: {  	_ =	swait.ge [sflag:s0], $0x1000  }
0x6c: {  	[sflag:s0] =	ssyncset.done $0x0  }
0x6d: {  	[sflag:s0] =	ssyncadd.s32 $0xFFFFF000  }
0x6e: {  	[spmem:s21] =	stream.linear.scatter [tilespmem:s1], [sflag:$0x5], $0x1000, $0x38;
	[tilespmem:$0x1D000] =	vst v63  }
0x6f: {  	_ =	swait.ge [sflag:s0], $0x1000  }
0x70: {  	[sflag:s0] =	ssyncset.done $0x0  }
0x71: {  	[sflag:s0] =	ssyncadd.s32 $0xFFFFF000  }
0x72: {  	[spmem:s22] =	stream.linear.scatter [tilespmem:s1], [sflag:$0x5], $0x1000, $0x38;
	[tilespmem:$0x1D000] =	vst v63  }
0x73: {  	_ =	swait.ge [sflag:s0], $0x1000  }
0x74: {  	[sflag:s0] =	ssyncset.done $0x0  }
0x75: {  	[sflag:s0] =	ssyncadd.s32 $0xFFFFF000  }
0x76: {  	[spmem:s23] =	stream.linear.scatter [tilespmem:s1], [sflag:$0x5], $0x1000, $0x38;
	[tilespmem:$0x1D000] =	vst v63  }
0x77: {  	_ =	swait.ge [sflag:s0], $0x1000  }
0x78: {  	[sflag:s0] =	ssyncset.done $0x0  }
0x79: {  	[sflag:s0] =	ssyncadd.s32 $0xFFFFF000  }
0x7a: {  	[spmem:s26] =	stream.linear.scatter [tilespmem:s1], [sflag:$0x5], $0x1000, $0x38;
	[tilespmem:$0x1D000] =	vst v63  }
0x7b: {  	_ =	swait.ge [sflag:s0], $0x1000  }
0x7c: {  	[sflag:s0] =	ssyncset.done $0x0  }
0x7d: {  	[sflag:s0] =	ssyncadd.s32 $0xFFFFF000  }
0x7e: {  	[spmem:s28] =	stream.linear.scatter [tilespmem:s1], [sflag:$0x5], $0x1000, $0x38;
	[tilespmem:$0x1D000] =	vst v63  }
0x7f: {  	_ =	swait.ge [sflag:s0], $0x1000  }
0x80: {  	[sflag:s0] =	ssyncset.done $0x0  }
0x81: {  	[sflag:s0] =	ssyncadd.s32 $0xFFFFF000  }
0x82: {  	[spmem:s29] =	stream.linear.scatter [tilespmem:s1], [sflag:$0x5], $0x1000, $0x38;
	[tilespmem:$0x1D000] =	vst v63  }
0x83: {  	_ =	swait.ge [sflag:s0], $0x1000  }
0x84: {  	[sflag:s0] =	ssyncset.done $0x0  }
0x85: {  	[sflag:s0] =	ssyncadd.s32 $0xFFFFF000  }
0x86: {  	s18 =	simm.s32 $0x0;
	[bflag:$0x0] =	sbarrier.arrive $0xFFFF  }
0x87: {  	[tilespmem:s1], [sflag:$0x1] =	stream.indirect.gather [hbm4b:s4+s3], $0x80, s18, s3, $0xb8;
	[tilespmem:$0x1D000] =	vst v63  }
0x88: {  	_ = 	snop  }
0x89: {  	[tilespmem:s5], [sflag:$0x2] =	stream.indirect.gather [hbm4b:s4+s3], $0x80, s3, s3, $0xb8;
	[tilespmem:$0x1D000] =	vst v63  }
0x8a: {  	s15 =	simm.s32 $0x40  }
0x8b: {  	[tilespmem:s7], [sflag:$0x3] =	stream.indirect.gather [hbm4b:s4+s3], $0x80, s15, s3, $0xb8;
	[tilespmem:$0x1D000] =	vst v63  }
0x8c: {  	_ =	swait.ge [sflag:s8], $0x1000  }
0x8d: {  	[sflag:s8] =	ssyncset.done $0x0  }
0x8e: {  	s16 =	simm.s32 $0x2800;
	[sflag:s8] =	ssyncadd.s32 $0xFFFFF000  }
0x8f: {  	[spmem:s2] =	stream.indirect.scatter.add.f32 [tilespmem:s1], [sflag:$0x5], $0x80, s16, s3, $0xb8;
	[tilespmem:$0x1D000] =	vst v63  }
0x90: {  	_ =	swait.ge [sflag:s0], $0x1000  }
0x91: {  	[sflag:s0] =	ssyncset.done $0x0  }
0x92: {  	s17 =	simm.s32 $0x60;
	[sflag:s0] =	ssyncadd.s32 $0xFFFFF000  }
0x93: {  	[tilespmem:s9], [sflag:$0x4] =	stream.indirect.gather [hbm4b:s4+s3], $0x80, s17, s3, $0xb8;
	[tilespmem:$0x1D000] =	vst v63  }
0x94: {  	_ =	swait.ge [sflag:s10], $0x1000  }
0x95: {  	[sflag:s10] =	ssyncset.done $0x0  }
0x96: {  	s18 =	simm.s32 $0x2820;
	[sflag:s10] =	ssyncadd.s32 $0xFFFFF000  }
0x97: {  	[spmem:s2] =	stream.indirect.scatter.add.f32 [tilespmem:s5], [sflag:$0x5], $0x80, s18, s3, $0xb8;
	[tilespmem:$0x1D000] =	vst v63  }
0x98: {  	_ =	swait.ge [sflag:s0], $0x1000  }
0x99: {  	[sflag:s0] =	ssyncset.done $0x0  }
0x9a: {  	s15 =	simm.s32 $0x80;
	[sflag:s0] =	ssyncadd.s32 $0xFFFFF000  }
0x9b: {  	[tilespmem:s1], [sflag:$0x1] =	stream.indirect.gather [hbm4b:s4+s3], $0x80, s15, s3, $0xb8;
	[tilespmem:$0x1D000] =	vst v63  }
0x9c: {  	_ =	swait.ge [sflag:s11], $0x1000  }
0x9d: {  	[sflag:s11] =	ssyncset.done $0x0  }
0x9e: {  	s16 =	simm.s32 $0x2840;
	[sflag:s11] =	ssyncadd.s32 $0xFFFFF000  }
0x9f: {  	[spmem:s2] =	stream.indirect.scatter.add.f32 [tilespmem:s7], [sflag:$0x5], $0x80, s16, s3, $0xb8;
	[tilespmem:$0x1D000] =	vst v63  }
0xa0: {  	_ =	swait.ge [sflag:s0], $0x1000  }
0xa1: {  	[sflag:s0] =	ssyncset.done $0x0  }
0xa2: {  	s17 =	simm.s32 $0xA0;
	[sflag:s0] =	ssyncadd.s32 $0xFFFFF000  }
0xa3: {  	[tilespmem:s5], [sflag:$0x2] =	stream.indirect.gather [hbm4b:s4+s3], $0x80, s17, s3, $0xb8;
	[tilespmem:$0x1D000] =	vst v63  }
0xa4: {  	_ =	swait.ge [sflag:s12], $0x1000  }
0xa5: {  	[sflag:s12] =	ssyncset.done $0x0  }
0xa6: {  	s18 =	simm.s32 $0x2860;
	[sflag:s12] =	ssyncadd.s32 $0xFFFFF000  }
0xa7: {  	[spmem:s2] =	stream.indirect.scatter.add.f32 [tilespmem:s9], [sflag:$0x5], $0x80, s18, s3, $0xb8;
	[tilespmem:$0x1D000] =	vst v63  }
0xa8: {  	_ =	swait.ge [sflag:s0], $0x1000  }
0xa9: {  	s14 =	simm.s32 $0x80;
	s15 =	simm.s32 $0x400;
	[sflag:s0] =	ssyncset.done $0x0  }
.LBB2_4:
0xaa: {  	s18 =	sadd.s32 $0x40, s14  }
0xab: {  	[sflag:s0] =	ssyncadd.s32 $0xFFFFF000;
	s16 =	smov.u32 s15;
	s17 =	sadd.s32 $0x200, s15  }
0xac: {  	[tilespmem:s7], [sflag:$0x3] =	stream.indirect.gather [hbm4b:s4+s3], $0x80, s18, s3, $0xb8;
	[tilespmem:$0x1D000] =	vst v63  }
0xad: {  	p0 =	sne.s32 s15, $0x9C00;
	_ =	swait.ge [sflag:s8], $0x1000  }
0xae: {  	[sflag:s8] =	ssyncset.done $0x0  }
0xaf: {  	s15 =	sadd.s32 $0x2800, s14;
	[sflag:s8] =	ssyncadd.s32 $0xFFFFF000  }
0xb0: {  	[spmem:s2] =	stream.indirect.scatter.add.f32 [tilespmem:s1], [sflag:$0x5], $0x80, s15, s3, $0xb8;
	[tilespmem:$0x1D000] =	vst v63  }
0xb1: {  	_ =	swait.ge [sflag:s0], $0x1000  }
0xb2: {  	[sflag:s0] =	ssyncset.done $0x0  }
0xb3: {  	s15 =	sadd.s32 $0x60, s14;
	[sflag:s0] =	ssyncadd.s32 $0xFFFFF000  }
0xb4: {  	[tilespmem:s9], [sflag:$0x4] =	stream.indirect.gather [hbm4b:s4+s3], $0x80, s15, s3, $0xb8;
	[tilespmem:$0x1D000] =	vst v63  }
0xb5: {  	_ =	swait.ge [sflag:s10], $0x1000  }
0xb6: {  	[sflag:s10] =	ssyncset.done $0x0  }
0xb7: {  	s15 =	sadd.s32 $0x2820, s14;
	[sflag:s10] =	ssyncadd.s32 $0xFFFFF000  }
0xb8: {  	[spmem:s2] =	stream.indirect.scatter.add.f32 [tilespmem:s5], [sflag:$0x5], $0x80, s15, s3, $0xb8;
	[tilespmem:$0x1D000] =	vst v63  }
0xb9: {  	_ =	swait.ge [sflag:s0], $0x1000  }
0xba: {  	[sflag:s0] =	ssyncset.done $0x0  }
0xbb: {  	s15 =	sadd.s32 $0x80, s14;
	[sflag:s0] =	ssyncadd.s32 $0xFFFFF000  }
0xbc: {  	[tilespmem:s1], [sflag:$0x1] =	stream.indirect.gather [hbm4b:s4+s3], $0x80, s15, s3, $0xb8;
	[tilespmem:$0x1D000] =	vst v63  }
0xbd: {  	_ =	swait.ge [sflag:s11], $0x1000  }
0xbe: {  	[sflag:s11] =	ssyncset.done $0x0  }
0xbf: {  	s15 =	sadd.s32 $0x2840, s14;
	[sflag:s11] =	ssyncadd.s32 $0xFFFFF000  }
0xc0: {  	[spmem:s2] =	stream.indirect.scatter.add.f32 [tilespmem:s7], [sflag:$0x5], $0x80, s15, s3, $0xb8;
	[tilespmem:$0x1D000] =	vst v63  }
0xc1: {  	_ =	swait.ge [sflag:s0], $0x1000  }
0xc2: {  	[sflag:s0] =	ssyncset.done $0x0  }
0xc3: {  	s15 =	sadd.s32 $0xA0, s14;
	[sflag:s0] =	ssyncadd.s32 $0xFFFFF000  }
0xc4: {  	[tilespmem:s5], [sflag:$0x2] =	stream.indirect.gather [hbm4b:s4+s3], $0x80, s15, s3, $0xb8;
	[tilespmem:$0x1D000] =	vst v63  }
0xc5: {  	_ =	swait.ge [sflag:s12], $0x1000  }
.Ltmp1:
0xc6: {  	[sflag:s12] =	ssyncset.done $0x0;
	(pc) =	sbr.rel @p0 .LBB2_4-.Ltmp1, $4  }
0xc7: {  	s14 =	sadd.s32 $0x2860, s14;
	[sflag:s12] =	ssyncadd.s32 $0xFFFFF000  }
0xc8: {  	[spmem:s2] =	stream.indirect.scatter.add.f32 [tilespmem:s9], [sflag:$0x5], $0x80, s14, s3, $0xb8;
	[tilespmem:$0x1D000] =	vst v63  }
0xc9: {  	_ =	swait.ge [sflag:s0], $0x1000  }
0xca: {  	s15 =	smov.u32 s17;
	s14 =	sshra.s32 s16, $0x2;
	[sflag:s0] =	ssyncset.done $0x0  }
0xcb: {  	s15 =	sadd.s32 $0x40, s14;
	[sflag:s0] =	ssyncadd.s32 $0xFFFFF000  }
0xcc: {  	[tilespmem:s7], [sflag:$0x3] =	stream.indirect.gather [hbm4b:s4+s3], $0x80, s15, s3, $0xb8;
	[tilespmem:$0x1D000] =	vst v63  }
0xcd: {  	_ =	swait.ge [sflag:s8], $0x1000  }
0xce: {  	[sflag:s8] =	ssyncset.done $0x0  }
0xcf: {  	s18 =	sadd.s32 $0x2800, s14;
	[sflag:s8] =	ssyncadd.s32 $0xFFFFF000  }
0xd0: {  	[spmem:s2] =	stream.indirect.scatter.add.f32 [tilespmem:s1], [sflag:$0x5], $0x80, s18, s3, $0xb8;
	[tilespmem:$0x1D000] =	vst v63  }
0xd1: {  	_ =	swait.ge [sflag:s0], $0x1000  }
0xd2: {  	[sflag:s0] =	ssyncset.done $0x0  }
0xd3: {  	s16 =	sadd.s32 $0x60, s14;
	[sflag:s0] =	ssyncadd.s32 $0xFFFFF000  }
0xd4: {  	[tilespmem:s9], [sflag:$0x4] =	stream.indirect.gather [hbm4b:s4+s3], $0x80, s16, s3, $0xb8;
	[tilespmem:$0x1D000] =	vst v63  }
0xd5: {  	_ =	swait.ge [sflag:s10], $0x1000  }
0xd6: {  	[sflag:s10] =	ssyncset.done $0x0  }
0xd7: {  	s17 =	sadd.s32 $0x2820, s14;
	[sflag:s10] =	ssyncadd.s32 $0xFFFFF000  }
0xd8: {  	[spmem:s2] =	stream.indirect.scatter.add.f32 [tilespmem:s5], [sflag:$0x5], $0x80, s17, s3, $0xb8;
	[tilespmem:$0x1D000] =	vst v63  }
0xd9: {  	_ =	swait.ge [sflag:s0], $0x1000  }
0xda: {  	[sflag:s0] =	ssyncset.done $0x0  }
0xdb: {  	s18 =	sadd.s32 $0x80, s14;
	[sflag:s0] =	ssyncadd.s32 $0xFFFFF000  }
0xdc: {  	[tilespmem:s1], [sflag:$0x1] =	stream.indirect.gather [hbm4b:s4+s3], $0x80, s18, s3, $0xb8;
	[tilespmem:$0x1D000] =	vst v63  }
0xdd: {  	_ =	swait.ge [sflag:s11], $0x1000  }
0xde: {  	[sflag:s11] =	ssyncset.done $0x0  }
0xdf: {  	s16 =	sadd.s32 $0x2840, s14;
	[sflag:s11] =	ssyncadd.s32 $0xFFFFF000  }
0xe0: {  	[spmem:s2] =	stream.indirect.scatter.add.f32 [tilespmem:s7], [sflag:$0x5], $0x80, s16, s3, $0xb8;
	[tilespmem:$0x1D000] =	vst v63  }
0xe1: {  	_ =	swait.ge [sflag:s0], $0x1000  }
0xe2: {  	[sflag:s0] =	ssyncset.done $0x0  }
0xe3: {  	s17 =	sadd.s32 $0xA0, s14;
	[sflag:s0] =	ssyncadd.s32 $0xFFFFF000  }
0xe4: {  	[tilespmem:s5], [sflag:$0x2] =	stream.indirect.gather [hbm4b:s4+s3], $0x80, s17, s3, $0xb8;
	[tilespmem:$0x1D000] =	vst v63  }
0xe5: {  	_ =	swait.ge [sflag:s12], $0x1000  }
0xe6: {  	[sflag:s12] =	ssyncset.done $0x0  }
0xe7: {  	s18 =	sadd.s32 $0x2860, s14;
	[sflag:s12] =	ssyncadd.s32 $0xFFFFF000  }
0xe8: {  	[spmem:s2] =	stream.indirect.scatter.add.f32 [tilespmem:s9], [sflag:$0x5], $0x80, s18, s3, $0xb8;
	[tilespmem:$0x1D000] =	vst v63  }
0xe9: {  	_ =	swait.ge [sflag:s0], $0x1000  }
0xea: {  	[sflag:s0] =	ssyncset.done $0x0  }
0xeb: {  	s15 =	simm.s32 $0x27C0;
	[sflag:s0] =	ssyncadd.s32 $0xFFFFF000  }
0xec: {  	[tilespmem:s7], [sflag:$0x3] =	stream.indirect.gather [hbm4b:s4+s3], $0x80, s15, s3, $0xb8;
	[tilespmem:$0x1D000] =	vst v63  }
0xed: {  	_ =	swait.ge [sflag:s8], $0x1000  }
0xee: {  	[sflag:s8] =	ssyncset.done $0x0  }
0xef: {  	s16 =	simm.s32 $0x4F80;
	[sflag:s8] =	ssyncadd.s32 $0xFFFFF000  }
0xf0: {  	[spmem:s2] =	stream.indirect.scatter.add.f32 [tilespmem:s1], [sflag:$0x5], $0x80, s16, s3, $0xb8;
	[tilespmem:$0x1D000] =	vst v63  }
0xf1: {  	_ =	swait.ge [sflag:s0], $0x1000  }
0xf2: {  	[sflag:s0] =	ssyncset.done $0x0  }
0xf3: {  	s17 =	simm.s32 $0x27E0;
	[sflag:s0] =	ssyncadd.s32 $0xFFFFF000  }
0xf4: {  	[tilespmem:s9], [sflag:$0x4] =	stream.indirect.gather [hbm4b:s4+s3], $0x80, s17, s3, $0xb8;
	[tilespmem:$0x1D000] =	vst v63  }
0xf5: {  	_ =	swait.ge [sflag:s10], $0x1000  }
0xf6: {  	[sflag:s10] =	ssyncset.done $0x0  }
0xf7: {  	s18 =	simm.s32 $0x4FA0;
	[sflag:s10] =	ssyncadd.s32 $0xFFFFF000  }
0xf8: {  	[spmem:s2] =	stream.indirect.scatter.add.f32 [tilespmem:s5], [sflag:$0x5], $0x80, s18, s3, $0xb8;
	[tilespmem:$0x1D000] =	vst v63  }
0xf9: {  	_ =	swait.ge [sflag:s0], $0x1000  }
0xfa: {  	[sflag:s0] =	ssyncset.done $0x0  }
0xfb: {  	[sflag:s0] =	ssyncadd.s32 $0xFFFFF000  }
0xfc: {  	_ =	swait.ge [sflag:s11], $0x1000  }
0xfd: {  	[sflag:s11] =	ssyncset.done $0x0  }
0xfe: {  	s15 =	simm.s32 $0x4FC0;
	[sflag:s11] =	ssyncadd.s32 $0xFFFFF000  }
0xff: {  	[spmem:s2] =	stream.indirect.scatter.add.f32 [tilespmem:s7], [sflag:$0x5], $0x80, s15, s3, $0xb8;
	[tilespmem:$0x1D000] =	vst v63  }
0x100: {  	_ =	swait.ge [sflag:s0], $0x1000  }
0x101: {  	[sflag:s0] =	ssyncset.done $0x0  }
0x102: {  	[sflag:s0] =	ssyncadd.s32 $0xFFFFF000  }
0x103: {  	_ =	swait.ge [sflag:s12], $0x1000  }
0x104: {  	[sflag:s12] =	ssyncset.done $0x0  }
0x105: {  	s16 =	simm.s32 $0x4FE0;
	[sflag:s12] =	ssyncadd.s32 $0xFFFFF000  }
0x106: {  	[spmem:s2] =	stream.indirect.scatter.add.f32 [tilespmem:s9], [sflag:$0x5], $0x80, s16, s3, $0xb8;
	[tilespmem:$0x1D000] =	vst v63  }
0x107: {  	s17 =	stileid.u32;
	_ =	swait.ge [sflag:s0], $0x1000  }
0x108: {  	s13 =	sadd.s32 $0x1, s13;
	s14 =	sshll.u32 s17, $0x6;
	[sflag:s0] =	ssyncset.done $0x0  }
0x109: {  	p0 =	sne.s32 s13, s25;
	s14 =	sor.u32 $0x1C05, s14;
	[sflag:s0] =	ssyncadd.s32 $0xFFFFF000  }
.Ltmp2:
0x10a: {  	s18 =	sshrl.u32 s6, $0x3;
	[bflag:$0x0] =	sbarrier.arrive $0xFFFF;
	(pc) =	sbr.rel @p0 .LBB2_1-.Ltmp2, $4  }
0x10b: {  	[hbm:s24], [sflag:s14] =	dma.local [spmem:s18], $0x2800  }
0x10c: {  	_ =	swait.ge [sflag:s0], $0x2800  }
0x10d: {  	[sflag:s0] =	ssyncset.done $0x0  }
0x10e: {  	[sflag:s0] =	ssyncadd.s32 $0xFFFFD800  }
0x10f: {  	_ =	sfence.sel $0x180000  }
0x110: {  	[bflag:$0x0] =	sbarrier.arrive $0xFFFF  }
0x111: {  	_ =	strace $0x9000004A  }
0x112: {  	s0 =	stileid.u32;
	[bflag:$0x2] =	sbarrier.arrive $0xFFFF  }
0x113: {  	p0 =	sne.s32 s0, $0x0;
	s0 =	rddreg [dreg:$0x3]  }
0x114: {  	s0 =	sadd.s32 @!p0 $0x100000, s0  }
0x115: {  	[sflag:s0] =	ssyncadd.tile.s32 @!p0 $0x1;
	_ =	shalt  }
.Lfunc_end2:
_tile_overlayer_lowered:
.L_overlay_start_2:
0x116: {  	(tag) =	ssettag $0x2  }
0x117: {  	s0 =	rddreg [dreg:$0x0];
	s2 =	stileid.u32  }
0x118: {  	s1 =	rddreg [dreg:$0x1];
	p0 =	sne.s32 s2, $0x0  }
0x119: {  	s3 =	rddreg [dreg:$0x2];
	[bflag:$0x3] =	sbarrier.arrive $0xFFFF;
	s2 =	simm.s32 @!p0 $0x1C05  }
0x11a: {  	[timem:s3], [sflag:s2] =	dma.local @!p0 [hbm:s0], s1  }
0x11b: {  	s0 =	simm.s32 @!p0 $0x5  }
0x11c: {  	_ =	swait.ge @!p0 [sflag:s0], s1  }
0x11d: {  	s1 =	ssub.s32 @!p0 $0x0, s1;
	[sflag:s0] =	ssyncset.done @!p0 $0x0  }
0x11e: {  	[sflag:s0] =	ssyncadd.s32 @!p0 s1  }
0x11f: {  	[bflag:$0x3] =	sbarrier.arrive $0xFFFF  }
0x120: {  	_ =	shalt  }

</sc_bundles>
